<compile_context>
chip_gen: v7x
topology: tpu7x:2x2x1
jax: 0.10.2.dev20260603
libtpu: 0.0.44.dev20260713+nightly
codegen_flags: <defaults>
</compile_context>

<pallas_src>
import functools
import math

import jax
import jax.numpy as jnp
from jax import lax
from jax.experimental import pallas as pl
from jax.experimental.pallas import tpu as pltpu
from jax.experimental.pallas import tpu_sc as plsc

B, T, D = 2, 4096, 1024
H = 4096
E = 8
N = B * T
CAP = max(4, math.ceil(1.0 * N / E))
Z_COEF = 1e-3
AUX_COEF = 1e-2

NB = 8
TB = N // NB
HK = 1
HB = H // HK

NW = 32
TW = N // NW
RCH = 32
NCH = TW // RCH



def _router_body(x_ref, gw_ref, eidx_ref, rank_ref, p_ref, meta_ref, aux_ref,
                 carry, psum, zsum):
    b = pl.program_id(0)

    @pl.when(b == 0)
    def _():
        carry[...] = jnp.zeros_like(carry)
        psum[...] = jnp.zeros_like(psum)
        zsum[...] = jnp.zeros_like(zsum)

    xb = x_ref[...]
    gw = gw_ref[...]
    logits = lax.dot_general(gw, xb, (((1,), (1,)), ((), ())),
                             precision="default",
                             preferred_element_type=jnp.float32)
    m = jnp.max(logits, axis=0, keepdims=True)
    ex = jnp.exp(logits - m)
    se = jnp.sum(ex, axis=0, keepdims=True)
    probs = ex / se
    lse = m + jnp.log(se)
    zsum[...] += jnp.sum(lse * lse, axis=(0, 1), keepdims=True)
    psum[...] += jnp.sum(probs, axis=1, keepdims=True)

    ids = lax.broadcasted_iota(jnp.int32, (E, TB), 0)
    eq = logits == m
    eidx = jnp.min(jnp.where(eq, ids, E), axis=0, keepdims=True)
    prow = jnp.max(probs, axis=0, keepdims=True)

    onehot = (ids == eidx).astype(jnp.float32)
    ri = lax.broadcasted_iota(jnp.int32, (TB, TB), 0)
    ci = lax.broadcasted_iota(jnp.int32, (TB, TB), 1)
    tri = (ri < ci).astype(jnp.bfloat16)
    rank_mat = lax.dot_general(onehot.astype(jnp.bfloat16), tri,
                               (((1,), (0,)), ((), ())),
                               preferred_element_type=jnp.float32)
    rank_tot = rank_mat + carry[...]
    rank = jnp.sum(rank_tot * onehot, axis=0, keepdims=True)
    carry[...] += jnp.sum(onehot, axis=1, keepdims=True)

    eidx_ref[...] = eidx
    rank_ref[...] = rank.astype(jnp.int32)
    p_ref[...] = prow

    @pl.when(b == NB - 1)
    def _():
        counts = carry[...]
        e1 = lax.broadcasted_iota(jnp.int32, (E, E), 0)
        e2 = lax.broadcasted_iota(jnp.int32, (E, E), 1)
        m8 = (e2 < e1).astype(jnp.float32)
        start = lax.dot_general(m8, counts, (((1,), (0,)), ((), ())),
                                precision=lax.Precision.HIGHEST,
                                preferred_element_type=jnp.float32)
        ids8 = lax.broadcasted_iota(jnp.int32, (E, 1), 0)
        cmin = jnp.min(counts, axis=0, keepdims=True)
        emin = jnp.min(jnp.where(counts == cmin, ids8, E), axis=0,
                       keepdims=True)
        zslot = emin * CAP + (CAP - 1)
        pad = lax.broadcasted_iota(jnp.int32, (16, 1), 0)
        padv = jnp.where(pad == 0, zslot, 0)
        meta_ref[...] = jnp.concatenate(
            [start.astype(jnp.int32), counts.astype(jnp.int32), padv], axis=0)
        fp = jnp.sum((counts / N) * (psum[...] / N), axis=(0, 1), keepdims=True)
        aux_ref[...] = AUX_COEF * E * fp + Z_COEF * (zsum[...] / N)


def _router(x_flat, gate_w):
    return pl.pallas_call(
        _router_body,
        grid=(NB,),
        in_specs=[
            pl.BlockSpec((TB, D), lambda b: (b, 0)),
            pl.BlockSpec((E, D), lambda b: (0, 0)),
        ],
        out_specs=[
            pl.BlockSpec((None, 1, TB), lambda b: (b, 0, 0)),
            pl.BlockSpec((None, 1, TB), lambda b: (b, 0, 0)),
            pl.BlockSpec((None, 1, TB), lambda b: (b, 0, 0)),
            pl.BlockSpec((32, 1), lambda b: (0, 0)),
            pl.BlockSpec((1, 1), lambda b: (0, 0)),
        ],
        out_shape=[
            jax.ShapeDtypeStruct((NB, 1, TB), jnp.int32),
            jax.ShapeDtypeStruct((NB, 1, TB), jnp.int32),
            jax.ShapeDtypeStruct((NB, 1, TB), jnp.float32),
            jax.ShapeDtypeStruct((32, 1), jnp.int32),
            jax.ShapeDtypeStruct((1, 1), jnp.float32),
        ],
        scratch_shapes=[
            pltpu.VMEM((E, 1), jnp.float32),
            pltpu.VMEM((E, 1), jnp.float32),
            pltpu.VMEM((1, 1), jnp.float32),
        ],
    )(x_flat, gate_w)



def _sc_wid():
    return lax.axis_index("s") * 2 + lax.axis_index("c")


def _scatter_body(eidx_hbm, rank_hbm, p_hbm, meta_hbm,
                  sidx_hbm, q_hbm, g_hbm,
                  ev, rv, pv, metav, spv, tokv, gv, sem):
    wid = _sc_wid()
    base = wid * TW
    d0 = pltpu.async_copy(eidx_hbm.at[pl.ds(base, TW)], ev, sem)
    d1 = pltpu.async_copy(rank_hbm.at[pl.ds(base, TW)], rv, sem)
    d2 = pltpu.async_copy(p_hbm.at[pl.ds(base, TW)], pv, sem)
    d3 = pltpu.async_copy(meta_hbm, metav, sem)
    d0.wait(); d1.wait(); d2.wait(); d3.wait()

    iota = lax.iota(jnp.int32, 16)
    z16 = jnp.full((16,), 16, jnp.int32)
    zs16 = plsc.load_gather(metav, [z16])
    for i in range(TW // 16):
        sl = pl.ds(i * 16, 16)
        e16 = ev[sl]
        r16 = rv[sl]
        st16 = plsc.load_gather(metav, [e16])
        sp16 = st16 + r16
        c16 = e16 * CAP + r16
        gv[sl] = jnp.where(r16 < CAP, c16, zs16)
        spv[i // 8, pl.ds((i % 8) * 16, 16)] = sp16
        tokv[sl] = base + i * 16 + iota

    w0 = pltpu.async_copy(gv, g_hbm.at[pl.ds(base, TW)], sem)
    ws = []
    for j in range(TW // 128):
        ws.append(pltpu.async_copy(tokv.at[pl.ds(j * 128, 128)],
                                   sidx_hbm.at[spv.at[j]], sem))
        ws.append(pltpu.async_copy(pv.at[pl.ds(j * 128, 128)],
                                   q_hbm.at[spv.at[j]], sem))
    w0.wait()
    for w in ws:
        w.wait()


def _sc_scatter(eidx, rank, p, meta):
    f = pl.kernel(
        _scatter_body,
        out_type=[
            jax.ShapeDtypeStruct((N,), jnp.int32),
            jax.ShapeDtypeStruct((N,), jnp.float32),
            jax.ShapeDtypeStruct((N,), jnp.int32),
        ],
        mesh=plsc.VectorSubcoreMesh(core_axis_name="c", subcore_axis_name="s", num_cores=2, num_subcores=16),
        compiler_params=pltpu.CompilerParams(needs_layout_passes=False),
        scratch_types=[
            pltpu.VMEM((TW,), jnp.int32),
            pltpu.VMEM((TW,), jnp.int32),
            pltpu.VMEM((TW,), jnp.float32),
            pltpu.VMEM((32,), jnp.int32),
            pltpu.VMEM((TW // 128, 128), jnp.int32),
            pltpu.VMEM((TW,), jnp.int32),
            pltpu.VMEM((TW,), jnp.int32),
            pltpu.SemaphoreType.DMA,
        ],
    )
    return f(eidx, rank, p, meta)



def _dispatch_body(x_hbm, sidx_hbm, q_hbm, meta_hbm,
                   xd_hbm, scale_hbm,
                   metav, jv, tv, qv, scv, rb0, rb1, sem, gs0, gs1):
    wid = _sc_wid()
    slot_base = wid * TW
    e = slot_base // CAP
    rbase = slot_base - e * CAP
    pltpu.sync_copy(meta_hbm, metav)

    iota = lax.iota(jnp.int32, 16)
    e16 = jnp.zeros((16,), jnp.int32) + e
    st16 = plsc.load_gather(metav, [e16])
    cn16 = plsc.load_gather(metav, [e16 + 8])
    for i in range(TW // 16):
        sl = pl.ds(i * 16, 16)
        r16 = rbase + i * 16 + iota
        jm = st16 + jnp.minimum(r16, jnp.maximum(cn16 - 1, 0))
        jv[sl] = jnp.minimum(jm, N - 1)

    for j in range(TW // 128):
        sl = pl.ds(j * 128, 128)
        pltpu.sync_copy(sidx_hbm.at[jv.at[sl]], tv.at[sl])
    for j in range(TW // 128):
        sl = pl.ds(j * 128, 128)
        pltpu.sync_copy(q_hbm.at[tv.at[sl]], qv.at[sl])

    for i in range(TW // 16):
        sl = pl.ds(i * 16, 16)
        r16 = rbase + i * 16 + iota
        scv[sl] = jnp.where(r16 < cn16, qv[sl], 0.0)
    wsc = pltpu.async_copy(scv, scale_hbm.at[pl.ds(slot_base, TW)], sem)

    bufs = (rb0, rb1)
    sems = (gs0, gs1)
    descs = [None, None]
    descs[0] = pltpu.async_copy(x_hbm.at[tv.at[pl.ds(0, RCH)]], bufs[0], gs0)
    for ch in range(NCH):
        nxt = ch + 1
        if nxt < NCH:
            descs[nxt % 2] = pltpu.async_copy(
                x_hbm.at[tv.at[pl.ds(nxt * RCH, RCH)]], bufs[nxt % 2],
                sems[nxt % 2])
        descs[ch % 2].wait()
        pltpu.sync_copy(bufs[ch % 2],
                        xd_hbm.at[pl.ds(slot_base + ch * RCH, RCH)])
    wsc.wait()


def _sc_dispatch(x_flat, sidx, q, meta):
    f = pl.kernel(
        _dispatch_body,
        out_type=[
            jax.ShapeDtypeStruct((N, D), jnp.float32),
            jax.ShapeDtypeStruct((N,), jnp.float32),
        ],
        mesh=plsc.VectorSubcoreMesh(core_axis_name="c", subcore_axis_name="s", num_cores=2, num_subcores=16),
        compiler_params=pltpu.CompilerParams(needs_layout_passes=False),
        scratch_types=[
            pltpu.VMEM((32,), jnp.int32),
            pltpu.VMEM((TW,), jnp.int32),
            pltpu.VMEM((TW,), jnp.int32),
            pltpu.VMEM((TW,), jnp.float32),
            pltpu.VMEM((TW,), jnp.float32),
            pltpu.VMEM((RCH, D), jnp.float32),
            pltpu.VMEM((RCH, D), jnp.float32),
            pltpu.SemaphoreType.DMA,
            pltpu.SemaphoreType.DMA,
            pltpu.SemaphoreType.DMA,
        ],
    )
    return f(x_flat, sidx, q, meta)



def _gelu(v):
    return 0.5 * v * (1.0 + lax.erf(v * (1.0 / math.sqrt(2.0))))


def _ffn_body(xd_ref, w1_ref, b1_ref, w2_ref, b2_ref, sc_ref, out_ref,
              xbf, acc):
    h = pl.program_id(1)

    @pl.when(h == 0)
    def _():
        xbf[...] = xd_ref[...].astype(jnp.bfloat16)
        acc[...] = jnp.broadcast_to(b2_ref[0], (CAP, D))

    hm = lax.dot_general(xbf[...], w1_ref[...], (((1,), (1,)), ((), ())),
                         preferred_element_type=jnp.float32)
    hm = hm + b1_ref[0]
    hg = _gelu(hm).astype(jnp.bfloat16)
    acc[...] += lax.dot_general(hg, w2_ref[...], (((1,), (1,)), ((), ())),
                                preferred_element_type=jnp.float32)

    @pl.when(h == HK - 1)
    def _():
        out_ref[...] = acc[...] * sc_ref[...]


def _ffn(xd, w1, b1, w2, b2, scale):
    return pl.pallas_call(
        _ffn_body,
        grid=(E, HK),
        in_specs=[
            pl.BlockSpec((None, CAP, D), lambda e, h: (e, 0, 0)),
            pl.BlockSpec((None, HB, D), lambda e, h: (e, h, 0)),
            pl.BlockSpec((None, 1, HB), lambda e, h: (e, 0, h)),
            pl.BlockSpec((None, D, HB), lambda e, h: (e, 0, h)),
            pl.BlockSpec((None, 1, D), lambda e, h: (e, 0, 0)),
            pl.BlockSpec((None, CAP, 1), lambda e, h: (e, 0, 0)),
        ],
        out_specs=pl.BlockSpec((None, CAP, D), lambda e, h: (e, 0, 0)),
        out_shape=jax.ShapeDtypeStruct((E, CAP, D), jnp.float32),
        compiler_params=pltpu.CompilerParams(vmem_limit_bytes=117440512),
        scratch_shapes=[
            pltpu.VMEM((CAP, D), jnp.bfloat16),
            pltpu.VMEM((CAP, D), jnp.float32),
        ],
    )(xd, w1, b1, w2, b2, scale)



RC5 = 32
NC5 = TW // RC5


def _combine_body(od_hbm, g_hbm, out_hbm, gv, rb0, rb1, gs0, gs1):
    wid = _sc_wid()
    base = wid * TW
    pltpu.sync_copy(g_hbm.at[pl.ds(base, TW)], gv)
    bufs = (rb0, rb1)
    sems = (gs0, gs1)
    descs = [None, None]
    descs[0] = pltpu.async_copy(od_hbm.at[gv.at[pl.ds(0, RC5)]], bufs[0], gs0)
    for ch in range(NC5):
        nxt = ch + 1
        if nxt < NC5:
            descs[nxt % 2] = pltpu.async_copy(
                od_hbm.at[gv.at[pl.ds(nxt * RC5, RC5)]], bufs[nxt % 2],
                sems[nxt % 2])
        descs[ch % 2].wait()
        pltpu.sync_copy(bufs[ch % 2], out_hbm.at[pl.ds(base + ch * RC5, RC5)])


def _sc_combine(od, g):
    f = pl.kernel(
        _combine_body,
        out_type=jax.ShapeDtypeStruct((N, D), jnp.float32),
        mesh=plsc.VectorSubcoreMesh(core_axis_name="c", subcore_axis_name="s", num_cores=2, num_subcores=16),
        compiler_params=pltpu.CompilerParams(needs_layout_passes=False),
        scratch_types=[
            pltpu.VMEM((TW,), jnp.int32),
            pltpu.VMEM((RC5, D), jnp.float32),
            pltpu.VMEM((RC5, D), jnp.float32),
            pltpu.SemaphoreType.DMA,
            pltpu.SemaphoreType.DMA,
        ],
    )
    return f(od, g)



@jax.jit
def kernel(x, gate_w, W1, b1, W2, b2):
    x_flat = x.reshape(N, D)
    eidx, rank, p, meta, aux = _router(x_flat, gate_w)
    sidx, q, g = _sc_scatter(eidx.reshape(N), rank.reshape(N),
                             p.reshape(N), meta.reshape(32))
    x_disp, scale = _sc_dispatch(x_flat, sidx, q, meta.reshape(32))
    od = _ffn(x_disp.reshape(E, CAP, D),
              W1.astype(jnp.bfloat16), b1.reshape(E, 1, H),
              W2.astype(jnp.bfloat16), b2.reshape(E, 1, D),
              scale.reshape(E, CAP, 1))
    out = _sc_combine(od.reshape(N, D), g)
    return out.reshape(B, T, D), aux.reshape(())[()]

# --- scband reference (transcript-rebuilt; emitter-appended) ---
"""Pipeline reference for scband-mixture-of-experts-498216206779 (READ-ONLY COPY).

The authoritative reference and input builder live on the scoring server;
editing this copy changes nothing except your own understanding.
"""

import math
import jax, jax.numpy as jnp
import numpy as np

B, T, D_MODEL = 2, 4096, 1024
D_HIDDEN = 4096
E = 8
CAP_FACTOR = 1.0
MIN_CAP = 4
Z_COEF = 1e-3
AUX_COEF = 1e-2


def setup_inputs(seed: int = 0) -> dict:
    key = jax.random.key(seed)
    ks = jax.random.split(key, 6)
    x = jax.random.normal(ks[0], (B, T, D_MODEL), dtype=jnp.float32)
    gate_w = jax.random.normal(ks[1], (E, D_MODEL), dtype=jnp.float32) * 0.02
    W1 = jax.random.normal(ks[2], (E, D_HIDDEN, D_MODEL), dtype=jnp.float32) * (1.0 / math.sqrt(D_MODEL))
    b1 = jnp.zeros((E, D_HIDDEN), dtype=jnp.float32)
    W2 = jax.random.normal(ks[3], (E, D_MODEL, D_HIDDEN), dtype=jnp.float32) * (1.0 / math.sqrt(D_HIDDEN))
    b2 = jnp.zeros((E, D_MODEL), dtype=jnp.float32)
    return {"x": x, "gate_w": gate_w, "W1": W1, "b1": b1, "W2": W2, "b2": b2}


def reference(x, gate_w, W1, b1, W2, b2):
    Bs, Ts, D = x.shape
    N = Bs * Ts
    x_flat = x.reshape(N, D)
    # Router (top-1 with capacity, z-loss, aux load-balancing loss)
    logits = x_flat @ gate_w.T
    probs = jax.nn.softmax(logits, axis=-1)
    capacity = max(MIN_CAP, math.ceil(CAP_FACTOR * N / E))
    z_loss = jnp.mean(jnp.square(jax.scipy.special.logsumexp(logits, axis=-1)))
    expert_index = jnp.argmax(logits, axis=-1)
    expert_prob = probs[jnp.arange(N), expert_index]
    counts = jnp.bincount(expert_index, length=E)
    f_i = counts.astype(jnp.float32) / N
    p_i = probs.mean(axis=0)
    aux_loss = AUX_COEF * E * jnp.sum(f_i * p_i) + Z_COEF * z_loss
    # Sort tokens by expert assignment
    sort_idx = jnp.argsort(expert_index)
    x_sorted = x_flat[sort_idx]
    prob_sorted = expert_prob[sort_idx]
    expert_sorted = expert_index[sort_idx]
    cum = jnp.cumsum(counts)
    start = cum - counts
    rank = jnp.arange(N) - start[expert_sorted]
    output_sorted = jnp.zeros_like(x_sorted)
    for e in range(E):
        h = jax.nn.gelu(x_sorted @ W1[e].T + b1[e], approximate=False)
        out_e = h @ W2[e].T + b2[e]
        mask = (expert_sorted == e) & (rank < capacity)
        output_sorted = jnp.where(mask[:, None], out_e, output_sorted)
    # Scatter back to original token order (faithfully replicates the original
    # module, including multiplying by prob_sorted AFTER un-sorting)
    output = jnp.zeros_like(x_flat).at[sort_idx].set(output_sorted)
    output = output * prob_sorted[:, None]
    return (output.reshape(Bs, Ts, D), aux_loss)

if __name__ == "__main__":
    import jax
    _d = setup_inputs()
    print(jax.jit(kernel)(*tuple(_d.values())))

</pallas_src>

<mosaic_0001>
#map = affine_map<(d0, d1) -> (0, 0)>
#map1 = affine_map<(d0, d1) -> (0)>
module attributes {stable_mosaic.version = 14 : i64} {
  func.func @_dispatch_body(%arg0: i32, %arg1: i32, %arg2: memref<8192x1024xf32, #tpu.memory_space<hbm>>, %arg3: memref<8192xi32, #tpu.memory_space<hbm>>, %arg4: memref<8192xf32, #tpu.memory_space<hbm>>, %arg5: memref<32xi32, #tpu.memory_space<hbm>>, %arg6: memref<8192x1024xf32, #tpu.memory_space<hbm>>, %arg7: memref<8192xf32, #tpu.memory_space<hbm>>, %arg8: memref<32xi32, #tpu.memory_space<vmem>>, %arg9: memref<256xi32, #tpu.memory_space<vmem>>, %arg10: memref<256xi32, #tpu.memory_space<vmem>>, %arg11: memref<256xf32, #tpu.memory_space<vmem>>, %arg12: memref<256xf32, #tpu.memory_space<vmem>>, %arg13: memref<32x1024xf32, #tpu.memory_space<vmem>>, %arg14: memref<32x1024xf32, #tpu.memory_space<vmem>>, %arg15: memref<!tpu.dma_semaphore, #tpu.memory_space<semaphore_mem>>, %arg16: memref<!tpu.dma_semaphore, #tpu.memory_space<semaphore_mem>>, %arg17: memref<!tpu.dma_semaphore, #tpu.memory_space<semaphore_mem>>) attributes {dimension_semantics = [#tpu.dimension_semantics<core_parallel>, #tpu.dimension_semantics<subcore_parallel>], iteration_bounds = array<i64: 2, 16>, scalar_prefetch = 0 : i64, scratch_operands = 10 : i64, tpu.core_type = #tpu.core_type<sc_vector_subcore>, window_params = [{transform_indices = #map}, {transform_indices = #map1}, {transform_indices = #map1}, {transform_indices = #map1}, {transform_indices = #map}, {transform_indices = #map1}]} {
    %mul3A = arith.constant 2 : i32
    %mul3A_0 = arith.muli %arg1, %mul3A : i32
    %add3A = arith.addi %mul3A_0, %arg0 : i32
    %mul3A_1 = arith.constant 256 : i32
    %mul3A_2 = arith.muli %add3A, %mul3A_1 : i32
    %jit3A = arith.constant 1024 : i32
    %div3A = arith.divsi %mul3A_2, %jit3A : i32
    %sign3A = arith.constant 0 : i32
    %sign3A_3 = arith.cmpi sgt, %mul3A_2, %sign3A : i32
    %sign3A_4 = arith.extui %sign3A_3 : i1 to i32
    %sign3A_5 = arith.constant 0 : i32
    %sign3A_6 = arith.cmpi slt, %mul3A_2, %sign3A_5 : i32
    %sign3A_7 = arith.extui %sign3A_6 : i1 to i32
    %sign3A_8 = arith.subi %sign3A_4, %sign3A_7 : i32
    %sign3A_9 = arith.constant 0 : i32
    %sign3A_10 = arith.cmpi sgt, %jit3A, %sign3A_9 : i32
    %sign3A_11 = arith.extui %sign3A_10 : i1 to i32
    %sign3A_12 = arith.constant 0 : i32
    %sign3A_13 = arith.cmpi slt, %jit3A, %sign3A_12 : i32
    %sign3A_14 = arith.extui %sign3A_13 : i1 to i32
    %sign3A_15 = arith.subi %sign3A_11, %sign3A_14 : i32
    %ne3A = arith.cmpi ne, %sign3A_8, %sign3A_15 : i32
    %rem3A = arith.remsi %mul3A_2, %jit3A : i32
    %ne3A_16 = arith.constant 0 : i32
    %ne3A_17 = arith.cmpi ne, %rem3A, %ne3A_16 : i32
    %and3A = arith.andi %ne3A, %ne3A_17 : i1
    %sub3A = arith.constant 1 : i32
    %sub3A_18 = arith.subi %div3A, %sub3A : i32
    %select_n3A = arith.select %and3A, %sub3A_18, %div3A : i32
    %mul3A_19 = arith.constant 1024 : i32
    %mul3A_20 = arith.muli %select_n3A, %mul3A_19 : i32
    %sub3A_21 = arith.subi %mul3A_2, %mul3A_20 : i32
    "tpu.region"() ({
      %run_scoped3A = tpu.sem_alloc : memref<!tpu.dma_semaphore, #tpu.memory_space<semaphore_mem>>
      tpu.enqueue_dma source(%arg5 : memref<32xi32, #tpu.memory_space<hbm>>) target(%arg8 : memref<32xi32, #tpu.memory_space<vmem>>) target_semaphore(%run_scoped3A : memref<!tpu.dma_semaphore, #tpu.memory_space<semaphore_mem>>)
      tpu.wait_dma2 semaphore(%run_scoped3A : memref<!tpu.dma_semaphore, #tpu.memory_space<semaphore_mem>>) src(%arg5 : memref<32xi32, #tpu.memory_space<hbm>>) dst(%arg8 : memref<32xi32, #tpu.memory_space<vmem>>)
      tpu.yield
    }) : () -> ()
    %iota3A = tpu.iota {dimensions = array<i32: 0>} : vector<16xi32>
    %broadcast_in_dim3A = arith.constant 0 : i32
    %broadcast_in_dim3A_22 = vector.broadcast %broadcast_in_dim3A : i32 to vector<16xi32>
    %add3A_23 = vector.broadcast %select_n3A : i32 to vector<16xi32>
    %add3A_24 = arith.addi %broadcast_in_dim3A_22, %add3A_23 : vector<16xi32>
    %gather3A = tpu.vector_load_idx %arg8[%add3A_24] : memref<32xi32, #tpu.memory_space<vmem>>[vector<16xi32>], vector<16xi32>,
    %add3A_25 = arith.constant 8 : i32
    %add3A_26 = vector.broadcast %add3A_25 : i32 to vector<16xi32>
    %add3A_27 = arith.addi %add3A_24, %add3A_26 : vector<16xi32>
    %gather3A_28 = tpu.vector_load_idx %arg8[%add3A_27] : memref<32xi32, #tpu.memory_space<vmem>>[vector<16xi32>], vector<16xi32>,
    %add3A_29 = arith.constant 0 : i32
    %add3A_30 = arith.addi %sub3A_21, %add3A_29 : i32
    %add3A_31 = vector.broadcast %add3A_30 : i32 to vector<16xi32>
    %add3A_32 = arith.addi %add3A_31, %iota3A : vector<16xi32>
    %sub3A_33 = arith.constant 1 : i32
    %sub3A_34 = vector.broadcast %sub3A_33 : i32 to vector<16xi32>
    %sub3A_35 = arith.subi %gather3A_28, %sub3A_34 : vector<16xi32>
    %max3A = arith.constant 0 : i32
    %max3A_36 = vector.broadcast %max3A : i32 to vector<16xi32>
    %max3A_37 = arith.maxsi %sub3A_35, %max3A_36 : vector<16xi32>
    %min3A = arith.minsi %add3A_32, %max3A_37 : vector<16xi32>
    %add3A_38 = arith.addi %gather3A, %min3A : vector<16xi32>
    %min3A_39 = arith.constant 8191 : i32
    %min3A_40 = vector.broadcast %min3A_39 : i32 to vector<16xi32>
    %min3A_41 = arith.minsi %add3A_38, %min3A_40 : vector<16xi32>
    %swap3A = arith.constant 0 : index
    %swap3A_42 = tpu.vector_load %arg9[%swap3A] {strides = array<i32>} : memref<256xi32, #tpu.memory_space<vmem>>, vector<16xi32>,
    tpu.vector_store %arg9[%swap3A], %min3A_41 {strides = array<i32>} : memref<256xi32, #tpu.memory_space<vmem>>, vector<16xi32>,
    %add3A_43 = arith.constant 16 : i32
    %add3A_44 = arith.addi %sub3A_21, %add3A_43 : i32
    %add3A_45 = vector.broadcast %add3A_44 : i32 to vector<16xi32>
    %add3A_46 = arith.addi %add3A_45, %iota3A : vector<16xi32>
    %sub3A_47 = arith.constant 1 : i32
    %sub3A_48 = vector.broadcast %sub3A_47 : i32 to vector<16xi32>
    %sub3A_49 = arith.subi %gather3A_28, %sub3A_48 : vector<16xi32>
    %max3A_50 = arith.constant 0 : i32
    %max3A_51 = vector.broadcast %max3A_50 : i32 to vector<16xi32>
    %max3A_52 = arith.maxsi %sub3A_49, %max3A_51 : vector<16xi32>
    %min3A_53 = arith.minsi %add3A_46, %max3A_52 : vector<16xi32>
    %add3A_54 = arith.addi %gather3A, %min3A_53 : vector<16xi32>
    %min3A_55 = arith.constant 8191 : i32
    %min3A_56 = vector.broadcast %min3A_55 : i32 to vector<16xi32>
    %min3A_57 = arith.minsi %add3A_54, %min3A_56 : vector<16xi32>
    %swap3A_58 = arith.constant 16 : index
    %swap3A_59 = tpu.vector_load %arg9[%swap3A_58] {strides = array<i32>} : memref<256xi32, #tpu.memory_space<vmem>>, vector<16xi32>,
    tpu.vector_store %arg9[%swap3A_58], %min3A_57 {strides = array<i32>} : memref<256xi32, #tpu.memory_space<vmem>>, vector<16xi32>,
    %add3A_60 = arith.constant 32 : i32
    %add3A_61 = arith.addi %sub3A_21, %add3A_60 : i32
    %add3A_62 = vector.broadcast %add3A_61 : i32 to vector<16xi32>
    %add3A_63 = arith.addi %add3A_62, %iota3A : vector<16xi32>
    %sub3A_64 = arith.constant 1 : i32
    %sub3A_65 = vector.broadcast %sub3A_64 : i32 to vector<16xi32>
    %sub3A_66 = arith.subi %gather3A_28, %sub3A_65 : vector<16xi32>
    %max3A_67 = arith.constant 0 : i32
    %max3A_68 = vector.broadcast %max3A_67 : i32 to vector<16xi32>
    %max3A_69 = arith.maxsi %sub3A_66, %max3A_68 : vector<16xi32>
    %min3A_70 = arith.minsi %add3A_63, %max3A_69 : vector<16xi32>
    %add3A_71 = arith.addi %gather3A, %min3A_70 : vector<16xi32>
    %min3A_72 = arith.constant 8191 : i32
    %min3A_73 = vector.broadcast %min3A_72 : i32 to vector<16xi32>
    %min3A_74 = arith.minsi %add3A_71, %min3A_73 : vector<16xi32>
    %swap3A_75 = arith.constant 32 : index
    %swap3A_76 = tpu.vector_load %arg9[%swap3A_75] {strides = array<i32>} : memref<256xi32, #tpu.memory_space<vmem>>, vector<16xi32>,
    tpu.vector_store %arg9[%swap3A_75], %min3A_74 {strides = array<i32>} : memref<256xi32, #tpu.memory_space<vmem>>, vector<16xi32>,
    %add3A_77 = arith.constant 48 : i32
    %add3A_78 = arith.addi %sub3A_21, %add3A_77 : i32
    %add3A_79 = vector.broadcast %add3A_78 : i32 to vector<16xi32>
    %add3A_80 = arith.addi %add3A_79, %iota3A : vector<16xi32>
    %sub3A_81 = arith.constant 1 : i32
    %sub3A_82 = vector.broadcast %sub3A_81 : i32 to vector<16xi32>
    %sub3A_83 = arith.subi %gather3A_28, %sub3A_82 : vector<16xi32>
    %max3A_84 = arith.constant 0 : i32
    %max3A_85 = vector.broadcast %max3A_84 : i32 to vector<16xi32>
    %max3A_86 = arith.maxsi %sub3A_83, %max3A_85 : vector<16xi32>
    %min3A_87 = arith.minsi %add3A_80, %max3A_86 : vector<16xi32>
    %add3A_88 = arith.addi %gather3A, %min3A_87 : vector<16xi32>
    %min3A_89 = arith.constant 8191 : i32
    %min3A_90 = vector.broadcast %min3A_89 : i32 to vector<16xi32>
    %min3A_91 = arith.minsi %add3A_88, %min3A_90 : vector<16xi32>
    %swap3A_92 = arith.constant 48 : index
    %swap3A_93 = tpu.vector_load %arg9[%swap3A_92] {strides = array<i32>} : memref<256xi32, #tpu.memory_space<vmem>>, vector<16xi32>,
    tpu.vector_store %arg9[%swap3A_92], %min3A_91 {strides = array<i32>} : memref<256xi32, #tpu.memory_space<vmem>>, vector<16xi32>,
    %add3A_94 = arith.constant 64 : i32
    %add3A_95 = arith.addi %sub3A_21, %add3A_94 : i32
    %add3A_96 = vector.broadcast %add3A_95 : i32 to vector<16xi32>
    %add3A_97 = arith.addi %add3A_96, %iota3A : vector<16xi32>
    %sub3A_98 = arith.constant 1 : i32
    %sub3A_99 = vector.broadcast %sub3A_98 : i32 to vector<16xi32>
    %sub3A_100 = arith.subi %gather3A_28, %sub3A_99 : vector<16xi32>
    %max3A_101 = arith.constant 0 : i32
    %max3A_102 = vector.broadcast %max3A_101 : i32 to vector<16xi32>
    %max3A_103 = arith.maxsi %sub3A_100, %max3A_102 : vector<16xi32>
    %min3A_104 = arith.minsi %add3A_97, %max3A_103 : vector<16xi32>
    %add3A_105 = arith.addi %gather3A, %min3A_104 : vector<16xi32>
    %min3A_106 = arith.constant 8191 : i32
    %min3A_107 = vector.broadcast %min3A_106 : i32 to vector<16xi32>
    %min3A_108 = arith.minsi %add3A_105, %min3A_107 : vector<16xi32>
    %swap3A_109 = arith.constant 64 : index
    %swap3A_110 = tpu.vector_load %arg9[%swap3A_109] {strides = array<i32>} : memref<256xi32, #tpu.memory_space<vmem>>, vector<16xi32>,
    tpu.vector_store %arg9[%swap3A_109], %min3A_108 {strides = array<i32>} : memref<256xi32, #tpu.memory_space<vmem>>, vector<16xi32>,
    %add3A_111 = arith.constant 80 : i32
    %add3A_112 = arith.addi %sub3A_21, %add3A_111 : i32
    %add3A_113 = vector.broadcast %add3A_112 : i32 to vector<16xi32>
    %add3A_114 = arith.addi %add3A_113, %iota3A : vector<16xi32>
    %sub3A_115 = arith.constant 1 : i32
    %sub3A_116 = vector.broadcast %sub3A_115 : i32 to vector<16xi32>
    %sub3A_117 = arith.subi %gather3A_28, %sub3A_116 : vector<16xi32>
    %max3A_118 = arith.constant 0 : i32
    %max3A_119 = vector.broadcast %max3A_118 : i32 to vector<16xi32>
    %max3A_120 = arith.maxsi %sub3A_117, %max3A_119 : vector<16xi32>
    %min3A_121 = arith.minsi %add3A_114, %max3A_120 : vector<16xi32>
    %add3A_122 = arith.addi %gather3A, %min3A_121 : vector<16xi32>
    %min3A_123 = arith.constant 8191 : i32
    %min3A_124 = vector.broadcast %min3A_123 : i32 to vector<16xi32>
    %min3A_125 = arith.minsi %add3A_122, %min3A_124 : vector<16xi32>
    %swap3A_126 = arith.constant 80 : index
    %swap3A_127 = tpu.vector_load %arg9[%swap3A_126] {strides = array<i32>} : memref<256xi32, #tpu.memory_space<vmem>>, vector<16xi32>,
    tpu.vector_store %arg9[%swap3A_126], %min3A_125 {strides = array<i32>} : memref<256xi32, #tpu.memory_space<vmem>>, vector<16xi32>,
    %add3A_128 = arith.constant 96 : i32
    %add3A_129 = arith.addi %sub3A_21, %add3A_128 : i32
    %add3A_130 = vector.broadcast %add3A_129 : i32 to vector<16xi32>
    %add3A_131 = arith.addi %add3A_130, %iota3A : vector<16xi32>
    %sub3A_132 = arith.constant 1 : i32
    %sub3A_133 = vector.broadcast %sub3A_132 : i32 to vector<16xi32>
    %sub3A_134 = arith.subi %gather3A_28, %sub3A_133 : vector<16xi32>
    %max3A_135 = arith.constant 0 : i32
    %max3A_136 = vector.broadcast %max3A_135 : i32 to vector<16xi32>
    %max3A_137 = arith.maxsi %sub3A_134, %max3A_136 : vector<16xi32>
    %min3A_138 = arith.minsi %add3A_131, %max3A_137 : vector<16xi32>
    %add3A_139 = arith.addi %gather3A, %min3A_138 : vector<16xi32>
    %min3A_140 = arith.constant 8191 : i32
    %min3A_141 = vector.broadcast %min3A_140 : i32 to vector<16xi32>
    %min3A_142 = arith.minsi %add3A_139, %min3A_141 : vector<16xi32>
    %swap3A_143 = arith.constant 96 : index
    %swap3A_144 = tpu.vector_load %arg9[%swap3A_143] {strides = array<i32>} : memref<256xi32, #tpu.memory_space<vmem>>, vector<16xi32>,
    tpu.vector_store %arg9[%swap3A_143], %min3A_142 {strides = array<i32>} : memref<256xi32, #tpu.memory_space<vmem>>, vector<16xi32>,
    %add3A_145 = arith.constant 112 : i32
    %add3A_146 = arith.addi %sub3A_21, %add3A_145 : i32
    %add3A_147 = vector.broadcast %add3A_146 : i32 to vector<16xi32>
    %add3A_148 = arith.addi %add3A_147, %iota3A : vector<16xi32>
    %sub3A_149 = arith.constant 1 : i32
    %sub3A_150 = vector.broadcast %sub3A_149 : i32 to vector<16xi32>
    %sub3A_151 = arith.subi %gather3A_28, %sub3A_150 : vector<16xi32>
    %max3A_152 = arith.constant 0 : i32
    %max3A_153 = vector.broadcast %max3A_152 : i32 to vector<16xi32>
    %max3A_154 = arith.maxsi %sub3A_151, %max3A_153 : vector<16xi32>
    %min3A_155 = arith.minsi %add3A_148, %max3A_154 : vector<16xi32>
    %add3A_156 = arith.addi %gather3A, %min3A_155 : vector<16xi32>
    %min3A_157 = arith.constant 8191 : i32
    %min3A_158 = vector.broadcast %min3A_157 : i32 to vector<16xi32>
    %min3A_159 = arith.minsi %add3A_156, %min3A_158 : vector<16xi32>
    %swap3A_160 = arith.constant 112 : index
    %swap3A_161 = tpu.vector_load %arg9[%swap3A_160] {strides = array<i32>} : memref<256xi32, #tpu.memory_space<vmem>>, vector<16xi32>,
    tpu.vector_store %arg9[%swap3A_160], %min3A_159 {strides = array<i32>} : memref<256xi32, #tpu.memory_space<vmem>>, vector<16xi32>,
    %add3A_162 = arith.constant 128 : i32
    %add3A_163 = arith.addi %sub3A_21, %add3A_162 : i32
    %add3A_164 = vector.broadcast %add3A_163 : i32 to vector<16xi32>
    %add3A_165 = arith.addi %add3A_164, %iota3A : vector<16xi32>
    %sub3A_166 = arith.constant 1 : i32
    %sub3A_167 = vector.broadcast %sub3A_166 : i32 to vector<16xi32>
    %sub3A_168 = arith.subi %gather3A_28, %sub3A_167 : vector<16xi32>
    %max3A_169 = arith.constant 0 : i32
    %max3A_170 = vector.broadcast %max3A_169 : i32 to vector<16xi32>
    %max3A_171 = arith.maxsi %sub3A_168, %max3A_170 : vector<16xi32>
    %min3A_172 = arith.minsi %add3A_165, %max3A_171 : vector<16xi32>
    %add3A_173 = arith.addi %gather3A, %min3A_172 : vector<16xi32>
    %min3A_174 = arith.constant 8191 : i32
    %min3A_175 = vector.broadcast %min3A_174 : i32 to vector<16xi32>
    %min3A_176 = arith.minsi %add3A_173, %min3A_175 : vector<16xi32>
    %swap3A_177 = arith.constant 128 : index
    %swap3A_178 = tpu.vector_load %arg9[%swap3A_177] {strides = array<i32>} : memref<256xi32, #tpu.memory_space<vmem>>, vector<16xi32>,
    tpu.vector_store %arg9[%swap3A_177], %min3A_176 {strides = array<i32>} : memref<256xi32, #tpu.memory_space<vmem>>, vector<16xi32>,
    %add3A_179 = arith.constant 144 : i32
    %add3A_180 = arith.addi %sub3A_21, %add3A_179 : i32
    %add3A_181 = vector.broadcast %add3A_180 : i32 to vector<16xi32>
    %add3A_182 = arith.addi %add3A_181, %iota3A : vector<16xi32>
    %sub3A_183 = arith.constant 1 : i32
    %sub3A_184 = vector.broadcast %sub3A_183 : i32 to vector<16xi32>
    %sub3A_185 = arith.subi %gather3A_28, %sub3A_184 : vector<16xi32>
    %max3A_186 = arith.constant 0 : i32
    %max3A_187 = vector.broadcast %max3A_186 : i32 to vector<16xi32>
    %max3A_188 = arith.maxsi %sub3A_185, %max3A_187 : vector<16xi32>
    %min3A_189 = arith.minsi %add3A_182, %max3A_188 : vector<16xi32>
    %add3A_190 = arith.addi %gather3A, %min3A_189 : vector<16xi32>
    %min3A_191 = arith.constant 8191 : i32
    %min3A_192 = vector.broadcast %min3A_191 : i32 to vector<16xi32>
    %min3A_193 = arith.minsi %add3A_190, %min3A_192 : vector<16xi32>
    %swap3A_194 = arith.constant 144 : index
    %swap3A_195 = tpu.vector_load %arg9[%swap3A_194] {strides = array<i32>} : memref<256xi32, #tpu.memory_space<vmem>>, vector<16xi32>,
    tpu.vector_store %arg9[%swap3A_194], %min3A_193 {strides = array<i32>} : memref<256xi32, #tpu.memory_space<vmem>>, vector<16xi32>,
    %add3A_196 = arith.constant 160 : i32
    %add3A_197 = arith.addi %sub3A_21, %add3A_196 : i32
    %add3A_198 = vector.broadcast %add3A_197 : i32 to vector<16xi32>
    %add3A_199 = arith.addi %add3A_198, %iota3A : vector<16xi32>
    %sub3A_200 = arith.constant 1 : i32
    %sub3A_201 = vector.broadcast %sub3A_200 : i32 to vector<16xi32>
    %sub3A_202 = arith.subi %gather3A_28, %sub3A_201 : vector<16xi32>
    %max3A_203 = arith.constant 0 : i32
    %max3A_204 = vector.broadcast %max3A_203 : i32 to vector<16xi32>
    %max3A_205 = arith.maxsi %sub3A_202, %max3A_204 : vector<16xi32>
    %min3A_206 = arith.minsi %add3A_199, %max3A_205 : vector<16xi32>
    %add3A_207 = arith.addi %gather3A, %min3A_206 : vector<16xi32>
    %min3A_208 = arith.constant 8191 : i32
    %min3A_209 = vector.broadcast %min3A_208 : i32 to vector<16xi32>
    %min3A_210 = arith.minsi %add3A_207, %min3A_209 : vector<16xi32>
    %swap3A_211 = arith.constant 160 : index
    %swap3A_212 = tpu.vector_load %arg9[%swap3A_211] {strides = array<i32>} : memref<256xi32, #tpu.memory_space<vmem>>, vector<16xi32>,
    tpu.vector_store %arg9[%swap3A_211], %min3A_210 {strides = array<i32>} : memref<256xi32, #tpu.memory_space<vmem>>, vector<16xi32>,
    %add3A_213 = arith.constant 176 : i32
    %add3A_214 = arith.addi %sub3A_21, %add3A_213 : i32
    %add3A_215 = vector.broadcast %add3A_214 : i32 to vector<16xi32>
    %add3A_216 = arith.addi %add3A_215, %iota3A : vector<16xi32>
    %sub3A_217 = arith.constant 1 : i32
    %sub3A_218 = vector.broadcast %sub3A_217 : i32 to vector<16xi32>
    %sub3A_219 = arith.subi %gather3A_28, %sub3A_218 : vector<16xi32>
    %max3A_220 = arith.constant 0 : i32
    %max3A_221 = vector.broadcast %max3A_220 : i32 to vector<16xi32>
    %max3A_222 = arith.maxsi %sub3A_219, %max3A_221 : vector<16xi32>
    %min3A_223 = arith.minsi %add3A_216, %max3A_222 : vector<16xi32>
    %add3A_224 = arith.addi %gather3A, %min3A_223 : vector<16xi32>
    %min3A_225 = arith.constant 8191 : i32
    %min3A_226 = vector.broadcast %min3A_225 : i32 to vector<16xi32>
    %min3A_227 = arith.minsi %add3A_224, %min3A_226 : vector<16xi32>
    %swap3A_228 = arith.constant 176 : index
    %swap3A_229 = tpu.vector_load %arg9[%swap3A_228] {strides = array<i32>} : memref<256xi32, #tpu.memory_space<vmem>>, vector<16xi32>,
    tpu.vector_store %arg9[%swap3A_228], %min3A_227 {strides = array<i32>} : memref<256xi32, #tpu.memory_space<vmem>>, vector<16xi32>,
    %add3A_230 = arith.constant 192 : i32
    %add3A_231 = arith.addi %sub3A_21, %add3A_230 : i32
    %add3A_232 = vector.broadcast %add3A_231 : i32 to vector<16xi32>
    %add3A_233 = arith.addi %add3A_232, %iota3A : vector<16xi32>
    %sub3A_234 = arith.constant 1 : i32
    %sub3A_235 = vector.broadcast %sub3A_234 : i32 to vector<16xi32>
    %sub3A_236 = arith.subi %gather3A_28, %sub3A_235 : vector<16xi32>
    %max3A_237 = arith.constant 0 : i32
    %max3A_238 = vector.broadcast %max3A_237 : i32 to vector<16xi32>
    %max3A_239 = arith.maxsi %sub3A_236, %max3A_238 : vector<16xi32>
    %min3A_240 = arith.minsi %add3A_233, %max3A_239 : vector<16xi32>
    %add3A_241 = arith.addi %gather3A, %min3A_240 : vector<16xi32>
    %min3A_242 = arith.constant 8191 : i32
    %min3A_243 = vector.broadcast %min3A_242 : i32 to vector<16xi32>
    %min3A_244 = arith.minsi %add3A_241, %min3A_243 : vector<16xi32>
    %swap3A_245 = arith.constant 192 : index
    %swap3A_246 = tpu.vector_load %arg9[%swap3A_245] {strides = array<i32>} : memref<256xi32, #tpu.memory_space<vmem>>, vector<16xi32>,
    tpu.vector_store %arg9[%swap3A_245], %min3A_244 {strides = array<i32>} : memref<256xi32, #tpu.memory_space<vmem>>, vector<16xi32>,
    %add3A_247 = arith.constant 208 : i32
    %add3A_248 = arith.addi %sub3A_21, %add3A_247 : i32
    %add3A_249 = vector.broadcast %add3A_248 : i32 to vector<16xi32>
    %add3A_250 = arith.addi %add3A_249, %iota3A : vector<16xi32>
    %sub3A_251 = arith.constant 1 : i32
    %sub3A_252 = vector.broadcast %sub3A_251 : i32 to vector<16xi32>
    %sub3A_253 = arith.subi %gather3A_28, %sub3A_252 : vector<16xi32>
    %max3A_254 = arith.constant 0 : i32
    %max3A_255 = vector.broadcast %max3A_254 : i32 to vector<16xi32>
    %max3A_256 = arith.maxsi %sub3A_253, %max3A_255 : vector<16xi32>
    %min3A_257 = arith.minsi %add3A_250, %max3A_256 : vector<16xi32>
    %add3A_258 = arith.addi %gather3A, %min3A_257 : vector<16xi32>
    %min3A_259 = arith.constant 8191 : i32
    %min3A_260 = vector.broadcast %min3A_259 : i32 to vector<16xi32>
    %min3A_261 = arith.minsi %add3A_258, %min3A_260 : vector<16xi32>
    %swap3A_262 = arith.constant 208 : index
    %swap3A_263 = tpu.vector_load %arg9[%swap3A_262] {strides = array<i32>} : memref<256xi32, #tpu.memory_space<vmem>>, vector<16xi32>,
    tpu.vector_store %arg9[%swap3A_262], %min3A_261 {strides = array<i32>} : memref<256xi32, #tpu.memory_space<vmem>>, vector<16xi32>,
    %add3A_264 = arith.constant 224 : i32
    %add3A_265 = arith.addi %sub3A_21, %add3A_264 : i32
    %add3A_266 = vector.broadcast %add3A_265 : i32 to vector<16xi32>
    %add3A_267 = arith.addi %add3A_266, %iota3A : vector<16xi32>
    %sub3A_268 = arith.constant 1 : i32
    %sub3A_269 = vector.broadcast %sub3A_268 : i32 to vector<16xi32>
    %sub3A_270 = arith.subi %gather3A_28, %sub3A_269 : vector<16xi32>
    %max3A_271 = arith.constant 0 : i32
    %max3A_272 = vector.broadcast %max3A_271 : i32 to vector<16xi32>
    %max3A_273 = arith.maxsi %sub3A_270, %max3A_272 : vector<16xi32>
    %min3A_274 = arith.minsi %add3A_267, %max3A_273 : vector<16xi32>
    %add3A_275 = arith.addi %gather3A, %min3A_274 : vector<16xi32>
    %min3A_276 = arith.constant 8191 : i32
    %min3A_277 = vector.broadcast %min3A_276 : i32 to vector<16xi32>
    %min3A_278 = arith.minsi %add3A_275, %min3A_277 : vector<16xi32>
    %swap3A_279 = arith.constant 224 : index
    %swap3A_280 = tpu.vector_load %arg9[%swap3A_279] {strides = array<i32>} : memref<256xi32, #tpu.memory_space<vmem>>, vector<16xi32>,
    tpu.vector_store %arg9[%swap3A_279], %min3A_278 {strides = array<i32>} : memref<256xi32, #tpu.memory_space<vmem>>, vector<16xi32>,
    %add3A_281 = arith.constant 240 : i32
    %add3A_282 = arith.addi %sub3A_21, %add3A_281 : i32
    %add3A_283 = vector.broadcast %add3A_282 : i32 to vector<16xi32>
    %add3A_284 = arith.addi %add3A_283, %iota3A : vector<16xi32>
    %sub3A_285 = arith.constant 1 : i32
    %sub3A_286 = vector.broadcast %sub3A_285 : i32 to vector<16xi32>
    %sub3A_287 = arith.subi %gather3A_28, %sub3A_286 : vector<16xi32>
    %max3A_288 = arith.constant 0 : i32
    %max3A_289 = vector.broadcast %max3A_288 : i32 to vector<16xi32>
    %max3A_290 = arith.maxsi %sub3A_287, %max3A_289 : vector<16xi32>
    %min3A_291 = arith.minsi %add3A_284, %max3A_290 : vector<16xi32>
    %add3A_292 = arith.addi %gather3A, %min3A_291 : vector<16xi32>
    %min3A_293 = arith.constant 8191 : i32
    %min3A_294 = vector.broadcast %min3A_293 : i32 to vector<16xi32>
    %min3A_295 = arith.minsi %add3A_292, %min3A_294 : vector<16xi32>
    %swap3A_296 = arith.constant 240 : index
    %swap3A_297 = tpu.vector_load %arg9[%swap3A_296] {strides = array<i32>} : memref<256xi32, #tpu.memory_space<vmem>>, vector<16xi32>,
    tpu.vector_store %arg9[%swap3A_296], %min3A_295 {strides = array<i32>} : memref<256xi32, #tpu.memory_space<vmem>>, vector<16xi32>,
    "tpu.region"() ({
      %run_scoped3A = tpu.sem_alloc : memref<!tpu.dma_semaphore, #tpu.memory_space<semaphore_mem>>
      %dma_start3A_586 = arith.constant 0 : i32
      %dma_start3A_587 = tpu.memref_slice %arg10[%dma_start3A_586] : memref<256xi32, #tpu.memory_space<vmem>> -> memref<128xi32, #tpu.memory_space<vmem>>
      %dma_start3A_588 = arith.constant 0 : i32
      %dma_start3A_589 = tpu.memref_slice %arg9[%dma_start3A_588] : memref<256xi32, #tpu.memory_space<vmem>> -> memref<128xi32, #tpu.memory_space<vmem>>
      %dma_start3A_590 = arith.constant 0 : i32
      %dma_start3A_591 = tpu.memref_slice %arg3[%dma_start3A_590] : memref<8192xi32, #tpu.memory_space<hbm>> -> memref<8192xi32, #tpu.memory_space<hbm>>
      tpu.enqueue_indirect_dma source(%dma_start3A_591 : memref<8192xi32, #tpu.memory_space<hbm>>) target(%dma_start3A_587 : memref<128xi32, #tpu.memory_space<vmem>>) offsets(%dma_start3A_589 : memref<128xi32, #tpu.memory_space<vmem>>) semaphore(%run_scoped3A : memref<!tpu.dma_semaphore, #tpu.memory_space<semaphore_mem>>)
      %dma_wait3A_592 = arith.constant 0 : i32
      %dma_wait3A_593 = tpu.memref_slice %arg10[%dma_wait3A_592] : memref<256xi32, #tpu.memory_space<vmem>> -> memref<128xi32, #tpu.memory_space<vmem>>
      %dma_wait3A_594 = arith.constant 0 : i32
      %dma_wait3A_595 = tpu.memref_slice %arg9[%dma_wait3A_594] : memref<256xi32, #tpu.memory_space<vmem>> -> memref<128xi32, #tpu.memory_space<vmem>>
      %dma_wait3A_596 = arith.constant 0 : i32
      %dma_wait3A_597 = tpu.memref_slice %arg3[%dma_wait3A_596] : memref<8192xi32, #tpu.memory_space<hbm>> -> memref<8192xi32, #tpu.memory_space<hbm>>
      tpu.wait_indirect_dma semaphore(%run_scoped3A : memref<!tpu.dma_semaphore, #tpu.memory_space<semaphore_mem>>) src(%dma_wait3A_597 : memref<8192xi32, #tpu.memory_space<hbm>>) dst(%dma_wait3A_593 : memref<128xi32, #tpu.memory_space<vmem>>)
      tpu.yield
    }) : () -> ()
    "tpu.region"() ({
      %run_scoped3A = tpu.sem_alloc : memref<!tpu.dma_semaphore, #tpu.memory_space<semaphore_mem>>
      %dma_start3A_586 = arith.constant 128 : i32
      %dma_start3A_587 = tpu.memref_slice %arg10[%dma_start3A_586] : memref<256xi32, #tpu.memory_space<vmem>> -> memref<128xi32, #tpu.memory_space<vmem>>
      %dma_start3A_588 = arith.constant 128 : i32
      %dma_start3A_589 = tpu.memref_slice %arg9[%dma_start3A_588] : memref<256xi32, #tpu.memory_space<vmem>> -> memref<128xi32, #tpu.memory_space<vmem>>
      %dma_start3A_590 = arith.constant 0 : i32
      %dma_start3A_591 = tpu.memref_slice %arg3[%dma_start3A_590] : memref<8192xi32, #tpu.memory_space<hbm>> -> memref<8192xi32, #tpu.memory_space<hbm>>
      tpu.enqueue_indirect_dma source(%dma_start3A_591 : memref<8192xi32, #tpu.memory_space<hbm>>) target(%dma_start3A_587 : memref<128xi32, #tpu.memory_space<vmem>>) offsets(%dma_start3A_589 : memref<128xi32, #tpu.memory_space<vmem>>) semaphore(%run_scoped3A : memref<!tpu.dma_semaphore, #tpu.memory_space<semaphore_mem>>)
      %dma_wait3A_592 = arith.constant 128 : i32
      %dma_wait3A_593 = tpu.memref_slice %arg10[%dma_wait3A_592] : memref<256xi32, #tpu.memory_space<vmem>> -> memref<128xi32, #tpu.memory_space<vmem>>
      %dma_wait3A_594 = arith.constant 128 : i32
      %dma_wait3A_595 = tpu.memref_slice %arg9[%dma_wait3A_594] : memref<256xi32, #tpu.memory_space<vmem>> -> memref<128xi32, #tpu.memory_space<vmem>>
      %dma_wait3A_596 = arith.constant 0 : i32
      %dma_wait3A_597 = tpu.memref_slice %arg3[%dma_wait3A_596] : memref<8192xi32, #tpu.memory_space<hbm>> -> memref<8192xi32, #tpu.memory_space<hbm>>
      tpu.wait_indirect_dma semaphore(%run_scoped3A : memref<!tpu.dma_semaphore, #tpu.memory_space<semaphore_mem>>) src(%dma_wait3A_597 : memref<8192xi32, #tpu.memory_space<hbm>>) dst(%dma_wait3A_593 : memref<128xi32, #tpu.memory_space<vmem>>)
      tpu.yield
    }) : () -> ()
    "tpu.region"() ({
      %run_scoped3A = tpu.sem_alloc : memref<!tpu.dma_semaphore, #tpu.memory_space<semaphore_mem>>
      %dma_start3A_586 = arith.constant 0 : i32
      %dma_start3A_587 = tpu.memref_slice %arg11[%dma_start3A_586] : memref<256xf32, #tpu.memory_space<vmem>> -> memref<128xf32, #tpu.memory_space<vmem>>
      %dma_start3A_588 = arith.constant 0 : i32
      %dma_start3A_589 = tpu.memref_slice %arg10[%dma_start3A_588] : memref<256xi32, #tpu.memory_space<vmem>> -> memref<128xi32, #tpu.memory_space<vmem>>
      %dma_start3A_590 = arith.constant 0 : i32
      %dma_start3A_591 = tpu.memref_slice %arg4[%dma_start3A_590] : memref<8192xf32, #tpu.memory_space<hbm>> -> memref<8192xf32, #tpu.memory_space<hbm>>
      tpu.enqueue_indirect_dma source(%dma_start3A_591 : memref<8192xf32, #tpu.memory_space<hbm>>) target(%dma_start3A_587 : memref<128xf32, #tpu.memory_space<vmem>>) offsets(%dma_start3A_589 : memref<128xi32, #tpu.memory_space<vmem>>) semaphore(%run_scoped3A : memref<!tpu.dma_semaphore, #tpu.memory_space<semaphore_mem>>)
      %dma_wait3A_592 = arith.constant 0 : i32
      %dma_wait3A_593 = tpu.memref_slice %arg11[%dma_wait3A_592] : memref<256xf32, #tpu.memory_space<vmem>> -> memref<128xf32, #tpu.memory_space<vmem>>
      %dma_wait3A_594 = arith.constant 0 : i32
      %dma_wait3A_595 = tpu.memref_slice %arg10[%dma_wait3A_594] : memref<256xi32, #tpu.memory_space<vmem>> -> memref<128xi32, #tpu.memory_space<vmem>>
      %dma_wait3A_596 = arith.constant 0 : i32
      %dma_wait3A_597 = tpu.memref_slice %arg4[%dma_wait3A_596] : memref<8192xf32, #tpu.memory_space<hbm>> -> memref<8192xf32, #tpu.memory_space<hbm>>
      tpu.wait_indirect_dma semaphore(%run_scoped3A : memref<!tpu.dma_semaphore, #tpu.memory_space<semaphore_mem>>) src(%dma_wait3A_597 : memref<8192xf32, #tpu.memory_space<hbm>>) dst(%dma_wait3A_593 : memref<128xf32, #tpu.memory_space<vmem>>)
      tpu.yield
    }) : () -> ()
    "tpu.region"() ({
      %run_scoped3A = tpu.sem_alloc : memref<!tpu.dma_semaphore, #tpu.memory_space<semaphore_mem>>
      %dma_start3A_586 = arith.constant 128 : i32
      %dma_start3A_587 = tpu.memref_slice %arg11[%dma_start3A_586] : memref<256xf32, #tpu.memory_space<vmem>> -> memref<128xf32, #tpu.memory_space<vmem>>
      %dma_start3A_588 = arith.constant 128 : i32
      %dma_start3A_589 = tpu.memref_slice %arg10[%dma_start3A_588] : memref<256xi32, #tpu.memory_space<vmem>> -> memref<128xi32, #tpu.memory_space<vmem>>
      %dma_start3A_590 = arith.constant 0 : i32
      %dma_start3A_591 = tpu.memref_slice %arg4[%dma_start3A_590] : memref<8192xf32, #tpu.memory_space<hbm>> -> memref<8192xf32, #tpu.memory_space<hbm>>
      tpu.enqueue_indirect_dma source(%dma_start3A_591 : memref<8192xf32, #tpu.memory_space<hbm>>) target(%dma_start3A_587 : memref<128xf32, #tpu.memory_space<vmem>>) offsets(%dma_start3A_589 : memref<128xi32, #tpu.memory_space<vmem>>) semaphore(%run_scoped3A : memref<!tpu.dma_semaphore, #tpu.memory_space<semaphore_mem>>)
      %dma_wait3A_592 = arith.constant 128 : i32
      %dma_wait3A_593 = tpu.memref_slice %arg11[%dma_wait3A_592] : memref<256xf32, #tpu.memory_space<vmem>> -> memref<128xf32, #tpu.memory_space<vmem>>
      %dma_wait3A_594 = arith.constant 128 : i32
      %dma_wait3A_595 = tpu.memref_slice %arg10[%dma_wait3A_594] : memref<256xi32, #tpu.memory_space<vmem>> -> memref<128xi32, #tpu.memory_space<vmem>>
      %dma_wait3A_596 = arith.constant 0 : i32
      %dma_wait3A_597 = tpu.memref_slice %arg4[%dma_wait3A_596] : memref<8192xf32, #tpu.memory_space<hbm>> -> memref<8192xf32, #tpu.memory_space<hbm>>
      tpu.wait_indirect_dma semaphore(%run_scoped3A : memref<!tpu.dma_semaphore, #tpu.memory_space<semaphore_mem>>) src(%dma_wait3A_597 : memref<8192xf32, #tpu.memory_space<hbm>>) dst(%dma_wait3A_593 : memref<128xf32, #tpu.memory_space<vmem>>)
      tpu.yield
    }) : () -> ()
    %add3A_298 = arith.constant 0 : i32
    %add3A_299 = arith.addi %sub3A_21, %add3A_298 : i32
    %add3A_300 = vector.broadcast %add3A_299 : i32 to vector<16xi32>
    %add3A_301 = arith.addi %add3A_300, %iota3A : vector<16xi32>
    %lt3A = arith.cmpi slt, %add3A_301, %gather3A_28 : vector<16xi32>
    %get3A = arith.constant 0 : index
    %get3A_302 = tpu.vector_load %arg11[%get3A] {strides = array<i32>} : memref<256xf32, #tpu.memory_space<vmem>>, vector<16xf32>,
    %jit3A_303 = arith.constant 0.000000e+00 : f32
    %broadcast_in_dim3A_304 = vector.broadcast %jit3A_303 : f32 to vector<16xf32>
    %select_n3A_305 = arith.select %lt3A, %get3A_302, %broadcast_in_dim3A_304 : vector<16xi1>, vector<16xf32>
    %swap3A_306 = arith.constant 0 : index
    %swap3A_307 = tpu.vector_load %arg12[%swap3A_306] {strides = array<i32>} : memref<256xf32, #tpu.memory_space<vmem>>, vector<16xf32>,
    tpu.vector_store %arg12[%swap3A_306], %select_n3A_305 {strides = array<i32>} : memref<256xf32, #tpu.memory_space<vmem>>, vector<16xf32>,
    %add3A_308 = arith.constant 16 : i32
    %add3A_309 = arith.addi %sub3A_21, %add3A_308 : i32
    %add3A_310 = vector.broadcast %add3A_309 : i32 to vector<16xi32>
    %add3A_311 = arith.addi %add3A_310, %iota3A : vector<16xi32>
    %lt3A_312 = arith.cmpi slt, %add3A_311, %gather3A_28 : vector<16xi32>
    %get3A_313 = arith.constant 16 : index
    %get3A_314 = tpu.vector_load %arg11[%get3A_313] {strides = array<i32>} : memref<256xf32, #tpu.memory_space<vmem>>, vector<16xf32>,
    %jit3A_315 = arith.constant 0.000000e+00 : f32
    %broadcast_in_dim3A_316 = vector.broadcast %jit3A_315 : f32 to vector<16xf32>
    %select_n3A_317 = arith.select %lt3A_312, %get3A_314, %broadcast_in_dim3A_316 : vector<16xi1>, vector<16xf32>
    %swap3A_318 = arith.constant 16 : index
    %swap3A_319 = tpu.vector_load %arg12[%swap3A_318] {strides = array<i32>} : memref<256xf32, #tpu.memory_space<vmem>>, vector<16xf32>,
    tpu.vector_store %arg12[%swap3A_318], %select_n3A_317 {strides = array<i32>} : memref<256xf32, #tpu.memory_space<vmem>>, vector<16xf32>,
    %add3A_320 = arith.constant 32 : i32
    %add3A_321 = arith.addi %sub3A_21, %add3A_320 : i32
    %add3A_322 = vector.broadcast %add3A_321 : i32 to vector<16xi32>
    %add3A_323 = arith.addi %add3A_322, %iota3A : vector<16xi32>
    %lt3A_324 = arith.cmpi slt, %add3A_323, %gather3A_28 : vector<16xi32>
    %get3A_325 = arith.constant 32 : index
    %get3A_326 = tpu.vector_load %arg11[%get3A_325] {strides = array<i32>} : memref<256xf32, #tpu.memory_space<vmem>>, vector<16xf32>,
    %jit3A_327 = arith.constant 0.000000e+00 : f32
    %broadcast_in_dim3A_328 = vector.broadcast %jit3A_327 : f32 to vector<16xf32>
    %select_n3A_329 = arith.select %lt3A_324, %get3A_326, %broadcast_in_dim3A_328 : vector<16xi1>, vector<16xf32>
    %swap3A_330 = arith.constant 32 : index
    %swap3A_331 = tpu.vector_load %arg12[%swap3A_330] {strides = array<i32>} : memref<256xf32, #tpu.memory_space<vmem>>, vector<16xf32>,
    tpu.vector_store %arg12[%swap3A_330], %select_n3A_329 {strides = array<i32>} : memref<256xf32, #tpu.memory_space<vmem>>, vector<16xf32>,
    %add3A_332 = arith.constant 48 : i32
    %add3A_333 = arith.addi %sub3A_21, %add3A_332 : i32
    %add3A_334 = vector.broadcast %add3A_333 : i32 to vector<16xi32>
    %add3A_335 = arith.addi %add3A_334, %iota3A : vector<16xi32>
    %lt3A_336 = arith.cmpi slt, %add3A_335, %gather3A_28 : vector<16xi32>
    %get3A_337 = arith.constant 48 : index
    %get3A_338 = tpu.vector_load %arg11[%get3A_337] {strides = array<i32>} : memref<256xf32, #tpu.memory_space<vmem>>, vector<16xf32>,
    %jit3A_339 = arith.constant 0.000000e+00 : f32
    %broadcast_in_dim3A_340 = vector.broadcast %jit3A_339 : f32 to vector<16xf32>
    %select_n3A_341 = arith.select %lt3A_336, %get3A_338, %broadcast_in_dim3A_340 : vector<16xi1>, vector<16xf32>
    %swap3A_342 = arith.constant 48 : index
    %swap3A_343 = tpu.vector_load %arg12[%swap3A_342] {strides = array<i32>} : memref<256xf32, #tpu.memory_space<vmem>>, vector<16xf32>,
    tpu.vector_store %arg12[%swap3A_342], %select_n3A_341 {strides = array<i32>} : memref<256xf32, #tpu.memory_space<vmem>>, vector<16xf32>,
    %add3A_344 = arith.constant 64 : i32
    %add3A_345 = arith.addi %sub3A_21, %add3A_344 : i32
    %add3A_346 = vector.broadcast %add3A_345 : i32 to vector<16xi32>
    %add3A_347 = arith.addi %add3A_346, %iota3A : vector<16xi32>
    %lt3A_348 = arith.cmpi slt, %add3A_347, %gather3A_28 : vector<16xi32>
    %get3A_349 = arith.constant 64 : index
    %get3A_350 = tpu.vector_load %arg11[%get3A_349] {strides = array<i32>} : memref<256xf32, #tpu.memory_space<vmem>>, vector<16xf32>,
    %jit3A_351 = arith.constant 0.000000e+00 : f32
    %broadcast_in_dim3A_352 = vector.broadcast %jit3A_351 : f32 to vector<16xf32>
    %select_n3A_353 = arith.select %lt3A_348, %get3A_350, %broadcast_in_dim3A_352 : vector<16xi1>, vector<16xf32>
    %swap3A_354 = arith.constant 64 : index
    %swap3A_355 = tpu.vector_load %arg12[%swap3A_354] {strides = array<i32>} : memref<256xf32, #tpu.memory_space<vmem>>, vector<16xf32>,
    tpu.vector_store %arg12[%swap3A_354], %select_n3A_353 {strides = array<i32>} : memref<256xf32, #tpu.memory_space<vmem>>, vector<16xf32>,
    %add3A_356 = arith.constant 80 : i32
    %add3A_357 = arith.addi %sub3A_21, %add3A_356 : i32
    %add3A_358 = vector.broadcast %add3A_357 : i32 to vector<16xi32>
    %add3A_359 = arith.addi %add3A_358, %iota3A : vector<16xi32>
    %lt3A_360 = arith.cmpi slt, %add3A_359, %gather3A_28 : vector<16xi32>
    %get3A_361 = arith.constant 80 : index
    %get3A_362 = tpu.vector_load %arg11[%get3A_361] {strides = array<i32>} : memref<256xf32, #tpu.memory_space<vmem>>, vector<16xf32>,
    %jit3A_363 = arith.constant 0.000000e+00 : f32
    %broadcast_in_dim3A_364 = vector.broadcast %jit3A_363 : f32 to vector<16xf32>
    %select_n3A_365 = arith.select %lt3A_360, %get3A_362, %broadcast_in_dim3A_364 : vector<16xi1>, vector<16xf32>
    %swap3A_366 = arith.constant 80 : index
    %swap3A_367 = tpu.vector_load %arg12[%swap3A_366] {strides = array<i32>} : memref<256xf32, #tpu.memory_space<vmem>>, vector<16xf32>,
    tpu.vector_store %arg12[%swap3A_366], %select_n3A_365 {strides = array<i32>} : memref<256xf32, #tpu.memory_space<vmem>>, vector<16xf32>,
    %add3A_368 = arith.constant 96 : i32
    %add3A_369 = arith.addi %sub3A_21, %add3A_368 : i32
    %add3A_370 = vector.broadcast %add3A_369 : i32 to vector<16xi32>
    %add3A_371 = arith.addi %add3A_370, %iota3A : vector<16xi32>
    %lt3A_372 = arith.cmpi slt, %add3A_371, %gather3A_28 : vector<16xi32>
    %get3A_373 = arith.constant 96 : index
    %get3A_374 = tpu.vector_load %arg11[%get3A_373] {strides = array<i32>} : memref<256xf32, #tpu.memory_space<vmem>>, vector<16xf32>,
    %jit3A_375 = arith.constant 0.000000e+00 : f32
    %broadcast_in_dim3A_376 = vector.broadcast %jit3A_375 : f32 to vector<16xf32>
    %select_n3A_377 = arith.select %lt3A_372, %get3A_374, %broadcast_in_dim3A_376 : vector<16xi1>, vector<16xf32>
    %swap3A_378 = arith.constant 96 : index
    %swap3A_379 = tpu.vector_load %arg12[%swap3A_378] {strides = array<i32>} : memref<256xf32, #tpu.memory_space<vmem>>, vector<16xf32>,
    tpu.vector_store %arg12[%swap3A_378], %select_n3A_377 {strides = array<i32>} : memref<256xf32, #tpu.memory_space<vmem>>, vector<16xf32>,
    %add3A_380 = arith.constant 112 : i32
    %add3A_381 = arith.addi %sub3A_21, %add3A_380 : i32
    %add3A_382 = vector.broadcast %add3A_381 : i32 to vector<16xi32>
    %add3A_383 = arith.addi %add3A_382, %iota3A : vector<16xi32>
    %lt3A_384 = arith.cmpi slt, %add3A_383, %gather3A_28 : vector<16xi32>
    %get3A_385 = arith.constant 112 : index
    %get3A_386 = tpu.vector_load %arg11[%get3A_385] {strides = array<i32>} : memref<256xf32, #tpu.memory_space<vmem>>, vector<16xf32>,
    %jit3A_387 = arith.constant 0.000000e+00 : f32
    %broadcast_in_dim3A_388 = vector.broadcast %jit3A_387 : f32 to vector<16xf32>
    %select_n3A_389 = arith.select %lt3A_384, %get3A_386, %broadcast_in_dim3A_388 : vector<16xi1>, vector<16xf32>
    %swap3A_390 = arith.constant 112 : index
    %swap3A_391 = tpu.vector_load %arg12[%swap3A_390] {strides = array<i32>} : memref<256xf32, #tpu.memory_space<vmem>>, vector<16xf32>,
    tpu.vector_store %arg12[%swap3A_390], %select_n3A_389 {strides = array<i32>} : memref<256xf32, #tpu.memory_space<vmem>>, vector<16xf32>,
    %add3A_392 = arith.constant 128 : i32
    %add3A_393 = arith.addi %sub3A_21, %add3A_392 : i32
    %add3A_394 = vector.broadcast %add3A_393 : i32 to vector<16xi32>
    %add3A_395 = arith.addi %add3A_394, %iota3A : vector<16xi32>
    %lt3A_396 = arith.cmpi slt, %add3A_395, %gather3A_28 : vector<16xi32>
    %get3A_397 = arith.constant 128 : index
    %get3A_398 = tpu.vector_load %arg11[%get3A_397] {strides = array<i32>} : memref<256xf32, #tpu.memory_space<vmem>>, vector<16xf32>,
    %jit3A_399 = arith.constant 0.000000e+00 : f32
    %broadcast_in_dim3A_400 = vector.broadcast %jit3A_399 : f32 to vector<16xf32>
    %select_n3A_401 = arith.select %lt3A_396, %get3A_398, %broadcast_in_dim3A_400 : vector<16xi1>, vector<16xf32>
    %swap3A_402 = arith.constant 128 : index
    %swap3A_403 = tpu.vector_load %arg12[%swap3A_402] {strides = array<i32>} : memref<256xf32, #tpu.memory_space<vmem>>, vector<16xf32>,
    tpu.vector_store %arg12[%swap3A_402], %select_n3A_401 {strides = array<i32>} : memref<256xf32, #tpu.memory_space<vmem>>, vector<16xf32>,
    %add3A_404 = arith.constant 144 : i32
    %add3A_405 = arith.addi %sub3A_21, %add3A_404 : i32
    %add3A_406 = vector.broadcast %add3A_405 : i32 to vector<16xi32>
    %add3A_407 = arith.addi %add3A_406, %iota3A : vector<16xi32>
    %lt3A_408 = arith.cmpi slt, %add3A_407, %gather3A_28 : vector<16xi32>
    %get3A_409 = arith.constant 144 : index
    %get3A_410 = tpu.vector_load %arg11[%get3A_409] {strides = array<i32>} : memref<256xf32, #tpu.memory_space<vmem>>, vector<16xf32>,
    %jit3A_411 = arith.constant 0.000000e+00 : f32
    %broadcast_in_dim3A_412 = vector.broadcast %jit3A_411 : f32 to vector<16xf32>
    %select_n3A_413 = arith.select %lt3A_408, %get3A_410, %broadcast_in_dim3A_412 : vector<16xi1>, vector<16xf32>
    %swap3A_414 = arith.constant 144 : index
    %swap3A_415 = tpu.vector_load %arg12[%swap3A_414] {strides = array<i32>} : memref<256xf32, #tpu.memory_space<vmem>>, vector<16xf32>,
    tpu.vector_store %arg12[%swap3A_414], %select_n3A_413 {strides = array<i32>} : memref<256xf32, #tpu.memory_space<vmem>>, vector<16xf32>,
    %add3A_416 = arith.constant 160 : i32
    %add3A_417 = arith.addi %sub3A_21, %add3A_416 : i32
    %add3A_418 = vector.broadcast %add3A_417 : i32 to vector<16xi32>
    %add3A_419 = arith.addi %add3A_418, %iota3A : vector<16xi32>
    %lt3A_420 = arith.cmpi slt, %add3A_419, %gather3A_28 : vector<16xi32>
    %get3A_421 = arith.constant 160 : index
    %get3A_422 = tpu.vector_load %arg11[%get3A_421] {strides = array<i32>} : memref<256xf32, #tpu.memory_space<vmem>>, vector<16xf32>,
    %jit3A_423 = arith.constant 0.000000e+00 : f32
    %broadcast_in_dim3A_424 = vector.broadcast %jit3A_423 : f32 to vector<16xf32>
    %select_n3A_425 = arith.select %lt3A_420, %get3A_422, %broadcast_in_dim3A_424 : vector<16xi1>, vector<16xf32>
    %swap3A_426 = arith.constant 160 : index
    %swap3A_427 = tpu.vector_load %arg12[%swap3A_426] {strides = array<i32>} : memref<256xf32, #tpu.memory_space<vmem>>, vector<16xf32>,
    tpu.vector_store %arg12[%swap3A_426], %select_n3A_425 {strides = array<i32>} : memref<256xf32, #tpu.memory_space<vmem>>, vector<16xf32>,
    %add3A_428 = arith.constant 176 : i32
    %add3A_429 = arith.addi %sub3A_21, %add3A_428 : i32
    %add3A_430 = vector.broadcast %add3A_429 : i32 to vector<16xi32>
    %add3A_431 = arith.addi %add3A_430, %iota3A : vector<16xi32>
    %lt3A_432 = arith.cmpi slt, %add3A_431, %gather3A_28 : vector<16xi32>
    %get3A_433 = arith.constant 176 : index
    %get3A_434 = tpu.vector_load %arg11[%get3A_433] {strides = array<i32>} : memref<256xf32, #tpu.memory_space<vmem>>, vector<16xf32>,
    %jit3A_435 = arith.constant 0.000000e+00 : f32
    %broadcast_in_dim3A_436 = vector.broadcast %jit3A_435 : f32 to vector<16xf32>
    %select_n3A_437 = arith.select %lt3A_432, %get3A_434, %broadcast_in_dim3A_436 : vector<16xi1>, vector<16xf32>
    %swap3A_438 = arith.constant 176 : index
    %swap3A_439 = tpu.vector_load %arg12[%swap3A_438] {strides = array<i32>} : memref<256xf32, #tpu.memory_space<vmem>>, vector<16xf32>,
    tpu.vector_store %arg12[%swap3A_438], %select_n3A_437 {strides = array<i32>} : memref<256xf32, #tpu.memory_space<vmem>>, vector<16xf32>,
    %add3A_440 = arith.constant 192 : i32
    %add3A_441 = arith.addi %sub3A_21, %add3A_440 : i32
    %add3A_442 = vector.broadcast %add3A_441 : i32 to vector<16xi32>
    %add3A_443 = arith.addi %add3A_442, %iota3A : vector<16xi32>
    %lt3A_444 = arith.cmpi slt, %add3A_443, %gather3A_28 : vector<16xi32>
    %get3A_445 = arith.constant 192 : index
    %get3A_446 = tpu.vector_load %arg11[%get3A_445] {strides = array<i32>} : memref<256xf32, #tpu.memory_space<vmem>>, vector<16xf32>,
    %jit3A_447 = arith.constant 0.000000e+00 : f32
    %broadcast_in_dim3A_448 = vector.broadcast %jit3A_447 : f32 to vector<16xf32>
    %select_n3A_449 = arith.select %lt3A_444, %get3A_446, %broadcast_in_dim3A_448 : vector<16xi1>, vector<16xf32>
    %swap3A_450 = arith.constant 192 : index
    %swap3A_451 = tpu.vector_load %arg12[%swap3A_450] {strides = array<i32>} : memref<256xf32, #tpu.memory_space<vmem>>, vector<16xf32>,
    tpu.vector_store %arg12[%swap3A_450], %select_n3A_449 {strides = array<i32>} : memref<256xf32, #tpu.memory_space<vmem>>, vector<16xf32>,
    %add3A_452 = arith.constant 208 : i32
    %add3A_453 = arith.addi %sub3A_21, %add3A_452 : i32
    %add3A_454 = vector.broadcast %add3A_453 : i32 to vector<16xi32>
    %add3A_455 = arith.addi %add3A_454, %iota3A : vector<16xi32>
    %lt3A_456 = arith.cmpi slt, %add3A_455, %gather3A_28 : vector<16xi32>
    %get3A_457 = arith.constant 208 : index
    %get3A_458 = tpu.vector_load %arg11[%get3A_457] {strides = array<i32>} : memref<256xf32, #tpu.memory_space<vmem>>, vector<16xf32>,
    %jit3A_459 = arith.constant 0.000000e+00 : f32
    %broadcast_in_dim3A_460 = vector.broadcast %jit3A_459 : f32 to vector<16xf32>
    %select_n3A_461 = arith.select %lt3A_456, %get3A_458, %broadcast_in_dim3A_460 : vector<16xi1>, vector<16xf32>
    %swap3A_462 = arith.constant 208 : index
    %swap3A_463 = tpu.vector_load %arg12[%swap3A_462] {strides = array<i32>} : memref<256xf32, #tpu.memory_space<vmem>>, vector<16xf32>,
    tpu.vector_store %arg12[%swap3A_462], %select_n3A_461 {strides = array<i32>} : memref<256xf32, #tpu.memory_space<vmem>>, vector<16xf32>,
    %add3A_464 = arith.constant 224 : i32
    %add3A_465 = arith.addi %sub3A_21, %add3A_464 : i32
    %add3A_466 = vector.broadcast %add3A_465 : i32 to vector<16xi32>
    %add3A_467 = arith.addi %add3A_466, %iota3A : vector<16xi32>
    %lt3A_468 = arith.cmpi slt, %add3A_467, %gather3A_28 : vector<16xi32>
    %get3A_469 = arith.constant 224 : index
    %get3A_470 = tpu.vector_load %arg11[%get3A_469] {strides = array<i32>} : memref<256xf32, #tpu.memory_space<vmem>>, vector<16xf32>,
    %jit3A_471 = arith.constant 0.000000e+00 : f32
    %broadcast_in_dim3A_472 = vector.broadcast %jit3A_471 : f32 to vector<16xf32>
    %select_n3A_473 = arith.select %lt3A_468, %get3A_470, %broadcast_in_dim3A_472 : vector<16xi1>, vector<16xf32>
    %swap3A_474 = arith.constant 224 : index
    %swap3A_475 = tpu.vector_load %arg12[%swap3A_474] {strides = array<i32>} : memref<256xf32, #tpu.memory_space<vmem>>, vector<16xf32>,
    tpu.vector_store %arg12[%swap3A_474], %select_n3A_473 {strides = array<i32>} : memref<256xf32, #tpu.memory_space<vmem>>, vector<16xf32>,
    %add3A_476 = arith.constant 240 : i32
    %add3A_477 = arith.addi %sub3A_21, %add3A_476 : i32
    %add3A_478 = vector.broadcast %add3A_477 : i32 to vector<16xi32>
    %add3A_479 = arith.addi %add3A_478, %iota3A : vector<16xi32>
    %lt3A_480 = arith.cmpi slt, %add3A_479, %gather3A_28 : vector<16xi32>
    %get3A_481 = arith.constant 240 : index
    %get3A_482 = tpu.vector_load %arg11[%get3A_481] {strides = array<i32>} : memref<256xf32, #tpu.memory_space<vmem>>, vector<16xf32>,
    %jit3A_483 = arith.constant 0.000000e+00 : f32
    %broadcast_in_dim3A_484 = vector.broadcast %jit3A_483 : f32 to vector<16xf32>
    %select_n3A_485 = arith.select %lt3A_480, %get3A_482, %broadcast_in_dim3A_484 : vector<16xi1>, vector<16xf32>
    %swap3A_486 = arith.constant 240 : index
    %swap3A_487 = tpu.vector_load %arg12[%swap3A_486] {strides = array<i32>} : memref<256xf32, #tpu.memory_space<vmem>>, vector<16xf32>,
    tpu.vector_store %arg12[%swap3A_486], %select_n3A_485 {strides = array<i32>} : memref<256xf32, #tpu.memory_space<vmem>>, vector<16xf32>,
    %dma_start3A = tpu.memref_slice %arg7[%mul3A_2] : memref<8192xf32, #tpu.memory_space<hbm>> -> memref<256xf32, #tpu.memory_space<hbm>>
    %dma_start3A_488 = tpu.memref_slice %arg7[%mul3A_2] : memref<8192xf32, #tpu.memory_space<hbm>> -> memref<256xf32, #tpu.memory_space<hbm>>
    tpu.enqueue_dma source(%arg12 : memref<256xf32, #tpu.memory_space<vmem>>) target(%dma_start3A_488 : memref<256xf32, #tpu.memory_space<hbm>>) target_semaphore(%arg15 : memref<!tpu.dma_semaphore, #tpu.memory_space<semaphore_mem>>)
    %dma_start3A_489 = arith.constant 0 : i32
    %dma_start3A_490 = tpu.memref_slice %arg10[%dma_start3A_489] : memref<256xi32, #tpu.memory_space<vmem>> -> memref<32xi32, #tpu.memory_space<vmem>>
    %dma_start3A_491 = arith.constant 0 : i32
    %dma_start3A_492 = arith.constant 0 : i32
    %dma_start3A_493 = tpu.memref_slice %arg2[%dma_start3A_491, %dma_start3A_492] : memref<8192x1024xf32, #tpu.memory_space<hbm>> -> memref<8192x1024xf32, #tpu.memory_space<hbm>>
    tpu.enqueue_indirect_dma source(%dma_start3A_493 : memref<8192x1024xf32, #tpu.memory_space<hbm>>) target(%arg13 : memref<32x1024xf32, #tpu.memory_space<vmem>>) offsets(%dma_start3A_490 : memref<32xi32, #tpu.memory_space<vmem>>) semaphore(%arg16 : memref<!tpu.dma_semaphore, #tpu.memory_space<semaphore_mem>>)
    %dma_start3A_494 = arith.constant 32 : i32
    %dma_start3A_495 = tpu.memref_slice %arg10[%dma_start3A_494] : memref<256xi32, #tpu.memory_space<vmem>> -> memref<32xi32, #tpu.memory_space<vmem>>
    %dma_start3A_496 = arith.constant 0 : i32
    %dma_start3A_497 = arith.constant 0 : i32
    %dma_start3A_498 = tpu.memref_slice %arg2[%dma_start3A_496, %dma_start3A_497] : memref<8192x1024xf32, #tpu.memory_space<hbm>> -> memref<8192x1024xf32, #tpu.memory_space<hbm>>
    tpu.enqueue_indirect_dma source(%dma_start3A_498 : memref<8192x1024xf32, #tpu.memory_space<hbm>>) target(%arg14 : memref<32x1024xf32, #tpu.memory_space<vmem>>) offsets(%dma_start3A_495 : memref<32xi32, #tpu.memory_space<vmem>>) semaphore(%arg17 : memref<!tpu.dma_semaphore, #tpu.memory_space<semaphore_mem>>)
    %dma_wait3A = arith.constant 0 : i32
    %dma_wait3A_499 = tpu.memref_slice %arg10[%dma_wait3A] : memref<256xi32, #tpu.memory_space<vmem>> -> memref<32xi32, #tpu.memory_space<vmem>>
    %dma_wait3A_500 = arith.constant 0 : i32
    %dma_wait3A_501 = arith.constant 0 : i32
    %dma_wait3A_502 = tpu.memref_slice %arg2[%dma_wait3A_500, %dma_wait3A_501] : memref<8192x1024xf32, #tpu.memory_space<hbm>> -> memref<8192x1024xf32, #tpu.memory_space<hbm>>
    tpu.wait_indirect_dma semaphore(%arg16 : memref<!tpu.dma_semaphore, #tpu.memory_space<semaphore_mem>>) src(%dma_wait3A_502 : memref<8192x1024xf32, #tpu.memory_space<hbm>>) dst(%arg13 : memref<32x1024xf32, #tpu.memory_space<vmem>>)
    %add3A_503 = arith.constant 0 : i32
    %add3A_504 = arith.addi %mul3A_2, %add3A_503 : i32
    "tpu.region"() ({
      %run_scoped3A = tpu.sem_alloc : memref<!tpu.dma_semaphore, #tpu.memory_space<semaphore_mem>>
      %dma_start3A_586 = arith.constant 0 : i32
      %dma_start3A_587 = tpu.memref_slice %arg6[%add3A_504, %dma_start3A_586] : memref<8192x1024xf32, #tpu.memory_space<hbm>> -> memref<32x1024xf32, #tpu.memory_space<hbm>>
      %dma_start3A_588 = arith.constant 0 : i32
      %dma_start3A_589 = tpu.memref_slice %arg6[%add3A_504, %dma_start3A_588] : memref<8192x1024xf32, #tpu.memory_space<hbm>> -> memref<32x1024xf32, #tpu.memory_space<hbm>>
      tpu.enqueue_dma source(%arg13 : memref<32x1024xf32, #tpu.memory_space<vmem>>) target(%dma_start3A_589 : memref<32x1024xf32, #tpu.memory_space<hbm>>) target_semaphore(%run_scoped3A : memref<!tpu.dma_semaphore, #tpu.memory_space<semaphore_mem>>)
      %dma_wait3A_590 = arith.constant 0 : i32
      %dma_wait3A_591 = tpu.memref_slice %arg6[%add3A_504, %dma_wait3A_590] : memref<8192x1024xf32, #tpu.memory_space<hbm>> -> memref<32x1024xf32, #tpu.memory_space<hbm>>
      %dma_wait3A_592 = arith.constant 0 : i32
      %dma_wait3A_593 = tpu.memref_slice %arg6[%add3A_504, %dma_wait3A_592] : memref<8192x1024xf32, #tpu.memory_space<hbm>> -> memref<32x1024xf32, #tpu.memory_space<hbm>>
      tpu.wait_dma2 semaphore(%run_scoped3A : memref<!tpu.dma_semaphore, #tpu.memory_space<semaphore_mem>>) src(%arg13 : memref<32x1024xf32, #tpu.memory_space<vmem>>) dst(%dma_wait3A_593 : memref<32x1024xf32, #tpu.memory_space<hbm>>)
      tpu.yield
    }) : () -> ()
    %dma_start3A_505 = arith.constant 64 : i32
    %dma_start3A_506 = tpu.memref_slice %arg10[%dma_start3A_505] : memref<256xi32, #tpu.memory_space<vmem>> -> memref<32xi32, #tpu.memory_space<vmem>>
    %dma_start3A_507 = arith.constant 0 : i32
    %dma_start3A_508 = arith.constant 0 : i32
    %dma_start3A_509 = tpu.memref_slice %arg2[%dma_start3A_507, %dma_start3A_508] : memref<8192x1024xf32, #tpu.memory_space<hbm>> -> memref<8192x1024xf32, #tpu.memory_space<hbm>>
    tpu.enqueue_indirect_dma source(%dma_start3A_509 : memref<8192x1024xf32, #tpu.memory_space<hbm>>) target(%arg13 : memref<32x1024xf32, #tpu.memory_space<vmem>>) offsets(%dma_start3A_506 : memref<32xi32, #tpu.memory_space<vmem>>) semaphore(%arg16 : memref<!tpu.dma_semaphore, #tpu.memory_space<semaphore_mem>>)
    %dma_wait3A_510 = arith.constant 32 : i32
    %dma_wait3A_511 = tpu.memref_slice %arg10[%dma_wait3A_510] : memref<256xi32, #tpu.memory_space<vmem>> -> memref<32xi32, #tpu.memory_space<vmem>>
    %dma_wait3A_512 = arith.constant 0 : i32
    %dma_wait3A_513 = arith.constant 0 : i32
    %dma_wait3A_514 = tpu.memref_slice %arg2[%dma_wait3A_512, %dma_wait3A_513] : memref<8192x1024xf32, #tpu.memory_space<hbm>> -> memref<8192x1024xf32, #tpu.memory_space<hbm>>
    tpu.wait_indirect_dma semaphore(%arg17 : memref<!tpu.dma_semaphore, #tpu.memory_space<semaphore_mem>>) src(%dma_wait3A_514 : memref<8192x1024xf32, #tpu.memory_space<hbm>>) dst(%arg14 : memref<32x1024xf32, #tpu.memory_space<vmem>>)
    %add3A_515 = arith.constant 32 : i32
    %add3A_516 = arith.addi %mul3A_2, %add3A_515 : i32
    "tpu.region"() ({
      %run_scoped3A = tpu.sem_alloc : memref<!tpu.dma_semaphore, #tpu.memory_space<semaphore_mem>>
      %dma_start3A_586 = arith.constant 0 : i32
      %dma_start3A_587 = tpu.memref_slice %arg6[%add3A_516, %dma_start3A_586] : memref<8192x1024xf32, #tpu.memory_space<hbm>> -> memref<32x1024xf32, #tpu.memory_space<hbm>>
      %dma_start3A_588 = arith.constant 0 : i32
      %dma_start3A_589 = tpu.memref_slice %arg6[%add3A_516, %dma_start3A_588] : memref<8192x1024xf32, #tpu.memory_space<hbm>> -> memref<32x1024xf32, #tpu.memory_space<hbm>>
      tpu.enqueue_dma source(%arg14 : memref<32x1024xf32, #tpu.memory_space<vmem>>) target(%dma_start3A_589 : memref<32x1024xf32, #tpu.memory_space<hbm>>) target_semaphore(%run_scoped3A : memref<!tpu.dma_semaphore, #tpu.memory_space<semaphore_mem>>)
      %dma_wait3A_590 = arith.constant 0 : i32
      %dma_wait3A_591 = tpu.memref_slice %arg6[%add3A_516, %dma_wait3A_590] : memref<8192x1024xf32, #tpu.memory_space<hbm>> -> memref<32x1024xf32, #tpu.memory_space<hbm>>
      %dma_wait3A_592 = arith.constant 0 : i32
      %dma_wait3A_593 = tpu.memref_slice %arg6[%add3A_516, %dma_wait3A_592] : memref<8192x1024xf32, #tpu.memory_space<hbm>> -> memref<32x1024xf32, #tpu.memory_space<hbm>>
      tpu.wait_dma2 semaphore(%run_scoped3A : memref<!tpu.dma_semaphore, #tpu.memory_space<semaphore_mem>>) src(%arg14 : memref<32x1024xf32, #tpu.memory_space<vmem>>) dst(%dma_wait3A_593 : memref<32x1024xf32, #tpu.memory_space<hbm>>)
      tpu.yield
    }) : () -> ()
    %dma_start3A_517 = arith.constant 96 : i32
    %dma_start3A_518 = tpu.memref_slice %arg10[%dma_start3A_517] : memref<256xi32, #tpu.memory_space<vmem>> -> memref<32xi32, #tpu.memory_space<vmem>>
    %dma_start3A_519 = arith.constant 0 : i32
    %dma_start3A_520 = arith.constant 0 : i32
    %dma_start3A_521 = tpu.memref_slice %arg2[%dma_start3A_519, %dma_start3A_520] : memref<8192x1024xf32, #tpu.memory_space<hbm>> -> memref<8192x1024xf32, #tpu.memory_space<hbm>>
    tpu.enqueue_indirect_dma source(%dma_start3A_521 : memref<8192x1024xf32, #tpu.memory_space<hbm>>) target(%arg14 : memref<32x1024xf32, #tpu.memory_space<vmem>>) offsets(%dma_start3A_518 : memref<32xi32, #tpu.memory_space<vmem>>) semaphore(%arg17 : memref<!tpu.dma_semaphore, #tpu.memory_space<semaphore_mem>>)
    %dma_wait3A_522 = arith.constant 64 : i32
    %dma_wait3A_523 = tpu.memref_slice %arg10[%dma_wait3A_522] : memref<256xi32, #tpu.memory_space<vmem>> -> memref<32xi32, #tpu.memory_space<vmem>>
    %dma_wait3A_524 = arith.constant 0 : i32
    %dma_wait3A_525 = arith.constant 0 : i32
    %dma_wait3A_526 = tpu.memref_slice %arg2[%dma_wait3A_524, %dma_wait3A_525] : memref<8192x1024xf32, #tpu.memory_space<hbm>> -> memref<8192x1024xf32, #tpu.memory_space<hbm>>
    tpu.wait_indirect_dma semaphore(%arg16 : memref<!tpu.dma_semaphore, #tpu.memory_space<semaphore_mem>>) src(%dma_wait3A_526 : memref<8192x1024xf32, #tpu.memory_space<hbm>>) dst(%arg13 : memref<32x1024xf32, #tpu.memory_space<vmem>>)
    %add3A_527 = arith.constant 64 : i32
    %add3A_528 = arith.addi %mul3A_2, %add3A_527 : i32
    "tpu.region"() ({
      %run_scoped3A = tpu.sem_alloc : memref<!tpu.dma_semaphore, #tpu.memory_space<semaphore_mem>>
      %dma_start3A_586 = arith.constant 0 : i32
      %dma_start3A_587 = tpu.memref_slice %arg6[%add3A_528, %dma_start3A_586] : memref<8192x1024xf32, #tpu.memory_space<hbm>> -> memref<32x1024xf32, #tpu.memory_space<hbm>>
      %dma_start3A_588 = arith.constant 0 : i32
      %dma_start3A_589 = tpu.memref_slice %arg6[%add3A_528, %dma_start3A_588] : memref<8192x1024xf32, #tpu.memory_space<hbm>> -> memref<32x1024xf32, #tpu.memory_space<hbm>>
      tpu.enqueue_dma source(%arg13 : memref<32x1024xf32, #tpu.memory_space<vmem>>) target(%dma_start3A_589 : memref<32x1024xf32, #tpu.memory_space<hbm>>) target_semaphore(%run_scoped3A : memref<!tpu.dma_semaphore, #tpu.memory_space<semaphore_mem>>)
      %dma_wait3A_590 = arith.constant 0 : i32
      %dma_wait3A_591 = tpu.memref_slice %arg6[%add3A_528, %dma_wait3A_590] : memref<8192x1024xf32, #tpu.memory_space<hbm>> -> memref<32x1024xf32, #tpu.memory_space<hbm>>
      %dma_wait3A_592 = arith.constant 0 : i32
      %dma_wait3A_593 = tpu.memref_slice %arg6[%add3A_528, %dma_wait3A_592] : memref<8192x1024xf32, #tpu.memory_space<hbm>> -> memref<32x1024xf32, #tpu.memory_space<hbm>>
      tpu.wait_dma2 semaphore(%run_scoped3A : memref<!tpu.dma_semaphore, #tpu.memory_space<semaphore_mem>>) src(%arg13 : memref<32x1024xf32, #tpu.memory_space<vmem>>) dst(%dma_wait3A_593 : memref<32x1024xf32, #tpu.memory_space<hbm>>)
      tpu.yield
    }) : () -> ()
    %dma_start3A_529 = arith.constant 128 : i32
    %dma_start3A_530 = tpu.memref_slice %arg10[%dma_start3A_529] : memref<256xi32, #tpu.memory_space<vmem>> -> memref<32xi32, #tpu.memory_space<vmem>>
    %dma_start3A_531 = arith.constant 0 : i32
    %dma_start3A_532 = arith.constant 0 : i32
    %dma_start3A_533 = tpu.memref_slice %arg2[%dma_start3A_531, %dma_start3A_532] : memref<8192x1024xf32, #tpu.memory_space<hbm>> -> memref<8192x1024xf32, #tpu.memory_space<hbm>>
    tpu.enqueue_indirect_dma source(%dma_start3A_533 : memref<8192x1024xf32, #tpu.memory_space<hbm>>) target(%arg13 : memref<32x1024xf32, #tpu.memory_space<vmem>>) offsets(%dma_start3A_530 : memref<32xi32, #tpu.memory_space<vmem>>) semaphore(%arg16 : memref<!tpu.dma_semaphore, #tpu.memory_space<semaphore_mem>>)
    %dma_wait3A_534 = arith.constant 96 : i32
    %dma_wait3A_535 = tpu.memref_slice %arg10[%dma_wait3A_534] : memref<256xi32, #tpu.memory_space<vmem>> -> memref<32xi32, #tpu.memory_space<vmem>>
    %dma_wait3A_536 = arith.constant 0 : i32
    %dma_wait3A_537 = arith.constant 0 : i32
    %dma_wait3A_538 = tpu.memref_slice %arg2[%dma_wait3A_536, %dma_wait3A_537] : memref<8192x1024xf32, #tpu.memory_space<hbm>> -> memref<8192x1024xf32, #tpu.memory_space<hbm>>
    tpu.wait_indirect_dma semaphore(%arg17 : memref<!tpu.dma_semaphore, #tpu.memory_space<semaphore_mem>>) src(%dma_wait3A_538 : memref<8192x1024xf32, #tpu.memory_space<hbm>>) dst(%arg14 : memref<32x1024xf32, #tpu.memory_space<vmem>>)
    %add3A_539 = arith.constant 96 : i32
    %add3A_540 = arith.addi %mul3A_2, %add3A_539 : i32
    "tpu.region"() ({
      %run_scoped3A = tpu.sem_alloc : memref<!tpu.dma_semaphore, #tpu.memory_space<semaphore_mem>>
      %dma_start3A_586 = arith.constant 0 : i32
      %dma_start3A_587 = tpu.memref_slice %arg6[%add3A_540, %dma_start3A_586] : memref<8192x1024xf32, #tpu.memory_space<hbm>> -> memref<32x1024xf32, #tpu.memory_space<hbm>>
      %dma_start3A_588 = arith.constant 0 : i32
      %dma_start3A_589 = tpu.memref_slice %arg6[%add3A_540, %dma_start3A_588] : memref<8192x1024xf32, #tpu.memory_space<hbm>> -> memref<32x1024xf32, #tpu.memory_space<hbm>>
      tpu.enqueue_dma source(%arg14 : memref<32x1024xf32, #tpu.memory_space<vmem>>) target(%dma_start3A_589 : memref<32x1024xf32, #tpu.memory_space<hbm>>) target_semaphore(%run_scoped3A : memref<!tpu.dma_semaphore, #tpu.memory_space<semaphore_mem>>)
      %dma_wait3A_590 = arith.constant 0 : i32
      %dma_wait3A_591 = tpu.memref_slice %arg6[%add3A_540, %dma_wait3A_590] : memref<8192x1024xf32, #tpu.memory_space<hbm>> -> memref<32x1024xf32, #tpu.memory_space<hbm>>
      %dma_wait3A_592 = arith.constant 0 : i32
      %dma_wait3A_593 = tpu.memref_slice %arg6[%add3A_540, %dma_wait3A_592] : memref<8192x1024xf32, #tpu.memory_space<hbm>> -> memref<32x1024xf32, #tpu.memory_space<hbm>>
      tpu.wait_dma2 semaphore(%run_scoped3A : memref<!tpu.dma_semaphore, #tpu.memory_space<semaphore_mem>>) src(%arg14 : memref<32x1024xf32, #tpu.memory_space<vmem>>) dst(%dma_wait3A_593 : memref<32x1024xf32, #tpu.memory_space<hbm>>)
      tpu.yield
    }) : () -> ()
    %dma_start3A_541 = arith.constant 160 : i32
    %dma_start3A_542 = tpu.memref_slice %arg10[%dma_start3A_541] : memref<256xi32, #tpu.memory_space<vmem>> -> memref<32xi32, #tpu.memory_space<vmem>>
    %dma_start3A_543 = arith.constant 0 : i32
    %dma_start3A_544 = arith.constant 0 : i32
    %dma_start3A_545 = tpu.memref_slice %arg2[%dma_start3A_543, %dma_start3A_544] : memref<8192x1024xf32, #tpu.memory_space<hbm>> -> memref<8192x1024xf32, #tpu.memory_space<hbm>>
    tpu.enqueue_indirect_dma source(%dma_start3A_545 : memref<8192x1024xf32, #tpu.memory_space<hbm>>) target(%arg14 : memref<32x1024xf32, #tpu.memory_space<vmem>>) offsets(%dma_start3A_542 : memref<32xi32, #tpu.memory_space<vmem>>) semaphore(%arg17 : memref<!tpu.dma_semaphore, #tpu.memory_space<semaphore_mem>>)
    %dma_wait3A_546 = arith.constant 128 : i32
    %dma_wait3A_547 = tpu.memref_slice %arg10[%dma_wait3A_546] : memref<256xi32, #tpu.memory_space<vmem>> -> memref<32xi32, #tpu.memory_space<vmem>>
    %dma_wait3A_548 = arith.constant 0 : i32
    %dma_wait3A_549 = arith.constant 0 : i32
    %dma_wait3A_550 = tpu.memref_slice %arg2[%dma_wait3A_548, %dma_wait3A_549] : memref<8192x1024xf32, #tpu.memory_space<hbm>> -> memref<8192x1024xf32, #tpu.memory_space<hbm>>
    tpu.wait_indirect_dma semaphore(%arg16 : memref<!tpu.dma_semaphore, #tpu.memory_space<semaphore_mem>>) src(%dma_wait3A_550 : memref<8192x1024xf32, #tpu.memory_space<hbm>>) dst(%arg13 : memref<32x1024xf32, #tpu.memory_space<vmem>>)
    %add3A_551 = arith.constant 128 : i32
    %add3A_552 = arith.addi %mul3A_2, %add3A_551 : i32
    "tpu.region"() ({
      %run_scoped3A = tpu.sem_alloc : memref<!tpu.dma_semaphore, #tpu.memory_space<semaphore_mem>>
      %dma_start3A_586 = arith.constant 0 : i32
      %dma_start3A_587 = tpu.memref_slice %arg6[%add3A_552, %dma_start3A_586] : memref<8192x1024xf32, #tpu.memory_space<hbm>> -> memref<32x1024xf32, #tpu.memory_space<hbm>>
      %dma_start3A_588 = arith.constant 0 : i32
      %dma_start3A_589 = tpu.memref_slice %arg6[%add3A_552, %dma_start3A_588] : memref<8192x1024xf32, #tpu.memory_space<hbm>> -> memref<32x1024xf32, #tpu.memory_space<hbm>>
      tpu.enqueue_dma source(%arg13 : memref<32x1024xf32, #tpu.memory_space<vmem>>) target(%dma_start3A_589 : memref<32x1024xf32, #tpu.memory_space<hbm>>) target_semaphore(%run_scoped3A : memref<!tpu.dma_semaphore, #tpu.memory_space<semaphore_mem>>)
      %dma_wait3A_590 = arith.constant 0 : i32
      %dma_wait3A_591 = tpu.memref_slice %arg6[%add3A_552, %dma_wait3A_590] : memref<8192x1024xf32, #tpu.memory_space<hbm>> -> memref<32x1024xf32, #tpu.memory_space<hbm>>
      %dma_wait3A_592 = arith.constant 0 : i32
      %dma_wait3A_593 = tpu.memref_slice %arg6[%add3A_552, %dma_wait3A_592] : memref<8192x1024xf32, #tpu.memory_space<hbm>> -> memref<32x1024xf32, #tpu.memory_space<hbm>>
      tpu.wait_dma2 semaphore(%run_scoped3A : memref<!tpu.dma_semaphore, #tpu.memory_space<semaphore_mem>>) src(%arg13 : memref<32x1024xf32, #tpu.memory_space<vmem>>) dst(%dma_wait3A_593 : memref<32x1024xf32, #tpu.memory_space<hbm>>)
      tpu.yield
    }) : () -> ()
    %dma_start3A_553 = arith.constant 192 : i32
    %dma_start3A_554 = tpu.memref_slice %arg10[%dma_start3A_553] : memref<256xi32, #tpu.memory_space<vmem>> -> memref<32xi32, #tpu.memory_space<vmem>>
    %dma_start3A_555 = arith.constant 0 : i32
    %dma_start3A_556 = arith.constant 0 : i32
    %dma_start3A_557 = tpu.memref_slice %arg2[%dma_start3A_555, %dma_start3A_556] : memref<8192x1024xf32, #tpu.memory_space<hbm>> -> memref<8192x1024xf32, #tpu.memory_space<hbm>>
    tpu.enqueue_indirect_dma source(%dma_start3A_557 : memref<8192x1024xf32, #tpu.memory_space<hbm>>) target(%arg13 : memref<32x1024xf32, #tpu.memory_space<vmem>>) offsets(%dma_start3A_554 : memref<32xi32, #tpu.memory_space<vmem>>) semaphore(%arg16 : memref<!tpu.dma_semaphore, #tpu.memory_space<semaphore_mem>>)
    %dma_wait3A_558 = arith.constant 160 : i32
    %dma_wait3A_559 = tpu.memref_slice %arg10[%dma_wait3A_558] : memref<256xi32, #tpu.memory_space<vmem>> -> memref<32xi32, #tpu.memory_space<vmem>>
    %dma_wait3A_560 = arith.constant 0 : i32
    %dma_wait3A_561 = arith.constant 0 : i32
    %dma_wait3A_562 = tpu.memref_slice %arg2[%dma_wait3A_560, %dma_wait3A_561] : memref<8192x1024xf32, #tpu.memory_space<hbm>> -> memref<8192x1024xf32, #tpu.memory_space<hbm>>
    tpu.wait_indirect_dma semaphore(%arg17 : memref<!tpu.dma_semaphore, #tpu.memory_space<semaphore_mem>>) src(%dma_wait3A_562 : memref<8192x1024xf32, #tpu.memory_space<hbm>>) dst(%arg14 : memref<32x1024xf32, #tpu.memory_space<vmem>>)
    %add3A_563 = arith.constant 160 : i32
    %add3A_564 = arith.addi %mul3A_2, %add3A_563 : i32
    "tpu.region"() ({
      %run_scoped3A = tpu.sem_alloc : memref<!tpu.dma_semaphore, #tpu.memory_space<semaphore_mem>>
      %dma_start3A_586 = arith.constant 0 : i32
      %dma_start3A_587 = tpu.memref_slice %arg6[%add3A_564, %dma_start3A_586] : memref<8192x1024xf32, #tpu.memory_space<hbm>> -> memref<32x1024xf32, #tpu.memory_space<hbm>>
      %dma_start3A_588 = arith.constant 0 : i32
      %dma_start3A_589 = tpu.memref_slice %arg6[%add3A_564, %dma_start3A_588] : memref<8192x1024xf32, #tpu.memory_space<hbm>> -> memref<32x1024xf32, #tpu.memory_space<hbm>>
      tpu.enqueue_dma source(%arg14 : memref<32x1024xf32, #tpu.memory_space<vmem>>) target(%dma_start3A_589 : memref<32x1024xf32, #tpu.memory_space<hbm>>) target_semaphore(%run_scoped3A : memref<!tpu.dma_semaphore, #tpu.memory_space<semaphore_mem>>)
      %dma_wait3A_590 = arith.constant 0 : i32
      %dma_wait3A_591 = tpu.memref_slice %arg6[%add3A_564, %dma_wait3A_590] : memref<8192x1024xf32, #tpu.memory_space<hbm>> -> memref<32x1024xf32, #tpu.memory_space<hbm>>
      %dma_wait3A_592 = arith.constant 0 : i32
      %dma_wait3A_593 = tpu.memref_slice %arg6[%add3A_564, %dma_wait3A_592] : memref<8192x1024xf32, #tpu.memory_space<hbm>> -> memref<32x1024xf32, #tpu.memory_space<hbm>>
      tpu.wait_dma2 semaphore(%run_scoped3A : memref<!tpu.dma_semaphore, #tpu.memory_space<semaphore_mem>>) src(%arg14 : memref<32x1024xf32, #tpu.memory_space<vmem>>) dst(%dma_wait3A_593 : memref<32x1024xf32, #tpu.memory_space<hbm>>)
      tpu.yield
    }) : () -> ()
    %dma_start3A_565 = arith.constant 224 : i32
    %dma_start3A_566 = tpu.memref_slice %arg10[%dma_start3A_565] : memref<256xi32, #tpu.memory_space<vmem>> -> memref<32xi32, #tpu.memory_space<vmem>>
    %dma_start3A_567 = arith.constant 0 : i32
    %dma_start3A_568 = arith.constant 0 : i32
    %dma_start3A_569 = tpu.memref_slice %arg2[%dma_start3A_567, %dma_start3A_568] : memref<8192x1024xf32, #tpu.memory_space<hbm>> -> memref<8192x1024xf32, #tpu.memory_space<hbm>>
    tpu.enqueue_indirect_dma source(%dma_start3A_569 : memref<8192x1024xf32, #tpu.memory_space<hbm>>) target(%arg14 : memref<32x1024xf32, #tpu.memory_space<vmem>>) offsets(%dma_start3A_566 : memref<32xi32, #tpu.memory_space<vmem>>) semaphore(%arg17 : memref<!tpu.dma_semaphore, #tpu.memory_space<semaphore_mem>>)
    %dma_wait3A_570 = arith.constant 192 : i32
    %dma_wait3A_571 = tpu.memref_slice %arg10[%dma_wait3A_570] : memref<256xi32, #tpu.memory_space<vmem>> -> memref<32xi32, #tpu.memory_space<vmem>>
    %dma_wait3A_572 = arith.constant 0 : i32
    %dma_wait3A_573 = arith.constant 0 : i32
    %dma_wait3A_574 = tpu.memref_slice %arg2[%dma_wait3A_572, %dma_wait3A_573] : memref<8192x1024xf32, #tpu.memory_space<hbm>> -> memref<8192x1024xf32, #tpu.memory_space<hbm>>
    tpu.wait_indirect_dma semaphore(%arg16 : memref<!tpu.dma_semaphore, #tpu.memory_space<semaphore_mem>>) src(%dma_wait3A_574 : memref<8192x1024xf32, #tpu.memory_space<hbm>>) dst(%arg13 : memref<32x1024xf32, #tpu.memory_space<vmem>>)
    %add3A_575 = arith.constant 192 : i32
    %add3A_576 = arith.addi %mul3A_2, %add3A_575 : i32
    "tpu.region"() ({
      %run_scoped3A = tpu.sem_alloc : memref<!tpu.dma_semaphore, #tpu.memory_space<semaphore_mem>>
      %dma_start3A_586 = arith.constant 0 : i32
      %dma_start3A_587 = tpu.memref_slice %arg6[%add3A_576, %dma_start3A_586] : memref<8192x1024xf32, #tpu.memory_space<hbm>> -> memref<32x1024xf32, #tpu.memory_space<hbm>>
      %dma_start3A_588 = arith.constant 0 : i32
      %dma_start3A_589 = tpu.memref_slice %arg6[%add3A_576, %dma_start3A_588] : memref<8192x1024xf32, #tpu.memory_space<hbm>> -> memref<32x1024xf32, #tpu.memory_space<hbm>>
      tpu.enqueue_dma source(%arg13 : memref<32x1024xf32, #tpu.memory_space<vmem>>) target(%dma_start3A_589 : memref<32x1024xf32, #tpu.memory_space<hbm>>) target_semaphore(%run_scoped3A : memref<!tpu.dma_semaphore, #tpu.memory_space<semaphore_mem>>)
      %dma_wait3A_590 = arith.constant 0 : i32
      %dma_wait3A_591 = tpu.memref_slice %arg6[%add3A_576, %dma_wait3A_590] : memref<8192x1024xf32, #tpu.memory_space<hbm>> -> memref<32x1024xf32, #tpu.memory_space<hbm>>
      %dma_wait3A_592 = arith.constant 0 : i32
      %dma_wait3A_593 = tpu.memref_slice %arg6[%add3A_576, %dma_wait3A_592] : memref<8192x1024xf32, #tpu.memory_space<hbm>> -> memref<32x1024xf32, #tpu.memory_space<hbm>>
      tpu.wait_dma2 semaphore(%run_scoped3A : memref<!tpu.dma_semaphore, #tpu.memory_space<semaphore_mem>>) src(%arg13 : memref<32x1024xf32, #tpu.memory_space<vmem>>) dst(%dma_wait3A_593 : memref<32x1024xf32, #tpu.memory_space<hbm>>)
      tpu.yield
    }) : () -> ()
    %dma_wait3A_577 = arith.constant 224 : i32
    %dma_wait3A_578 = tpu.memref_slice %arg10[%dma_wait3A_577] : memref<256xi32, #tpu.memory_space<vmem>> -> memref<32xi32, #tpu.memory_space<vmem>>
    %dma_wait3A_579 = arith.constant 0 : i32
    %dma_wait3A_580 = arith.constant 0 : i32
    %dma_wait3A_581 = tpu.memref_slice %arg2[%dma_wait3A_579, %dma_wait3A_580] : memref<8192x1024xf32, #tpu.memory_space<hbm>> -> memref<8192x1024xf32, #tpu.memory_space<hbm>>
    tpu.wait_indirect_dma semaphore(%arg17 : memref<!tpu.dma_semaphore, #tpu.memory_space<semaphore_mem>>) src(%dma_wait3A_581 : memref<8192x1024xf32, #tpu.memory_space<hbm>>) dst(%arg14 : memref<32x1024xf32, #tpu.memory_space<vmem>>)
    %add3A_582 = arith.constant 224 : i32
    %add3A_583 = arith.addi %mul3A_2, %add3A_582 : i32
    "tpu.region"() ({
      %run_scoped3A = tpu.sem_alloc : memref<!tpu.dma_semaphore, #tpu.memory_space<semaphore_mem>>
      %dma_start3A_586 = arith.constant 0 : i32
      %dma_start3A_587 = tpu.memref_slice %arg6[%add3A_583, %dma_start3A_586] : memref<8192x1024xf32, #tpu.memory_space<hbm>> -> memref<32x1024xf32, #tpu.memory_space<hbm>>
      %dma_start3A_588 = arith.constant 0 : i32
      %dma_start3A_589 = tpu.memref_slice %arg6[%add3A_583, %dma_start3A_588] : memref<8192x1024xf32, #tpu.memory_space<hbm>> -> memref<32x1024xf32, #tpu.memory_space<hbm>>
      tpu.enqueue_dma source(%arg14 : memref<32x1024xf32, #tpu.memory_space<vmem>>) target(%dma_start3A_589 : memref<32x1024xf32, #tpu.memory_space<hbm>>) target_semaphore(%run_scoped3A : memref<!tpu.dma_semaphore, #tpu.memory_space<semaphore_mem>>)
      %dma_wait3A_590 = arith.constant 0 : i32
      %dma_wait3A_591 = tpu.memref_slice %arg6[%add3A_583, %dma_wait3A_590] : memref<8192x1024xf32, #tpu.memory_space<hbm>> -> memref<32x1024xf32, #tpu.memory_space<hbm>>
      %dma_wait3A_592 = arith.constant 0 : i32
      %dma_wait3A_593 = tpu.memref_slice %arg6[%add3A_583, %dma_wait3A_592] : memref<8192x1024xf32, #tpu.memory_space<hbm>> -> memref<32x1024xf32, #tpu.memory_space<hbm>>
      tpu.wait_dma2 semaphore(%run_scoped3A : memref<!tpu.dma_semaphore, #tpu.memory_space<semaphore_mem>>) src(%arg14 : memref<32x1024xf32, #tpu.memory_space<vmem>>) dst(%dma_wait3A_593 : memref<32x1024xf32, #tpu.memory_space<hbm>>)
      tpu.yield
    }) : () -> ()
    %dma_wait3A_584 = tpu.memref_slice %arg7[%mul3A_2] : memref<8192xf32, #tpu.memory_space<hbm>> -> memref<256xf32, #tpu.memory_space<hbm>>
    %dma_wait3A_585 = tpu.memref_slice %arg7[%mul3A_2] : memref<8192xf32, #tpu.memory_space<hbm>> -> memref<256xf32, #tpu.memory_space<hbm>>
    tpu.wait_dma2 semaphore(%arg15 : memref<!tpu.dma_semaphore, #tpu.memory_space<semaphore_mem>>) src(%arg12 : memref<256xf32, #tpu.memory_space<vmem>>) dst(%dma_wait3A_585 : memref<256xf32, #tpu.memory_space<hbm>>)
    return
  }
}

#map = affine_map<(d0, d1) -> (0)>
module attributes {stable_mosaic.version = 14 : i64} {
  func.func @_scatter_body(%arg0: i32, %arg1: i32, %arg2: memref<8192xi32, #tpu.memory_space<hbm>>, %arg3: memref<8192xi32, #tpu.memory_space<hbm>>, %arg4: memref<8192xf32, #tpu.memory_space<hbm>>, %arg5: memref<32xi32, #tpu.memory_space<hbm>>, %arg6: memref<8192xi32, #tpu.memory_space<hbm>>, %arg7: memref<8192xf32, #tpu.memory_space<hbm>>, %arg8: memref<8192xi32, #tpu.memory_space<hbm>>, %arg9: memref<256xi32, #tpu.memory_space<vmem>>, %arg10: memref<256xi32, #tpu.memory_space<vmem>>, %arg11: memref<256xf32, #tpu.memory_space<vmem>>, %arg12: memref<32xi32, #tpu.memory_space<vmem>>, %arg13: memref<2x128xi32, #tpu.memory_space<vmem>>, %arg14: memref<256xi32, #tpu.memory_space<vmem>>, %arg15: memref<256xi32, #tpu.memory_space<vmem>>, %arg16: memref<!tpu.dma_semaphore, #tpu.memory_space<semaphore_mem>>) attributes {dimension_semantics = [#tpu.dimension_semantics<core_parallel>, #tpu.dimension_semantics<subcore_parallel>], iteration_bounds = array<i64: 2, 16>, scalar_prefetch = 0 : i64, scratch_operands = 8 : i64, tpu.core_type = #tpu.core_type<sc_vector_subcore>, window_params = [{transform_indices = #map}, {transform_indices = #map}, {transform_indices = #map}, {transform_indices = #map}, {transform_indices = #map}, {transform_indices = #map}, {transform_indices = #map}]} {
    %mul3A = arith.constant 2 : i32
    %mul3A_0 = arith.muli %arg1, %mul3A : i32
    %add3A = arith.addi %mul3A_0, %arg0 : i32
    %mul3A_1 = arith.constant 256 : i32
    %mul3A_2 = arith.muli %add3A, %mul3A_1 : i32
    %dma_start3A = tpu.memref_slice %arg2[%mul3A_2] : memref<8192xi32, #tpu.memory_space<hbm>> -> memref<256xi32, #tpu.memory_space<hbm>>
    %dma_start3A_3 = tpu.memref_slice %arg2[%mul3A_2] : memref<8192xi32, #tpu.memory_space<hbm>> -> memref<256xi32, #tpu.memory_space<hbm>>
    tpu.enqueue_dma source(%dma_start3A_3 : memref<256xi32, #tpu.memory_space<hbm>>) target(%arg9 : memref<256xi32, #tpu.memory_space<vmem>>) target_semaphore(%arg16 : memref<!tpu.dma_semaphore, #tpu.memory_space<semaphore_mem>>)
    %dma_start3A_4 = tpu.memref_slice %arg3[%mul3A_2] : memref<8192xi32, #tpu.memory_space<hbm>> -> memref<256xi32, #tpu.memory_space<hbm>>
    %dma_start3A_5 = tpu.memref_slice %arg3[%mul3A_2] : memref<8192xi32, #tpu.memory_space<hbm>> -> memref<256xi32, #tpu.memory_space<hbm>>
    tpu.enqueue_dma source(%dma_start3A_5 : memref<256xi32, #tpu.memory_space<hbm>>) target(%arg10 : memref<256xi32, #tpu.memory_space<vmem>>) target_semaphore(%arg16 : memref<!tpu.dma_semaphore, #tpu.memory_space<semaphore_mem>>)
    %dma_start3A_6 = tpu.memref_slice %arg4[%mul3A_2] : memref<8192xf32, #tpu.memory_space<hbm>> -> memref<256xf32, #tpu.memory_space<hbm>>
    %dma_start3A_7 = tpu.memref_slice %arg4[%mul3A_2] : memref<8192xf32, #tpu.memory_space<hbm>> -> memref<256xf32, #tpu.memory_space<hbm>>
    tpu.enqueue_dma source(%dma_start3A_7 : memref<256xf32, #tpu.memory_space<hbm>>) target(%arg11 : memref<256xf32, #tpu.memory_space<vmem>>) target_semaphore(%arg16 : memref<!tpu.dma_semaphore, #tpu.memory_space<semaphore_mem>>)
    tpu.enqueue_dma source(%arg5 : memref<32xi32, #tpu.memory_space<hbm>>) target(%arg12 : memref<32xi32, #tpu.memory_space<vmem>>) target_semaphore(%arg16 : memref<!tpu.dma_semaphore, #tpu.memory_space<semaphore_mem>>)
    %dma_wait3A = tpu.memref_slice %arg2[%mul3A_2] : memref<8192xi32, #tpu.memory_space<hbm>> -> memref<256xi32, #tpu.memory_space<hbm>>
    %dma_wait3A_8 = tpu.memref_slice %arg2[%mul3A_2] : memref<8192xi32, #tpu.memory_space<hbm>> -> memref<256xi32, #tpu.memory_space<hbm>>
    tpu.wait_dma2 semaphore(%arg16 : memref<!tpu.dma_semaphore, #tpu.memory_space<semaphore_mem>>) src(%dma_wait3A_8 : memref<256xi32, #tpu.memory_space<hbm>>) dst(%arg9 : memref<256xi32, #tpu.memory_space<vmem>>)
    %dma_wait3A_9 = tpu.memref_slice %arg3[%mul3A_2] : memref<8192xi32, #tpu.memory_space<hbm>> -> memref<256xi32, #tpu.memory_space<hbm>>
    %dma_wait3A_10 = tpu.memref_slice %arg3[%mul3A_2] : memref<8192xi32, #tpu.memory_space<hbm>> -> memref<256xi32, #tpu.memory_space<hbm>>
    tpu.wait_dma2 semaphore(%arg16 : memref<!tpu.dma_semaphore, #tpu.memory_space<semaphore_mem>>) src(%dma_wait3A_10 : memref<256xi32, #tpu.memory_space<hbm>>) dst(%arg10 : memref<256xi32, #tpu.memory_space<vmem>>)
    %dma_wait3A_11 = tpu.memref_slice %arg4[%mul3A_2] : memref<8192xf32, #tpu.memory_space<hbm>> -> memref<256xf32, #tpu.memory_space<hbm>>
    %dma_wait3A_12 = tpu.memref_slice %arg4[%mul3A_2] : memref<8192xf32, #tpu.memory_space<hbm>> -> memref<256xf32, #tpu.memory_space<hbm>>
    tpu.wait_dma2 semaphore(%arg16 : memref<!tpu.dma_semaphore, #tpu.memory_space<semaphore_mem>>) src(%dma_wait3A_12 : memref<256xf32, #tpu.memory_space<hbm>>) dst(%arg11 : memref<256xf32, #tpu.memory_space<vmem>>)
    tpu.wait_dma2 semaphore(%arg16 : memref<!tpu.dma_semaphore, #tpu.memory_space<semaphore_mem>>) src(%arg5 : memref<32xi32, #tpu.memory_space<hbm>>) dst(%arg12 : memref<32xi32, #tpu.memory_space<vmem>>)
    %iota3A = tpu.iota {dimensions = array<i32: 0>} : vector<16xi32>
    %broadcast_in_dim3A = arith.constant 16 : i32
    %broadcast_in_dim3A_13 = vector.broadcast %broadcast_in_dim3A : i32 to vector<16xi32>
    %gather3A = tpu.vector_load_idx %arg12[%broadcast_in_dim3A_13] : memref<32xi32, #tpu.memory_space<vmem>>[vector<16xi32>], vector<16xi32>,
    %get3A = arith.constant 0 : index
    %get3A_14 = tpu.vector_load %arg9[%get3A] {strides = array<i32>} : memref<256xi32, #tpu.memory_space<vmem>>, vector<16xi32>,
    %get3A_15 = arith.constant 0 : index
    %get3A_16 = tpu.vector_load %arg10[%get3A_15] {strides = array<i32>} : memref<256xi32, #tpu.memory_space<vmem>>, vector<16xi32>,
    %gather3A_17 = tpu.vector_load_idx %arg12[%get3A_14] : memref<32xi32, #tpu.memory_space<vmem>>[vector<16xi32>], vector<16xi32>,
    %add3A_18 = arith.addi %gather3A_17, %get3A_16 : vector<16xi32>
    %mul3A_19 = arith.constant 1024 : i32
    %mul3A_20 = vector.broadcast %mul3A_19 : i32 to vector<16xi32>
    %mul3A_21 = arith.muli %get3A_14, %mul3A_20 : vector<16xi32>
    %add3A_22 = arith.addi %mul3A_21, %get3A_16 : vector<16xi32>
    %lt3A = arith.constant 1024 : i32
    %lt3A_23 = vector.broadcast %lt3A : i32 to vector<16xi32>
    %lt3A_24 = arith.cmpi slt, %get3A_16, %lt3A_23 : vector<16xi32>
    %select_n3A = arith.select %lt3A_24, %add3A_22, %gather3A : vector<16xi1>, vector<16xi32>
    %swap3A = arith.constant 0 : index
    %swap3A_25 = tpu.vector_load %arg15[%swap3A] {strides = array<i32>} : memref<256xi32, #tpu.memory_space<vmem>>, vector<16xi32>,
    tpu.vector_store %arg15[%swap3A], %select_n3A {strides = array<i32>} : memref<256xi32, #tpu.memory_space<vmem>>, vector<16xi32>,
    %swap3A_26 = arith.constant 0 : i32
    %swap3A_27 = arith.index_cast %swap3A_26 : i32 to index
    %swap3A_28 = arith.constant 0 : index
    %swap3A_29 = tpu.vector_load %arg13[%swap3A_27, %swap3A_28] {strides = array<i32>} : memref<2x128xi32, #tpu.memory_space<vmem>>, vector<16xi32>,
    tpu.vector_store %arg13[%swap3A_27, %swap3A_28], %add3A_18 {strides = array<i32>} : memref<2x128xi32, #tpu.memory_space<vmem>>, vector<16xi32>,
    %add3A_30 = arith.constant 0 : i32
    %add3A_31 = arith.addi %mul3A_2, %add3A_30 : i32
    %add3A_32 = vector.broadcast %add3A_31 : i32 to vector<16xi32>
    %add3A_33 = arith.addi %add3A_32, %iota3A : vector<16xi32>
    %swap3A_34 = arith.constant 0 : index
    %swap3A_35 = tpu.vector_load %arg14[%swap3A_34] {strides = array<i32>} : memref<256xi32, #tpu.memory_space<vmem>>, vector<16xi32>,
    tpu.vector_store %arg14[%swap3A_34], %add3A_33 {strides = array<i32>} : memref<256xi32, #tpu.memory_space<vmem>>, vector<16xi32>,
    %get3A_36 = arith.constant 16 : index
    %get3A_37 = tpu.vector_load %arg9[%get3A_36] {strides = array<i32>} : memref<256xi32, #tpu.memory_space<vmem>>, vector<16xi32>,
    %get3A_38 = arith.constant 16 : index
    %get3A_39 = tpu.vector_load %arg10[%get3A_38] {strides = array<i32>} : memref<256xi32, #tpu.memory_space<vmem>>, vector<16xi32>,
    %gather3A_40 = tpu.vector_load_idx %arg12[%get3A_37] : memref<32xi32, #tpu.memory_space<vmem>>[vector<16xi32>], vector<16xi32>,
    %add3A_41 = arith.addi %gather3A_40, %get3A_39 : vector<16xi32>
    %mul3A_42 = arith.constant 1024 : i32
    %mul3A_43 = vector.broadcast %mul3A_42 : i32 to vector<16xi32>
    %mul3A_44 = arith.muli %get3A_37, %mul3A_43 : vector<16xi32>
    %add3A_45 = arith.addi %mul3A_44, %get3A_39 : vector<16xi32>
    %lt3A_46 = arith.constant 1024 : i32
    %lt3A_47 = vector.broadcast %lt3A_46 : i32 to vector<16xi32>
    %lt3A_48 = arith.cmpi slt, %get3A_39, %lt3A_47 : vector<16xi32>
    %select_n3A_49 = arith.select %lt3A_48, %add3A_45, %gather3A : vector<16xi1>, vector<16xi32>
    %swap3A_50 = arith.constant 16 : index
    %swap3A_51 = tpu.vector_load %arg15[%swap3A_50] {strides = array<i32>} : memref<256xi32, #tpu.memory_space<vmem>>, vector<16xi32>,
    tpu.vector_store %arg15[%swap3A_50], %select_n3A_49 {strides = array<i32>} : memref<256xi32, #tpu.memory_space<vmem>>, vector<16xi32>,
    %swap3A_52 = arith.constant 0 : i32
    %swap3A_53 = arith.index_cast %swap3A_52 : i32 to index
    %swap3A_54 = arith.constant 16 : index
    %swap3A_55 = tpu.vector_load %arg13[%swap3A_53, %swap3A_54] {strides = array<i32>} : memref<2x128xi32, #tpu.memory_space<vmem>>, vector<16xi32>,
    tpu.vector_store %arg13[%swap3A_53, %swap3A_54], %add3A_41 {strides = array<i32>} : memref<2x128xi32, #tpu.memory_space<vmem>>, vector<16xi32>,
    %add3A_56 = arith.constant 16 : i32
    %add3A_57 = arith.addi %mul3A_2, %add3A_56 : i32
    %add3A_58 = vector.broadcast %add3A_57 : i32 to vector<16xi32>
    %add3A_59 = arith.addi %add3A_58, %iota3A : vector<16xi32>
    %swap3A_60 = arith.constant 16 : index
    %swap3A_61 = tpu.vector_load %arg14[%swap3A_60] {strides = array<i32>} : memref<256xi32, #tpu.memory_space<vmem>>, vector<16xi32>,
    tpu.vector_store %arg14[%swap3A_60], %add3A_59 {strides = array<i32>} : memref<256xi32, #tpu.memory_space<vmem>>, vector<16xi32>,
    %get3A_62 = arith.constant 32 : index
    %get3A_63 = tpu.vector_load %arg9[%get3A_62] {strides = array<i32>} : memref<256xi32, #tpu.memory_space<vmem>>, vector<16xi32>,
    %get3A_64 = arith.constant 32 : index
    %get3A_65 = tpu.vector_load %arg10[%get3A_64] {strides = array<i32>} : memref<256xi32, #tpu.memory_space<vmem>>, vector<16xi32>,
    %gather3A_66 = tpu.vector_load_idx %arg12[%get3A_63] : memref<32xi32, #tpu.memory_space<vmem>>[vector<16xi32>], vector<16xi32>,
    %add3A_67 = arith.addi %gather3A_66, %get3A_65 : vector<16xi32>
    %mul3A_68 = arith.constant 1024 : i32
    %mul3A_69 = vector.broadcast %mul3A_68 : i32 to vector<16xi32>
    %mul3A_70 = arith.muli %get3A_63, %mul3A_69 : vector<16xi32>
    %add3A_71 = arith.addi %mul3A_70, %get3A_65 : vector<16xi32>
    %lt3A_72 = arith.constant 1024 : i32
    %lt3A_73 = vector.broadcast %lt3A_72 : i32 to vector<16xi32>
    %lt3A_74 = arith.cmpi slt, %get3A_65, %lt3A_73 : vector<16xi32>
    %select_n3A_75 = arith.select %lt3A_74, %add3A_71, %gather3A : vector<16xi1>, vector<16xi32>
    %swap3A_76 = arith.constant 32 : index
    %swap3A_77 = tpu.vector_load %arg15[%swap3A_76] {strides = array<i32>} : memref<256xi32, #tpu.memory_space<vmem>>, vector<16xi32>,
    tpu.vector_store %arg15[%swap3A_76], %select_n3A_75 {strides = array<i32>} : memref<256xi32, #tpu.memory_space<vmem>>, vector<16xi32>,
    %swap3A_78 = arith.constant 0 : i32
    %swap3A_79 = arith.index_cast %swap3A_78 : i32 to index
    %swap3A_80 = arith.constant 32 : index
    %swap3A_81 = tpu.vector_load %arg13[%swap3A_79, %swap3A_80] {strides = array<i32>} : memref<2x128xi32, #tpu.memory_space<vmem>>, vector<16xi32>,
    tpu.vector_store %arg13[%swap3A_79, %swap3A_80], %add3A_67 {strides = array<i32>} : memref<2x128xi32, #tpu.memory_space<vmem>>, vector<16xi32>,
    %add3A_82 = arith.constant 32 : i32
    %add3A_83 = arith.addi %mul3A_2, %add3A_82 : i32
    %add3A_84 = vector.broadcast %add3A_83 : i32 to vector<16xi32>
    %add3A_85 = arith.addi %add3A_84, %iota3A : vector<16xi32>
    %swap3A_86 = arith.constant 32 : index
    %swap3A_87 = tpu.vector_load %arg14[%swap3A_86] {strides = array<i32>} : memref<256xi32, #tpu.memory_space<vmem>>, vector<16xi32>,
    tpu.vector_store %arg14[%swap3A_86], %add3A_85 {strides = array<i32>} : memref<256xi32, #tpu.memory_space<vmem>>, vector<16xi32>,
    %get3A_88 = arith.constant 48 : index
    %get3A_89 = tpu.vector_load %arg9[%get3A_88] {strides = array<i32>} : memref<256xi32, #tpu.memory_space<vmem>>, vector<16xi32>,
    %get3A_90 = arith.constant 48 : index
    %get3A_91 = tpu.vector_load %arg10[%get3A_90] {strides = array<i32>} : memref<256xi32, #tpu.memory_space<vmem>>, vector<16xi32>,
    %gather3A_92 = tpu.vector_load_idx %arg12[%get3A_89] : memref<32xi32, #tpu.memory_space<vmem>>[vector<16xi32>], vector<16xi32>,
    %add3A_93 = arith.addi %gather3A_92, %get3A_91 : vector<16xi32>
    %mul3A_94 = arith.constant 1024 : i32
    %mul3A_95 = vector.broadcast %mul3A_94 : i32 to vector<16xi32>
    %mul3A_96 = arith.muli %get3A_89, %mul3A_95 : vector<16xi32>
    %add3A_97 = arith.addi %mul3A_96, %get3A_91 : vector<16xi32>
    %lt3A_98 = arith.constant 1024 : i32
    %lt3A_99 = vector.broadcast %lt3A_98 : i32 to vector<16xi32>
    %lt3A_100 = arith.cmpi slt, %get3A_91, %lt3A_99 : vector<16xi32>
    %select_n3A_101 = arith.select %lt3A_100, %add3A_97, %gather3A : vector<16xi1>, vector<16xi32>
    %swap3A_102 = arith.constant 48 : index
    %swap3A_103 = tpu.vector_load %arg15[%swap3A_102] {strides = array<i32>} : memref<256xi32, #tpu.memory_space<vmem>>, vector<16xi32>,
    tpu.vector_store %arg15[%swap3A_102], %select_n3A_101 {strides = array<i32>} : memref<256xi32, #tpu.memory_space<vmem>>, vector<16xi32>,
    %swap3A_104 = arith.constant 0 : i32
    %swap3A_105 = arith.index_cast %swap3A_104 : i32 to index
    %swap3A_106 = arith.constant 48 : index
    %swap3A_107 = tpu.vector_load %arg13[%swap3A_105, %swap3A_106] {strides = array<i32>} : memref<2x128xi32, #tpu.memory_space<vmem>>, vector<16xi32>,
    tpu.vector_store %arg13[%swap3A_105, %swap3A_106], %add3A_93 {strides = array<i32>} : memref<2x128xi32, #tpu.memory_space<vmem>>, vector<16xi32>,
    %add3A_108 = arith.constant 48 : i32
    %add3A_109 = arith.addi %mul3A_2, %add3A_108 : i32
    %add3A_110 = vector.broadcast %add3A_109 : i32 to vector<16xi32>
    %add3A_111 = arith.addi %add3A_110, %iota3A : vector<16xi32>
    %swap3A_112 = arith.constant 48 : index
    %swap3A_113 = tpu.vector_load %arg14[%swap3A_112] {strides = array<i32>} : memref<256xi32, #tpu.memory_space<vmem>>, vector<16xi32>,
    tpu.vector_store %arg14[%swap3A_112], %add3A_111 {strides = array<i32>} : memref<256xi32, #tpu.memory_space<vmem>>, vector<16xi32>,
    %get3A_114 = arith.constant 64 : index
    %get3A_115 = tpu.vector_load %arg9[%get3A_114] {strides = array<i32>} : memref<256xi32, #tpu.memory_space<vmem>>, vector<16xi32>,
    %get3A_116 = arith.constant 64 : index
    %get3A_117 = tpu.vector_load %arg10[%get3A_116] {strides = array<i32>} : memref<256xi32, #tpu.memory_space<vmem>>, vector<16xi32>,
    %gather3A_118 = tpu.vector_load_idx %arg12[%get3A_115] : memref<32xi32, #tpu.memory_space<vmem>>[vector<16xi32>], vector<16xi32>,
    %add3A_119 = arith.addi %gather3A_118, %get3A_117 : vector<16xi32>
    %mul3A_120 = arith.constant 1024 : i32
    %mul3A_121 = vector.broadcast %mul3A_120 : i32 to vector<16xi32>
    %mul3A_122 = arith.muli %get3A_115, %mul3A_121 : vector<16xi32>
    %add3A_123 = arith.addi %mul3A_122, %get3A_117 : vector<16xi32>
    %lt3A_124 = arith.constant 1024 : i32
    %lt3A_125 = vector.broadcast %lt3A_124 : i32 to vector<16xi32>
    %lt3A_126 = arith.cmpi slt, %get3A_117, %lt3A_125 : vector<16xi32>
    %select_n3A_127 = arith.select %lt3A_126, %add3A_123, %gather3A : vector<16xi1>, vector<16xi32>
    %swap3A_128 = arith.constant 64 : index
    %swap3A_129 = tpu.vector_load %arg15[%swap3A_128] {strides = array<i32>} : memref<256xi32, #tpu.memory_space<vmem>>, vector<16xi32>,
    tpu.vector_store %arg15[%swap3A_128], %select_n3A_127 {strides = array<i32>} : memref<256xi32, #tpu.memory_space<vmem>>, vector<16xi32>,
    %swap3A_130 = arith.constant 0 : i32
    %swap3A_131 = arith.index_cast %swap3A_130 : i32 to index
    %swap3A_132 = arith.constant 64 : index
    %swap3A_133 = tpu.vector_load %arg13[%swap3A_131, %swap3A_132] {strides = array<i32>} : memref<2x128xi32, #tpu.memory_space<vmem>>, vector<16xi32>,
    tpu.vector_store %arg13[%swap3A_131, %swap3A_132], %add3A_119 {strides = array<i32>} : memref<2x128xi32, #tpu.memory_space<vmem>>, vector<16xi32>,
    %add3A_134 = arith.constant 64 : i32
    %add3A_135 = arith.addi %mul3A_2, %add3A_134 : i32
    %add3A_136 = vector.broadcast %add3A_135 : i32 to vector<16xi32>
    %add3A_137 = arith.addi %add3A_136, %iota3A : vector<16xi32>
    %swap3A_138 = arith.constant 64 : index
    %swap3A_139 = tpu.vector_load %arg14[%swap3A_138] {strides = array<i32>} : memref<256xi32, #tpu.memory_space<vmem>>, vector<16xi32>,
    tpu.vector_store %arg14[%swap3A_138], %add3A_137 {strides = array<i32>} : memref<256xi32, #tpu.memory_space<vmem>>, vector<16xi32>,
    %get3A_140 = arith.constant 80 : index
    %get3A_141 = tpu.vector_load %arg9[%get3A_140] {strides = array<i32>} : memref<256xi32, #tpu.memory_space<vmem>>, vector<16xi32>,
    %get3A_142 = arith.constant 80 : index
    %get3A_143 = tpu.vector_load %arg10[%get3A_142] {strides = array<i32>} : memref<256xi32, #tpu.memory_space<vmem>>, vector<16xi32>,
    %gather3A_144 = tpu.vector_load_idx %arg12[%get3A_141] : memref<32xi32, #tpu.memory_space<vmem>>[vector<16xi32>], vector<16xi32>,
    %add3A_145 = arith.addi %gather3A_144, %get3A_143 : vector<16xi32>
    %mul3A_146 = arith.constant 1024 : i32
    %mul3A_147 = vector.broadcast %mul3A_146 : i32 to vector<16xi32>
    %mul3A_148 = arith.muli %get3A_141, %mul3A_147 : vector<16xi32>
    %add3A_149 = arith.addi %mul3A_148, %get3A_143 : vector<16xi32>
    %lt3A_150 = arith.constant 1024 : i32
    %lt3A_151 = vector.broadcast %lt3A_150 : i32 to vector<16xi32>
    %lt3A_152 = arith.cmpi slt, %get3A_143, %lt3A_151 : vector<16xi32>
    %select_n3A_153 = arith.select %lt3A_152, %add3A_149, %gather3A : vector<16xi1>, vector<16xi32>
    %swap3A_154 = arith.constant 80 : index
    %swap3A_155 = tpu.vector_load %arg15[%swap3A_154] {strides = array<i32>} : memref<256xi32, #tpu.memory_space<vmem>>, vector<16xi32>,
    tpu.vector_store %arg15[%swap3A_154], %select_n3A_153 {strides = array<i32>} : memref<256xi32, #tpu.memory_space<vmem>>, vector<16xi32>,
    %swap3A_156 = arith.constant 0 : i32
    %swap3A_157 = arith.index_cast %swap3A_156 : i32 to index
    %swap3A_158 = arith.constant 80 : index
    %swap3A_159 = tpu.vector_load %arg13[%swap3A_157, %swap3A_158] {strides = array<i32>} : memref<2x128xi32, #tpu.memory_space<vmem>>, vector<16xi32>,
    tpu.vector_store %arg13[%swap3A_157, %swap3A_158], %add3A_145 {strides = array<i32>} : memref<2x128xi32, #tpu.memory_space<vmem>>, vector<16xi32>,
    %add3A_160 = arith.constant 80 : i32
    %add3A_161 = arith.addi %mul3A_2, %add3A_160 : i32
    %add3A_162 = vector.broadcast %add3A_161 : i32 to vector<16xi32>
    %add3A_163 = arith.addi %add3A_162, %iota3A : vector<16xi32>
    %swap3A_164 = arith.constant 80 : index
    %swap3A_165 = tpu.vector_load %arg14[%swap3A_164] {strides = array<i32>} : memref<256xi32, #tpu.memory_space<vmem>>, vector<16xi32>,
    tpu.vector_store %arg14[%swap3A_164], %add3A_163 {strides = array<i32>} : memref<256xi32, #tpu.memory_space<vmem>>, vector<16xi32>,
    %get3A_166 = arith.constant 96 : index
    %get3A_167 = tpu.vector_load %arg9[%get3A_166] {strides = array<i32>} : memref<256xi32, #tpu.memory_space<vmem>>, vector<16xi32>,
    %get3A_168 = arith.constant 96 : index
    %get3A_169 = tpu.vector_load %arg10[%get3A_168] {strides = array<i32>} : memref<256xi32, #tpu.memory_space<vmem>>, vector<16xi32>,
    %gather3A_170 = tpu.vector_load_idx %arg12[%get3A_167] : memref<32xi32, #tpu.memory_space<vmem>>[vector<16xi32>], vector<16xi32>,
    %add3A_171 = arith.addi %gather3A_170, %get3A_169 : vector<16xi32>
    %mul3A_172 = arith.constant 1024 : i32
    %mul3A_173 = vector.broadcast %mul3A_172 : i32 to vector<16xi32>
    %mul3A_174 = arith.muli %get3A_167, %mul3A_173 : vector<16xi32>
    %add3A_175 = arith.addi %mul3A_174, %get3A_169 : vector<16xi32>
    %lt3A_176 = arith.constant 1024 : i32
    %lt3A_177 = vector.broadcast %lt3A_176 : i32 to vector<16xi32>
    %lt3A_178 = arith.cmpi slt, %get3A_169, %lt3A_177 : vector<16xi32>
    %select_n3A_179 = arith.select %lt3A_178, %add3A_175, %gather3A : vector<16xi1>, vector<16xi32>
    %swap3A_180 = arith.constant 96 : index
    %swap3A_181 = tpu.vector_load %arg15[%swap3A_180] {strides = array<i32>} : memref<256xi32, #tpu.memory_space<vmem>>, vector<16xi32>,
    tpu.vector_store %arg15[%swap3A_180], %select_n3A_179 {strides = array<i32>} : memref<256xi32, #tpu.memory_space<vmem>>, vector<16xi32>,
    %swap3A_182 = arith.constant 0 : i32
    %swap3A_183 = arith.index_cast %swap3A_182 : i32 to index
    %swap3A_184 = arith.constant 96 : index
    %swap3A_185 = tpu.vector_load %arg13[%swap3A_183, %swap3A_184] {strides = array<i32>} : memref<2x128xi32, #tpu.memory_space<vmem>>, vector<16xi32>,
    tpu.vector_store %arg13[%swap3A_183, %swap3A_184], %add3A_171 {strides = array<i32>} : memref<2x128xi32, #tpu.memory_space<vmem>>, vector<16xi32>,
    %add3A_186 = arith.constant 96 : i32
    %add3A_187 = arith.addi %mul3A_2, %add3A_186 : i32
    %add3A_188 = vector.broadcast %add3A_187 : i32 to vector<16xi32>
    %add3A_189 = arith.addi %add3A_188, %iota3A : vector<16xi32>
    %swap3A_190 = arith.constant 96 : index
    %swap3A_191 = tpu.vector_load %arg14[%swap3A_190] {strides = array<i32>} : memref<256xi32, #tpu.memory_space<vmem>>, vector<16xi32>,
    tpu.vector_store %arg14[%swap3A_190], %add3A_189 {strides = array<i32>} : memref<256xi32, #tpu.memory_space<vmem>>, vector<16xi32>,
    %get3A_192 = arith.constant 112 : index
    %get3A_193 = tpu.vector_load %arg9[%get3A_192] {strides = array<i32>} : memref<256xi32, #tpu.memory_space<vmem>>, vector<16xi32>,
    %get3A_194 = arith.constant 112 : index
    %get3A_195 = tpu.vector_load %arg10[%get3A_194] {strides = array<i32>} : memref<256xi32, #tpu.memory_space<vmem>>, vector<16xi32>,
    %gather3A_196 = tpu.vector_load_idx %arg12[%get3A_193] : memref<32xi32, #tpu.memory_space<vmem>>[vector<16xi32>], vector<16xi32>,
    %add3A_197 = arith.addi %gather3A_196, %get3A_195 : vector<16xi32>
    %mul3A_198 = arith.constant 1024 : i32
    %mul3A_199 = vector.broadcast %mul3A_198 : i32 to vector<16xi32>
    %mul3A_200 = arith.muli %get3A_193, %mul3A_199 : vector<16xi32>
    %add3A_201 = arith.addi %mul3A_200, %get3A_195 : vector<16xi32>
    %lt3A_202 = arith.constant 1024 : i32
    %lt3A_203 = vector.broadcast %lt3A_202 : i32 to vector<16xi32>
    %lt3A_204 = arith.cmpi slt, %get3A_195, %lt3A_203 : vector<16xi32>
    %select_n3A_205 = arith.select %lt3A_204, %add3A_201, %gather3A : vector<16xi1>, vector<16xi32>
    %swap3A_206 = arith.constant 112 : index
    %swap3A_207 = tpu.vector_load %arg15[%swap3A_206] {strides = array<i32>} : memref<256xi32, #tpu.memory_space<vmem>>, vector<16xi32>,
    tpu.vector_store %arg15[%swap3A_206], %select_n3A_205 {strides = array<i32>} : memref<256xi32, #tpu.memory_space<vmem>>, vector<16xi32>,
    %swap3A_208 = arith.constant 0 : i32
    %swap3A_209 = arith.index_cast %swap3A_208 : i32 to index
    %swap3A_210 = arith.constant 112 : index
    %swap3A_211 = tpu.vector_load %arg13[%swap3A_209, %swap3A_210] {strides = array<i32>} : memref<2x128xi32, #tpu.memory_space<vmem>>, vector<16xi32>,
    tpu.vector_store %arg13[%swap3A_209, %swap3A_210], %add3A_197 {strides = array<i32>} : memref<2x128xi32, #tpu.memory_space<vmem>>, vector<16xi32>,
    %add3A_212 = arith.constant 112 : i32
    %add3A_213 = arith.addi %mul3A_2, %add3A_212 : i32
    %add3A_214 = vector.broadcast %add3A_213 : i32 to vector<16xi32>
    %add3A_215 = arith.addi %add3A_214, %iota3A : vector<16xi32>
    %swap3A_216 = arith.constant 112 : index
    %swap3A_217 = tpu.vector_load %arg14[%swap3A_216] {strides = array<i32>} : memref<256xi32, #tpu.memory_space<vmem>>, vector<16xi32>,
    tpu.vector_store %arg14[%swap3A_216], %add3A_215 {strides = array<i32>} : memref<256xi32, #tpu.memory_space<vmem>>, vector<16xi32>,
    %get3A_218 = arith.constant 128 : index
    %get3A_219 = tpu.vector_load %arg9[%get3A_218] {strides = array<i32>} : memref<256xi32, #tpu.memory_space<vmem>>, vector<16xi32>,
    %get3A_220 = arith.constant 128 : index
    %get3A_221 = tpu.vector_load %arg10[%get3A_220] {strides = array<i32>} : memref<256xi32, #tpu.memory_space<vmem>>, vector<16xi32>,
    %gather3A_222 = tpu.vector_load_idx %arg12[%get3A_219] : memref<32xi32, #tpu.memory_space<vmem>>[vector<16xi32>], vector<16xi32>,
    %add3A_223 = arith.addi %gather3A_222, %get3A_221 : vector<16xi32>
    %mul3A_224 = arith.constant 1024 : i32
    %mul3A_225 = vector.broadcast %mul3A_224 : i32 to vector<16xi32>
    %mul3A_226 = arith.muli %get3A_219, %mul3A_225 : vector<16xi32>
    %add3A_227 = arith.addi %mul3A_226, %get3A_221 : vector<16xi32>
    %lt3A_228 = arith.constant 1024 : i32
    %lt3A_229 = vector.broadcast %lt3A_228 : i32 to vector<16xi32>
    %lt3A_230 = arith.cmpi slt, %get3A_221, %lt3A_229 : vector<16xi32>
    %select_n3A_231 = arith.select %lt3A_230, %add3A_227, %gather3A : vector<16xi1>, vector<16xi32>
    %swap3A_232 = arith.constant 128 : index
    %swap3A_233 = tpu.vector_load %arg15[%swap3A_232] {strides = array<i32>} : memref<256xi32, #tpu.memory_space<vmem>>, vector<16xi32>,
    tpu.vector_store %arg15[%swap3A_232], %select_n3A_231 {strides = array<i32>} : memref<256xi32, #tpu.memory_space<vmem>>, vector<16xi32>,
    %swap3A_234 = arith.constant 1 : i32
    %swap3A_235 = arith.index_cast %swap3A_234 : i32 to index
    %swap3A_236 = arith.constant 0 : index
    %swap3A_237 = tpu.vector_load %arg13[%swap3A_235, %swap3A_236] {strides = array<i32>} : memref<2x128xi32, #tpu.memory_space<vmem>>, vector<16xi32>,
    tpu.vector_store %arg13[%swap3A_235, %swap3A_236], %add3A_223 {strides = array<i32>} : memref<2x128xi32, #tpu.memory_space<vmem>>, vector<16xi32>,
    %add3A_238 = arith.constant 128 : i32
    %add3A_239 = arith.addi %mul3A_2, %add3A_238 : i32
    %add3A_240 = vector.broadcast %add3A_239 : i32 to vector<16xi32>
    %add3A_241 = arith.addi %add3A_240, %iota3A : vector<16xi32>
    %swap3A_242 = arith.constant 128 : index
    %swap3A_243 = tpu.vector_load %arg14[%swap3A_242] {strides = array<i32>} : memref<256xi32, #tpu.memory_space<vmem>>, vector<16xi32>,
    tpu.vector_store %arg14[%swap3A_242], %add3A_241 {strides = array<i32>} : memref<256xi32, #tpu.memory_space<vmem>>, vector<16xi32>,
    %get3A_244 = arith.constant 144 : index
    %get3A_245 = tpu.vector_load %arg9[%get3A_244] {strides = array<i32>} : memref<256xi32, #tpu.memory_space<vmem>>, vector<16xi32>,
    %get3A_246 = arith.constant 144 : index
    %get3A_247 = tpu.vector_load %arg10[%get3A_246] {strides = array<i32>} : memref<256xi32, #tpu.memory_space<vmem>>, vector<16xi32>,
    %gather3A_248 = tpu.vector_load_idx %arg12[%get3A_245] : memref<32xi32, #tpu.memory_space<vmem>>[vector<16xi32>], vector<16xi32>,
    %add3A_249 = arith.addi %gather3A_248, %get3A_247 : vector<16xi32>
    %mul3A_250 = arith.constant 1024 : i32
    %mul3A_251 = vector.broadcast %mul3A_250 : i32 to vector<16xi32>
    %mul3A_252 = arith.muli %get3A_245, %mul3A_251 : vector<16xi32>
    %add3A_253 = arith.addi %mul3A_252, %get3A_247 : vector<16xi32>
    %lt3A_254 = arith.constant 1024 : i32
    %lt3A_255 = vector.broadcast %lt3A_254 : i32 to vector<16xi32>
    %lt3A_256 = arith.cmpi slt, %get3A_247, %lt3A_255 : vector<16xi32>
    %select_n3A_257 = arith.select %lt3A_256, %add3A_253, %gather3A : vector<16xi1>, vector<16xi32>
    %swap3A_258 = arith.constant 144 : index
    %swap3A_259 = tpu.vector_load %arg15[%swap3A_258] {strides = array<i32>} : memref<256xi32, #tpu.memory_space<vmem>>, vector<16xi32>,
    tpu.vector_store %arg15[%swap3A_258], %select_n3A_257 {strides = array<i32>} : memref<256xi32, #tpu.memory_space<vmem>>, vector<16xi32>,
    %swap3A_260 = arith.constant 1 : i32
    %swap3A_261 = arith.index_cast %swap3A_260 : i32 to index
    %swap3A_262 = arith.constant 16 : index
    %swap3A_263 = tpu.vector_load %arg13[%swap3A_261, %swap3A_262] {strides = array<i32>} : memref<2x128xi32, #tpu.memory_space<vmem>>, vector<16xi32>,
    tpu.vector_store %arg13[%swap3A_261, %swap3A_262], %add3A_249 {strides = array<i32>} : memref<2x128xi32, #tpu.memory_space<vmem>>, vector<16xi32>,
    %add3A_264 = arith.constant 144 : i32
    %add3A_265 = arith.addi %mul3A_2, %add3A_264 : i32
    %add3A_266 = vector.broadcast %add3A_265 : i32 to vector<16xi32>
    %add3A_267 = arith.addi %add3A_266, %iota3A : vector<16xi32>
    %swap3A_268 = arith.constant 144 : index
    %swap3A_269 = tpu.vector_load %arg14[%swap3A_268] {strides = array<i32>} : memref<256xi32, #tpu.memory_space<vmem>>, vector<16xi32>,
    tpu.vector_store %arg14[%swap3A_268], %add3A_267 {strides = array<i32>} : memref<256xi32, #tpu.memory_space<vmem>>, vector<16xi32>,
    %get3A_270 = arith.constant 160 : index
    %get3A_271 = tpu.vector_load %arg9[%get3A_270] {strides = array<i32>} : memref<256xi32, #tpu.memory_space<vmem>>, vector<16xi32>,
    %get3A_272 = arith.constant 160 : index
    %get3A_273 = tpu.vector_load %arg10[%get3A_272] {strides = array<i32>} : memref<256xi32, #tpu.memory_space<vmem>>, vector<16xi32>,
    %gather3A_274 = tpu.vector_load_idx %arg12[%get3A_271] : memref<32xi32, #tpu.memory_space<vmem>>[vector<16xi32>], vector<16xi32>,
    %add3A_275 = arith.addi %gather3A_274, %get3A_273 : vector<16xi32>
    %mul3A_276 = arith.constant 1024 : i32
    %mul3A_277 = vector.broadcast %mul3A_276 : i32 to vector<16xi32>
    %mul3A_278 = arith.muli %get3A_271, %mul3A_277 : vector<16xi32>
    %add3A_279 = arith.addi %mul3A_278, %get3A_273 : vector<16xi32>
    %lt3A_280 = arith.constant 1024 : i32
    %lt3A_281 = vector.broadcast %lt3A_280 : i32 to vector<16xi32>
    %lt3A_282 = arith.cmpi slt, %get3A_273, %lt3A_281 : vector<16xi32>
    %select_n3A_283 = arith.select %lt3A_282, %add3A_279, %gather3A : vector<16xi1>, vector<16xi32>
    %swap3A_284 = arith.constant 160 : index
    %swap3A_285 = tpu.vector_load %arg15[%swap3A_284] {strides = array<i32>} : memref<256xi32, #tpu.memory_space<vmem>>, vector<16xi32>,
    tpu.vector_store %arg15[%swap3A_284], %select_n3A_283 {strides = array<i32>} : memref<256xi32, #tpu.memory_space<vmem>>, vector<16xi32>,
    %swap3A_286 = arith.constant 1 : i32
    %swap3A_287 = arith.index_cast %swap3A_286 : i32 to index
    %swap3A_288 = arith.constant 32 : index
    %swap3A_289 = tpu.vector_load %arg13[%swap3A_287, %swap3A_288] {strides = array<i32>} : memref<2x128xi32, #tpu.memory_space<vmem>>, vector<16xi32>,
    tpu.vector_store %arg13[%swap3A_287, %swap3A_288], %add3A_275 {strides = array<i32>} : memref<2x128xi32, #tpu.memory_space<vmem>>, vector<16xi32>,
    %add3A_290 = arith.constant 160 : i32
    %add3A_291 = arith.addi %mul3A_2, %add3A_290 : i32
    %add3A_292 = vector.broadcast %add3A_291 : i32 to vector<16xi32>
    %add3A_293 = arith.addi %add3A_292, %iota3A : vector<16xi32>
    %swap3A_294 = arith.constant 160 : index
    %swap3A_295 = tpu.vector_load %arg14[%swap3A_294] {strides = array<i32>} : memref<256xi32, #tpu.memory_space<vmem>>, vector<16xi32>,
    tpu.vector_store %arg14[%swap3A_294], %add3A_293 {strides = array<i32>} : memref<256xi32, #tpu.memory_space<vmem>>, vector<16xi32>,
    %get3A_296 = arith.constant 176 : index
    %get3A_297 = tpu.vector_load %arg9[%get3A_296] {strides = array<i32>} : memref<256xi32, #tpu.memory_space<vmem>>, vector<16xi32>,
    %get3A_298 = arith.constant 176 : index
    %get3A_299 = tpu.vector_load %arg10[%get3A_298] {strides = array<i32>} : memref<256xi32, #tpu.memory_space<vmem>>, vector<16xi32>,
    %gather3A_300 = tpu.vector_load_idx %arg12[%get3A_297] : memref<32xi32, #tpu.memory_space<vmem>>[vector<16xi32>], vector<16xi32>,
    %add3A_301 = arith.addi %gather3A_300, %get3A_299 : vector<16xi32>
    %mul3A_302 = arith.constant 1024 : i32
    %mul3A_303 = vector.broadcast %mul3A_302 : i32 to vector<16xi32>
    %mul3A_304 = arith.muli %get3A_297, %mul3A_303 : vector<16xi32>
    %add3A_305 = arith.addi %mul3A_304, %get3A_299 : vector<16xi32>
    %lt3A_306 = arith.constant 1024 : i32
    %lt3A_307 = vector.broadcast %lt3A_306 : i32 to vector<16xi32>
    %lt3A_308 = arith.cmpi slt, %get3A_299, %lt3A_307 : vector<16xi32>
    %select_n3A_309 = arith.select %lt3A_308, %add3A_305, %gather3A : vector<16xi1>, vector<16xi32>
    %swap3A_310 = arith.constant 176 : index
    %swap3A_311 = tpu.vector_load %arg15[%swap3A_310] {strides = array<i32>} : memref<256xi32, #tpu.memory_space<vmem>>, vector<16xi32>,
    tpu.vector_store %arg15[%swap3A_310], %select_n3A_309 {strides = array<i32>} : memref<256xi32, #tpu.memory_space<vmem>>, vector<16xi32>,
    %swap3A_312 = arith.constant 1 : i32
    %swap3A_313 = arith.index_cast %swap3A_312 : i32 to index
    %swap3A_314 = arith.constant 48 : index
    %swap3A_315 = tpu.vector_load %arg13[%swap3A_313, %swap3A_314] {strides = array<i32>} : memref<2x128xi32, #tpu.memory_space<vmem>>, vector<16xi32>,
    tpu.vector_store %arg13[%swap3A_313, %swap3A_314], %add3A_301 {strides = array<i32>} : memref<2x128xi32, #tpu.memory_space<vmem>>, vector<16xi32>,
    %add3A_316 = arith.constant 176 : i32
    %add3A_317 = arith.addi %mul3A_2, %add3A_316 : i32
    %add3A_318 = vector.broadcast %add3A_317 : i32 to vector<16xi32>
    %add3A_319 = arith.addi %add3A_318, %iota3A : vector<16xi32>
    %swap3A_320 = arith.constant 176 : index
    %swap3A_321 = tpu.vector_load %arg14[%swap3A_320] {strides = array<i32>} : memref<256xi32, #tpu.memory_space<vmem>>, vector<16xi32>,
    tpu.vector_store %arg14[%swap3A_320], %add3A_319 {strides = array<i32>} : memref<256xi32, #tpu.memory_space<vmem>>, vector<16xi32>,
    %get3A_322 = arith.constant 192 : index
    %get3A_323 = tpu.vector_load %arg9[%get3A_322] {strides = array<i32>} : memref<256xi32, #tpu.memory_space<vmem>>, vector<16xi32>,
    %get3A_324 = arith.constant 192 : index
    %get3A_325 = tpu.vector_load %arg10[%get3A_324] {strides = array<i32>} : memref<256xi32, #tpu.memory_space<vmem>>, vector<16xi32>,
    %gather3A_326 = tpu.vector_load_idx %arg12[%get3A_323] : memref<32xi32, #tpu.memory_space<vmem>>[vector<16xi32>], vector<16xi32>,
    %add3A_327 = arith.addi %gather3A_326, %get3A_325 : vector<16xi32>
    %mul3A_328 = arith.constant 1024 : i32
    %mul3A_329 = vector.broadcast %mul3A_328 : i32 to vector<16xi32>
    %mul3A_330 = arith.muli %get3A_323, %mul3A_329 : vector<16xi32>
    %add3A_331 = arith.addi %mul3A_330, %get3A_325 : vector<16xi32>
    %lt3A_332 = arith.constant 1024 : i32
    %lt3A_333 = vector.broadcast %lt3A_332 : i32 to vector<16xi32>
    %lt3A_334 = arith.cmpi slt, %get3A_325, %lt3A_333 : vector<16xi32>
    %select_n3A_335 = arith.select %lt3A_334, %add3A_331, %gather3A : vector<16xi1>, vector<16xi32>
    %swap3A_336 = arith.constant 192 : index
    %swap3A_337 = tpu.vector_load %arg15[%swap3A_336] {strides = array<i32>} : memref<256xi32, #tpu.memory_space<vmem>>, vector<16xi32>,
    tpu.vector_store %arg15[%swap3A_336], %select_n3A_335 {strides = array<i32>} : memref<256xi32, #tpu.memory_space<vmem>>, vector<16xi32>,
    %swap3A_338 = arith.constant 1 : i32
    %swap3A_339 = arith.index_cast %swap3A_338 : i32 to index
    %swap3A_340 = arith.constant 64 : index
    %swap3A_341 = tpu.vector_load %arg13[%swap3A_339, %swap3A_340] {strides = array<i32>} : memref<2x128xi32, #tpu.memory_space<vmem>>, vector<16xi32>,
    tpu.vector_store %arg13[%swap3A_339, %swap3A_340], %add3A_327 {strides = array<i32>} : memref<2x128xi32, #tpu.memory_space<vmem>>, vector<16xi32>,
    %add3A_342 = arith.constant 192 : i32
    %add3A_343 = arith.addi %mul3A_2, %add3A_342 : i32
    %add3A_344 = vector.broadcast %add3A_343 : i32 to vector<16xi32>
    %add3A_345 = arith.addi %add3A_344, %iota3A : vector<16xi32>
    %swap3A_346 = arith.constant 192 : index
    %swap3A_347 = tpu.vector_load %arg14[%swap3A_346] {strides = array<i32>} : memref<256xi32, #tpu.memory_space<vmem>>, vector<16xi32>,
    tpu.vector_store %arg14[%swap3A_346], %add3A_345 {strides = array<i32>} : memref<256xi32, #tpu.memory_space<vmem>>, vector<16xi32>,
    %get3A_348 = arith.constant 208 : index
    %get3A_349 = tpu.vector_load %arg9[%get3A_348] {strides = array<i32>} : memref<256xi32, #tpu.memory_space<vmem>>, vector<16xi32>,
    %get3A_350 = arith.constant 208 : index
    %get3A_351 = tpu.vector_load %arg10[%get3A_350] {strides = array<i32>} : memref<256xi32, #tpu.memory_space<vmem>>, vector<16xi32>,
    %gather3A_352 = tpu.vector_load_idx %arg12[%get3A_349] : memref<32xi32, #tpu.memory_space<vmem>>[vector<16xi32>], vector<16xi32>,
    %add3A_353 = arith.addi %gather3A_352, %get3A_351 : vector<16xi32>
    %mul3A_354 = arith.constant 1024 : i32
    %mul3A_355 = vector.broadcast %mul3A_354 : i32 to vector<16xi32>
    %mul3A_356 = arith.muli %get3A_349, %mul3A_355 : vector<16xi32>
    %add3A_357 = arith.addi %mul3A_356, %get3A_351 : vector<16xi32>
    %lt3A_358 = arith.constant 1024 : i32
    %lt3A_359 = vector.broadcast %lt3A_358 : i32 to vector<16xi32>
    %lt3A_360 = arith.cmpi slt, %get3A_351, %lt3A_359 : vector<16xi32>
    %select_n3A_361 = arith.select %lt3A_360, %add3A_357, %gather3A : vector<16xi1>, vector<16xi32>
    %swap3A_362 = arith.constant 208 : index
    %swap3A_363 = tpu.vector_load %arg15[%swap3A_362] {strides = array<i32>} : memref<256xi32, #tpu.memory_space<vmem>>, vector<16xi32>,
    tpu.vector_store %arg15[%swap3A_362], %select_n3A_361 {strides = array<i32>} : memref<256xi32, #tpu.memory_space<vmem>>, vector<16xi32>,
    %swap3A_364 = arith.constant 1 : i32
    %swap3A_365 = arith.index_cast %swap3A_364 : i32 to index
    %swap3A_366 = arith.constant 80 : index
    %swap3A_367 = tpu.vector_load %arg13[%swap3A_365, %swap3A_366] {strides = array<i32>} : memref<2x128xi32, #tpu.memory_space<vmem>>, vector<16xi32>,
    tpu.vector_store %arg13[%swap3A_365, %swap3A_366], %add3A_353 {strides = array<i32>} : memref<2x128xi32, #tpu.memory_space<vmem>>, vector<16xi32>,
    %add3A_368 = arith.constant 208 : i32
    %add3A_369 = arith.addi %mul3A_2, %add3A_368 : i32
    %add3A_370 = vector.broadcast %add3A_369 : i32 to vector<16xi32>
    %add3A_371 = arith.addi %add3A_370, %iota3A : vector<16xi32>
    %swap3A_372 = arith.constant 208 : index
    %swap3A_373 = tpu.vector_load %arg14[%swap3A_372] {strides = array<i32>} : memref<256xi32, #tpu.memory_space<vmem>>, vector<16xi32>,
    tpu.vector_store %arg14[%swap3A_372], %add3A_371 {strides = array<i32>} : memref<256xi32, #tpu.memory_space<vmem>>, vector<16xi32>,
    %get3A_374 = arith.constant 224 : index
    %get3A_375 = tpu.vector_load %arg9[%get3A_374] {strides = array<i32>} : memref<256xi32, #tpu.memory_space<vmem>>, vector<16xi32>,
    %get3A_376 = arith.constant 224 : index
    %get3A_377 = tpu.vector_load %arg10[%get3A_376] {strides = array<i32>} : memref<256xi32, #tpu.memory_space<vmem>>, vector<16xi32>,
    %gather3A_378 = tpu.vector_load_idx %arg12[%get3A_375] : memref<32xi32, #tpu.memory_space<vmem>>[vector<16xi32>], vector<16xi32>,
    %add3A_379 = arith.addi %gather3A_378, %get3A_377 : vector<16xi32>
    %mul3A_380 = arith.constant 1024 : i32
    %mul3A_381 = vector.broadcast %mul3A_380 : i32 to vector<16xi32>
    %mul3A_382 = arith.muli %get3A_375, %mul3A_381 : vector<16xi32>
    %add3A_383 = arith.addi %mul3A_382, %get3A_377 : vector<16xi32>
    %lt3A_384 = arith.constant 1024 : i32
    %lt3A_385 = vector.broadcast %lt3A_384 : i32 to vector<16xi32>
    %lt3A_386 = arith.cmpi slt, %get3A_377, %lt3A_385 : vector<16xi32>
    %select_n3A_387 = arith.select %lt3A_386, %add3A_383, %gather3A : vector<16xi1>, vector<16xi32>
    %swap3A_388 = arith.constant 224 : index
    %swap3A_389 = tpu.vector_load %arg15[%swap3A_388] {strides = array<i32>} : memref<256xi32, #tpu.memory_space<vmem>>, vector<16xi32>,
    tpu.vector_store %arg15[%swap3A_388], %select_n3A_387 {strides = array<i32>} : memref<256xi32, #tpu.memory_space<vmem>>, vector<16xi32>,
    %swap3A_390 = arith.constant 1 : i32
    %swap3A_391 = arith.index_cast %swap3A_390 : i32 to index
    %swap3A_392 = arith.constant 96 : index
    %swap3A_393 = tpu.vector_load %arg13[%swap3A_391, %swap3A_392] {strides = array<i32>} : memref<2x128xi32, #tpu.memory_space<vmem>>, vector<16xi32>,
    tpu.vector_store %arg13[%swap3A_391, %swap3A_392], %add3A_379 {strides = array<i32>} : memref<2x128xi32, #tpu.memory_space<vmem>>, vector<16xi32>,
    %add3A_394 = arith.constant 224 : i32
    %add3A_395 = arith.addi %mul3A_2, %add3A_394 : i32
    %add3A_396 = vector.broadcast %add3A_395 : i32 to vector<16xi32>
    %add3A_397 = arith.addi %add3A_396, %iota3A : vector<16xi32>
    %swap3A_398 = arith.constant 224 : index
    %swap3A_399 = tpu.vector_load %arg14[%swap3A_398] {strides = array<i32>} : memref<256xi32, #tpu.memory_space<vmem>>, vector<16xi32>,
    tpu.vector_store %arg14[%swap3A_398], %add3A_397 {strides = array<i32>} : memref<256xi32, #tpu.memory_space<vmem>>, vector<16xi32>,
    %get3A_400 = arith.constant 240 : index
    %get3A_401 = tpu.vector_load %arg9[%get3A_400] {strides = array<i32>} : memref<256xi32, #tpu.memory_space<vmem>>, vector<16xi32>,
    %get3A_402 = arith.constant 240 : index
    %get3A_403 = tpu.vector_load %arg10[%get3A_402] {strides = array<i32>} : memref<256xi32, #tpu.memory_space<vmem>>, vector<16xi32>,
    %gather3A_404 = tpu.vector_load_idx %arg12[%get3A_401] : memref<32xi32, #tpu.memory_space<vmem>>[vector<16xi32>], vector<16xi32>,
    %add3A_405 = arith.addi %gather3A_404, %get3A_403 : vector<16xi32>
    %mul3A_406 = arith.constant 1024 : i32
    %mul3A_407 = vector.broadcast %mul3A_406 : i32 to vector<16xi32>
    %mul3A_408 = arith.muli %get3A_401, %mul3A_407 : vector<16xi32>
    %add3A_409 = arith.addi %mul3A_408, %get3A_403 : vector<16xi32>
    %lt3A_410 = arith.constant 1024 : i32
    %lt3A_411 = vector.broadcast %lt3A_410 : i32 to vector<16xi32>
    %lt3A_412 = arith.cmpi slt, %get3A_403, %lt3A_411 : vector<16xi32>
    %select_n3A_413 = arith.select %lt3A_412, %add3A_409, %gather3A : vector<16xi1>, vector<16xi32>
    %swap3A_414 = arith.constant 240 : index
    %swap3A_415 = tpu.vector_load %arg15[%swap3A_414] {strides = array<i32>} : memref<256xi32, #tpu.memory_space<vmem>>, vector<16xi32>,
    tpu.vector_store %arg15[%swap3A_414], %select_n3A_413 {strides = array<i32>} : memref<256xi32, #tpu.memory_space<vmem>>, vector<16xi32>,
    %swap3A_416 = arith.constant 1 : i32
    %swap3A_417 = arith.index_cast %swap3A_416 : i32 to index
    %swap3A_418 = arith.constant 112 : index
    %swap3A_419 = tpu.vector_load %arg13[%swap3A_417, %swap3A_418] {strides = array<i32>} : memref<2x128xi32, #tpu.memory_space<vmem>>, vector<16xi32>,
    tpu.vector_store %arg13[%swap3A_417, %swap3A_418], %add3A_405 {strides = array<i32>} : memref<2x128xi32, #tpu.memory_space<vmem>>, vector<16xi32>,
    %add3A_420 = arith.constant 240 : i32
    %add3A_421 = arith.addi %mul3A_2, %add3A_420 : i32
    %add3A_422 = vector.broadcast %add3A_421 : i32 to vector<16xi32>
    %add3A_423 = arith.addi %add3A_422, %iota3A : vector<16xi32>
    %swap3A_424 = arith.constant 240 : index
    %swap3A_425 = tpu.vector_load %arg14[%swap3A_424] {strides = array<i32>} : memref<256xi32, #tpu.memory_space<vmem>>, vector<16xi32>,
    tpu.vector_store %arg14[%swap3A_424], %add3A_423 {strides = array<i32>} : memref<256xi32, #tpu.memory_space<vmem>>, vector<16xi32>,
    %dma_start3A_426 = tpu.memref_slice %arg8[%mul3A_2] : memref<8192xi32, #tpu.memory_space<hbm>> -> memref<256xi32, #tpu.memory_space<hbm>>
    %dma_start3A_427 = tpu.memref_slice %arg8[%mul3A_2] : memref<8192xi32, #tpu.memory_space<hbm>> -> memref<256xi32, #tpu.memory_space<hbm>>
    tpu.enqueue_dma source(%arg15 : memref<256xi32, #tpu.memory_space<vmem>>) target(%dma_start3A_427 : memref<256xi32, #tpu.memory_space<hbm>>) target_semaphore(%arg16 : memref<!tpu.dma_semaphore, #tpu.memory_space<semaphore_mem>>)
    %dma_start3A_428 = arith.constant 0 : i32
    %dma_start3A_429 = arith.constant 0 : i32
    %dma_start3A_430 = tpu.memref_slice %arg14[%dma_start3A_429] : memref<256xi32, #tpu.memory_space<vmem>> -> memref<128xi32, #tpu.memory_space<vmem>>
    %dma_start3A_431 = arith.constant 0 : i32
    %dma_start3A_432 = tpu.memref_slice %arg13[%dma_start3A_428, %dma_start3A_431] : memref<2x128xi32, #tpu.memory_space<vmem>> -> memref<1x128xi32, #tpu.memory_space<vmem>>
    %dma_start3A_433 = tpu.memref_squeeze %dma_start3A_432 : memref<1x128xi32, #tpu.memory_space<vmem>> -> memref<128xi32, #tpu.memory_space<vmem>>
    %dma_start3A_434 = arith.constant 0 : i32
    %dma_start3A_435 = tpu.memref_slice %arg6[%dma_start3A_434] : memref<8192xi32, #tpu.memory_space<hbm>> -> memref<8192xi32, #tpu.memory_space<hbm>>
    tpu.enqueue_indirect_dma source(%dma_start3A_430 : memref<128xi32, #tpu.memory_space<vmem>>) target(%dma_start3A_435 : memref<8192xi32, #tpu.memory_space<hbm>>) offsets(%dma_start3A_433 : memref<128xi32, #tpu.memory_space<vmem>>) semaphore(%arg16 : memref<!tpu.dma_semaphore, #tpu.memory_space<semaphore_mem>>)
    %dma_start3A_436 = arith.constant 0 : i32
    %dma_start3A_437 = arith.constant 0 : i32
    %dma_start3A_438 = tpu.memref_slice %arg11[%dma_start3A_437] : memref<256xf32, #tpu.memory_space<vmem>> -> memref<128xf32, #tpu.memory_space<vmem>>
    %dma_start3A_439 = arith.constant 0 : i32
    %dma_start3A_440 = tpu.memref_slice %arg13[%dma_start3A_436, %dma_start3A_439] : memref<2x128xi32, #tpu.memory_space<vmem>> -> memref<1x128xi32, #tpu.memory_space<vmem>>
    %dma_start3A_441 = tpu.memref_squeeze %dma_start3A_440 : memref<1x128xi32, #tpu.memory_space<vmem>> -> memref<128xi32, #tpu.memory_space<vmem>>
    %dma_start3A_442 = arith.constant 0 : i32
    %dma_start3A_443 = tpu.memref_slice %arg7[%dma_start3A_442] : memref<8192xf32, #tpu.memory_space<hbm>> -> memref<8192xf32, #tpu.memory_space<hbm>>
    tpu.enqueue_indirect_dma source(%dma_start3A_438 : memref<128xf32, #tpu.memory_space<vmem>>) target(%dma_start3A_443 : memref<8192xf32, #tpu.memory_space<hbm>>) offsets(%dma_start3A_441 : memref<128xi32, #tpu.memory_space<vmem>>) semaphore(%arg16 : memref<!tpu.dma_semaphore, #tpu.memory_space<semaphore_mem>>)
    %dma_start3A_444 = arith.constant 1 : i32
    %dma_start3A_445 = arith.constant 128 : i32
    %dma_start3A_446 = tpu.memref_slice %arg14[%dma_start3A_445] : memref<256xi32, #tpu.memory_space<vmem>> -> memref<128xi32, #tpu.memory_space<vmem>>
    %dma_start3A_447 = arith.constant 0 : i32
    %dma_start3A_448 = tpu.memref_slice %arg13[%dma_start3A_444, %dma_start3A_447] : memref<2x128xi32, #tpu.memory_space<vmem>> -> memref<1x128xi32, #tpu.memory_space<vmem>>
    %dma_start3A_449 = tpu.memref_squeeze %dma_start3A_448 : memref<1x128xi32, #tpu.memory_space<vmem>> -> memref<128xi32, #tpu.memory_space<vmem>>
    %dma_start3A_450 = arith.constant 0 : i32
    %dma_start3A_451 = tpu.memref_slice %arg6[%dma_start3A_450] : memref<8192xi32, #tpu.memory_space<hbm>> -> memref<8192xi32, #tpu.memory_space<hbm>>
    tpu.enqueue_indirect_dma source(%dma_start3A_446 : memref<128xi32, #tpu.memory_space<vmem>>) target(%dma_start3A_451 : memref<8192xi32, #tpu.memory_space<hbm>>) offsets(%dma_start3A_449 : memref<128xi32, #tpu.memory_space<vmem>>) semaphore(%arg16 : memref<!tpu.dma_semaphore, #tpu.memory_space<semaphore_mem>>)
    %dma_start3A_452 = arith.constant 1 : i32
    %dma_start3A_453 = arith.constant 128 : i32
    %dma_start3A_454 = tpu.memref_slice %arg11[%dma_start3A_453] : memref<256xf32, #tpu.memory_space<vmem>> -> memref<128xf32, #tpu.memory_space<vmem>>
    %dma_start3A_455 = arith.constant 0 : i32
    %dma_start3A_456 = tpu.memref_slice %arg13[%dma_start3A_452, %dma_start3A_455] : memref<2x128xi32, #tpu.memory_space<vmem>> -> memref<1x128xi32, #tpu.memory_space<vmem>>
    %dma_start3A_457 = tpu.memref_squeeze %dma_start3A_456 : memref<1x128xi32, #tpu.memory_space<vmem>> -> memref<128xi32, #tpu.memory_space<vmem>>
    %dma_start3A_458 = arith.constant 0 : i32
    %dma_start3A_459 = tpu.memref_slice %arg7[%dma_start3A_458] : memref<8192xf32, #tpu.memory_space<hbm>> -> memref<8192xf32, #tpu.memory_space<hbm>>
    tpu.enqueue_indirect_dma source(%dma_start3A_454 : memref<128xf32, #tpu.memory_space<vmem>>) target(%dma_start3A_459 : memref<8192xf32, #tpu.memory_space<hbm>>) offsets(%dma_start3A_457 : memref<128xi32, #tpu.memory_space<vmem>>) semaphore(%arg16 : memref<!tpu.dma_semaphore, #tpu.memory_space<semaphore_mem>>)
    %dma_wait3A_460 = tpu.memref_slice %arg8[%mul3A_2] : memref<8192xi32, #tpu.memory_space<hbm>> -> memref<256xi32, #tpu.memory_space<hbm>>
    %dma_wait3A_461 = tpu.memref_slice %arg8[%mul3A_2] : memref<8192xi32, #tpu.memory_space<hbm>> -> memref<256xi32, #tpu.memory_space<hbm>>
    tpu.wait_dma2 semaphore(%arg16 : memref<!tpu.dma_semaphore, #tpu.memory_space<semaphore_mem>>) src(%arg15 : memref<256xi32, #tpu.memory_space<vmem>>) dst(%dma_wait3A_461 : memref<256xi32, #tpu.memory_space<hbm>>)
    %dma_wait3A_462 = arith.constant 0 : i32
    %dma_wait3A_463 = arith.constant 0 : i32
    %dma_wait3A_464 = tpu.memref_slice %arg14[%dma_wait3A_463] : memref<256xi32, #tpu.memory_space<vmem>> -> memref<128xi32, #tpu.memory_space<vmem>>
    %dma_wait3A_465 = arith.constant 0 : i32
    %dma_wait3A_466 = tpu.memref_slice %arg13[%dma_wait3A_462, %dma_wait3A_465] : memref<2x128xi32, #tpu.memory_space<vmem>> -> memref<1x128xi32, #tpu.memory_space<vmem>>
    %dma_wait3A_467 = tpu.memref_squeeze %dma_wait3A_466 : memref<1x128xi32, #tpu.memory_space<vmem>> -> memref<128xi32, #tpu.memory_space<vmem>>
    %dma_wait3A_468 = arith.constant 0 : i32
    %dma_wait3A_469 = tpu.memref_slice %arg6[%dma_wait3A_468] : memref<8192xi32, #tpu.memory_space<hbm>> -> memref<8192xi32, #tpu.memory_space<hbm>>
    tpu.wait_indirect_dma semaphore(%arg16 : memref<!tpu.dma_semaphore, #tpu.memory_space<semaphore_mem>>) src(%dma_wait3A_464 : memref<128xi32, #tpu.memory_space<vmem>>) dst(%dma_wait3A_469 : memref<8192xi32, #tpu.memory_space<hbm>>)
    %dma_wait3A_470 = arith.constant 0 : i32
    %dma_wait3A_471 = arith.constant 0 : i32
    %dma_wait3A_472 = tpu.memref_slice %arg11[%dma_wait3A_471] : memref<256xf32, #tpu.memory_space<vmem>> -> memref<128xf32, #tpu.memory_space<vmem>>
    %dma_wait3A_473 = arith.constant 0 : i32
    %dma_wait3A_474 = tpu.memref_slice %arg13[%dma_wait3A_470, %dma_wait3A_473] : memref<2x128xi32, #tpu.memory_space<vmem>> -> memref<1x128xi32, #tpu.memory_space<vmem>>
    %dma_wait3A_475 = tpu.memref_squeeze %dma_wait3A_474 : memref<1x128xi32, #tpu.memory_space<vmem>> -> memref<128xi32, #tpu.memory_space<vmem>>
    %dma_wait3A_476 = arith.constant 0 : i32
    %dma_wait3A_477 = tpu.memref_slice %arg7[%dma_wait3A_476] : memref<8192xf32, #tpu.memory_space<hbm>> -> memref<8192xf32, #tpu.memory_space<hbm>>
    tpu.wait_indirect_dma semaphore(%arg16 : memref<!tpu.dma_semaphore, #tpu.memory_space<semaphore_mem>>) src(%dma_wait3A_472 : memref<128xf32, #tpu.memory_space<vmem>>) dst(%dma_wait3A_477 : memref<8192xf32, #tpu.memory_space<hbm>>)
    %dma_wait3A_478 = arith.constant 1 : i32
    %dma_wait3A_479 = arith.constant 128 : i32
    %dma_wait3A_480 = tpu.memref_slice %arg14[%dma_wait3A_479] : memref<256xi32, #tpu.memory_space<vmem>> -> memref<128xi32, #tpu.memory_space<vmem>>
    %dma_wait3A_481 = arith.constant 0 : i32
    %dma_wait3A_482 = tpu.memref_slice %arg13[%dma_wait3A_478, %dma_wait3A_481] : memref<2x128xi32, #tpu.memory_space<vmem>> -> memref<1x128xi32, #tpu.memory_space<vmem>>
    %dma_wait3A_483 = tpu.memref_squeeze %dma_wait3A_482 : memref<1x128xi32, #tpu.memory_space<vmem>> -> memref<128xi32, #tpu.memory_space<vmem>>
    %dma_wait3A_484 = arith.constant 0 : i32
    %dma_wait3A_485 = tpu.memref_slice %arg6[%dma_wait3A_484] : memref<8192xi32, #tpu.memory_space<hbm>> -> memref<8192xi32, #tpu.memory_space<hbm>>
    tpu.wait_indirect_dma semaphore(%arg16 : memref<!tpu.dma_semaphore, #tpu.memory_space<semaphore_mem>>) src(%dma_wait3A_480 : memref<128xi32, #tpu.memory_space<vmem>>) dst(%dma_wait3A_485 : memref<8192xi32, #tpu.memory_space<hbm>>)
    %dma_wait3A_486 = arith.constant 1 : i32
    %dma_wait3A_487 = arith.constant 128 : i32
    %dma_wait3A_488 = tpu.memref_slice %arg11[%dma_wait3A_487] : memref<256xf32, #tpu.memory_space<vmem>> -> memref<128xf32, #tpu.memory_space<vmem>>
    %dma_wait3A_489 = arith.constant 0 : i32
    %dma_wait3A_490 = tpu.memref_slice %arg13[%dma_wait3A_486, %dma_wait3A_489] : memref<2x128xi32, #tpu.memory_space<vmem>> -> memref<1x128xi32, #tpu.memory_space<vmem>>
    %dma_wait3A_491 = tpu.memref_squeeze %dma_wait3A_490 : memref<1x128xi32, #tpu.memory_space<vmem>> -> memref<128xi32, #tpu.memory_space<vmem>>
    %dma_wait3A_492 = arith.constant 0 : i32
    %dma_wait3A_493 = tpu.memref_slice %arg7[%dma_wait3A_492] : memref<8192xf32, #tpu.memory_space<hbm>> -> memref<8192xf32, #tpu.memory_space<hbm>>
    tpu.wait_indirect_dma semaphore(%arg16 : memref<!tpu.dma_semaphore, #tpu.memory_space<semaphore_mem>>) src(%dma_wait3A_488 : memref<128xf32, #tpu.memory_space<vmem>>) dst(%dma_wait3A_493 : memref<8192xf32, #tpu.memory_space<hbm>>)
    return
  }
}

#map = affine_map<(d0, d1) -> (0, 0)>
#map1 = affine_map<(d0, d1) -> (0)>
module attributes {stable_mosaic.version = 14 : i64} {
  func.func @_combine_body(%arg0: i32, %arg1: i32, %arg2: memref<8192x1024xf32, #tpu.memory_space<hbm>>, %arg3: memref<8192xi32, #tpu.memory_space<hbm>>, %arg4: memref<8192x1024xf32, #tpu.memory_space<hbm>>, %arg5: memref<256xi32, #tpu.memory_space<vmem>>, %arg6: memref<32x1024xf32, #tpu.memory_space<vmem>>, %arg7: memref<32x1024xf32, #tpu.memory_space<vmem>>, %arg8: memref<!tpu.dma_semaphore, #tpu.memory_space<semaphore_mem>>, %arg9: memref<!tpu.dma_semaphore, #tpu.memory_space<semaphore_mem>>) attributes {dimension_semantics = [#tpu.dimension_semantics<core_parallel>, #tpu.dimension_semantics<subcore_parallel>], iteration_bounds = array<i64: 2, 16>, scalar_prefetch = 0 : i64, scratch_operands = 5 : i64, tpu.core_type = #tpu.core_type<sc_vector_subcore>, window_params = [{transform_indices = #map}, {transform_indices = #map1}, {transform_indices = #map}]} {
    %mul3A = arith.constant 2 : i32
    %mul3A_0 = arith.muli %arg1, %mul3A : i32
    %add3A = arith.addi %mul3A_0, %arg0 : i32
    %mul3A_1 = arith.constant 256 : i32
    %mul3A_2 = arith.muli %add3A, %mul3A_1 : i32
    "tpu.region"() ({
      %run_scoped3A = tpu.sem_alloc : memref<!tpu.dma_semaphore, #tpu.memory_space<semaphore_mem>>
      %dma_start3A_97 = tpu.memref_slice %arg3[%mul3A_2] : memref<8192xi32, #tpu.memory_space<hbm>> -> memref<256xi32, #tpu.memory_space<hbm>>
      %dma_start3A_98 = tpu.memref_slice %arg3[%mul3A_2] : memref<8192xi32, #tpu.memory_space<hbm>> -> memref<256xi32, #tpu.memory_space<hbm>>
      tpu.enqueue_dma source(%dma_start3A_98 : memref<256xi32, #tpu.memory_space<hbm>>) target(%arg5 : memref<256xi32, #tpu.memory_space<vmem>>) target_semaphore(%run_scoped3A : memref<!tpu.dma_semaphore, #tpu.memory_space<semaphore_mem>>)
      %dma_wait3A_99 = tpu.memref_slice %arg3[%mul3A_2] : memref<8192xi32, #tpu.memory_space<hbm>> -> memref<256xi32, #tpu.memory_space<hbm>>
      %dma_wait3A_100 = tpu.memref_slice %arg3[%mul3A_2] : memref<8192xi32, #tpu.memory_space<hbm>> -> memref<256xi32, #tpu.memory_space<hbm>>
      tpu.wait_dma2 semaphore(%run_scoped3A : memref<!tpu.dma_semaphore, #tpu.memory_space<semaphore_mem>>) src(%dma_wait3A_100 : memref<256xi32, #tpu.memory_space<hbm>>) dst(%arg5 : memref<256xi32, #tpu.memory_space<vmem>>)
      tpu.yield
    }) : () -> ()
    %dma_start3A = arith.constant 0 : i32
    %dma_start3A_3 = tpu.memref_slice %arg5[%dma_start3A] : memref<256xi32, #tpu.memory_space<vmem>> -> memref<32xi32, #tpu.memory_space<vmem>>
    %dma_start3A_4 = arith.constant 0 : i32
    %dma_start3A_5 = arith.constant 0 : i32
    %dma_start3A_6 = tpu.memref_slice %arg2[%dma_start3A_4, %dma_start3A_5] : memref<8192x1024xf32, #tpu.memory_space<hbm>> -> memref<8192x1024xf32, #tpu.memory_space<hbm>>
    tpu.enqueue_indirect_dma source(%dma_start3A_6 : memref<8192x1024xf32, #tpu.memory_space<hbm>>) target(%arg6 : memref<32x1024xf32, #tpu.memory_space<vmem>>) offsets(%dma_start3A_3 : memref<32xi32, #tpu.memory_space<vmem>>) semaphore(%arg8 : memref<!tpu.dma_semaphore, #tpu.memory_space<semaphore_mem>>)
    %dma_start3A_7 = arith.constant 32 : i32
    %dma_start3A_8 = tpu.memref_slice %arg5[%dma_start3A_7] : memref<256xi32, #tpu.memory_space<vmem>> -> memref<32xi32, #tpu.memory_space<vmem>>
    %dma_start3A_9 = arith.constant 0 : i32
    %dma_start3A_10 = arith.constant 0 : i32
    %dma_start3A_11 = tpu.memref_slice %arg2[%dma_start3A_9, %dma_start3A_10] : memref<8192x1024xf32, #tpu.memory_space<hbm>> -> memref<8192x1024xf32, #tpu.memory_space<hbm>>
    tpu.enqueue_indirect_dma source(%dma_start3A_11 : memref<8192x1024xf32, #tpu.memory_space<hbm>>) target(%arg7 : memref<32x1024xf32, #tpu.memory_space<vmem>>) offsets(%dma_start3A_8 : memref<32xi32, #tpu.memory_space<vmem>>) semaphore(%arg9 : memref<!tpu.dma_semaphore, #tpu.memory_space<semaphore_mem>>)
    %dma_wait3A = arith.constant 0 : i32
    %dma_wait3A_12 = tpu.memref_slice %arg5[%dma_wait3A] : memref<256xi32, #tpu.memory_space<vmem>> -> memref<32xi32, #tpu.memory_space<vmem>>
    %dma_wait3A_13 = arith.constant 0 : i32
    %dma_wait3A_14 = arith.constant 0 : i32
    %dma_wait3A_15 = tpu.memref_slice %arg2[%dma_wait3A_13, %dma_wait3A_14] : memref<8192x1024xf32, #tpu.memory_space<hbm>> -> memref<8192x1024xf32, #tpu.memory_space<hbm>>
    tpu.wait_indirect_dma semaphore(%arg8 : memref<!tpu.dma_semaphore, #tpu.memory_space<semaphore_mem>>) src(%dma_wait3A_15 : memref<8192x1024xf32, #tpu.memory_space<hbm>>) dst(%arg6 : memref<32x1024xf32, #tpu.memory_space<vmem>>)
    %add3A_16 = arith.constant 0 : i32
    %add3A_17 = arith.addi %mul3A_2, %add3A_16 : i32
    "tpu.region"() ({
      %run_scoped3A = tpu.sem_alloc : memref<!tpu.dma_semaphore, #tpu.memory_space<semaphore_mem>>
      %dma_start3A_97 = arith.constant 0 : i32
      %dma_start3A_98 = tpu.memref_slice %arg4[%add3A_17, %dma_start3A_97] : memref<8192x1024xf32, #tpu.memory_space<hbm>> -> memref<32x1024xf32, #tpu.memory_space<hbm>>
      %dma_start3A_99 = arith.constant 0 : i32
      %dma_start3A_100 = tpu.memref_slice %arg4[%add3A_17, %dma_start3A_99] : memref<8192x1024xf32, #tpu.memory_space<hbm>> -> memref<32x1024xf32, #tpu.memory_space<hbm>>
      tpu.enqueue_dma source(%arg6 : memref<32x1024xf32, #tpu.memory_space<vmem>>) target(%dma_start3A_100 : memref<32x1024xf32, #tpu.memory_space<hbm>>) target_semaphore(%run_scoped3A : memref<!tpu.dma_semaphore, #tpu.memory_space<semaphore_mem>>)
      %dma_wait3A_101 = arith.constant 0 : i32
      %dma_wait3A_102 = tpu.memref_slice %arg4[%add3A_17, %dma_wait3A_101] : memref<8192x1024xf32, #tpu.memory_space<hbm>> -> memref<32x1024xf32, #tpu.memory_space<hbm>>
      %dma_wait3A_103 = arith.constant 0 : i32
      %dma_wait3A_104 = tpu.memref_slice %arg4[%add3A_17, %dma_wait3A_103] : memref<8192x1024xf32, #tpu.memory_space<hbm>> -> memref<32x1024xf32, #tpu.memory_space<hbm>>
      tpu.wait_dma2 semaphore(%run_scoped3A : memref<!tpu.dma_semaphore, #tpu.memory_space<semaphore_mem>>) src(%arg6 : memref<32x1024xf32, #tpu.memory_space<vmem>>) dst(%dma_wait3A_104 : memref<32x1024xf32, #tpu.memory_space<hbm>>)
      tpu.yield
    }) : () -> ()
    %dma_start3A_18 = arith.constant 64 : i32
    %dma_start3A_19 = tpu.memref_slice %arg5[%dma_start3A_18] : memref<256xi32, #tpu.memory_space<vmem>> -> memref<32xi32, #tpu.memory_space<vmem>>
    %dma_start3A_20 = arith.constant 0 : i32
    %dma_start3A_21 = arith.constant 0 : i32
    %dma_start3A_22 = tpu.memref_slice %arg2[%dma_start3A_20, %dma_start3A_21] : memref<8192x1024xf32, #tpu.memory_space<hbm>> -> memref<8192x1024xf32, #tpu.memory_space<hbm>>
    tpu.enqueue_indirect_dma source(%dma_start3A_22 : memref<8192x1024xf32, #tpu.memory_space<hbm>>) target(%arg6 : memref<32x1024xf32, #tpu.memory_space<vmem>>) offsets(%dma_start3A_19 : memref<32xi32, #tpu.memory_space<vmem>>) semaphore(%arg8 : memref<!tpu.dma_semaphore, #tpu.memory_space<semaphore_mem>>)
    %dma_wait3A_23 = arith.constant 32 : i32
    %dma_wait3A_24 = tpu.memref_slice %arg5[%dma_wait3A_23] : memref<256xi32, #tpu.memory_space<vmem>> -> memref<32xi32, #tpu.memory_space<vmem>>
    %dma_wait3A_25 = arith.constant 0 : i32
    %dma_wait3A_26 = arith.constant 0 : i32
    %dma_wait3A_27 = tpu.memref_slice %arg2[%dma_wait3A_25, %dma_wait3A_26] : memref<8192x1024xf32, #tpu.memory_space<hbm>> -> memref<8192x1024xf32, #tpu.memory_space<hbm>>
    tpu.wait_indirect_dma semaphore(%arg9 : memref<!tpu.dma_semaphore, #tpu.memory_space<semaphore_mem>>) src(%dma_wait3A_27 : memref<8192x1024xf32, #tpu.memory_space<hbm>>) dst(%arg7 : memref<32x1024xf32, #tpu.memory_space<vmem>>)
    %add3A_28 = arith.constant 32 : i32
    %add3A_29 = arith.addi %mul3A_2, %add3A_28 : i32
    "tpu.region"() ({
      %run_scoped3A = tpu.sem_alloc : memref<!tpu.dma_semaphore, #tpu.memory_space<semaphore_mem>>
      %dma_start3A_97 = arith.constant 0 : i32
      %dma_start3A_98 = tpu.memref_slice %arg4[%add3A_29, %dma_start3A_97] : memref<8192x1024xf32, #tpu.memory_space<hbm>> -> memref<32x1024xf32, #tpu.memory_space<hbm>>
      %dma_start3A_99 = arith.constant 0 : i32
      %dma_start3A_100 = tpu.memref_slice %arg4[%add3A_29, %dma_start3A_99] : memref<8192x1024xf32, #tpu.memory_space<hbm>> -> memref<32x1024xf32, #tpu.memory_space<hbm>>
      tpu.enqueue_dma source(%arg7 : memref<32x1024xf32, #tpu.memory_space<vmem>>) target(%dma_start3A_100 : memref<32x1024xf32, #tpu.memory_space<hbm>>) target_semaphore(%run_scoped3A : memref<!tpu.dma_semaphore, #tpu.memory_space<semaphore_mem>>)
      %dma_wait3A_101 = arith.constant 0 : i32
      %dma_wait3A_102 = tpu.memref_slice %arg4[%add3A_29, %dma_wait3A_101] : memref<8192x1024xf32, #tpu.memory_space<hbm>> -> memref<32x1024xf32, #tpu.memory_space<hbm>>
      %dma_wait3A_103 = arith.constant 0 : i32
      %dma_wait3A_104 = tpu.memref_slice %arg4[%add3A_29, %dma_wait3A_103] : memref<8192x1024xf32, #tpu.memory_space<hbm>> -> memref<32x1024xf32, #tpu.memory_space<hbm>>
      tpu.wait_dma2 semaphore(%run_scoped3A : memref<!tpu.dma_semaphore, #tpu.memory_space<semaphore_mem>>) src(%arg7 : memref<32x1024xf32, #tpu.memory_space<vmem>>) dst(%dma_wait3A_104 : memref<32x1024xf32, #tpu.memory_space<hbm>>)
      tpu.yield
    }) : () -> ()
    %dma_start3A_30 = arith.constant 96 : i32
    %dma_start3A_31 = tpu.memref_slice %arg5[%dma_start3A_30] : memref<256xi32, #tpu.memory_space<vmem>> -> memref<32xi32, #tpu.memory_space<vmem>>
    %dma_start3A_32 = arith.constant 0 : i32
    %dma_start3A_33 = arith.constant 0 : i32
    %dma_start3A_34 = tpu.memref_slice %arg2[%dma_start3A_32, %dma_start3A_33] : memref<8192x1024xf32, #tpu.memory_space<hbm>> -> memref<8192x1024xf32, #tpu.memory_space<hbm>>
    tpu.enqueue_indirect_dma source(%dma_start3A_34 : memref<8192x1024xf32, #tpu.memory_space<hbm>>) target(%arg7 : memref<32x1024xf32, #tpu.memory_space<vmem>>) offsets(%dma_start3A_31 : memref<32xi32, #tpu.memory_space<vmem>>) semaphore(%arg9 : memref<!tpu.dma_semaphore, #tpu.memory_space<semaphore_mem>>)
    %dma_wait3A_35 = arith.constant 64 : i32
    %dma_wait3A_36 = tpu.memref_slice %arg5[%dma_wait3A_35] : memref<256xi32, #tpu.memory_space<vmem>> -> memref<32xi32, #tpu.memory_space<vmem>>
    %dma_wait3A_37 = arith.constant 0 : i32
    %dma_wait3A_38 = arith.constant 0 : i32
    %dma_wait3A_39 = tpu.memref_slice %arg2[%dma_wait3A_37, %dma_wait3A_38] : memref<8192x1024xf32, #tpu.memory_space<hbm>> -> memref<8192x1024xf32, #tpu.memory_space<hbm>>
    tpu.wait_indirect_dma semaphore(%arg8 : memref<!tpu.dma_semaphore, #tpu.memory_space<semaphore_mem>>) src(%dma_wait3A_39 : memref<8192x1024xf32, #tpu.memory_space<hbm>>) dst(%arg6 : memref<32x1024xf32, #tpu.memory_space<vmem>>)
    %add3A_40 = arith.constant 64 : i32
    %add3A_41 = arith.addi %mul3A_2, %add3A_40 : i32
    "tpu.region"() ({
      %run_scoped3A = tpu.sem_alloc : memref<!tpu.dma_semaphore, #tpu.memory_space<semaphore_mem>>
      %dma_start3A_97 = arith.constant 0 : i32
      %dma_start3A_98 = tpu.memref_slice %arg4[%add3A_41, %dma_start3A_97] : memref<8192x1024xf32, #tpu.memory_space<hbm>> -> memref<32x1024xf32, #tpu.memory_space<hbm>>
      %dma_start3A_99 = arith.constant 0 : i32
      %dma_start3A_100 = tpu.memref_slice %arg4[%add3A_41, %dma_start3A_99] : memref<8192x1024xf32, #tpu.memory_space<hbm>> -> memref<32x1024xf32, #tpu.memory_space<hbm>>
      tpu.enqueue_dma source(%arg6 : memref<32x1024xf32, #tpu.memory_space<vmem>>) target(%dma_start3A_100 : memref<32x1024xf32, #tpu.memory_space<hbm>>) target_semaphore(%run_scoped3A : memref<!tpu.dma_semaphore, #tpu.memory_space<semaphore_mem>>)
      %dma_wait3A_101 = arith.constant 0 : i32
      %dma_wait3A_102 = tpu.memref_slice %arg4[%add3A_41, %dma_wait3A_101] : memref<8192x1024xf32, #tpu.memory_space<hbm>> -> memref<32x1024xf32, #tpu.memory_space<hbm>>
      %dma_wait3A_103 = arith.constant 0 : i32
      %dma_wait3A_104 = tpu.memref_slice %arg4[%add3A_41, %dma_wait3A_103] : memref<8192x1024xf32, #tpu.memory_space<hbm>> -> memref<32x1024xf32, #tpu.memory_space<hbm>>
      tpu.wait_dma2 semaphore(%run_scoped3A : memref<!tpu.dma_semaphore, #tpu.memory_space<semaphore_mem>>) src(%arg6 : memref<32x1024xf32, #tpu.memory_space<vmem>>) dst(%dma_wait3A_104 : memref<32x1024xf32, #tpu.memory_space<hbm>>)
      tpu.yield
    }) : () -> ()
    %dma_start3A_42 = arith.constant 128 : i32
    %dma_start3A_43 = tpu.memref_slice %arg5[%dma_start3A_42] : memref<256xi32, #tpu.memory_space<vmem>> -> memref<32xi32, #tpu.memory_space<vmem>>
    %dma_start3A_44 = arith.constant 0 : i32
    %dma_start3A_45 = arith.constant 0 : i32
    %dma_start3A_46 = tpu.memref_slice %arg2[%dma_start3A_44, %dma_start3A_45] : memref<8192x1024xf32, #tpu.memory_space<hbm>> -> memref<8192x1024xf32, #tpu.memory_space<hbm>>
    tpu.enqueue_indirect_dma source(%dma_start3A_46 : memref<8192x1024xf32, #tpu.memory_space<hbm>>) target(%arg6 : memref<32x1024xf32, #tpu.memory_space<vmem>>) offsets(%dma_start3A_43 : memref<32xi32, #tpu.memory_space<vmem>>) semaphore(%arg8 : memref<!tpu.dma_semaphore, #tpu.memory_space<semaphore_mem>>)
    %dma_wait3A_47 = arith.constant 96 : i32
    %dma_wait3A_48 = tpu.memref_slice %arg5[%dma_wait3A_47] : memref<256xi32, #tpu.memory_space<vmem>> -> memref<32xi32, #tpu.memory_space<vmem>>
    %dma_wait3A_49 = arith.constant 0 : i32
    %dma_wait3A_50 = arith.constant 0 : i32
    %dma_wait3A_51 = tpu.memref_slice %arg2[%dma_wait3A_49, %dma_wait3A_50] : memref<8192x1024xf32, #tpu.memory_space<hbm>> -> memref<8192x1024xf32, #tpu.memory_space<hbm>>
    tpu.wait_indirect_dma semaphore(%arg9 : memref<!tpu.dma_semaphore, #tpu.memory_space<semaphore_mem>>) src(%dma_wait3A_51 : memref<8192x1024xf32, #tpu.memory_space<hbm>>) dst(%arg7 : memref<32x1024xf32, #tpu.memory_space<vmem>>)
    %add3A_52 = arith.constant 96 : i32
    %add3A_53 = arith.addi %mul3A_2, %add3A_52 : i32
    "tpu.region"() ({
      %run_scoped3A = tpu.sem_alloc : memref<!tpu.dma_semaphore, #tpu.memory_space<semaphore_mem>>
      %dma_start3A_97 = arith.constant 0 : i32
      %dma_start3A_98 = tpu.memref_slice %arg4[%add3A_53, %dma_start3A_97] : memref<8192x1024xf32, #tpu.memory_space<hbm>> -> memref<32x1024xf32, #tpu.memory_space<hbm>>
      %dma_start3A_99 = arith.constant 0 : i32
      %dma_start3A_100 = tpu.memref_slice %arg4[%add3A_53, %dma_start3A_99] : memref<8192x1024xf32, #tpu.memory_space<hbm>> -> memref<32x1024xf32, #tpu.memory_space<hbm>>
      tpu.enqueue_dma source(%arg7 : memref<32x1024xf32, #tpu.memory_space<vmem>>) target(%dma_start3A_100 : memref<32x1024xf32, #tpu.memory_space<hbm>>) target_semaphore(%run_scoped3A : memref<!tpu.dma_semaphore, #tpu.memory_space<semaphore_mem>>)
      %dma_wait3A_101 = arith.constant 0 : i32
      %dma_wait3A_102 = tpu.memref_slice %arg4[%add3A_53, %dma_wait3A_101] : memref<8192x1024xf32, #tpu.memory_space<hbm>> -> memref<32x1024xf32, #tpu.memory_space<hbm>>
      %dma_wait3A_103 = arith.constant 0 : i32
      %dma_wait3A_104 = tpu.memref_slice %arg4[%add3A_53, %dma_wait3A_103] : memref<8192x1024xf32, #tpu.memory_space<hbm>> -> memref<32x1024xf32, #tpu.memory_space<hbm>>
      tpu.wait_dma2 semaphore(%run_scoped3A : memref<!tpu.dma_semaphore, #tpu.memory_space<semaphore_mem>>) src(%arg7 : memref<32x1024xf32, #tpu.memory_space<vmem>>) dst(%dma_wait3A_104 : memref<32x1024xf32, #tpu.memory_space<hbm>>)
      tpu.yield
    }) : () -> ()
    %dma_start3A_54 = arith.constant 160 : i32
    %dma_start3A_55 = tpu.memref_slice %arg5[%dma_start3A_54] : memref<256xi32, #tpu.memory_space<vmem>> -> memref<32xi32, #tpu.memory_space<vmem>>
    %dma_start3A_56 = arith.constant 0 : i32
    %dma_start3A_57 = arith.constant 0 : i32
    %dma_start3A_58 = tpu.memref_slice %arg2[%dma_start3A_56, %dma_start3A_57] : memref<8192x1024xf32, #tpu.memory_space<hbm>> -> memref<8192x1024xf32, #tpu.memory_space<hbm>>
    tpu.enqueue_indirect_dma source(%dma_start3A_58 : memref<8192x1024xf32, #tpu.memory_space<hbm>>) target(%arg7 : memref<32x1024xf32, #tpu.memory_space<vmem>>) offsets(%dma_start3A_55 : memref<32xi32, #tpu.memory_space<vmem>>) semaphore(%arg9 : memref<!tpu.dma_semaphore, #tpu.memory_space<semaphore_mem>>)
    %dma_wait3A_59 = arith.constant 128 : i32
    %dma_wait3A_60 = tpu.memref_slice %arg5[%dma_wait3A_59] : memref<256xi32, #tpu.memory_space<vmem>> -> memref<32xi32, #tpu.memory_space<vmem>>
    %dma_wait3A_61 = arith.constant 0 : i32
    %dma_wait3A_62 = arith.constant 0 : i32
    %dma_wait3A_63 = tpu.memref_slice %arg2[%dma_wait3A_61, %dma_wait3A_62] : memref<8192x1024xf32, #tpu.memory_space<hbm>> -> memref<8192x1024xf32, #tpu.memory_space<hbm>>
    tpu.wait_indirect_dma semaphore(%arg8 : memref<!tpu.dma_semaphore, #tpu.memory_space<semaphore_mem>>) src(%dma_wait3A_63 : memref<8192x1024xf32, #tpu.memory_space<hbm>>) dst(%arg6 : memref<32x1024xf32, #tpu.memory_space<vmem>>)
    %add3A_64 = arith.constant 128 : i32
    %add3A_65 = arith.addi %mul3A_2, %add3A_64 : i32
    "tpu.region"() ({
      %run_scoped3A = tpu.sem_alloc : memref<!tpu.dma_semaphore, #tpu.memory_space<semaphore_mem>>
      %dma_start3A_97 = arith.constant 0 : i32
      %dma_start3A_98 = tpu.memref_slice %arg4[%add3A_65, %dma_start3A_97] : memref<8192x1024xf32, #tpu.memory_space<hbm>> -> memref<32x1024xf32, #tpu.memory_space<hbm>>
      %dma_start3A_99 = arith.constant 0 : i32
      %dma_start3A_100 = tpu.memref_slice %arg4[%add3A_65, %dma_start3A_99] : memref<8192x1024xf32, #tpu.memory_space<hbm>> -> memref<32x1024xf32, #tpu.memory_space<hbm>>
      tpu.enqueue_dma source(%arg6 : memref<32x1024xf32, #tpu.memory_space<vmem>>) target(%dma_start3A_100 : memref<32x1024xf32, #tpu.memory_space<hbm>>) target_semaphore(%run_scoped3A : memref<!tpu.dma_semaphore, #tpu.memory_space<semaphore_mem>>)
      %dma_wait3A_101 = arith.constant 0 : i32
      %dma_wait3A_102 = tpu.memref_slice %arg4[%add3A_65, %dma_wait3A_101] : memref<8192x1024xf32, #tpu.memory_space<hbm>> -> memref<32x1024xf32, #tpu.memory_space<hbm>>
      %dma_wait3A_103 = arith.constant 0 : i32
      %dma_wait3A_104 = tpu.memref_slice %arg4[%add3A_65, %dma_wait3A_103] : memref<8192x1024xf32, #tpu.memory_space<hbm>> -> memref<32x1024xf32, #tpu.memory_space<hbm>>
      tpu.wait_dma2 semaphore(%run_scoped3A : memref<!tpu.dma_semaphore, #tpu.memory_space<semaphore_mem>>) src(%arg6 : memref<32x1024xf32, #tpu.memory_space<vmem>>) dst(%dma_wait3A_104 : memref<32x1024xf32, #tpu.memory_space<hbm>>)
      tpu.yield
    }) : () -> ()
    %dma_start3A_66 = arith.constant 192 : i32
    %dma_start3A_67 = tpu.memref_slice %arg5[%dma_start3A_66] : memref<256xi32, #tpu.memory_space<vmem>> -> memref<32xi32, #tpu.memory_space<vmem>>
    %dma_start3A_68 = arith.constant 0 : i32
    %dma_start3A_69 = arith.constant 0 : i32
    %dma_start3A_70 = tpu.memref_slice %arg2[%dma_start3A_68, %dma_start3A_69] : memref<8192x1024xf32, #tpu.memory_space<hbm>> -> memref<8192x1024xf32, #tpu.memory_space<hbm>>
    tpu.enqueue_indirect_dma source(%dma_start3A_70 : memref<8192x1024xf32, #tpu.memory_space<hbm>>) target(%arg6 : memref<32x1024xf32, #tpu.memory_space<vmem>>) offsets(%dma_start3A_67 : memref<32xi32, #tpu.memory_space<vmem>>) semaphore(%arg8 : memref<!tpu.dma_semaphore, #tpu.memory_space<semaphore_mem>>)
    %dma_wait3A_71 = arith.constant 160 : i32
    %dma_wait3A_72 = tpu.memref_slice %arg5[%dma_wait3A_71] : memref<256xi32, #tpu.memory_space<vmem>> -> memref<32xi32, #tpu.memory_space<vmem>>
    %dma_wait3A_73 = arith.constant 0 : i32
    %dma_wait3A_74 = arith.constant 0 : i32
    %dma_wait3A_75 = tpu.memref_slice %arg2[%dma_wait3A_73, %dma_wait3A_74] : memref<8192x1024xf32, #tpu.memory_space<hbm>> -> memref<8192x1024xf32, #tpu.memory_space<hbm>>
    tpu.wait_indirect_dma semaphore(%arg9 : memref<!tpu.dma_semaphore, #tpu.memory_space<semaphore_mem>>) src(%dma_wait3A_75 : memref<8192x1024xf32, #tpu.memory_space<hbm>>) dst(%arg7 : memref<32x1024xf32, #tpu.memory_space<vmem>>)
    %add3A_76 = arith.constant 160 : i32
    %add3A_77 = arith.addi %mul3A_2, %add3A_76 : i32
    "tpu.region"() ({
      %run_scoped3A = tpu.sem_alloc : memref<!tpu.dma_semaphore, #tpu.memory_space<semaphore_mem>>
      %dma_start3A_97 = arith.constant 0 : i32
      %dma_start3A_98 = tpu.memref_slice %arg4[%add3A_77, %dma_start3A_97] : memref<8192x1024xf32, #tpu.memory_space<hbm>> -> memref<32x1024xf32, #tpu.memory_space<hbm>>
      %dma_start3A_99 = arith.constant 0 : i32
      %dma_start3A_100 = tpu.memref_slice %arg4[%add3A_77, %dma_start3A_99] : memref<8192x1024xf32, #tpu.memory_space<hbm>> -> memref<32x1024xf32, #tpu.memory_space<hbm>>
      tpu.enqueue_dma source(%arg7 : memref<32x1024xf32, #tpu.memory_space<vmem>>) target(%dma_start3A_100 : memref<32x1024xf32, #tpu.memory_space<hbm>>) target_semaphore(%run_scoped3A : memref<!tpu.dma_semaphore, #tpu.memory_space<semaphore_mem>>)
      %dma_wait3A_101 = arith.constant 0 : i32
      %dma_wait3A_102 = tpu.memref_slice %arg4[%add3A_77, %dma_wait3A_101] : memref<8192x1024xf32, #tpu.memory_space<hbm>> -> memref<32x1024xf32, #tpu.memory_space<hbm>>
      %dma_wait3A_103 = arith.constant 0 : i32
      %dma_wait3A_104 = tpu.memref_slice %arg4[%add3A_77, %dma_wait3A_103] : memref<8192x1024xf32, #tpu.memory_space<hbm>> -> memref<32x1024xf32, #tpu.memory_space<hbm>>
      tpu.wait_dma2 semaphore(%run_scoped3A : memref<!tpu.dma_semaphore, #tpu.memory_space<semaphore_mem>>) src(%arg7 : memref<32x1024xf32, #tpu.memory_space<vmem>>) dst(%dma_wait3A_104 : memref<32x1024xf32, #tpu.memory_space<hbm>>)
      tpu.yield
    }) : () -> ()
    %dma_start3A_78 = arith.constant 224 : i32
    %dma_start3A_79 = tpu.memref_slice %arg5[%dma_start3A_78] : memref<256xi32, #tpu.memory_space<vmem>> -> memref<32xi32, #tpu.memory_space<vmem>>
    %dma_start3A_80 = arith.constant 0 : i32
    %dma_start3A_81 = arith.constant 0 : i32
    %dma_start3A_82 = tpu.memref_slice %arg2[%dma_start3A_80, %dma_start3A_81] : memref<8192x1024xf32, #tpu.memory_space<hbm>> -> memref<8192x1024xf32, #tpu.memory_space<hbm>>
    tpu.enqueue_indirect_dma source(%dma_start3A_82 : memref<8192x1024xf32, #tpu.memory_space<hbm>>) target(%arg7 : memref<32x1024xf32, #tpu.memory_space<vmem>>) offsets(%dma_start3A_79 : memref<32xi32, #tpu.memory_space<vmem>>) semaphore(%arg9 : memref<!tpu.dma_semaphore, #tpu.memory_space<semaphore_mem>>)
    %dma_wait3A_83 = arith.constant 192 : i32
    %dma_wait3A_84 = tpu.memref_slice %arg5[%dma_wait3A_83] : memref<256xi32, #tpu.memory_space<vmem>> -> memref<32xi32, #tpu.memory_space<vmem>>
    %dma_wait3A_85 = arith.constant 0 : i32
    %dma_wait3A_86 = arith.constant 0 : i32
    %dma_wait3A_87 = tpu.memref_slice %arg2[%dma_wait3A_85, %dma_wait3A_86] : memref<8192x1024xf32, #tpu.memory_space<hbm>> -> memref<8192x1024xf32, #tpu.memory_space<hbm>>
    tpu.wait_indirect_dma semaphore(%arg8 : memref<!tpu.dma_semaphore, #tpu.memory_space<semaphore_mem>>) src(%dma_wait3A_87 : memref<8192x1024xf32, #tpu.memory_space<hbm>>) dst(%arg6 : memref<32x1024xf32, #tpu.memory_space<vmem>>)
    %add3A_88 = arith.constant 192 : i32
    %add3A_89 = arith.addi %mul3A_2, %add3A_88 : i32
    "tpu.region"() ({
      %run_scoped3A = tpu.sem_alloc : memref<!tpu.dma_semaphore, #tpu.memory_space<semaphore_mem>>
      %dma_start3A_97 = arith.constant 0 : i32
      %dma_start3A_98 = tpu.memref_slice %arg4[%add3A_89, %dma_start3A_97] : memref<8192x1024xf32, #tpu.memory_space<hbm>> -> memref<32x1024xf32, #tpu.memory_space<hbm>>
      %dma_start3A_99 = arith.constant 0 : i32
      %dma_start3A_100 = tpu.memref_slice %arg4[%add3A_89, %dma_start3A_99] : memref<8192x1024xf32, #tpu.memory_space<hbm>> -> memref<32x1024xf32, #tpu.memory_space<hbm>>
      tpu.enqueue_dma source(%arg6 : memref<32x1024xf32, #tpu.memory_space<vmem>>) target(%dma_start3A_100 : memref<32x1024xf32, #tpu.memory_space<hbm>>) target_semaphore(%run_scoped3A : memref<!tpu.dma_semaphore, #tpu.memory_space<semaphore_mem>>)
      %dma_wait3A_101 = arith.constant 0 : i32
      %dma_wait3A_102 = tpu.memref_slice %arg4[%add3A_89, %dma_wait3A_101] : memref<8192x1024xf32, #tpu.memory_space<hbm>> -> memref<32x1024xf32, #tpu.memory_space<hbm>>
      %dma_wait3A_103 = arith.constant 0 : i32
      %dma_wait3A_104 = tpu.memref_slice %arg4[%add3A_89, %dma_wait3A_103] : memref<8192x1024xf32, #tpu.memory_space<hbm>> -> memref<32x1024xf32, #tpu.memory_space<hbm>>
      tpu.wait_dma2 semaphore(%run_scoped3A : memref<!tpu.dma_semaphore, #tpu.memory_space<semaphore_mem>>) src(%arg6 : memref<32x1024xf32, #tpu.memory_space<vmem>>) dst(%dma_wait3A_104 : memref<32x1024xf32, #tpu.memory_space<hbm>>)
      tpu.yield
    }) : () -> ()
    %dma_wait3A_90 = arith.constant 224 : i32
    %dma_wait3A_91 = tpu.memref_slice %arg5[%dma_wait3A_90] : memref<256xi32, #tpu.memory_space<vmem>> -> memref<32xi32, #tpu.memory_space<vmem>>
    %dma_wait3A_92 = arith.constant 0 : i32
    %dma_wait3A_93 = arith.constant 0 : i32
    %dma_wait3A_94 = tpu.memref_slice %arg2[%dma_wait3A_92, %dma_wait3A_93] : memref<8192x1024xf32, #tpu.memory_space<hbm>> -> memref<8192x1024xf32, #tpu.memory_space<hbm>>
    tpu.wait_indirect_dma semaphore(%arg9 : memref<!tpu.dma_semaphore, #tpu.memory_space<semaphore_mem>>) src(%dma_wait3A_94 : memref<8192x1024xf32, #tpu.memory_space<hbm>>) dst(%arg7 : memref<32x1024xf32, #tpu.memory_space<vmem>>)
    %add3A_95 = arith.constant 224 : i32
    %add3A_96 = arith.addi %mul3A_2, %add3A_95 : i32
    "tpu.region"() ({
      %run_scoped3A = tpu.sem_alloc : memref<!tpu.dma_semaphore, #tpu.memory_space<semaphore_mem>>
      %dma_start3A_97 = arith.constant 0 : i32
      %dma_start3A_98 = tpu.memref_slice %arg4[%add3A_96, %dma_start3A_97] : memref<8192x1024xf32, #tpu.memory_space<hbm>> -> memref<32x1024xf32, #tpu.memory_space<hbm>>
      %dma_start3A_99 = arith.constant 0 : i32
      %dma_start3A_100 = tpu.memref_slice %arg4[%add3A_96, %dma_start3A_99] : memref<8192x1024xf32, #tpu.memory_space<hbm>> -> memref<32x1024xf32, #tpu.memory_space<hbm>>
      tpu.enqueue_dma source(%arg7 : memref<32x1024xf32, #tpu.memory_space<vmem>>) target(%dma_start3A_100 : memref<32x1024xf32, #tpu.memory_space<hbm>>) target_semaphore(%run_scoped3A : memref<!tpu.dma_semaphore, #tpu.memory_space<semaphore_mem>>)
      %dma_wait3A_101 = arith.constant 0 : i32
      %dma_wait3A_102 = tpu.memref_slice %arg4[%add3A_96, %dma_wait3A_101] : memref<8192x1024xf32, #tpu.memory_space<hbm>> -> memref<32x1024xf32, #tpu.memory_space<hbm>>
      %dma_wait3A_103 = arith.constant 0 : i32
      %dma_wait3A_104 = tpu.memref_slice %arg4[%add3A_96, %dma_wait3A_103] : memref<8192x1024xf32, #tpu.memory_space<hbm>> -> memref<32x1024xf32, #tpu.memory_space<hbm>>
      tpu.wait_dma2 semaphore(%run_scoped3A : memref<!tpu.dma_semaphore, #tpu.memory_space<semaphore_mem>>) src(%arg7 : memref<32x1024xf32, #tpu.memory_space<vmem>>) dst(%dma_wait3A_104 : memref<32x1024xf32, #tpu.memory_space<hbm>>)
      tpu.yield
    }) : () -> ()
    return
  }
}

module attributes {stable_mosaic.version = 14 : i64} {
  func.func @_router_body(%arg0: i32, %arg1: memref<1024x1024xf32, #tpu.memory_space<vmem>>, %arg2: memref<8x1024xf32, #tpu.memory_space<vmem>>, %arg3: memref<1x1x1024xi32, #tpu.memory_space<vmem>>, %arg4: memref<1x1x1024xi32, #tpu.memory_space<vmem>>, %arg5: memref<1x1x1024xf32, #tpu.memory_space<vmem>>, %arg6: memref<32x1xi32, #tpu.memory_space<vmem>>, %arg7: memref<1x1xf32, #tpu.memory_space<vmem>>, %arg8: memref<8x1xf32, #tpu.memory_space<vmem>>, %arg9: memref<8x1xf32, #tpu.memory_space<vmem>>, %arg10: memref<1x1xf32, #tpu.memory_space<vmem>>) attributes {dimension_semantics = [#tpu.dimension_semantics<arbitrary>], iteration_bounds = array<i64: 8>, scalar_prefetch = 0 : i64, scratch_operands = 3 : i64, tpu.core_type = #tpu.core_type<tc>, window_params = [{transform_indices = @transform_0, window_bounds = array<i64: 1024, 1024>}, {pipeline_mode = #tpu.pipeline_mode<synchronous>, transform_indices = @transform_1, window_bounds = array<i64: 8, 1024>}, {transform_indices = @transform_2, window_bounds = array<i64: 1, 1, 1024>}, {transform_indices = @transform_3, window_bounds = array<i64: 1, 1, 1024>}, {transform_indices = @transform_4, window_bounds = array<i64: 1, 1, 1024>}, {pipeline_mode = #tpu.pipeline_mode<synchronous>, transform_indices = @transform_5, window_bounds = array<i64: 32, 1>}, {pipeline_mode = #tpu.pipeline_mode<synchronous>, transform_indices = @transform_6, window_bounds = array<i64: 1, 1>}]} {
    %eq3A = arith.constant 0 : i32
    %eq3A_0 = arith.cmpi eq, %arg0, %eq3A : i32
    %convert_element_type3A = arith.extui %eq3A_0 : i1 to i32
    %cond3A = arith.constant 0 : i32
    %cond3A_1 = arith.cmpi ne, %convert_element_type3A, %cond3A : i32
    scf.if %cond3A_1 {
      %broadcast_in_dim3A_98 = arith.constant 0.000000e+00 : f32
      %broadcast_in_dim3A_99 = vector.broadcast %broadcast_in_dim3A_98 : f32 to vector<8x1xf32>
      %swap3A_100 = arith.constant 0 : index
      %swap3A_101 = arith.constant 0 : index
      %swap3A_102 = vector.load %arg8[%swap3A_100, %swap3A_101] : memref<8x1xf32, #tpu.memory_space<vmem>>, vector<8x1xf32>
      tpu.vector_store %arg8[%swap3A_100, %swap3A_101], %broadcast_in_dim3A_99 {strides = array<i32>} : memref<8x1xf32, #tpu.memory_space<vmem>>, vector<8x1xf32>,
      %broadcast_in_dim3A_103 = arith.constant 0.000000e+00 : f32
      %broadcast_in_dim3A_104 = vector.broadcast %broadcast_in_dim3A_103 : f32 to vector<8x1xf32>
      %swap3A_105 = arith.constant 0 : index
      %swap3A_106 = arith.constant 0 : index
      %swap3A_107 = vector.load %arg9[%swap3A_105, %swap3A_106] : memref<8x1xf32, #tpu.memory_space<vmem>>, vector<8x1xf32>
      tpu.vector_store %arg9[%swap3A_105, %swap3A_106], %broadcast_in_dim3A_104 {strides = array<i32>} : memref<8x1xf32, #tpu.memory_space<vmem>>, vector<8x1xf32>,
      %broadcast_in_dim3A_108 = arith.constant 0.000000e+00 : f32
      %broadcast_in_dim3A_109 = vector.broadcast %broadcast_in_dim3A_108 : f32 to vector<1x1xf32>
      %swap3A_110 = arith.constant 0 : index
      %swap3A_111 = arith.constant 0 : index
      %swap3A_112 = vector.load %arg10[%swap3A_110, %swap3A_111] : memref<1x1xf32, #tpu.memory_space<vmem>>, vector<1x1xf32>
      tpu.vector_store %arg10[%swap3A_110, %swap3A_111], %broadcast_in_dim3A_109 {strides = array<i32>} : memref<1x1xf32, #tpu.memory_space<vmem>>, vector<1x1xf32>,
    } else {
    }
    %get3A = arith.constant 0 : index
    %get3A_2 = arith.constant 0 : index
    %get3A_3 = vector.load %arg1[%get3A, %get3A_2] : memref<1024x1024xf32, #tpu.memory_space<vmem>>, vector<1024x1024xf32>
    %get3A_4 = arith.constant 0 : index
    %get3A_5 = arith.constant 0 : index
    %get3A_6 = vector.load %arg2[%get3A_4, %get3A_5] : memref<8x1024xf32, #tpu.memory_space<vmem>>, vector<8x1024xf32>
    %dot_general3A = arith.constant dense<0.000000e+00> : vector<8x1024xf32>
    %dot_general3A_7 = tpu.matmul %get3A_6, %get3A_3, %dot_general3A {dimension_numbers = #tpu.dot_dimension_numbers<[1], [1], [0], [0], [0, 0, 1, 0], [], []>, transpose_lhs_hint = false} : vector<8x1024xf32>, vector<1024x1024xf32>, vector<8x1024xf32> -> vector<8x1024xf32>
    %reduce_max3A = arith.constant dense<0xFF800000> : vector<1024xf32>
    %reduce_max3A_8 = vector.multi_reduction <maximumf>, %dot_general3A_7, %reduce_max3A [0] : vector<8x1024xf32> to vector<1024xf32>
    %broadcast_in_dim3A = vector.shape_cast %reduce_max3A_8 : vector<1024xf32> to vector<1x1024xf32>
    %sub3A = vector.broadcast %broadcast_in_dim3A : vector<1x1024xf32> to vector<8x1024xf32>
    %sub3A_9 = arith.subf %dot_general3A_7, %sub3A : vector<8x1024xf32>
    %exp3A = math.exp %sub3A_9 : vector<8x1024xf32>
    %reduce_sum3A = arith.constant dense<0.000000e+00> : vector<1024xf32>
    %reduce_sum3A_10 = vector.multi_reduction <add>, %exp3A, %reduce_sum3A [0] : vector<8x1024xf32> to vector<1024xf32>
    %broadcast_in_dim3A_11 = vector.shape_cast %reduce_sum3A_10 : vector<1024xf32> to vector<1x1024xf32>
    %div3A = vector.broadcast %broadcast_in_dim3A_11 : vector<1x1024xf32> to vector<8x1024xf32>
    %div3A_12 = arith.divf %exp3A, %div3A : vector<8x1024xf32>
    %log3A = math.log %broadcast_in_dim3A_11 : vector<1x1024xf32>
    %add3A = arith.addf %broadcast_in_dim3A, %log3A : vector<1x1024xf32>
    %get3A_13 = arith.constant 0 : index
    %get3A_14 = arith.constant 0 : index
    %get3A_15 = vector.load %arg10[%get3A_13, %get3A_14] : memref<1x1xf32, #tpu.memory_space<vmem>>, vector<1x1xf32>
    %mul3A = arith.mulf %add3A, %add3A : vector<1x1024xf32>
    %reduce_sum3A_16 = vector.shape_cast %mul3A : vector<1x1024xf32> to vector<1x1x1024xf32>
    %reduce_sum3A_17 = arith.constant dense<0.000000e+00> : vector<1xf32>
    %reduce_sum3A_18 = vector.multi_reduction <add>, %reduce_sum3A_16, %reduce_sum3A_17 [1, 2] : vector<1x1x1024xf32> to vector<1xf32>
    %reduce_sum3A_19 = vector.shape_cast %reduce_sum3A_18 : vector<1xf32> to vector<1x1x1xf32>
    %reduce_sum3A_20 = vector.extract %reduce_sum3A_19[0, 0, 0] : f32 from vector<1x1x1xf32>
    %broadcast_in_dim3A_21 = vector.broadcast %reduce_sum3A_20 : f32 to vector<1x1xf32>
    %add3A_22 = arith.addf %get3A_15, %broadcast_in_dim3A_21 : vector<1x1xf32>
    %swap3A = arith.constant 0 : index
    %swap3A_23 = arith.constant 0 : index
    %swap3A_24 = vector.load %arg10[%swap3A, %swap3A_23] : memref<1x1xf32, #tpu.memory_space<vmem>>, vector<1x1xf32>
    tpu.vector_store %arg10[%swap3A, %swap3A_23], %add3A_22 {strides = array<i32>} : memref<1x1xf32, #tpu.memory_space<vmem>>, vector<1x1xf32>,
    %get3A_25 = arith.constant 0 : index
    %get3A_26 = arith.constant 0 : index
    %get3A_27 = vector.load %arg9[%get3A_25, %get3A_26] : memref<8x1xf32, #tpu.memory_space<vmem>>, vector<8x1xf32>
    %reduce_sum3A_28 = arith.constant dense<0.000000e+00> : vector<8xf32>
    %reduce_sum3A_29 = vector.multi_reduction <add>, %div3A_12, %reduce_sum3A_28 [1] : vector<8x1024xf32> to vector<8xf32>
    %broadcast_in_dim3A_30 = vector.shape_cast %reduce_sum3A_29 : vector<8xf32> to vector<8x1xf32>
    %add3A_31 = arith.addf %get3A_27, %broadcast_in_dim3A_30 : vector<8x1xf32>
    %swap3A_32 = arith.constant 0 : index
    %swap3A_33 = arith.constant 0 : index
    %swap3A_34 = vector.load %arg9[%swap3A_32, %swap3A_33] : memref<8x1xf32, #tpu.memory_space<vmem>>, vector<8x1xf32>
    tpu.vector_store %arg9[%swap3A_32, %swap3A_33], %add3A_31 {strides = array<i32>} : memref<8x1xf32, #tpu.memory_space<vmem>>, vector<8x1xf32>,
    %iota3A = tpu.iota {dimensions = array<i32: 0>} : vector<8x1024xi32>
    %eq3A_35 = vector.broadcast %broadcast_in_dim3A : vector<1x1024xf32> to vector<8x1024xf32>
    %eq3A_36 = arith.cmpf oeq, %dot_general3A_7, %eq3A_35 : vector<8x1024xf32>
    %jit3A = arith.constant 8 : i32
    %broadcast_in_dim3A_37 = vector.broadcast %jit3A : i32 to vector<8x1024xi32>
    %select_n3A = arith.select %eq3A_36, %iota3A, %broadcast_in_dim3A_37 : vector<8x1024xi1>, vector<8x1024xi32>
    %reduce_min3A = arith.constant dense<2147483647> : vector<1024xi32>
    %reduce_min3A_38 = vector.multi_reduction <minsi>, %select_n3A, %reduce_min3A [0] : vector<8x1024xi32> to vector<1024xi32>
    %broadcast_in_dim3A_39 = vector.shape_cast %reduce_min3A_38 : vector<1024xi32> to vector<1x1024xi32>
    %reduce_max3A_40 = arith.constant dense<0xFF800000> : vector<1024xf32>
    %reduce_max3A_41 = vector.multi_reduction <maximumf>, %div3A_12, %reduce_max3A_40 [0] : vector<8x1024xf32> to vector<1024xf32>
    %broadcast_in_dim3A_42 = vector.shape_cast %reduce_max3A_41 : vector<1024xf32> to vector<1x1024xf32>
    %eq3A_43 = vector.broadcast %broadcast_in_dim3A_39 : vector<1x1024xi32> to vector<8x1024xi32>
    %eq3A_44 = arith.cmpi eq, %iota3A, %eq3A_43 : vector<8x1024xi32>
    %convert_element_type3A_45 = arith.extui %eq3A_44 : vector<8x1024xi1> to vector<8x1024xi32>
    %convert_element_type3A_46 = arith.sitofp %convert_element_type3A_45 : vector<8x1024xi32> to vector<8x1024xf32>
    %iota3A_47 = tpu.iota {dimensions = array<i32: 0>} : vector<1024x1024xi32>
    %iota3A_48 = tpu.iota {dimensions = array<i32: 1>} : vector<1024x1024xi32>
    %lt3A = arith.cmpi slt, %iota3A_47, %iota3A_48 : vector<1024x1024xi32>
    %convert_element_type3A_49 = arith.extui %lt3A : vector<1024x1024xi1> to vector<1024x1024xi32>
    %convert_element_type3A_50 = arith.sitofp %convert_element_type3A_49 : vector<1024x1024xi32> to vector<1024x1024xf32>
    %convert_element_type3A_51 = arith.truncf %convert_element_type3A_50 : vector<1024x1024xf32> to vector<1024x1024xbf16>
    %convert_element_type3A_52 = arith.truncf %convert_element_type3A_46 : vector<8x1024xf32> to vector<8x1024xbf16>
    %dot_general3A_53 = arith.constant dense<0.000000e+00> : vector<8x1024xf32>
    %dot_general3A_54 = tpu.matmul %convert_element_type3A_52, %convert_element_type3A_51, %dot_general3A_53 {dimension_numbers = #tpu.dot_dimension_numbers<[1], [0], [0], [1], [0, 0, 1, 1], [], []>, transpose_lhs_hint = false} : vector<8x1024xbf16>, vector<1024x1024xbf16>, vector<8x1024xf32> -> vector<8x1024xf32>
    %get3A_55 = arith.constant 0 : index
    %get3A_56 = arith.constant 0 : index
    %get3A_57 = vector.load %arg8[%get3A_55, %get3A_56] : memref<8x1xf32, #tpu.memory_space<vmem>>, vector<8x1xf32>
    %add3A_58 = vector.broadcast %get3A_57 : vector<8x1xf32> to vector<8x1024xf32>
    %add3A_59 = arith.addf %dot_general3A_54, %add3A_58 : vector<8x1024xf32>
    %mul3A_60 = arith.mulf %add3A_59, %convert_element_type3A_46 : vector<8x1024xf32>
    %reduce_sum3A_61 = arith.constant dense<0.000000e+00> : vector<1024xf32>
    %reduce_sum3A_62 = vector.multi_reduction <add>, %mul3A_60, %reduce_sum3A_61 [0] : vector<8x1024xf32> to vector<1024xf32>
    %broadcast_in_dim3A_63 = vector.shape_cast %reduce_sum3A_62 : vector<1024xf32> to vector<1x1024xf32>
    %get3A_64 = arith.constant 0 : index
    %get3A_65 = arith.constant 0 : index
    %get3A_66 = vector.load %arg8[%get3A_64, %get3A_65] : memref<8x1xf32, #tpu.memory_space<vmem>>, vector<8x1xf32>
    %reduce_sum3A_67 = arith.constant dense<0.000000e+00> : vector<8xf32>
    %reduce_sum3A_68 = vector.multi_reduction <add>, %convert_element_type3A_46, %reduce_sum3A_67 [1] : vector<8x1024xf32> to vector<8xf32>
    %broadcast_in_dim3A_69 = vector.shape_cast %reduce_sum3A_68 : vector<8xf32> to vector<8x1xf32>
    %add3A_70 = arith.addf %get3A_66, %broadcast_in_dim3A_69 : vector<8x1xf32>
    %swap3A_71 = arith.constant 0 : index
    %swap3A_72 = arith.constant 0 : index
    %swap3A_73 = vector.load %arg8[%swap3A_71, %swap3A_72] : memref<8x1xf32, #tpu.memory_space<vmem>>, vector<8x1xf32>
    tpu.vector_store %arg8[%swap3A_71, %swap3A_72], %add3A_70 {strides = array<i32>} : memref<8x1xf32, #tpu.memory_space<vmem>>, vector<8x1xf32>,
    %swap3A_74 = arith.constant 0 : index
    %swap3A_75 = arith.constant 0 : index
    %swap3A_76 = arith.constant 0 : index
    %swap3A_77 = vector.load %arg3[%swap3A_74, %swap3A_75, %swap3A_76] : memref<1x1x1024xi32, #tpu.memory_space<vmem>>, vector<1x1x1024xi32>
    %swap3A_78 = vector.shape_cast %swap3A_77 : vector<1x1x1024xi32> to vector<1x1024xi32>
    %swap3A_79 = vector.shape_cast %broadcast_in_dim3A_39 : vector<1x1024xi32> to vector<1x1x1024xi32>
    tpu.vector_store %arg3[%swap3A_74, %swap3A_75, %swap3A_76], %swap3A_79 {strides = array<i32>} : memref<1x1x1024xi32, #tpu.memory_space<vmem>>, vector<1x1x1024xi32>,
    %convert_element_type3A_80 = arith.fptosi %broadcast_in_dim3A_63 : vector<1x1024xf32> to vector<1x1024xi32>
    %swap3A_81 = arith.constant 0 : index
    %swap3A_82 = arith.constant 0 : index
    %swap3A_83 = arith.constant 0 : index
    %swap3A_84 = vector.load %arg4[%swap3A_81, %swap3A_82, %swap3A_83] : memref<1x1x1024xi32, #tpu.memory_space<vmem>>, vector<1x1x1024xi32>
    %swap3A_85 = vector.shape_cast %swap3A_84 : vector<1x1x1024xi32> to vector<1x1024xi32>
    %swap3A_86 = vector.shape_cast %convert_element_type3A_80 : vector<1x1024xi32> to vector<1x1x1024xi32>
    tpu.vector_store %arg4[%swap3A_81, %swap3A_82, %swap3A_83], %swap3A_86 {strides = array<i32>} : memref<1x1x1024xi32, #tpu.memory_space<vmem>>, vector<1x1x1024xi32>,
    %swap3A_87 = arith.constant 0 : index
    %swap3A_88 = arith.constant 0 : index
    %swap3A_89 = arith.constant 0 : index
    %swap3A_90 = vector.load %arg5[%swap3A_87, %swap3A_88, %swap3A_89] : memref<1x1x1024xf32, #tpu.memory_space<vmem>>, vector<1x1x1024xf32>
    %swap3A_91 = vector.shape_cast %swap3A_90 : vector<1x1x1024xf32> to vector<1x1024xf32>
    %swap3A_92 = vector.shape_cast %broadcast_in_dim3A_42 : vector<1x1024xf32> to vector<1x1x1024xf32>
    tpu.vector_store %arg5[%swap3A_87, %swap3A_88, %swap3A_89], %swap3A_92 {strides = array<i32>} : memref<1x1x1024xf32, #tpu.memory_space<vmem>>, vector<1x1x1024xf32>,
    %eq3A_93 = arith.constant 7 : i32
    %eq3A_94 = arith.cmpi eq, %arg0, %eq3A_93 : i32
    %convert_element_type3A_95 = arith.extui %eq3A_94 : i1 to i32
    %cond3A_96 = arith.constant 0 : i32
    %cond3A_97 = arith.cmpi ne, %convert_element_type3A_95, %cond3A_96 : i32
    scf.if %cond3A_97 {
      %get3A_98 = arith.constant 0 : index
      %get3A_99 = arith.constant 0 : index
      %get3A_100 = vector.load %arg8[%get3A_98, %get3A_99] : memref<8x1xf32, #tpu.memory_space<vmem>>, vector<8x1xf32>
      %iota3A_101 = tpu.iota {dimensions = array<i32: 0>} : vector<8x8xi32>
      %iota3A_102 = tpu.iota {dimensions = array<i32: 1>} : vector<8x8xi32>
      %lt3A_103 = arith.cmpi slt, %iota3A_102, %iota3A_101 : vector<8x8xi32>
      %convert_element_type3A_104 = arith.extui %lt3A_103 : vector<8x8xi1> to vector<8x8xi32>
      %convert_element_type3A_105 = arith.sitofp %convert_element_type3A_104 : vector<8x8xi32> to vector<8x8xf32>
      %dot_general3A_106 = arith.constant dense<0.000000e+00> : vector<8x1xf32>
      %dot_general3A_107 = tpu.matmul %convert_element_type3A_105, %get3A_100, %dot_general3A_106 {dimension_numbers = #tpu.dot_dimension_numbers<[1], [0], [0], [1], [0, 0, 1, 1], [], []>, precision = #tpu.contract_precision<fp32>, transpose_lhs_hint = false} : vector<8x8xf32>, vector<8x1xf32>, vector<8x1xf32> -> vector<8x1xf32>
      %iota3A_108 = tpu.iota {dimensions = array<i32: 0>} : vector<8x1xi32>
      %reduce_min3A_109 = arith.constant dense<0x7F800000> : vector<1xf32>
      %reduce_min3A_110 = vector.multi_reduction <minimumf>, %get3A_100, %reduce_min3A_109 [0] : vector<8x1xf32> to vector<1xf32>
      %broadcast_in_dim3A_111 = vector.shape_cast %reduce_min3A_110 : vector<1xf32> to vector<1x1xf32>
      %eq3A_112 = vector.broadcast %broadcast_in_dim3A_111 : vector<1x1xf32> to vector<8x1xf32>
      %eq3A_113 = arith.cmpf oeq, %get3A_100, %eq3A_112 : vector<8x1xf32>
      %jit3A_114 = arith.constant 8 : i32
      %broadcast_in_dim3A_115 = vector.broadcast %jit3A_114 : i32 to vector<8x1xi32>
      %select_n3A_116 = arith.select %eq3A_113, %iota3A_108, %broadcast_in_dim3A_115 : vector<8x1xi1>, vector<8x1xi32>
      %reduce_min3A_117 = arith.constant dense<2147483647> : vector<1xi32>
      %reduce_min3A_118 = vector.multi_reduction <minsi>, %select_n3A_116, %reduce_min3A_117 [0] : vector<8x1xi32> to vector<1xi32>
      %broadcast_in_dim3A_119 = vector.shape_cast %reduce_min3A_118 : vector<1xi32> to vector<1x1xi32>
      %mul3A_120 = arith.constant 1024 : i32
      %mul3A_121 = vector.broadcast %mul3A_120 : i32 to vector<1x1xi32>
      %mul3A_122 = arith.muli %broadcast_in_dim3A_119, %mul3A_121 : vector<1x1xi32>
      %add3A_123 = arith.constant 1023 : i32
      %add3A_124 = vector.broadcast %add3A_123 : i32 to vector<1x1xi32>
      %add3A_125 = arith.addi %mul3A_122, %add3A_124 : vector<1x1xi32>
      %iota3A_126 = tpu.iota {dimensions = array<i32: 0>} : vector<16x1xi32>
      %eq3A_127 = arith.constant 0 : i32
      %eq3A_128 = vector.broadcast %eq3A_127 : i32 to vector<16x1xi32>
      %eq3A_129 = arith.cmpi eq, %iota3A_126, %eq3A_128 : vector<16x1xi32>
      %jit3A_130 = arith.constant 0 : i32
      %broadcast_in_dim3A_131 = vector.shape_cast %add3A_125 : vector<1x1xi32> to vector<1x1xi32>
      %broadcast_in_dim3A_132 = vector.broadcast %broadcast_in_dim3A_131 : vector<1x1xi32> to vector<16x1xi32>
      %broadcast_in_dim3A_133 = vector.broadcast %jit3A_130 : i32 to vector<16x1xi32>
      %select_n3A_134 = arith.select %eq3A_129, %broadcast_in_dim3A_132, %broadcast_in_dim3A_133 : vector<16x1xi1>, vector<16x1xi32>
      %convert_element_type3A_135 = arith.fptosi %dot_general3A_107 : vector<8x1xf32> to vector<8x1xi32>
      %convert_element_type3A_136 = arith.fptosi %get3A_100 : vector<8x1xf32> to vector<8x1xi32>
      %concatenate3A = tpu.concatenate %convert_element_type3A_135, %convert_element_type3A_136, %select_n3A_134 in 0 : vector<8x1xi32>, vector<8x1xi32>, vector<16x1xi32> -> vector<32x1xi32>
      %swap3A_137 = arith.constant 0 : index
      %swap3A_138 = arith.constant 0 : index
      %swap3A_139 = vector.load %arg6[%swap3A_137, %swap3A_138] : memref<32x1xi32, #tpu.memory_space<vmem>>, vector<32x1xi32>
      tpu.vector_store %arg6[%swap3A_137, %swap3A_138], %concatenate3A {strides = array<i32>} : memref<32x1xi32, #tpu.memory_space<vmem>>, vector<32x1xi32>,
      %div3A_140 = arith.constant 8.192000e+03 : f32
      %div3A_141 = vector.broadcast %div3A_140 : f32 to vector<8x1xf32>
      %div3A_142 = arith.divf %get3A_100, %div3A_141 : vector<8x1xf32>
      %get3A_143 = arith.constant 0 : index
      %get3A_144 = arith.constant 0 : index
      %get3A_145 = vector.load %arg9[%get3A_143, %get3A_144] : memref<8x1xf32, #tpu.memory_space<vmem>>, vector<8x1xf32>
      %div3A_146 = arith.constant 8.192000e+03 : f32
      %div3A_147 = vector.broadcast %div3A_146 : f32 to vector<8x1xf32>
      %div3A_148 = arith.divf %get3A_145, %div3A_147 : vector<8x1xf32>
      %mul3A_149 = arith.mulf %div3A_142, %div3A_148 : vector<8x1xf32>
      %reduce_sum3A_150 = vector.shape_cast %mul3A_149 : vector<8x1xf32> to vector<1x8x1xf32>
      %reduce_sum3A_151 = arith.constant dense<0.000000e+00> : vector<1xf32>
      %reduce_sum3A_152 = vector.multi_reduction <add>, %reduce_sum3A_150, %reduce_sum3A_151 [1, 2] : vector<1x8x1xf32> to vector<1xf32>
      %reduce_sum3A_153 = vector.shape_cast %reduce_sum3A_152 : vector<1xf32> to vector<1x1x1xf32>
      %reduce_sum3A_154 = vector.extract %reduce_sum3A_153[0, 0, 0] : f32 from vector<1x1x1xf32>
      %broadcast_in_dim3A_155 = vector.broadcast %reduce_sum3A_154 : f32 to vector<1x1xf32>
      %mul3A_156 = arith.constant 8.000000e-02 : f32
      %mul3A_157 = vector.broadcast %mul3A_156 : f32 to vector<1x1xf32>
      %mul3A_158 = arith.mulf %mul3A_157, %broadcast_in_dim3A_155 : vector<1x1xf32>
      %get3A_159 = arith.constant 0 : index
      %get3A_160 = arith.constant 0 : index
      %get3A_161 = vector.load %arg10[%get3A_159, %get3A_160] : memref<1x1xf32, #tpu.memory_space<vmem>>, vector<1x1xf32>
      %div3A_162 = arith.constant 8.192000e+03 : f32
      %div3A_163 = vector.broadcast %div3A_162 : f32 to vector<1x1xf32>
      %div3A_164 = arith.divf %get3A_161, %div3A_163 : vector<1x1xf32>
      %mul3A_165 = arith.constant 1.000000e-03 : f32
      %mul3A_166 = vector.broadcast %mul3A_165 : f32 to vector<1x1xf32>
      %mul3A_167 = arith.mulf %mul3A_166, %div3A_164 : vector<1x1xf32>
      %add3A_168 = arith.addf %mul3A_158, %mul3A_167 : vector<1x1xf32>
      %swap3A_169 = arith.constant 0 : index
      %swap3A_170 = arith.constant 0 : index
      %swap3A_171 = vector.load %arg7[%swap3A_169, %swap3A_170] : memref<1x1xf32, #tpu.memory_space<vmem>>, vector<1x1xf32>
      tpu.vector_store %arg7[%swap3A_169, %swap3A_170], %add3A_168 {strides = array<i32>} : memref<1x1xf32, #tpu.memory_space<vmem>>, vector<1x1xf32>,
    } else {
    }
    return
  }
  func.func @transform_0(%arg0: i32) -> (i32, i32) {
    %c0_i32 = arith.constant 0 : i32
    %c0_i32_0 = arith.constant 0 : i32
    return %arg0, %c0_i32 : i32, i32
  }
  func.func @transform_1(%arg0: i32) -> (i32, i32) {
    %c0_i32 = arith.constant 0 : i32
    %c0_i32_0 = arith.constant 0 : i32
    %c0_i32_1 = arith.constant 0 : i32
    return %c0_i32, %c0_i32_0 : i32, i32
  }
  func.func @transform_2(%arg0: i32) -> (i32, i32, i32) {
    %c0_i32 = arith.constant 0 : i32
    %c0_i32_0 = arith.constant 0 : i32
    %c0_i32_1 = arith.constant 0 : i32
    return %arg0, %c0_i32, %c0_i32_0 : i32, i32, i32
  }
  func.func @transform_3(%arg0: i32) -> (i32, i32, i32) {
    %c0_i32 = arith.constant 0 : i32
    %c0_i32_0 = arith.constant 0 : i32
    %c0_i32_1 = arith.constant 0 : i32
    return %arg0, %c0_i32, %c0_i32_0 : i32, i32, i32
  }
  func.func @transform_4(%arg0: i32) -> (i32, i32, i32) {
    %c0_i32 = arith.constant 0 : i32
    %c0_i32_0 = arith.constant 0 : i32
    %c0_i32_1 = arith.constant 0 : i32
    return %arg0, %c0_i32, %c0_i32_0 : i32, i32, i32
  }
  func.func @transform_5(%arg0: i32) -> (i32, i32) {
    %c0_i32 = arith.constant 0 : i32
    %c0_i32_0 = arith.constant 0 : i32
    %c0_i32_1 = arith.constant 0 : i32
    return %c0_i32, %c0_i32_0 : i32, i32
  }
  func.func @transform_6(%arg0: i32) -> (i32, i32) {
    %c0_i32 = arith.constant 0 : i32
    %c0_i32_0 = arith.constant 0 : i32
    %c0_i32_1 = arith.constant 0 : i32
    return %c0_i32, %c0_i32_0 : i32, i32
  }
}

module attributes {stable_mosaic.version = 14 : i64} {
  func.func @_ffn_body(%arg0: i32, %arg1: i32, %arg2: memref<1x1024x1024xf32, #tpu.memory_space<vmem>>, %arg3: memref<1x4096x1024xbf16, #tpu.memory_space<vmem>>, %arg4: memref<1x1x4096xf32, #tpu.memory_space<vmem>>, %arg5: memref<1x1024x4096xbf16, #tpu.memory_space<vmem>>, %arg6: memref<1x1x1024xf32, #tpu.memory_space<vmem>>, %arg7: memref<1x1024x1xf32, #tpu.memory_space<vmem>>, %arg8: memref<1x1024x1024xf32, #tpu.memory_space<vmem>>, %arg9: memref<1024x1024xbf16, #tpu.memory_space<vmem>>, %arg10: memref<1024x1024xf32, #tpu.memory_space<vmem>>) attributes {dimension_semantics = [#tpu.dimension_semantics<arbitrary>, #tpu.dimension_semantics<arbitrary>], iteration_bounds = array<i64: 8, 1>, scalar_prefetch = 0 : i64, scratch_operands = 2 : i64, tpu.core_type = #tpu.core_type<tc>, window_params = [{transform_indices = @transform_0, window_bounds = array<i64: 1, 1024, 1024>}, {transform_indices = @transform_1, window_bounds = array<i64: 1, 4096, 1024>}, {transform_indices = @transform_2, window_bounds = array<i64: 1, 1, 4096>}, {transform_indices = @transform_3, window_bounds = array<i64: 1, 1024, 4096>}, {transform_indices = @transform_4, window_bounds = array<i64: 1, 1, 1024>}, {transform_indices = @transform_5, window_bounds = array<i64: 1, 1024, 1>}, {transform_indices = @transform_6, window_bounds = array<i64: 1, 1024, 1024>}]} {
    %eq3A = arith.constant 0 : i32
    %eq3A_0 = arith.cmpi eq, %arg1, %eq3A : i32
    %convert_element_type3A = arith.extui %eq3A_0 : i1 to i32
    %cond3A = arith.constant 0 : i32
    %cond3A_1 = arith.cmpi ne, %convert_element_type3A, %cond3A : i32
    scf.if %cond3A_1 {
      %get3A_44 = arith.constant 0 : index
      %get3A_45 = arith.constant 0 : index
      %get3A_46 = arith.constant 0 : index
      %get3A_47 = vector.load %arg2[%get3A_44, %get3A_45, %get3A_46] : memref<1x1024x1024xf32, #tpu.memory_space<vmem>>, vector<1x1024x1024xf32>
      %get3A_48 = vector.shape_cast %get3A_47 : vector<1x1024x1024xf32> to vector<1024x1024xf32>
      %convert_element_type3A_49 = arith.truncf %get3A_48 : vector<1024x1024xf32> to vector<1024x1024xbf16>
      %swap3A_50 = arith.constant 0 : index
      %swap3A_51 = arith.constant 0 : index
      %swap3A_52 = vector.load %arg9[%swap3A_50, %swap3A_51] : memref<1024x1024xbf16, #tpu.memory_space<vmem>>, vector<1024x1024xbf16>
      tpu.vector_store %arg9[%swap3A_50, %swap3A_51], %convert_element_type3A_49 {strides = array<i32>} : memref<1024x1024xbf16, #tpu.memory_space<vmem>>, vector<1024x1024xbf16>,
      %get3A_53 = arith.constant 0 : index
      %get3A_54 = arith.constant 0 : index
      %get3A_55 = arith.constant 0 : index
      %get3A_56 = vector.load %arg6[%get3A_53, %get3A_54, %get3A_55] : memref<1x1x1024xf32, #tpu.memory_space<vmem>>, vector<1x1x1024xf32>
      %get3A_57 = vector.shape_cast %get3A_56 : vector<1x1x1024xf32> to vector<1024xf32>
      %broadcast_in_dim3A_58 = vector.shape_cast %get3A_57 : vector<1024xf32> to vector<1x1024xf32>
      %broadcast_in_dim3A_59 = vector.broadcast %broadcast_in_dim3A_58 : vector<1x1024xf32> to vector<1024x1024xf32>
      %swap3A_60 = arith.constant 0 : index
      %swap3A_61 = arith.constant 0 : index
      %swap3A_62 = vector.load %arg10[%swap3A_60, %swap3A_61] : memref<1024x1024xf32, #tpu.memory_space<vmem>>, vector<1024x1024xf32>
      tpu.vector_store %arg10[%swap3A_60, %swap3A_61], %broadcast_in_dim3A_59 {strides = array<i32>} : memref<1024x1024xf32, #tpu.memory_space<vmem>>, vector<1024x1024xf32>,
    } else {
    }
    %get3A = arith.constant 0 : index
    %get3A_2 = arith.constant 0 : index
    %get3A_3 = vector.load %arg9[%get3A, %get3A_2] : memref<1024x1024xbf16, #tpu.memory_space<vmem>>, vector<1024x1024xbf16>
    %get3A_4 = arith.constant 0 : index
    %get3A_5 = arith.constant 0 : index
    %get3A_6 = arith.constant 0 : index
    %get3A_7 = vector.load %arg3[%get3A_4, %get3A_5, %get3A_6] : memref<1x4096x1024xbf16, #tpu.memory_space<vmem>>, vector<1x4096x1024xbf16>
    %get3A_8 = vector.shape_cast %get3A_7 : vector<1x4096x1024xbf16> to vector<4096x1024xbf16>
    %dot_general3A = arith.constant dense<0.000000e+00> : vector<1024x4096xf32>
    %dot_general3A_9 = tpu.matmul %get3A_3, %get3A_8, %dot_general3A {dimension_numbers = #tpu.dot_dimension_numbers<[1], [1], [0], [0], [0, 0, 1, 0], [], []>, transpose_lhs_hint = false} : vector<1024x1024xbf16>, vector<4096x1024xbf16>, vector<1024x4096xf32> -> vector<1024x4096xf32>
    %get3A_10 = arith.constant 0 : index
    %get3A_11 = arith.constant 0 : index
    %get3A_12 = arith.constant 0 : index
    %get3A_13 = vector.load %arg4[%get3A_10, %get3A_11, %get3A_12] : memref<1x1x4096xf32, #tpu.memory_space<vmem>>, vector<1x1x4096xf32>
    %get3A_14 = vector.shape_cast %get3A_13 : vector<1x1x4096xf32> to vector<4096xf32>
    %broadcast_in_dim3A = vector.shape_cast %get3A_14 : vector<4096xf32> to vector<1x4096xf32>
    %add3A = vector.broadcast %broadcast_in_dim3A : vector<1x4096xf32> to vector<1024x4096xf32>
    %add3A_15 = arith.addf %dot_general3A_9, %add3A : vector<1024x4096xf32>
    %mul3A = arith.constant 5.000000e-01 : f32
    %mul3A_16 = vector.broadcast %mul3A : f32 to vector<1024x4096xf32>
    %mul3A_17 = arith.mulf %mul3A_16, %add3A_15 : vector<1024x4096xf32>
    %mul3A_18 = arith.constant 0.707106769 : f32
    %mul3A_19 = vector.broadcast %mul3A_18 : f32 to vector<1024x4096xf32>
    %mul3A_20 = arith.mulf %add3A_15, %mul3A_19 : vector<1024x4096xf32>
    %erf3A = math.erf %mul3A_20 : vector<1024x4096xf32>
    %add3A_21 = arith.constant 1.000000e+00 : f32
    %add3A_22 = vector.broadcast %add3A_21 : f32 to vector<1024x4096xf32>
    %add3A_23 = arith.addf %add3A_22, %erf3A : vector<1024x4096xf32>
    %mul3A_24 = arith.mulf %mul3A_17, %add3A_23 : vector<1024x4096xf32>
    %convert_element_type3A_25 = arith.truncf %mul3A_24 : vector<1024x4096xf32> to vector<1024x4096xbf16>
    %get3A_26 = arith.constant 0 : index
    %get3A_27 = arith.constant 0 : index
    %get3A_28 = vector.load %arg10[%get3A_26, %get3A_27] : memref<1024x1024xf32, #tpu.memory_space<vmem>>, vector<1024x1024xf32>
    %get3A_29 = arith.constant 0 : index
    %get3A_30 = arith.constant 0 : index
    %get3A_31 = arith.constant 0 : index
    %get3A_32 = vector.load %arg5[%get3A_29, %get3A_30, %get3A_31] : memref<1x1024x4096xbf16, #tpu.memory_space<vmem>>, vector<1x1024x4096xbf16>
    %get3A_33 = vector.shape_cast %get3A_32 : vector<1x1024x4096xbf16> to vector<1024x4096xbf16>
    %dot_general3A_34 = arith.constant dense<0.000000e+00> : vector<1024x1024xf32>
    %dot_general3A_35 = tpu.matmul %convert_element_type3A_25, %get3A_33, %dot_general3A_34 {dimension_numbers = #tpu.dot_dimension_numbers<[1], [1], [0], [0], [0, 0, 1, 0], [], []>, transpose_lhs_hint = false} : vector<1024x4096xbf16>, vector<1024x4096xbf16>, vector<1024x1024xf32> -> vector<1024x1024xf32>
    %add3A_36 = arith.addf %get3A_28, %dot_general3A_35 : vector<1024x1024xf32>
    %swap3A = arith.constant 0 : index
    %swap3A_37 = arith.constant 0 : index
    %swap3A_38 = vector.load %arg10[%swap3A, %swap3A_37] : memref<1024x1024xf32, #tpu.memory_space<vmem>>, vector<1024x1024xf32>
    tpu.vector_store %arg10[%swap3A, %swap3A_37], %add3A_36 {strides = array<i32>} : memref<1024x1024xf32, #tpu.memory_space<vmem>>, vector<1024x1024xf32>,
    %eq3A_39 = arith.constant 0 : i32
    %eq3A_40 = arith.cmpi eq, %arg1, %eq3A_39 : i32
    %convert_element_type3A_41 = arith.extui %eq3A_40 : i1 to i32
    %cond3A_42 = arith.constant 0 : i32
    %cond3A_43 = arith.cmpi ne, %convert_element_type3A_41, %cond3A_42 : i32
    scf.if %cond3A_43 {
      %get3A_44 = arith.constant 0 : index
      %get3A_45 = arith.constant 0 : index
      %get3A_46 = vector.load %arg10[%get3A_44, %get3A_45] : memref<1024x1024xf32, #tpu.memory_space<vmem>>, vector<1024x1024xf32>
      %get3A_47 = arith.constant 0 : index
      %get3A_48 = arith.constant 0 : index
      %get3A_49 = arith.constant 0 : index
      %get3A_50 = vector.load %arg7[%get3A_47, %get3A_48, %get3A_49] : memref<1x1024x1xf32, #tpu.memory_space<vmem>>, vector<1x1024x1xf32>
      %get3A_51 = vector.shape_cast %get3A_50 : vector<1x1024x1xf32> to vector<1024x1xf32>
      %mul3A_52 = vector.broadcast %get3A_51 : vector<1024x1xf32> to vector<1024x1024xf32>
      %mul3A_53 = arith.mulf %get3A_46, %mul3A_52 : vector<1024x1024xf32>
      %swap3A_54 = arith.constant 0 : index
      %swap3A_55 = arith.constant 0 : index
      %swap3A_56 = arith.constant 0 : index
      %swap3A_57 = vector.load %arg8[%swap3A_54, %swap3A_55, %swap3A_56] : memref<1x1024x1024xf32, #tpu.memory_space<vmem>>, vector<1x1024x1024xf32>
      %swap3A_58 = vector.shape_cast %swap3A_57 : vector<1x1024x1024xf32> to vector<1024x1024xf32>
      %swap3A_59 = vector.shape_cast %mul3A_53 : vector<1024x1024xf32> to vector<1x1024x1024xf32>
      tpu.vector_store %arg8[%swap3A_54, %swap3A_55, %swap3A_56], %swap3A_59 {strides = array<i32>} : memref<1x1024x1024xf32, #tpu.memory_space<vmem>>, vector<1x1024x1024xf32>,
    } else {
    }
    return
  }
  func.func @transform_0(%arg0: i32, %arg1: i32) -> (i32, i32, i32) {
    %c0_i32 = arith.constant 0 : i32
    %c0_i32_0 = arith.constant 0 : i32
    %c0_i32_1 = arith.constant 0 : i32
    return %arg0, %c0_i32, %c0_i32_0 : i32, i32, i32
  }
  func.func @transform_1(%arg0: i32, %arg1: i32) -> (i32, i32, i32) {
    %c0_i32 = arith.constant 0 : i32
    %c0_i32_0 = arith.constant 0 : i32
    return %arg0, %arg1, %c0_i32 : i32, i32, i32
  }
  func.func @transform_2(%arg0: i32, %arg1: i32) -> (i32, i32, i32) {
    %c0_i32 = arith.constant 0 : i32
    %c0_i32_0 = arith.constant 0 : i32
    return %arg0, %c0_i32, %arg1 : i32, i32, i32
  }
  func.func @transform_3(%arg0: i32, %arg1: i32) -> (i32, i32, i32) {
    %c0_i32 = arith.constant 0 : i32
    %c0_i32_0 = arith.constant 0 : i32
    return %arg0, %c0_i32, %arg1 : i32, i32, i32
  }
  func.func @transform_4(%arg0: i32, %arg1: i32) -> (i32, i32, i32) {
    %c0_i32 = arith.constant 0 : i32
    %c0_i32_0 = arith.constant 0 : i32
    %c0_i32_1 = arith.constant 0 : i32
    return %arg0, %c0_i32, %c0_i32_0 : i32, i32, i32
  }
  func.func @transform_5(%arg0: i32, %arg1: i32) -> (i32, i32, i32) {
    %c0_i32 = arith.constant 0 : i32
    %c0_i32_0 = arith.constant 0 : i32
    %c0_i32_1 = arith.constant 0 : i32
    return %arg0, %c0_i32, %c0_i32_0 : i32, i32, i32
  }
  func.func @transform_6(%arg0: i32, %arg1: i32) -> (i32, i32, i32) {
    %c0_i32 = arith.constant 0 : i32
    %c0_i32_0 = arith.constant 0 : i32
    %c0_i32_1 = arith.constant 0 : i32
    return %arg0, %c0_i32, %c0_i32_0 : i32, i32, i32
  }
}

</mosaic_0001>

<sc_bundles>
// kernel: kernel.10.cloned.1.call-start
scs
__scs_entry_jumppad:
0x0: {  	(pc) =	sbr.rel $0x88, $3  }
0x1: {  	(tag) =	ssettag $0x0;
	lr =	simm.s32 $0x1  }
0x2: {  	[smem:$0x3F9B] =	sst lr;
	_ =	strace $0xD0000000  }
0x3: {  	_ = 	snop  }
0x4: {  	_ = 	snop  }
0x5: {  	_ = 	snop  }
0x6: {  	_ = 	snop  }
0x7: {  	_ = 	snop  }
__scs_overlays_trampoline_lowered:
0x8: {  	[smem:$0x3FAA] =	sst s0  }
0x9: {  	[smem:$0x3FAB] =	sst s1  }
0xa: {  	[smem:$0x3FAC] =	sst s2  }
0xb: {  	[smem:$0x3FAD] =	sst s3  }
0xc: {  	[smem:$0x3FAE] =	sst s4  }
0xd: {  	[smem:$0x3FAF] =	sst s5  }
0xe: {  	[smem:$0x3FB0] =	sst s6  }
0xf: {  	[smem:$0x3FB1] =	sst s7  }
0x10: {  	[smem:$0x3FB2] =	sst s8  }
0x11: {  	[smem:$0x3FB3] =	sst s9;
	s0 =	simm.s32 @!p0 $0x0  }
0x12: {  	s1 =	sld [smem:$0x3F99];
	s0 =	simm.s32 @p0 $0x1  }
0x13: {  	[smem:$0x3FB4] =	sst s0;
	s0 =	simm.s32 @!p1 $0x0  }
0x14: {  	s2 =	sld [smem:$0x3F98];
	s0 =	simm.s32 @p1 $0x1  }
0x15: {  	[smem:$0x3FB5] =	sst s0;
	s0 =	simm.s32 @!p2 $0x0  }
0x16: {  	s3 =	sld [smem:$0x3FDB];
	s0 =	simm.s32 @p2 $0x1  }
0x17: {  	s4 =	simm.s32 $0x1BF5;
	[smem:$0x3FB7] =	sst s0  }
0x18: {  	s0 =	sld [smem:$0x3F9A];
	_ =	swait.ge [sflag:s4], $0x0  }
0x19: {  	s7 =	sld [smem:$0x3F9B]  }
0x1a: {  	s8 =	sadd.s32 $0xFFFFE003, lr  }
0x1b: {  	s9 =	sadd.s32 $0xFFFFFEF7, lr;
	s5 =	simm.s32 $0xFFFFFFFF;
	p2 =	slt.u32 s8, $0xFFFFF086  }
0x1c: {  	p1 =	slt.u32 s9, $0xF7A;
	s5 =	simm.s32 @!p2 $0x0  }
0x1d: {  	s5 =	simm.s32 @p1 $0x1;
	p0 =	seq.s32 s7, s2  }
0x1e: {  	s7 =	smul.u32 @!p0 $0xF7A, s2;
	p2 =	seq.s32 @!p0 s5, $0x0  }
0x1f: {  	s9 =	smul.u32 $0xF7A, s1;
	s8 =	simm.s32 @!p0 $0x1BF5;
	p2 =	por !p2, p0  }
0x20: {  	[sflag:s8] =	ssyncset.s32 @!p0 $0xFFFFF086;
	s6 =	sadd.s32 @!p0 s3, s7;
	s7 =	simm.s32 @!p0 $0x108  }
0x21: {  	s3 =	sadd.s32 s3, s9;
	s6 =	sadd.s32 @!p0 $0x88, s6;
	s7 =	simm.s32 @p2 $0x1082  }
0x22: {  	[simem:s7], [sflag:s8] =	dma.local @!p0 [hbm:s6], $0xF7A  }
0x23: {  	s9 =	sor.u32 $0xD0000000, s2;
	s6 =	simm.s32 $0x108;
	_ =	swait.ge @!p0 [sflag:s8], $0x0  }
0x24: {  	s3 =	sadd.s32 $0x88, s3;
	s6 =	simm.s32 @!p1 $0x1082;
	[sflag:s4] =	ssyncset.s32 $0xFFFFF086  }
0x25: {  	[simem:s6], [sflag:s4] =	dma.local [hbm:s3], $0xF7A  }
0x26: {  	[smem:$0x3F9B] =	sst s1;
	(tag) =	ssettag s2;
	_ =	strace s9  }
0x27: {  	s1 =	sld [smem:$0x3FAB]  }
0x28: {  	s2 =	sld [smem:$0x3FAC]  }
0x29: {  	s4 =	sld [smem:$0x3FAE]  }
0x2a: {  	p0 =	seq.s32 s5, $0x0;
	s5 =	sld [smem:$0x3FAF]  }
0x2b: {  	s6 =	sld [smem:$0x3FB0]  }
0x2c: {  	s7 =	sld [smem:$0x3FB1]  }
0x2d: {  	s3 =	simm.s32 $0x108;
	s8 =	sld [smem:$0x3FB2]  }
0x2e: {  	s3 =	simm.s32 @!p0 $0x1082;
	s9 =	sld [smem:$0x3FB3]  }
0x2f: {  	lr =	sadd.s32 s0, s3;
	s0 =	sld [smem:$0x3FAA]  }
0x30: {  	s3 =	sld [smem:$0x3FAD]  }
0x31: {  	[smem:$0x3FB6] =	sst s10  }
0x32: {  	s10 =	sld [smem:$0x3FB4];
	_ =	sdelay $0x3  }
0x33: {  	p0 =	seq.s32 s10, $0x1;
	s10 =	sld [smem:$0x3FB6];
	_ =	sdelay $0x3  }
0x34: {  	[smem:$0x3FB6] =	sst s10  }
0x35: {  	s10 =	sld [smem:$0x3FB5];
	_ =	sdelay $0x3  }
0x36: {  	p1 =	seq.s32 s10, $0x1;
	s10 =	sld [smem:$0x3FB6];
	_ =	sdelay $0x3  }
0x37: {  	[smem:$0x3FB6] =	sst s10  }
0x38: {  	s10 =	sld [smem:$0x3FB7]  }
0x39: {  	_ = 	snop;
	(pc) =	sbr.ind lr, $3  }
0x3a: {  	_ = 	snop  }
0x3b: {  	_ = 	snop  }
0x3c: {  	p2 =	seq.s32 s10, $0x1;
	s10 =	sld [smem:$0x3FB6]  }
0x3d: {  	_ =	shalt  }
0x3e: {  	_ =	shalt  }
0x3f: {  	_ =	shalt  }
0x40: {  	_ =	shalt  }
0x41: {  	_ =	shalt  }
0x42: {  	_ =	shalt  }
0x43: {  	_ =	shalt  }
0x44: {  	_ =	shalt  }
0x45: {  	_ =	shalt  }
0x46: {  	_ =	shalt  }
0x47: {  	_ =	shalt  }
0x48: {  	_ =	shalt  }
0x49: {  	_ =	shalt  }
0x4a: {  	_ =	shalt  }
0x4b: {  	_ =	shalt  }
0x4c: {  	_ =	shalt  }
0x4d: {  	_ =	shalt  }
0x4e: {  	_ =	shalt  }
0x4f: {  	_ =	shalt  }
0x50: {  	_ =	shalt  }
0x51: {  	_ =	shalt  }
0x52: {  	_ =	shalt  }
0x53: {  	_ =	shalt  }
0x54: {  	_ =	shalt  }
0x55: {  	_ =	shalt  }
0x56: {  	_ =	shalt  }
0x57: {  	_ =	shalt  }
0x58: {  	_ =	shalt  }
0x59: {  	_ =	shalt  }
0x5a: {  	_ =	shalt  }
0x5b: {  	_ =	shalt  }
0x5c: {  	_ =	shalt  }
0x5d: {  	_ =	shalt  }
0x5e: {  	_ =	shalt  }
0x5f: {  	_ =	shalt  }
0x60: {  	_ =	shalt  }
0x61: {  	_ =	shalt  }
0x62: {  	_ =	shalt  }
0x63: {  	_ =	shalt  }
0x64: {  	_ =	shalt  }
0x65: {  	_ =	shalt  }
0x66: {  	_ =	shalt  }
0x67: {  	_ =	shalt  }
0x68: {  	_ =	shalt  }
0x69: {  	_ =	shalt  }
0x6a: {  	_ =	shalt  }
0x6b: {  	_ =	shalt  }
0x6c: {  	_ =	shalt  }
0x6d: {  	_ =	shalt  }
0x6e: {  	_ =	shalt  }
0x6f: {  	_ =	shalt  }
0x70: {  	_ =	shalt  }
0x71: {  	_ =	shalt  }
0x72: {  	_ =	shalt  }
0x73: {  	_ =	shalt  }
0x74: {  	_ =	shalt  }
0x75: {  	_ =	shalt  }
0x76: {  	_ =	shalt  }
0x77: {  	_ =	shalt  }
0x78: {  	_ =	shalt  }
0x79: {  	_ =	shalt  }
0x7a: {  	_ =	shalt  }
0x7b: {  	_ =	shalt  }
0x7c: {  	_ =	shalt  }
0x7d: {  	_ =	shalt  }
0x7e: {  	_ =	shalt  }
0x7f: {  	_ =	shalt  }
0x80: {  	_ =	shalt  }
0x81: {  	_ =	shalt  }
0x82: {  	_ =	shalt  }
0x83: {  	_ =	shalt  }
0x84: {  	_ =	shalt  }
0x85: {  	_ =	shalt  }
0x86: {  	_ =	shalt  }
0x87: {  	_ =	shalt  }
.Lfunc_end0:
.L_simem_size_0:
called_computation.1_lowered:
.L_overlay_start_0:
0x88: {  	s2 =	sld [smem:$0x3FD9]  }
0x89: {  	s3 =	sld [smem:$0x3FFE];
	_ =	sdelay $0x1  }
0x8a: {  	s1 =	srdreg.scid  }
0x8b: {  	s0 =	sand.u32 $0x1, s1  }
0x8c: {  	s14 =	sshll.u32 s0, $0xA;
	s2 =	sadd.s32 s3, s2  }
0x8d: {  	s2 =	sadd.s32 s2, s14  }
0x8e: {  	[smem:$0x3FC2] =	sst s2  }
0x8f: {  	_ = 	snop  }
0x90: {  	s2 =	sld [smem:$0x3FD0];
	_ =	sdelay $0x2  }
0x91: {  	s4 =	simm.s32 $0xA;
	s5 =	simm.s32 $0x10;
	s15 =	sld [smem:$0x3FC9]  }
0x92: {  	[smem:s5], [sflag:s4] =	dma.local [hbm:s2], $0x1  }
0x93: {  	_ =	swait.eq [sflag:s4], $0x1  }
0x94: {  	[sflag:s4] =	ssyncset.done $0x0  }
0x95: {  	[sflag:s4] =	ssyncadd.s32 $0xFFFFFFFF  }
0x96: {  	s16 =	sld [smem:$0x10];
	(tm) =	ssettm $0x1  }
0x97: {  	s17 =	sld [smem:$0x3FFB];
	_ =	sdelay $0x3  }
0x98: {  	_ =	strace s17  }
0x99: {  	s4 =	sld [smem:$0x3FFC];
	_ =	sdelay $0x3  }
0x9a: {  	_ =	strace s4  }
0x9b: {  	s4 =	sld [smem:$0x3FFD];
	_ =	sdelay $0x3  }
0x9c: {  	_ =	strace s4  }
0x9d: {  	_ =	strace $0x8FFFFFFF  }
0x9e: {  	s18 =	sld [smem:$0x3FDB];
	_ =	sdelay $0x1  }
0x9f: {  	s19 =	simm.s32 $_scs_section_size  }
0xa0: {  	s6 =	simm.s32 $_size__tile_overlayer_lowered;
	s7 =	simm.s32 $_tile_overlayer_lowered  }
0xa1: {  	s22 =	simm.s32 $0x1BFF;
	s21 =	sshll.u32 s7, $0x1;
	s4 =	sadd.s32 s19, s18  }
0xa2: {  	s8 =	simm.s32 $0x0;
	s20 =	sshll.u32 s6, $0x1;
	s6 =	sadd.s32 s21, s4  }
0xa3: {  	[timem:s8], [sflag:s22] =	dma.local [hbm:s6], s20  }
0xa4: {  	_ =	swait.ge [sflag:s22], s20  }
0xa5: {  	s5 =	ssub.s32 $0x0, s20;
	[sflag:s22] =	ssyncset.done $0x0  }
0xa6: {  	[sflag:s22] =	ssyncadd.s32 s5;
	_ =	sdelay $0x1  }
0xa7: {  	s23 =	simm.s32 $0x1B8B  }
0xa8: {  	_ =	swait.ge [sflag:s23], $0x1  }
0xa9: {  	[sflag:s23] =	ssyncset.done $0x0  }
0xaa: {  	s25 =	simm.s32 $0x1B8E;
	s24 =	sld [smem:$0x3FFE];
	[sflag:s23] =	ssyncadd.s32 $0xFFFFFFFF  }
0xab: {  	s26 =	simm.s32 $execute0_lowered;
	[smem:$0x3FD2] =	sst s25  }
0xac: {  	s6 =	sshll.u32 s26, $0x1;
	_ =	strace $0x80000049;
	[dreg:$0x1] =	wrdreg $0xFFFFFFFF  }
0xad: {  	s28 =	simm.s32 $_size_execute0_lowered;
	s4 =	sadd.s32 s4, s6;
	[dreg:$0x0] =	wrdreg $0x0  }
0xae: {  	s6 =	sshll.u32 s28, $0x1;
	[dreg:$0x2] =	wrdreg s4  }
0xaf: {  	[dreg:$0x3] =	wrdreg s6  }
0xb0: {  	[dreg:$0x4] =	wrdreg $0xC0  }
0xb1: {  	_ =	task [dreg:s8], $0x5FFFF  }
0xb2: {  	[dreg:$0x1] =	wrdreg $0xFFFFFFFF  }
0xb3: {  	[dreg:$0x0] =	wrdreg $0x60  }
0xb4: {  	[dreg:$0x2] =	wrdreg s15  }
0xb5: {  	[dreg:$0x3] =	wrdreg s24  }
0xb6: {  	[dreg:$0x4] =	wrdreg s16  }
0xb7: {  	[dreg:$0x5] =	wrdreg $0x9  }
0xb8: {  	_ =	task.clear_ibuf [dreg:s8], $0x6FFFF;
	_ =	strace $0x90000049  }
0xb9: {  	s29 =	simm.s32 $0x9;
	_ =	strace $0x8000004B  }
0xba: {  	_ =	swait.ge [sflag:s29], $0x1  }
0xbb: {  	[sflag:s29] =	ssyncadd.s32 $0xFFFFFFFF  }
0xbc: {  	_ =	strace $0x9000004B  }
0xbd: {  	_ =	sfence  }
0xbe: {  	s30 =	sld [smem:$0x0];
	_ =	sdelay $0x2  }
0xbf: {  	s31 =	sshll.u32 s1, $0xD;
	s1 =	sshrl.u32 s1, $0x2  }
0xc0: {  	s3 =	sand.u32 $0x4000, s31;
	s1 =	sadd.s32 s1, s30  }
0xc1: {  	s0 =	sor.u32 s3, s0;
	s1 =	sshll.u32 s1, $0x11  }
0xc2: {  	s0 =	sor.u32 s1, s0  }
0xc3: {  	s0 =	sadd.s32 $0x8F2B, s0  }
0xc4: {  	[sflag:s0] =	ssyncadd.remote.s32 $0x1  }
0xc5: {  	_ =	sfence.sel $0xFFFF  }
0xc6: {  	[dreg:$0x0] =	wrdreg $0xFFFFFFFF;
	(pc) =	sbr.abs _section_cstart, $3  }
0xc7: {  	[dreg:$0x1] =	wrdreg $0xFFFFFFFF  }
0xc8: {  	_ =	task.clear_ibuf [dreg:s8], $0x2FFFF;
	_ =	strace $0x9FFFFFFF  }
0xc9: {  	(tm) =	ssettm $0x7FFFFFFF  }
tec
execute0_lowered:
.L_overlay_start_1:
0x0: {  	(tag) =	ssettag $0x1  }
0x1: {  	s1 =	rddreg [dreg:$0x0]  }
0x2: {  	s0 =	rddreg [dreg:$0x1]  }
0x3: {  	s4 =	rddreg [dreg:$0x2];
	s3 =	simm.s32 $0x0  }
0x4: {  	s2 =	srdreg.scid;
	s9 =	stileid.u32;
	s28 =	simm.s32 $0x100  }
0x5: {  	[smem:$0x7FF] =	sst s3;
	s2 =	sand.u32 $0x1, s2;
	s7 =	sadd.s32 $0x2800, s0  }
0x6: {  	s29 =	sadd.s32 $0x2C00, s0;
	_ =	strace $0x8000004A;
	[dreg:$0x11] =	wrdreg s7  }
0x7: {  	s5 =	sshll.u32 s9, $0x9;
	s30 =	sadd.s32 $0x2600, s0;
	[dreg:$0x12] =	wrdreg s29  }
0x8: {  	s12 =	sshrl.u32 s9, $0x1;
	s9 =	sadd.s32 $0x200, s1;
	[dreg:$0x4] =	wrdreg s30  }
0x9: {  	s6 =	sshll.u32 s2, $0x8;
	s2 =	ssub.s32 $0x2, s2;
	[dreg:$0xd] =	wrdreg s28  }
0xa: {  	s29 =	simm.s32 $0x280;
	s30 =	simm.s32 $0x300;
	v0 =	vmov s12;
	s12 =	simm.s32 $0x5C80  }
0xb: {  	s5 =	sor.u32 s6, s5;
	s8 =	sshrl.u32 s2, $0x1;
	[dreg:$0xe] =	wrdreg s29  }
0xc: {  	[dreg:$0xf] =	wrdreg s30;
	s31 =	sshrl.u32 s5, $0x3;
	s8 =	ssub.s32 s2, s8  }
0xd: {  	s13 =	sand.u32 $0x300, s5;
	s10 =	sshll.u32 s5, $0x7;
	s7 =	sadd.s32 s31, s0  }
0xe: {  	s0 =	sor.u32 $0x10, s13;
	s2 =	sor.u32 $0x20, s13;
	s5 =	sor.u32 $0x30, s13  }
0xf: {  	s11 =	sadd.s32 s4, s10;
	s4 =	sor.u32 $0x40, s13;
	s15 =	sor.u32 $0x50, s13  }
0x10: {  	s14 =	sor.u32 $0x60, s13;
	s16 =	sor.u32 $0x70, s13;
	s17 =	sor.u32 $0x80, s13  }
0x11: {  	s18 =	sor.u32 $0x90, s13;
	s19 =	sor.u32 $0xA0, s13;
	s20 =	sor.u32 $0xB0, s13  }
0x12: {  	s31 =	simm.s32 $0x380;
	s8 =	smax.u32 s8, $0x1;
	[dreg:$0x13] =	wrdreg s11  }
0x13: {  	s10 =	sadd.s32 $0x300, s1;
	s6 =	sadd.s32 $0x1E00, s7;
	[dreg:$0x10] =	wrdreg s31  }
0x14: {  	s7 =	sadd.s32 $0x1000, s11;
	s21 =	sadd.s32 $0x2000, s11;
	[dreg:$0x5] =	wrdreg s6  }
0x15: {  	s22 =	sadd.s32 $0x3000, s11;
	s23 =	sadd.s32 $0x4000, s11;
	[dreg:$0x6] =	wrdreg s7  }
0x16: {  	s24 =	sadd.s32 $0x5000, s11;
	s25 =	sadd.s32 $0x6000, s11;
	[dreg:$0x7] =	wrdreg s21  }
0x17: {  	v20 =	vlaneseq.u32;
	vm0 =	vmmov $0xffff;
	s26 =	sadd.s32 $0x7000, s11;
	s11 =	simm.s32 $0x4;
	[dreg:$0x8] =	wrdreg s22  }
0x18: {  	v19 =	vshrl.u32 v20, $0x3;
	v5 =	vor.u32 s4, v20;
	v7 =	vor.u32 s14, v20;
	s14 =	simm.s32 $0x3C80;
	s4 =	simm.s32 $0x4C80;
	[dreg:$0x9] =	wrdreg s23  }
0x19: {  	v18 =	vand.u32 $0x7, v20;
	v4 =	vor.u32 s5, v20;
	v8 =	vor.u32 s16, v20;
	s5 =	simm.s32 $0x5480;
	s16 =	simm.s32 $0x6480;
	[dreg:$0xa] =	wrdreg s24  }
0x1a: {  	v19 =	vmul.u32 $0x8, v19;
	v9 =	vor.u32 s17, v20;
	v10 =	vor.u32 s18, v20;
	s17 =	simm.s32 $0x6C80;
	s18 =	simm.s32 $0x7480;
	[dreg:$0xb] =	wrdreg s25  }
0x1b: {  	v17 =	vor.u32 $0x8, v0;
	v1 =	vor.u32 s13, v20;
	v11 =	vor.u32 s19, v20;
	s19 =	simm.s32 $0x7C80;
	[dreg:$0xc] =	wrdreg s26;
	s21 =	sor.u32 $0xC0, s13  }
0x1c: {  	v2 =	vor.u32 s0, v20;
	v3 =	vor.u32 s2, v20;
	v6 =	vor.u32 s15, v20;
	s22 =	sor.u32 $0xD0, s13;
	s23 =	sor.u32 $0xE0, s13;
	s24 =	sor.u32 $0xF0, s13  }
0x1d: {  	v12 =	vor.u32 s20, v20;
	s7 =	sadd.s32 $0x100, s1;
	s25 =	simm.s32 $0x3;
	s13 =	simm.s32 $0x3480;
	v13 =	vor.u32 s21, v20;
	v14 =	vor.u32 s22, v20  }
0x1e: {  	s6 =	simm.s32 $0x4480;
	v15 =	vor.u32 s23, v20;
	v16 =	vor.u32 s24, v20;
	v20 =	vor.u32 $0x8, v20;
	s22 =	simm.s32 $0x2;
	s24 =	simm.s32 $0x8480  }
.LBB2_1:
0x1f: {  	s26 =	rddreg [dreg:$0x4]  }
0x20: {  	[tilespmem:s3], [sflag:$0x4] =	stream.linear.gather [hbm4b:s26+s3], $0x80, $0x38;
	[tilespmem:$0x10480] =	vst v63  }
0x21: {  	_ =	swait.ge [sflag:s11], $0x80  }
0x22: {  	[sflag:s11] =	ssyncset.done $0x0  }
0x23: {  	[sflag:s11] =	ssyncadd.s32 $0xFFFFFF80  }
0x24: {  	v21 =	vld.idx.msk [tilespmem:v17+s3+$0x0], $0xffff;
	_ =	sdelay $0x4  }
0x25: {  	v23 =	vadd.s32 $0xFFFFFFFF, v21  }
0x26: {  	vm1 =	vgt.s32 v23, $0x0  }
0x27: {  	v23 =	vnsel vm1, $0x0, v23  }
0x28: {  	v22 =	vld.idx.msk [tilespmem:v0+s3+$0x0], $0xffff;
	v24 =	vmin.u32 v1, v23  }
0x29: {  	v25 =	vmin.u32 v2, v23;
	v26 =	vmin.u32 v3, v23;
	v27 =	vmin.u32 v4, v23  }
0x2a: {  	v28 =	vmin.u32 v5, v23;
	v29 =	vmin.u32 v6, v23;
	v30 =	vmin.u32 v7, v23  }
0x2b: {  	v63 =	vmin.u32 v8, v23;
	v34 =	vmin.u32 v9, v23;
	v36 =	vmin.u32 v10, v23  }
0x2c: {  	v40 =	vmin.u32 v11, v23;
	v42 =	vmin.u32 v12, v23;
	v44 =	vmin.u32 v13, v23  }
0x2d: {  	v47 =	vmin.u32 v14, v23;
	v49 =	vmin.u32 v15, v23;
	v24 =	vadd.s32 v22, v24  }
0x2e: {  	v23 =	vmin.u32 v16, v23;
	v25 =	vadd.s32 v22, v25;
	vm1 =	vlt.s32 v24, $0x1FFF  }
0x2f: {  	v26 =	vadd.s32 v22, v26;
	v24 =	vnsel vm1, $0x1FFF, v24;
	vm1 =	vlt.s32 v25, $0x1FFF  }
0x30: {  	v27 =	vadd.s32 v22, v27;
	v25 =	vnsel vm1, $0x1FFF, v25;
	vm1 =	vlt.s32 v26, $0x1FFF;
	[tilespmem:$0x80] =	vst v24  }
0x31: {  	v28 =	vadd.s32 v22, v28;
	v26 =	vnsel vm1, $0x1FFF, v26;
	vm1 =	vlt.s32 v27, $0x1FFF;
	[tilespmem:$0x90] =	vst v25  }
0x32: {  	v29 =	vadd.s32 v22, v29;
	v27 =	vnsel vm1, $0x1FFF, v27;
	vm1 =	vlt.s32 v28, $0x1FFF;
	[tilespmem:$0xA0] =	vst v26  }
0x33: {  	v61 =	vadd.s32 v22, v30;
	v60 =	vnsel vm1, $0x1FFF, v28;
	vm1 =	vlt.s32 v29, $0x1FFF;
	[tilespmem:$0xB0] =	vst v27  }
0x34: {  	v33 =	vadd.s32 v22, v63;
	v62 =	vnsel vm1, $0x1FFF, v29;
	vm1 =	vlt.s32 v61, $0x1FFF;
	[tilespmem:$0xC0] =	vst v60  }
0x35: {  	v35 =	vadd.s32 v22, v34;
	v32 =	vnsel vm1, $0x1FFF, v61;
	vm1 =	vlt.s32 v33, $0x1FFF;
	[tilespmem:$0xD0] =	vst v62  }
0x36: {  	v38 =	vadd.s32 v22, v36;
	v37 =	vnsel vm1, $0x1FFF, v33;
	vm1 =	vlt.s32 v35, $0x1FFF;
	[tilespmem:$0xE0] =	vst v32  }
0x37: {  	v27 =	vadd.s32 v22, v40;
	v39 =	vnsel vm1, $0x1FFF, v35;
	vm1 =	vlt.s32 v38, $0x1FFF;
	[tilespmem:$0xF0] =	vst v37  }
0x38: {  	v43 =	vadd.s32 v22, v42;
	v41 =	vnsel vm1, $0x1FFF, v38;
	vm1 =	vlt.s32 v27, $0x1FFF;
	[tilespmem:$0x100] =	vst v39  }
0x39: {  	v46 =	vadd.s32 v22, v44;
	v45 =	vnsel vm1, $0x1FFF, v27;
	vm1 =	vlt.s32 v43, $0x1FFF;
	[tilespmem:$0x110] =	vst v41  }
0x3a: {  	v26 =	vadd.s32 v22, v47;
	v24 =	vnsel vm1, $0x1FFF, v43;
	vm1 =	vlt.s32 v46, $0x1FFF;
	[tilespmem:$0x120] =	vst v45  }
0x3b: {  	v50 =	vadd.s32 v22, v49;
	v48 =	vnsel vm1, $0x1FFF, v46;
	[tilespmem:$0x130] =	vst v24;
	vm1 =	vlt.s32 v26, $0x1FFF  }
0x3c: {  	v22 =	vadd.s32 v22, v23;
	[tilespmem:$0x140] =	vst v48;
	v51 =	vnsel vm1, $0x1FFF, v26;
	vm1 =	vlt.s32 v50, $0x1FFF  }
0x3d: {  	[tilespmem:$0x150] =	vst v51;
	v23 =	vnsel vm1, $0x1FFF, v50;
	vm1 =	vlt.s32 v22, $0x1FFF  }
0x3e: {  	[tilespmem:$0x160] =	vst v23;
	v22 =	vnsel vm1, $0x1FFF, v22  }
0x3f: {  	s29 =	simm.s32 $0x80;
	s30 =	simm.s32 $0x180;
	s28 =	rddreg [dreg:$0x11];
	[tilespmem:$0x170] =	vst v22  }
0x40: {  	[tilespmem:s30], [sflag:$0x4] =	stream.indirect.gather [hbm4b:s28+s29], $0x1, s29, s29, $0xb8;
	[tilespmem:$0x10480] =	vst v63  }
0x41: {  	_ =	swait.ge [sflag:s11], $0x80  }
0x42: {  	[sflag:s11] =	ssyncset.done $0x0  }
0x43: {  	s31 =	simm.s32 $0x200;
	s23 =	rddreg [dreg:$0xd];
	[sflag:s11] =	ssyncadd.s32 $0xFFFFFF80  }
0x44: {  	[tilespmem:s31], [sflag:$0x4] =	stream.indirect.gather [hbm4b:s28+s29], $0x1, s23, s29, $0xb8;
	[tilespmem:$0x10480] =	vst v63  }
0x45: {  	_ =	swait.ge [sflag:s11], $0x80  }
0x46: {  	s0 =	rddreg [dreg:$0xe];
	[sflag:s11] =	ssyncset.done $0x0  }
0x47: {  	s2 =	rddreg [dreg:$0x12];
	[sflag:s11] =	ssyncadd.s32 $0xFFFFFF80  }
0x48: {  	[tilespmem:s0], [sflag:$0x4] =	stream.indirect.gather [hbm4b:s2+s29], $0x1, s30, s29, $0xb8;
	[tilespmem:$0x10480] =	vst v63  }
0x49: {  	_ =	swait.ge [sflag:s11], $0x80  }
0x4a: {  	[sflag:s11] =	ssyncset.done $0x0  }
0x4b: {  	s15 =	rddreg [dreg:$0xf];
	[sflag:s11] =	ssyncadd.s32 $0xFFFFFF80  }
0x4c: {  	[tilespmem:s15], [sflag:$0x4] =	stream.indirect.gather [hbm4b:s2+s29], $0x1, s31, s29, $0xb8;
	[tilespmem:$0x10480] =	vst v63  }
0x4d: {  	_ =	swait.ge [sflag:s11], $0x80  }
0x4e: {  	[sflag:s11] =	ssyncset.done $0x0  }
0x4f: {  	[sflag:s11] =	ssyncadd.s32 $0xFFFFFF80  }
0x50: {  	v22 =	vld [tilespmem:$0x280]  }
0x51: {  	v23 =	vld [tilespmem:$0x290]  }
0x52: {  	v52 =	vld [tilespmem:$0x2A0]  }
0x53: {  	v53 =	vld [tilespmem:$0x2B0]  }
0x54: {  	vm1 =	vlt.s32 v1, v21;
	v54 =	vld [tilespmem:$0x2C0]  }
0x55: {  	v55 =	vld [tilespmem:$0x2D0];
	v22 =	vnsel vm1, $0x0, v22;
	vm1 =	vlt.s32 v2, v21  }
0x56: {  	[tilespmem:$0x380] =	vst v22;
	v22 =	vnsel vm1, $0x0, v23;
	vm1 =	vlt.s32 v3, v21;
	v23 =	vld [tilespmem:$0x2E0]  }
0x57: {  	v56 =	vld [tilespmem:$0x2F0];
	[tilespmem:$0x390] =	vst v22;
	v22 =	vnsel vm1, $0x0, v52;
	vm1 =	vlt.s32 v4, v21  }
0x58: {  	v57 =	vld [tilespmem:$0x300];
	[tilespmem:$0x3A0] =	vst v22;
	v22 =	vnsel vm1, $0x0, v53;
	vm1 =	vlt.s32 v5, v21  }
0x59: {  	v58 =	vld [tilespmem:$0x310];
	[tilespmem:$0x3B0] =	vst v22;
	v22 =	vnsel vm1, $0x0, v54;
	vm1 =	vlt.s32 v6, v21  }
0x5a: {  	v59 =	vld [tilespmem:$0x320];
	[tilespmem:$0x3C0] =	vst v22;
	v22 =	vnsel vm1, $0x0, v55;
	vm1 =	vlt.s32 v7, v21  }
0x5b: {  	[tilespmem:$0x3D0] =	vst v22;
	v22 =	vnsel vm1, $0x0, v23;
	vm1 =	vlt.s32 v8, v21;
	v23 =	vld [tilespmem:$0x330]  }
0x5c: {  	v60 =	vld [tilespmem:$0x340];
	[tilespmem:$0x3E0] =	vst v22;
	v22 =	vnsel vm1, $0x0, v56;
	vm1 =	vlt.s32 v9, v21  }
0x5d: {  	v61 =	vld [tilespmem:$0x350];
	[tilespmem:$0x3F0] =	vst v22;
	v22 =	vnsel vm1, $0x0, v57;
	vm1 =	vlt.s32 v10, v21  }
0x5e: {  	v62 =	vld [tilespmem:$0x360];
	[tilespmem:$0x400] =	vst v22;
	v22 =	vnsel vm1, $0x0, v58;
	vm1 =	vlt.s32 v11, v21  }
0x5f: {  	v63 =	vld [tilespmem:$0x370];
	[tilespmem:$0x410] =	vst v22;
	v22 =	vnsel vm1, $0x0, v59;
	vm1 =	vlt.s32 v12, v21  }
0x60: {  	[tilespmem:$0x420] =	vst v22;
	v22 =	vnsel vm1, $0x0, v23;
	vm1 =	vlt.s32 v13, v21  }
0x61: {  	[tilespmem:$0x430] =	vst v22;
	v22 =	vnsel vm1, $0x0, v60;
	vm1 =	vlt.s32 v14, v21  }
0x62: {  	[tilespmem:$0x440] =	vst v22;
	v22 =	vnsel vm1, $0x0, v61;
	vm1 =	vlt.s32 v15, v21  }
0x63: {  	[tilespmem:$0x450] =	vst v22;
	v22 =	vnsel vm1, $0x0, v62;
	vm1 =	vlt.s32 v16, v21  }
0x64: {  	s20 =	rddreg [dreg:$0x5];
	[tilespmem:$0x460] =	vst v22;
	v21 =	vnsel vm1, $0x0, v63  }
0x65: {  	s21 =	rddreg [dreg:$0x10];
	[tilespmem:$0x470] =	vst v21  }
0x66: {  	[hbm4b:s20+s3] =	stream.linear.scatter [tilespmem:s21], [sflag:$0x1], $0x100, $0x38;
	[tilespmem:$0x10480] =	vst v63  }
0x67: {  	v21 =	vld [tilespmem:$0x180];
	_ =	sdelay $0x4  }
0x68: {  	v22 =	vshll.u32 v21, $0x3  }
0x69: {  	v21 =	vand.u32 $0x7, v21;
	v22 =	vand.u32 $0xFFFFFFC0, v22  }
0x6a: {  	v21 =	vor.u32 v21, v22  }
0x6b: {  	v22 =	vperm.xlane v21, v18;
	_ =	sdelay $0x1  }
0x6c: {  	v22 =	vadd.s32 v19, v22;
	_ =	sdelay $0x3  }
0x6d: {  	s0 =	simm.s32 $0x480  }
0x6e: {  	[tilespmem:s0], [sflag:$0x2] =	stream.indirect_vreg.gather [hbm4b:s1+s3], $0x80, v22, vm0, $0xb8;
	[tilespmem:$0x10480] =	vst v63  }
0x6f: {  	s28 =	simm.s32 $0xC80;
	v21 =	vperm.xlane v21, v20  }
0x70: {  	[tilespmem:s28], [sflag:$0x2] =	stream.indirect_vreg.gather [hbm4b:s7+s3], $0x80, v22, vm0, $0xb8;
	[tilespmem:$0x10480] =	vst v63  }
0x71: {  	s29 =	simm.s32 $0x1480;
	v21 =	vadd.s32 v19, v21  }
0x72: {  	[tilespmem:s29], [sflag:$0x2] =	stream.indirect_vreg.gather [hbm4b:s9+s3], $0x80, v22, vm0, $0xb8;
	[tilespmem:$0x10480] =	vst v63  }
0x73: {  	s30 =	simm.s32 $0x1C80  }
0x74: {  	[tilespmem:s30], [sflag:$0x2] =	stream.indirect_vreg.gather [hbm4b:s10+s3], $0x80, v22, vm0, $0xb8;
	[tilespmem:$0x10480] =	vst v63  }
0x75: {  	s31 =	simm.s32 $0x2480  }
0x76: {  	[tilespmem:s31], [sflag:$0x2] =	stream.indirect_vreg.gather [hbm4b:s1+s3], $0x80, v21, vm0, $0xb8;
	[tilespmem:$0x10480] =	vst v63  }
0x77: {  	s2 =	simm.s32 $0x2C80  }
0x78: {  	[tilespmem:s2], [sflag:$0x2] =	stream.indirect_vreg.gather [hbm4b:s7+s3], $0x80, v21, vm0, $0xb8;
	[tilespmem:$0x10480] =	vst v63  }
0x79: {  	_ = 	snop  }
0x7a: {  	[tilespmem:s13], [sflag:$0x2] =	stream.indirect_vreg.gather [hbm4b:s9+s3], $0x80, v21, vm0, $0xb8;
	[tilespmem:$0x10480] =	vst v63  }
0x7b: {  	_ = 	snop  }
0x7c: {  	[tilespmem:s14], [sflag:$0x2] =	stream.indirect_vreg.gather [hbm4b:s10+s3], $0x80, v21, vm0, $0xb8;
	[tilespmem:$0x10480] =	vst v63  }
0x7d: {  	v21 =	vld [tilespmem:$0x190];
	_ =	sdelay $0x4  }
0x7e: {  	v22 =	vshll.u32 v21, $0x3  }
0x7f: {  	v21 =	vand.u32 $0x7, v21;
	v22 =	vand.u32 $0xFFFFFFC0, v22  }
0x80: {  	v21 =	vor.u32 v21, v22  }
0x81: {  	v22 =	vperm.xlane v21, v18;
	_ =	sdelay $0x1  }
0x82: {  	v22 =	vadd.s32 v19, v22;
	_ =	sdelay $0x4  }
0x83: {  	[tilespmem:s6], [sflag:$0x2] =	stream.indirect_vreg.gather [hbm4b:s1+s3], $0x80, v22, vm0, $0xb8;
	[tilespmem:$0x10480] =	vst v63  }
0x84: {  	v21 =	vperm.xlane v21, v20  }
0x85: {  	[tilespmem:s4], [sflag:$0x2] =	stream.indirect_vreg.gather [hbm4b:s7+s3], $0x80, v22, vm0, $0xb8;
	[tilespmem:$0x10480] =	vst v63  }
0x86: {  	v21 =	vadd.s32 v19, v21  }
0x87: {  	[tilespmem:s5], [sflag:$0x2] =	stream.indirect_vreg.gather [hbm4b:s9+s3], $0x80, v22, vm0, $0xb8;
	[tilespmem:$0x10480] =	vst v63  }
0x88: {  	_ = 	snop  }
0x89: {  	[tilespmem:s12], [sflag:$0x2] =	stream.indirect_vreg.gather [hbm4b:s10+s3], $0x80, v22, vm0, $0xb8;
	[tilespmem:$0x10480] =	vst v63  }
0x8a: {  	_ = 	snop  }
0x8b: {  	[tilespmem:s16], [sflag:$0x2] =	stream.indirect_vreg.gather [hbm4b:s1+s3], $0x80, v21, vm0, $0xb8;
	[tilespmem:$0x10480] =	vst v63  }
0x8c: {  	_ = 	snop  }
0x8d: {  	[tilespmem:s17], [sflag:$0x2] =	stream.indirect_vreg.gather [hbm4b:s7+s3], $0x80, v21, vm0, $0xb8;
	[tilespmem:$0x10480] =	vst v63  }
0x8e: {  	_ = 	snop  }
0x8f: {  	[tilespmem:s18], [sflag:$0x2] =	stream.indirect_vreg.gather [hbm4b:s9+s3], $0x80, v21, vm0, $0xb8;
	[tilespmem:$0x10480] =	vst v63  }
0x90: {  	_ = 	snop  }
0x91: {  	[tilespmem:s19], [sflag:$0x2] =	stream.indirect_vreg.gather [hbm4b:s10+s3], $0x80, v21, vm0, $0xb8;
	[tilespmem:$0x10480] =	vst v63  }
0x92: {  	v21 =	vld [tilespmem:$0x1A0];
	_ =	sdelay $0x4  }
0x93: {  	v22 =	vshll.u32 v21, $0x3  }
0x94: {  	v21 =	vand.u32 $0x7, v21;
	v22 =	vand.u32 $0xFFFFFFC0, v22  }
0x95: {  	v21 =	vor.u32 v21, v22  }
0x96: {  	v22 =	vperm.xlane v21, v18;
	_ =	sdelay $0x1  }
0x97: {  	v22 =	vadd.s32 v19, v22;
	_ =	sdelay $0x4  }
0x98: {  	[tilespmem:s24], [sflag:$0x3] =	stream.indirect_vreg.gather [hbm4b:s1+s3], $0x80, v22, vm0, $0xb8;
	[tilespmem:$0x10480] =	vst v63  }
0x99: {  	s20 =	simm.s32 $0x8C80;
	v21 =	vperm.xlane v21, v20  }
0x9a: {  	[tilespmem:s20], [sflag:$0x3] =	stream.indirect_vreg.gather [hbm4b:s7+s3], $0x80, v22, vm0, $0xb8;
	[tilespmem:$0x10480] =	vst v63  }
0x9b: {  	s23 =	simm.s32 $0x9480;
	v21 =	vadd.s32 v19, v21  }
0x9c: {  	[tilespmem:s23], [sflag:$0x3] =	stream.indirect_vreg.gather [hbm4b:s9+s3], $0x80, v22, vm0, $0xb8;
	[tilespmem:$0x10480] =	vst v63  }
0x9d: {  	s26 =	simm.s32 $0x9C80  }
0x9e: {  	[tilespmem:s26], [sflag:$0x3] =	stream.indirect_vreg.gather [hbm4b:s10+s3], $0x80, v22, vm0, $0xb8;
	[tilespmem:$0x10480] =	vst v63  }
0x9f: {  	s21 =	simm.s32 $0xA480  }
0xa0: {  	[tilespmem:s21], [sflag:$0x3] =	stream.indirect_vreg.gather [hbm4b:s1+s3], $0x80, v21, vm0, $0xb8;
	[tilespmem:$0x10480] =	vst v63  }
0xa1: {  	s23 =	simm.s32 $0xAC80  }
0xa2: {  	[tilespmem:s23], [sflag:$0x3] =	stream.indirect_vreg.gather [hbm4b:s7+s3], $0x80, v21, vm0, $0xb8;
	[tilespmem:$0x10480] =	vst v63  }
0xa3: {  	s20 =	simm.s32 $0xB480  }
0xa4: {  	[tilespmem:s20], [sflag:$0x3] =	stream.indirect_vreg.gather [hbm4b:s9+s3], $0x80, v21, vm0, $0xb8;
	[tilespmem:$0x10480] =	vst v63  }
0xa5: {  	s21 =	simm.s32 $0xBC80  }
0xa6: {  	[tilespmem:s21], [sflag:$0x3] =	stream.indirect_vreg.gather [hbm4b:s10+s3], $0x80, v21, vm0, $0xb8;
	[tilespmem:$0x10480] =	vst v63  }
0xa7: {  	v21 =	vld [tilespmem:$0x1B0];
	_ =	sdelay $0x4  }
0xa8: {  	v22 =	vshll.u32 v21, $0x3  }
0xa9: {  	v21 =	vand.u32 $0x7, v21;
	v22 =	vand.u32 $0xFFFFFFC0, v22  }
0xaa: {  	v21 =	vor.u32 v21, v22  }
0xab: {  	v22 =	vperm.xlane v21, v18;
	_ =	sdelay $0x1  }
0xac: {  	v22 =	vadd.s32 v19, v22;
	_ =	sdelay $0x3  }
0xad: {  	s23 =	simm.s32 $0xC480  }
0xae: {  	[tilespmem:s23], [sflag:$0x3] =	stream.indirect_vreg.gather [hbm4b:s1+s3], $0x80, v22, vm0, $0xb8;
	[tilespmem:$0x10480] =	vst v63  }
0xaf: {  	s21 =	simm.s32 $0xCC80;
	v21 =	vperm.xlane v21, v20  }
0xb0: {  	[tilespmem:s21], [sflag:$0x3] =	stream.indirect_vreg.gather [hbm4b:s7+s3], $0x80, v22, vm0, $0xb8;
	[tilespmem:$0x10480] =	vst v63  }
0xb1: {  	v21 =	vadd.s32 v19, v21;
	s21 =	simm.s32 $0xD480  }
0xb2: {  	[tilespmem:s21], [sflag:$0x3] =	stream.indirect_vreg.gather [hbm4b:s9+s3], $0x80, v22, vm0, $0xb8;
	[tilespmem:$0x10480] =	vst v63  }
0xb3: {  	s21 =	simm.s32 $0xDC80  }
0xb4: {  	[tilespmem:s21], [sflag:$0x3] =	stream.indirect_vreg.gather [hbm4b:s10+s3], $0x80, v22, vm0, $0xb8;
	[tilespmem:$0x10480] =	vst v63  }
0xb5: {  	s21 =	simm.s32 $0xE480  }
0xb6: {  	[tilespmem:s21], [sflag:$0x3] =	stream.indirect_vreg.gather [hbm4b:s1+s3], $0x80, v21, vm0, $0xb8;
	[tilespmem:$0x10480] =	vst v63  }
0xb7: {  	s21 =	simm.s32 $0xEC80  }
0xb8: {  	[tilespmem:s21], [sflag:$0x3] =	stream.indirect_vreg.gather [hbm4b:s7+s3], $0x80, v21, vm0, $0xb8;
	[tilespmem:$0x10480] =	vst v63  }
0xb9: {  	s21 =	simm.s32 $0xF480  }
0xba: {  	[tilespmem:s21], [sflag:$0x3] =	stream.indirect_vreg.gather [hbm4b:s9+s3], $0x80, v21, vm0, $0xb8;
	[tilespmem:$0x10480] =	vst v63  }
0xbb: {  	s21 =	simm.s32 $0xFC80  }
0xbc: {  	[tilespmem:s21], [sflag:$0x3] =	stream.indirect_vreg.gather [hbm4b:s10+s3], $0x80, v21, vm0, $0xb8;
	[tilespmem:$0x10480] =	vst v63  }
0xbd: {  	_ =	swait.ge [sflag:s22], $0x8000  }
0xbe: {  	[sflag:s22] =	ssyncset.done $0x0  }
0xbf: {  	s21 =	rddreg [dreg:$0x13];
	[sflag:s22] =	ssyncadd.s32 $0xFFFF8000  }
0xc0: {  	[hbm4b:s21+s3] =	stream.linear.scatter [tilespmem:s0], [sflag:$0x4], $0x8000, $0x38;
	[tilespmem:$0x10480] =	vst v63  }
0xc1: {  	_ =	swait.ge [sflag:s11], $0x8000  }
0xc2: {  	[sflag:s11] =	ssyncset.done $0x0  }
0xc3: {  	[sflag:s11] =	ssyncadd.s32 $0xFFFF8000  }
0xc4: {  	v21 =	vld [tilespmem:$0x1C0];
	_ =	sdelay $0x4  }
0xc5: {  	v22 =	vshll.u32 v21, $0x3  }
0xc6: {  	v21 =	vand.u32 $0x7, v21;
	v22 =	vand.u32 $0xFFFFFFC0, v22  }
0xc7: {  	v21 =	vor.u32 v21, v22  }
0xc8: {  	v22 =	vperm.xlane v21, v18;
	_ =	sdelay $0x1  }
0xc9: {  	v22 =	vadd.s32 v19, v22;
	_ =	sdelay $0x4  }
0xca: {  	[tilespmem:s0], [sflag:$0x2] =	stream.indirect_vreg.gather [hbm4b:s1+s3], $0x80, v22, vm0, $0xb8;
	[tilespmem:$0x10480] =	vst v63  }
0xcb: {  	v21 =	vperm.xlane v21, v20  }
0xcc: {  	[tilespmem:s28], [sflag:$0x2] =	stream.indirect_vreg.gather [hbm4b:s7+s3], $0x80, v22, vm0, $0xb8;
	[tilespmem:$0x10480] =	vst v63  }
0xcd: {  	v21 =	vadd.s32 v19, v21  }
0xce: {  	[tilespmem:s29], [sflag:$0x2] =	stream.indirect_vreg.gather [hbm4b:s9+s3], $0x80, v22, vm0, $0xb8;
	[tilespmem:$0x10480] =	vst v63  }
0xcf: {  	_ = 	snop  }
0xd0: {  	[tilespmem:s30], [sflag:$0x2] =	stream.indirect_vreg.gather [hbm4b:s10+s3], $0x80, v22, vm0, $0xb8;
	[tilespmem:$0x10480] =	vst v63  }
0xd1: {  	_ = 	snop  }
0xd2: {  	[tilespmem:s31], [sflag:$0x2] =	stream.indirect_vreg.gather [hbm4b:s1+s3], $0x80, v21, vm0, $0xb8;
	[tilespmem:$0x10480] =	vst v63  }
0xd3: {  	_ = 	snop  }
0xd4: {  	[tilespmem:s2], [sflag:$0x2] =	stream.indirect_vreg.gather [hbm4b:s7+s3], $0x80, v21, vm0, $0xb8;
	[tilespmem:$0x10480] =	vst v63  }
0xd5: {  	_ = 	snop  }
0xd6: {  	[tilespmem:s13], [sflag:$0x2] =	stream.indirect_vreg.gather [hbm4b:s9+s3], $0x80, v21, vm0, $0xb8;
	[tilespmem:$0x10480] =	vst v63  }
0xd7: {  	_ = 	snop  }
0xd8: {  	[tilespmem:s14], [sflag:$0x2] =	stream.indirect_vreg.gather [hbm4b:s10+s3], $0x80, v21, vm0, $0xb8;
	[tilespmem:$0x10480] =	vst v63  }
0xd9: {  	v21 =	vld [tilespmem:$0x1D0];
	_ =	sdelay $0x4  }
0xda: {  	v22 =	vshll.u32 v21, $0x3  }
0xdb: {  	v21 =	vand.u32 $0x7, v21;
	v22 =	vand.u32 $0xFFFFFFC0, v22  }
0xdc: {  	v21 =	vor.u32 v21, v22  }
0xdd: {  	v22 =	vperm.xlane v21, v18;
	_ =	sdelay $0x1  }
0xde: {  	v22 =	vadd.s32 v19, v22;
	_ =	sdelay $0x4  }
0xdf: {  	[tilespmem:s6], [sflag:$0x2] =	stream.indirect_vreg.gather [hbm4b:s1+s3], $0x80, v22, vm0, $0xb8;
	[tilespmem:$0x10480] =	vst v63  }
0xe0: {  	v21 =	vperm.xlane v21, v20  }
0xe1: {  	[tilespmem:s4], [sflag:$0x2] =	stream.indirect_vreg.gather [hbm4b:s7+s3], $0x80, v22, vm0, $0xb8;
	[tilespmem:$0x10480] =	vst v63  }
0xe2: {  	v21 =	vadd.s32 v19, v21  }
0xe3: {  	[tilespmem:s5], [sflag:$0x2] =	stream.indirect_vreg.gather [hbm4b:s9+s3], $0x80, v22, vm0, $0xb8;
	[tilespmem:$0x10480] =	vst v63  }
0xe4: {  	_ = 	snop  }
0xe5: {  	[tilespmem:s12], [sflag:$0x2] =	stream.indirect_vreg.gather [hbm4b:s10+s3], $0x80, v22, vm0, $0xb8;
	[tilespmem:$0x10480] =	vst v63  }
0xe6: {  	_ = 	snop  }
0xe7: {  	[tilespmem:s16], [sflag:$0x2] =	stream.indirect_vreg.gather [hbm4b:s1+s3], $0x80, v21, vm0, $0xb8;
	[tilespmem:$0x10480] =	vst v63  }
0xe8: {  	_ = 	snop  }
0xe9: {  	[tilespmem:s17], [sflag:$0x2] =	stream.indirect_vreg.gather [hbm4b:s7+s3], $0x80, v21, vm0, $0xb8;
	[tilespmem:$0x10480] =	vst v63  }
0xea: {  	_ = 	snop  }
0xeb: {  	[tilespmem:s18], [sflag:$0x2] =	stream.indirect_vreg.gather [hbm4b:s9+s3], $0x80, v21, vm0, $0xb8;
	[tilespmem:$0x10480] =	vst v63  }
0xec: {  	_ = 	snop  }
0xed: {  	[tilespmem:s19], [sflag:$0x2] =	stream.indirect_vreg.gather [hbm4b:s10+s3], $0x80, v21, vm0, $0xb8;
	[tilespmem:$0x10480] =	vst v63  }
0xee: {  	_ =	swait.ge [sflag:s25], $0x8000  }
0xef: {  	[sflag:s25] =	ssyncset.done $0x0  }
0xf0: {  	s21 =	rddreg [dreg:$0x6];
	[sflag:s25] =	ssyncadd.s32 $0xFFFF8000  }
0xf1: {  	[hbm4b:s21+s3] =	stream.linear.scatter [tilespmem:s24], [sflag:$0x4], $0x8000, $0x38;
	[tilespmem:$0x10480] =	vst v63  }
0xf2: {  	_ =	swait.ge [sflag:s11], $0x8000  }
0xf3: {  	[sflag:s11] =	ssyncset.done $0x0  }
0xf4: {  	[sflag:s11] =	ssyncadd.s32 $0xFFFF8000  }
0xf5: {  	v21 =	vld [tilespmem:$0x1E0];
	_ =	sdelay $0x4  }
0xf6: {  	v22 =	vshll.u32 v21, $0x3  }
0xf7: {  	v21 =	vand.u32 $0x7, v21;
	v22 =	vand.u32 $0xFFFFFFC0, v22  }
0xf8: {  	v21 =	vor.u32 v21, v22  }
0xf9: {  	v22 =	vperm.xlane v21, v18;
	_ =	sdelay $0x1  }
0xfa: {  	v22 =	vadd.s32 v19, v22;
	_ =	sdelay $0x4  }
0xfb: {  	[tilespmem:s24], [sflag:$0x3] =	stream.indirect_vreg.gather [hbm4b:s1+s3], $0x80, v22, vm0, $0xb8;
	[tilespmem:$0x10480] =	vst v63  }
0xfc: {  	s15 =	simm.s32 $0x8C80;
	v21 =	vperm.xlane v21, v20  }
0xfd: {  	[tilespmem:s15], [sflag:$0x3] =	stream.indirect_vreg.gather [hbm4b:s7+s3], $0x80, v22, vm0, $0xb8;
	[tilespmem:$0x10480] =	vst v63  }
0xfe: {  	v21 =	vadd.s32 v19, v21;
	s15 =	simm.s32 $0x9480  }
0xff: {  	[tilespmem:s15], [sflag:$0x3] =	stream.indirect_vreg.gather [hbm4b:s9+s3], $0x80, v22, vm0, $0xb8;
	[tilespmem:$0x10480] =	vst v63  }
0x100: {  	s21 =	simm.s32 $0x9C80  }
0x101: {  	[tilespmem:s21], [sflag:$0x3] =	stream.indirect_vreg.gather [hbm4b:s10+s3], $0x80, v22, vm0, $0xb8;
	[tilespmem:$0x10480] =	vst v63  }
0x102: {  	s26 =	simm.s32 $0xA480  }
0x103: {  	[tilespmem:s26], [sflag:$0x3] =	stream.indirect_vreg.gather [hbm4b:s1+s3], $0x80, v21, vm0, $0xb8;
	[tilespmem:$0x10480] =	vst v63  }
0x104: {  	s26 =	simm.s32 $0xAC80  }
0x105: {  	[tilespmem:s26], [sflag:$0x3] =	stream.indirect_vreg.gather [hbm4b:s7+s3], $0x80, v21, vm0, $0xb8;
	[tilespmem:$0x10480] =	vst v63  }
0x106: {  	s26 =	simm.s32 $0xB480  }
0x107: {  	[tilespmem:s26], [sflag:$0x3] =	stream.indirect_vreg.gather [hbm4b:s9+s3], $0x80, v21, vm0, $0xb8;
	[tilespmem:$0x10480] =	vst v63  }
0x108: {  	s20 =	simm.s32 $0xBC80  }
0x109: {  	[tilespmem:s20], [sflag:$0x3] =	stream.indirect_vreg.gather [hbm4b:s10+s3], $0x80, v21, vm0, $0xb8;
	[tilespmem:$0x10480] =	vst v63  }
0x10a: {  	v21 =	vld [tilespmem:$0x1F0];
	_ =	sdelay $0x4  }
0x10b: {  	v22 =	vshll.u32 v21, $0x3  }
0x10c: {  	v21 =	vand.u32 $0x7, v21;
	v22 =	vand.u32 $0xFFFFFFC0, v22  }
0x10d: {  	v21 =	vor.u32 v21, v22  }
0x10e: {  	v22 =	vperm.xlane v21, v18;
	_ =	sdelay $0x1  }
0x10f: {  	v22 =	vadd.s32 v19, v22;
	_ =	sdelay $0x3  }
0x110: {  	s23 =	simm.s32 $0xC480  }
0x111: {  	[tilespmem:s23], [sflag:$0x3] =	stream.indirect_vreg.gather [hbm4b:s1+s3], $0x80, v22, vm0, $0xb8;
	[tilespmem:$0x10480] =	vst v63  }
0x112: {  	s26 =	simm.s32 $0xCC80;
	v21 =	vperm.xlane v21, v20  }
0x113: {  	[tilespmem:s26], [sflag:$0x3] =	stream.indirect_vreg.gather [hbm4b:s7+s3], $0x80, v22, vm0, $0xb8;
	[tilespmem:$0x10480] =	vst v63  }
0x114: {  	v21 =	vadd.s32 v19, v21;
	s23 =	simm.s32 $0xD480  }
0x115: {  	[tilespmem:s23], [sflag:$0x3] =	stream.indirect_vreg.gather [hbm4b:s9+s3], $0x80, v22, vm0, $0xb8;
	[tilespmem:$0x10480] =	vst v63  }
0x116: {  	s26 =	simm.s32 $0xDC80  }
0x117: {  	[tilespmem:s26], [sflag:$0x3] =	stream.indirect_vreg.gather [hbm4b:s10+s3], $0x80, v22, vm0, $0xb8;
	[tilespmem:$0x10480] =	vst v63  }
0x118: {  	s23 =	simm.s32 $0xE480  }
0x119: {  	[tilespmem:s23], [sflag:$0x3] =	stream.indirect_vreg.gather [hbm4b:s1+s3], $0x80, v21, vm0, $0xb8;
	[tilespmem:$0x10480] =	vst v63  }
0x11a: {  	s26 =	simm.s32 $0xEC80  }
0x11b: {  	[tilespmem:s26], [sflag:$0x3] =	stream.indirect_vreg.gather [hbm4b:s7+s3], $0x80, v21, vm0, $0xb8;
	[tilespmem:$0x10480] =	vst v63  }
0x11c: {  	s23 =	simm.s32 $0xF480  }
0x11d: {  	[tilespmem:s23], [sflag:$0x3] =	stream.indirect_vreg.gather [hbm4b:s9+s3], $0x80, v21, vm0, $0xb8;
	[tilespmem:$0x10480] =	vst v63  }
0x11e: {  	s26 =	simm.s32 $0xFC80  }
0x11f: {  	[tilespmem:s26], [sflag:$0x3] =	stream.indirect_vreg.gather [hbm4b:s10+s3], $0x80, v21, vm0, $0xb8;
	[tilespmem:$0x10480] =	vst v63  }
0x120: {  	_ =	swait.ge [sflag:s22], $0x8000  }
0x121: {  	[sflag:s22] =	ssyncset.done $0x0  }
0x122: {  	s23 =	rddreg [dreg:$0x7];
	[sflag:s22] =	ssyncadd.s32 $0xFFFF8000  }
0x123: {  	[hbm4b:s23+s3] =	stream.linear.scatter [tilespmem:s0], [sflag:$0x4], $0x8000, $0x38;
	[tilespmem:$0x10480] =	vst v63  }
0x124: {  	_ =	swait.ge [sflag:s11], $0x8000  }
0x125: {  	[sflag:s11] =	ssyncset.done $0x0  }
0x126: {  	[sflag:s11] =	ssyncadd.s32 $0xFFFF8000  }
0x127: {  	v21 =	vld [tilespmem:$0x200];
	_ =	sdelay $0x4  }
0x128: {  	v22 =	vshll.u32 v21, $0x3  }
0x129: {  	v21 =	vand.u32 $0x7, v21;
	v22 =	vand.u32 $0xFFFFFFC0, v22  }
0x12a: {  	v21 =	vor.u32 v21, v22  }
0x12b: {  	v22 =	vperm.xlane v21, v18;
	_ =	sdelay $0x1  }
0x12c: {  	v22 =	vadd.s32 v19, v22;
	_ =	sdelay $0x4  }
0x12d: {  	[tilespmem:s0], [sflag:$0x2] =	stream.indirect_vreg.gather [hbm4b:s1+s3], $0x80, v22, vm0, $0xb8;
	[tilespmem:$0x10480] =	vst v63  }
0x12e: {  	v21 =	vperm.xlane v21, v20  }
0x12f: {  	[tilespmem:s28], [sflag:$0x2] =	stream.indirect_vreg.gather [hbm4b:s7+s3], $0x80, v22, vm0, $0xb8;
	[tilespmem:$0x10480] =	vst v63  }
0x130: {  	v21 =	vadd.s32 v19, v21  }
0x131: {  	[tilespmem:s29], [sflag:$0x2] =	stream.indirect_vreg.gather [hbm4b:s9+s3], $0x80, v22, vm0, $0xb8;
	[tilespmem:$0x10480] =	vst v63  }
0x132: {  	_ = 	snop  }
0x133: {  	[tilespmem:s30], [sflag:$0x2] =	stream.indirect_vreg.gather [hbm4b:s10+s3], $0x80, v22, vm0, $0xb8;
	[tilespmem:$0x10480] =	vst v63  }
0x134: {  	_ = 	snop  }
0x135: {  	[tilespmem:s31], [sflag:$0x2] =	stream.indirect_vreg.gather [hbm4b:s1+s3], $0x80, v21, vm0, $0xb8;
	[tilespmem:$0x10480] =	vst v63  }
0x136: {  	_ = 	snop  }
0x137: {  	[tilespmem:s2], [sflag:$0x2] =	stream.indirect_vreg.gather [hbm4b:s7+s3], $0x80, v21, vm0, $0xb8;
	[tilespmem:$0x10480] =	vst v63  }
0x138: {  	_ = 	snop  }
0x139: {  	[tilespmem:s13], [sflag:$0x2] =	stream.indirect_vreg.gather [hbm4b:s9+s3], $0x80, v21, vm0, $0xb8;
	[tilespmem:$0x10480] =	vst v63  }
0x13a: {  	_ = 	snop  }
0x13b: {  	[tilespmem:s14], [sflag:$0x2] =	stream.indirect_vreg.gather [hbm4b:s10+s3], $0x80, v21, vm0, $0xb8;
	[tilespmem:$0x10480] =	vst v63  }
0x13c: {  	v21 =	vld [tilespmem:$0x210];
	_ =	sdelay $0x4  }
0x13d: {  	v22 =	vshll.u32 v21, $0x3  }
0x13e: {  	v21 =	vand.u32 $0x7, v21;
	v22 =	vand.u32 $0xFFFFFFC0, v22  }
0x13f: {  	v21 =	vor.u32 v21, v22  }
0x140: {  	v22 =	vperm.xlane v21, v18;
	_ =	sdelay $0x1  }
0x141: {  	v22 =	vadd.s32 v19, v22;
	_ =	sdelay $0x4  }
0x142: {  	[tilespmem:s6], [sflag:$0x2] =	stream.indirect_vreg.gather [hbm4b:s1+s3], $0x80, v22, vm0, $0xb8;
	[tilespmem:$0x10480] =	vst v63  }
0x143: {  	v21 =	vperm.xlane v21, v20  }
0x144: {  	[tilespmem:s4], [sflag:$0x2] =	stream.indirect_vreg.gather [hbm4b:s7+s3], $0x80, v22, vm0, $0xb8;
	[tilespmem:$0x10480] =	vst v63  }
0x145: {  	v21 =	vadd.s32 v19, v21  }
0x146: {  	[tilespmem:s5], [sflag:$0x2] =	stream.indirect_vreg.gather [hbm4b:s9+s3], $0x80, v22, vm0, $0xb8;
	[tilespmem:$0x10480] =	vst v63  }
0x147: {  	_ = 	snop  }
0x148: {  	[tilespmem:s12], [sflag:$0x2] =	stream.indirect_vreg.gather [hbm4b:s10+s3], $0x80, v22, vm0, $0xb8;
	[tilespmem:$0x10480] =	vst v63  }
0x149: {  	_ = 	snop  }
0x14a: {  	[tilespmem:s16], [sflag:$0x2] =	stream.indirect_vreg.gather [hbm4b:s1+s3], $0x80, v21, vm0, $0xb8;
	[tilespmem:$0x10480] =	vst v63  }
0x14b: {  	_ = 	snop  }
0x14c: {  	[tilespmem:s17], [sflag:$0x2] =	stream.indirect_vreg.gather [hbm4b:s7+s3], $0x80, v21, vm0, $0xb8;
	[tilespmem:$0x10480] =	vst v63  }
0x14d: {  	_ = 	snop  }
0x14e: {  	[tilespmem:s18], [sflag:$0x2] =	stream.indirect_vreg.gather [hbm4b:s9+s3], $0x80, v21, vm0, $0xb8;
	[tilespmem:$0x10480] =	vst v63  }
0x14f: {  	_ = 	snop  }
0x150: {  	[tilespmem:s19], [sflag:$0x2] =	stream.indirect_vreg.gather [hbm4b:s10+s3], $0x80, v21, vm0, $0xb8;
	[tilespmem:$0x10480] =	vst v63  }
0x151: {  	_ =	swait.ge [sflag:s25], $0x8000  }
0x152: {  	[sflag:s25] =	ssyncset.done $0x0  }
0x153: {  	s20 =	rddreg [dreg:$0x8];
	[sflag:s25] =	ssyncadd.s32 $0xFFFF8000  }
0x154: {  	[hbm4b:s20+s3] =	stream.linear.scatter [tilespmem:s24], [sflag:$0x4], $0x8000, $0x38;
	[tilespmem:$0x10480] =	vst v63  }
0x155: {  	_ =	swait.ge [sflag:s11], $0x8000  }
0x156: {  	[sflag:s11] =	ssyncset.done $0x0  }
0x157: {  	[sflag:s11] =	ssyncadd.s32 $0xFFFF8000  }
0x158: {  	v21 =	vld [tilespmem:$0x220];
	_ =	sdelay $0x4  }
0x159: {  	v22 =	vshll.u32 v21, $0x3  }
0x15a: {  	v21 =	vand.u32 $0x7, v21;
	v22 =	vand.u32 $0xFFFFFFC0, v22  }
0x15b: {  	v21 =	vor.u32 v21, v22  }
0x15c: {  	v22 =	vperm.xlane v21, v18;
	_ =	sdelay $0x1  }
0x15d: {  	v22 =	vadd.s32 v19, v22;
	_ =	sdelay $0x4  }
0x15e: {  	[tilespmem:s24], [sflag:$0x3] =	stream.indirect_vreg.gather [hbm4b:s1+s3], $0x80, v22, vm0, $0xb8;
	[tilespmem:$0x10480] =	vst v63  }
0x15f: {  	s23 =	simm.s32 $0x8C80;
	v21 =	vperm.xlane v21, v20  }
0x160: {  	[tilespmem:s23], [sflag:$0x3] =	stream.indirect_vreg.gather [hbm4b:s7+s3], $0x80, v22, vm0, $0xb8;
	[tilespmem:$0x10480] =	vst v63  }
0x161: {  	v21 =	vadd.s32 v19, v21  }
0x162: {  	[tilespmem:s15], [sflag:$0x3] =	stream.indirect_vreg.gather [hbm4b:s9+s3], $0x80, v22, vm0, $0xb8;
	[tilespmem:$0x10480] =	vst v63  }
0x163: {  	_ = 	snop  }
0x164: {  	[tilespmem:s21], [sflag:$0x3] =	stream.indirect_vreg.gather [hbm4b:s10+s3], $0x80, v22, vm0, $0xb8;
	[tilespmem:$0x10480] =	vst v63  }
0x165: {  	s26 =	simm.s32 $0xA480  }
0x166: {  	[tilespmem:s26], [sflag:$0x3] =	stream.indirect_vreg.gather [hbm4b:s1+s3], $0x80, v21, vm0, $0xb8;
	[tilespmem:$0x10480] =	vst v63  }
0x167: {  	s23 =	simm.s32 $0xAC80  }
0x168: {  	[tilespmem:s23], [sflag:$0x3] =	stream.indirect_vreg.gather [hbm4b:s7+s3], $0x80, v21, vm0, $0xb8;
	[tilespmem:$0x10480] =	vst v63  }
0x169: {  	s26 =	simm.s32 $0xB480  }
0x16a: {  	[tilespmem:s26], [sflag:$0x3] =	stream.indirect_vreg.gather [hbm4b:s9+s3], $0x80, v21, vm0, $0xb8;
	[tilespmem:$0x10480] =	vst v63  }
0x16b: {  	s26 =	simm.s32 $0xBC80  }
0x16c: {  	[tilespmem:s26], [sflag:$0x3] =	stream.indirect_vreg.gather [hbm4b:s10+s3], $0x80, v21, vm0, $0xb8;
	[tilespmem:$0x10480] =	vst v63  }
0x16d: {  	v21 =	vld [tilespmem:$0x230];
	_ =	sdelay $0x4  }
0x16e: {  	v22 =	vshll.u32 v21, $0x3  }
0x16f: {  	v21 =	vand.u32 $0x7, v21;
	v22 =	vand.u32 $0xFFFFFFC0, v22  }
0x170: {  	v21 =	vor.u32 v21, v22  }
0x171: {  	v22 =	vperm.xlane v21, v18;
	_ =	sdelay $0x1  }
0x172: {  	v22 =	vadd.s32 v19, v22;
	_ =	sdelay $0x3  }
0x173: {  	s26 =	simm.s32 $0xC480  }
0x174: {  	[tilespmem:s26], [sflag:$0x3] =	stream.indirect_vreg.gather [hbm4b:s1+s3], $0x80, v22, vm0, $0xb8;
	[tilespmem:$0x10480] =	vst v63  }
0x175: {  	v21 =	vperm.xlane v21, v20;
	s26 =	simm.s32 $0xCC80  }
0x176: {  	[tilespmem:s26], [sflag:$0x3] =	stream.indirect_vreg.gather [hbm4b:s7+s3], $0x80, v22, vm0, $0xb8;
	[tilespmem:$0x10480] =	vst v63  }
0x177: {  	v21 =	vadd.s32 v19, v21;
	s26 =	simm.s32 $0xD480  }
0x178: {  	[tilespmem:s26], [sflag:$0x3] =	stream.indirect_vreg.gather [hbm4b:s9+s3], $0x80, v22, vm0, $0xb8;
	[tilespmem:$0x10480] =	vst v63  }
0x179: {  	s26 =	simm.s32 $0xDC80  }
0x17a: {  	[tilespmem:s26], [sflag:$0x3] =	stream.indirect_vreg.gather [hbm4b:s10+s3], $0x80, v22, vm0, $0xb8;
	[tilespmem:$0x10480] =	vst v63  }
0x17b: {  	s26 =	simm.s32 $0xE480  }
0x17c: {  	[tilespmem:s26], [sflag:$0x3] =	stream.indirect_vreg.gather [hbm4b:s1+s3], $0x80, v21, vm0, $0xb8;
	[tilespmem:$0x10480] =	vst v63  }
0x17d: {  	s26 =	simm.s32 $0xEC80  }
0x17e: {  	[tilespmem:s26], [sflag:$0x3] =	stream.indirect_vreg.gather [hbm4b:s7+s3], $0x80, v21, vm0, $0xb8;
	[tilespmem:$0x10480] =	vst v63  }
0x17f: {  	s26 =	simm.s32 $0xF480  }
0x180: {  	[tilespmem:s26], [sflag:$0x3] =	stream.indirect_vreg.gather [hbm4b:s9+s3], $0x80, v21, vm0, $0xb8;
	[tilespmem:$0x10480] =	vst v63  }
0x181: {  	s26 =	simm.s32 $0xFC80  }
0x182: {  	[tilespmem:s26], [sflag:$0x3] =	stream.indirect_vreg.gather [hbm4b:s10+s3], $0x80, v21, vm0, $0xb8;
	[tilespmem:$0x10480] =	vst v63  }
0x183: {  	_ =	swait.ge [sflag:s22], $0x8000  }
0x184: {  	[sflag:s22] =	ssyncset.done $0x0  }
0x185: {  	s26 =	rddreg [dreg:$0x9];
	[sflag:s22] =	ssyncadd.s32 $0xFFFF8000  }
0x186: {  	[hbm4b:s26+s3] =	stream.linear.scatter [tilespmem:s0], [sflag:$0x4], $0x8000, $0x38;
	[tilespmem:$0x10480] =	vst v63  }
0x187: {  	_ =	swait.ge [sflag:s11], $0x8000  }
0x188: {  	[sflag:s11] =	ssyncset.done $0x0  }
0x189: {  	[sflag:s11] =	ssyncadd.s32 $0xFFFF8000  }
0x18a: {  	v21 =	vld [tilespmem:$0x240];
	_ =	sdelay $0x4  }
0x18b: {  	v22 =	vshll.u32 v21, $0x3  }
0x18c: {  	v21 =	vand.u32 $0x7, v21;
	v22 =	vand.u32 $0xFFFFFFC0, v22  }
0x18d: {  	v21 =	vor.u32 v21, v22  }
0x18e: {  	v22 =	vperm.xlane v21, v18;
	_ =	sdelay $0x1  }
0x18f: {  	v22 =	vadd.s32 v19, v22;
	_ =	sdelay $0x4  }
0x190: {  	[tilespmem:s0], [sflag:$0x2] =	stream.indirect_vreg.gather [hbm4b:s1+s3], $0x80, v22, vm0, $0xb8;
	[tilespmem:$0x10480] =	vst v63  }
0x191: {  	v21 =	vperm.xlane v21, v20  }
0x192: {  	[tilespmem:s28], [sflag:$0x2] =	stream.indirect_vreg.gather [hbm4b:s7+s3], $0x80, v22, vm0, $0xb8;
	[tilespmem:$0x10480] =	vst v63  }
0x193: {  	v21 =	vadd.s32 v19, v21  }
0x194: {  	[tilespmem:s29], [sflag:$0x2] =	stream.indirect_vreg.gather [hbm4b:s9+s3], $0x80, v22, vm0, $0xb8;
	[tilespmem:$0x10480] =	vst v63  }
0x195: {  	_ = 	snop  }
0x196: {  	[tilespmem:s30], [sflag:$0x2] =	stream.indirect_vreg.gather [hbm4b:s10+s3], $0x80, v22, vm0, $0xb8;
	[tilespmem:$0x10480] =	vst v63  }
0x197: {  	_ = 	snop  }
0x198: {  	[tilespmem:s31], [sflag:$0x2] =	stream.indirect_vreg.gather [hbm4b:s1+s3], $0x80, v21, vm0, $0xb8;
	[tilespmem:$0x10480] =	vst v63  }
0x199: {  	_ = 	snop  }
0x19a: {  	[tilespmem:s2], [sflag:$0x2] =	stream.indirect_vreg.gather [hbm4b:s7+s3], $0x80, v21, vm0, $0xb8;
	[tilespmem:$0x10480] =	vst v63  }
0x19b: {  	_ = 	snop  }
0x19c: {  	[tilespmem:s13], [sflag:$0x2] =	stream.indirect_vreg.gather [hbm4b:s9+s3], $0x80, v21, vm0, $0xb8;
	[tilespmem:$0x10480] =	vst v63  }
0x19d: {  	_ = 	snop  }
0x19e: {  	[tilespmem:s14], [sflag:$0x2] =	stream.indirect_vreg.gather [hbm4b:s10+s3], $0x80, v21, vm0, $0xb8;
	[tilespmem:$0x10480] =	vst v63  }
0x19f: {  	v21 =	vld [tilespmem:$0x250];
	_ =	sdelay $0x4  }
0x1a0: {  	v22 =	vshll.u32 v21, $0x3  }
0x1a1: {  	v21 =	vand.u32 $0x7, v21;
	v22 =	vand.u32 $0xFFFFFFC0, v22  }
0x1a2: {  	v21 =	vor.u32 v21, v22  }
0x1a3: {  	v22 =	vperm.xlane v21, v18;
	_ =	sdelay $0x1  }
0x1a4: {  	v22 =	vadd.s32 v19, v22;
	_ =	sdelay $0x4  }
0x1a5: {  	[tilespmem:s6], [sflag:$0x2] =	stream.indirect_vreg.gather [hbm4b:s1+s3], $0x80, v22, vm0, $0xb8;
	[tilespmem:$0x10480] =	vst v63  }
0x1a6: {  	v21 =	vperm.xlane v21, v20  }
0x1a7: {  	[tilespmem:s4], [sflag:$0x2] =	stream.indirect_vreg.gather [hbm4b:s7+s3], $0x80, v22, vm0, $0xb8;
	[tilespmem:$0x10480] =	vst v63  }
0x1a8: {  	v21 =	vadd.s32 v19, v21  }
0x1a9: {  	[tilespmem:s5], [sflag:$0x2] =	stream.indirect_vreg.gather [hbm4b:s9+s3], $0x80, v22, vm0, $0xb8;
	[tilespmem:$0x10480] =	vst v63  }
0x1aa: {  	_ = 	snop  }
0x1ab: {  	[tilespmem:s12], [sflag:$0x2] =	stream.indirect_vreg.gather [hbm4b:s10+s3], $0x80, v22, vm0, $0xb8;
	[tilespmem:$0x10480] =	vst v63  }
0x1ac: {  	_ = 	snop  }
0x1ad: {  	[tilespmem:s16], [sflag:$0x2] =	stream.indirect_vreg.gather [hbm4b:s1+s3], $0x80, v21, vm0, $0xb8;
	[tilespmem:$0x10480] =	vst v63  }
0x1ae: {  	_ = 	snop  }
0x1af: {  	[tilespmem:s17], [sflag:$0x2] =	stream.indirect_vreg.gather [hbm4b:s7+s3], $0x80, v21, vm0, $0xb8;
	[tilespmem:$0x10480] =	vst v63  }
0x1b0: {  	_ = 	snop  }
0x1b1: {  	[tilespmem:s18], [sflag:$0x2] =	stream.indirect_vreg.gather [hbm4b:s9+s3], $0x80, v21, vm0, $0xb8;
	[tilespmem:$0x10480] =	vst v63  }
0x1b2: {  	_ = 	snop  }
0x1b3: {  	[tilespmem:s19], [sflag:$0x2] =	stream.indirect_vreg.gather [hbm4b:s10+s3], $0x80, v21, vm0, $0xb8;
	[tilespmem:$0x10480] =	vst v63  }
0x1b4: {  	_ =	swait.ge [sflag:s25], $0x8000  }
0x1b5: {  	[sflag:s25] =	ssyncset.done $0x0  }
0x1b6: {  	s2 =	rddreg [dreg:$0xa];
	[sflag:s25] =	ssyncadd.s32 $0xFFFF8000  }
0x1b7: {  	[hbm4b:s2+s3] =	stream.linear.scatter [tilespmem:s24], [sflag:$0x4], $0x8000, $0x38;
	[tilespmem:$0x10480] =	vst v63  }
0x1b8: {  	_ =	swait.ge [sflag:s11], $0x8000  }
0x1b9: {  	[sflag:s11] =	ssyncset.done $0x0  }
0x1ba: {  	[sflag:s11] =	ssyncadd.s32 $0xFFFF8000  }
0x1bb: {  	v21 =	vld [tilespmem:$0x260];
	_ =	sdelay $0x4  }
0x1bc: {  	v22 =	vshll.u32 v21, $0x3  }
0x1bd: {  	v21 =	vand.u32 $0x7, v21;
	v22 =	vand.u32 $0xFFFFFFC0, v22  }
0x1be: {  	v21 =	vor.u32 v21, v22  }
0x1bf: {  	v22 =	vperm.xlane v21, v18;
	_ =	sdelay $0x1  }
0x1c0: {  	v22 =	vadd.s32 v19, v22;
	_ =	sdelay $0x4  }
0x1c1: {  	[tilespmem:s24], [sflag:$0x3] =	stream.indirect_vreg.gather [hbm4b:s1+s3], $0x80, v22, vm0, $0xb8;
	[tilespmem:$0x10480] =	vst v63  }
0x1c2: {  	s26 =	simm.s32 $0x8C80;
	v21 =	vperm.xlane v21, v20  }
0x1c3: {  	[tilespmem:s26], [sflag:$0x3] =	stream.indirect_vreg.gather [hbm4b:s7+s3], $0x80, v22, vm0, $0xb8;
	[tilespmem:$0x10480] =	vst v63  }
0x1c4: {  	s15 =	simm.s32 $0x9480;
	v21 =	vadd.s32 v19, v21  }
0x1c5: {  	[tilespmem:s15], [sflag:$0x3] =	stream.indirect_vreg.gather [hbm4b:s9+s3], $0x80, v22, vm0, $0xb8;
	[tilespmem:$0x10480] =	vst v63  }
0x1c6: {  	s21 =	simm.s32 $0x9C80  }
0x1c7: {  	[tilespmem:s21], [sflag:$0x3] =	stream.indirect_vreg.gather [hbm4b:s10+s3], $0x80, v22, vm0, $0xb8;
	[tilespmem:$0x10480] =	vst v63  }
0x1c8: {  	s28 =	simm.s32 $0xA480  }
0x1c9: {  	[tilespmem:s28], [sflag:$0x3] =	stream.indirect_vreg.gather [hbm4b:s1+s3], $0x80, v21, vm0, $0xb8;
	[tilespmem:$0x10480] =	vst v63  }
0x1ca: {  	s20 =	simm.s32 $0xAC80  }
0x1cb: {  	[tilespmem:s20], [sflag:$0x3] =	stream.indirect_vreg.gather [hbm4b:s7+s3], $0x80, v21, vm0, $0xb8;
	[tilespmem:$0x10480] =	vst v63  }
0x1cc: {  	s23 =	simm.s32 $0xB480  }
0x1cd: {  	[tilespmem:s23], [sflag:$0x3] =	stream.indirect_vreg.gather [hbm4b:s9+s3], $0x80, v21, vm0, $0xb8;
	[tilespmem:$0x10480] =	vst v63  }
0x1ce: {  	s29 =	simm.s32 $0xBC80  }
0x1cf: {  	[tilespmem:s29], [sflag:$0x3] =	stream.indirect_vreg.gather [hbm4b:s10+s3], $0x80, v21, vm0, $0xb8;
	[tilespmem:$0x10480] =	vst v63  }
0x1d0: {  	v21 =	vld [tilespmem:$0x270];
	_ =	sdelay $0x4  }
0x1d1: {  	v22 =	vshll.u32 v21, $0x3  }
0x1d2: {  	v21 =	vand.u32 $0x7, v21;
	v22 =	vand.u32 $0xFFFFFFC0, v22  }
0x1d3: {  	v21 =	vor.u32 v21, v22  }
0x1d4: {  	v22 =	vperm.xlane v21, v18;
	_ =	sdelay $0x1  }
0x1d5: {  	v22 =	vadd.s32 v19, v22;
	_ =	sdelay $0x3  }
0x1d6: {  	s30 =	simm.s32 $0xC480  }
0x1d7: {  	[tilespmem:s30], [sflag:$0x3] =	stream.indirect_vreg.gather [hbm4b:s1+s3], $0x80, v22, vm0, $0xb8;
	[tilespmem:$0x10480] =	vst v63  }
0x1d8: {  	s31 =	simm.s32 $0xCC80;
	v21 =	vperm.xlane v21, v20  }
0x1d9: {  	[tilespmem:s31], [sflag:$0x3] =	stream.indirect_vreg.gather [hbm4b:s7+s3], $0x80, v22, vm0, $0xb8;
	[tilespmem:$0x10480] =	vst v63  }
0x1da: {  	s15 =	simm.s32 $0xD480;
	v21 =	vadd.s32 v19, v21  }
0x1db: {  	[tilespmem:s15], [sflag:$0x3] =	stream.indirect_vreg.gather [hbm4b:s9+s3], $0x80, v22, vm0, $0xb8;
	[tilespmem:$0x10480] =	vst v63  }
0x1dc: {  	s20 =	simm.s32 $0xDC80  }
0x1dd: {  	[tilespmem:s20], [sflag:$0x3] =	stream.indirect_vreg.gather [hbm4b:s10+s3], $0x80, v22, vm0, $0xb8;
	[tilespmem:$0x10480] =	vst v63  }
0x1de: {  	s21 =	simm.s32 $0xE480  }
0x1df: {  	[tilespmem:s21], [sflag:$0x3] =	stream.indirect_vreg.gather [hbm4b:s1+s3], $0x80, v21, vm0, $0xb8;
	[tilespmem:$0x10480] =	vst v63  }
0x1e0: {  	s23 =	simm.s32 $0xEC80  }
0x1e1: {  	[tilespmem:s23], [sflag:$0x3] =	stream.indirect_vreg.gather [hbm4b:s7+s3], $0x80, v21, vm0, $0xb8;
	[tilespmem:$0x10480] =	vst v63  }
0x1e2: {  	s26 =	simm.s32 $0xF480  }
0x1e3: {  	[tilespmem:s26], [sflag:$0x3] =	stream.indirect_vreg.gather [hbm4b:s9+s3], $0x80, v21, vm0, $0xb8;
	[tilespmem:$0x10480] =	vst v63  }
0x1e4: {  	s28 =	simm.s32 $0xFC80  }
0x1e5: {  	[tilespmem:s28], [sflag:$0x3] =	stream.indirect_vreg.gather [hbm4b:s10+s3], $0x80, v21, vm0, $0xb8;
	[tilespmem:$0x10480] =	vst v63  }
0x1e6: {  	_ =	swait.ge [sflag:s22], $0x8000  }
0x1e7: {  	[sflag:s22] =	ssyncset.done $0x0  }
0x1e8: {  	s29 =	rddreg [dreg:$0xb];
	[sflag:s22] =	ssyncadd.s32 $0xFFFF8000  }
0x1e9: {  	[hbm4b:s29+s3] =	stream.linear.scatter [tilespmem:s0], [sflag:$0x4], $0x8000, $0x38;
	[tilespmem:$0x10480] =	vst v63  }
0x1ea: {  	_ =	swait.ge [sflag:s11], $0x8000  }
0x1eb: {  	[sflag:s11] =	ssyncset.done $0x0  }
0x1ec: {  	[sflag:s11] =	ssyncadd.s32 $0xFFFF8000  }
0x1ed: {  	_ =	swait.ge [sflag:s25], $0x8000  }
0x1ee: {  	[sflag:s25] =	ssyncset.done $0x0  }
0x1ef: {  	s30 =	rddreg [dreg:$0xc];
	[sflag:s25] =	ssyncadd.s32 $0xFFFF8000  }
0x1f0: {  	[hbm4b:s30+s3] =	stream.linear.scatter [tilespmem:s24], [sflag:$0x4], $0x8000, $0x38;
	[tilespmem:$0x10480] =	vst v63  }
0x1f1: {  	p0 =	sne.s32 s8, $0x1;
	_ =	swait.ge [sflag:s11], $0x8000  }
.Ltmp0:
0x1f2: {  	[sflag:s11] =	ssyncset.done $0x0;
	(pc) =	sbr.rel @p0 .LBB2_1-.Ltmp0, $4  }
0x1f3: {  	s31 =	simm.s32 $0x1;
	[sflag:s11] =	ssyncadd.s32 $0xFFFF8000  }
0x1f4: {  	_ =	swait.ge [sflag:s31], $0x100  }
0x1f5: {  	[sflag:s31] =	ssyncset.done $0x0  }
0x1f6: {  	s8 =	sadd.s32 $0xFFFFFFFF, s8;
	[sflag:s31] =	ssyncadd.s32 $0xFFFFFF00  }
0x1f7: {  	_ =	sfence.sel $0x180000  }
0x1f8: {  	[bflag:$0x0] =	sbarrier.arrive $0xFFFF  }
0x1f9: {  	_ =	strace $0x9000004A  }
0x1fa: {  	s0 =	stileid.u32;
	[bflag:$0x2] =	sbarrier.arrive $0xFFFF  }
0x1fb: {  	p0 =	sne.s32 s0, $0x0;
	s0 =	rddreg [dreg:$0x3]  }
0x1fc: {  	s0 =	sadd.s32 @!p0 $0x100000, s0  }
0x1fd: {  	[sflag:s0] =	ssyncadd.tile.s32 @!p0 $0x1;
	_ =	shalt  }
.Lfunc_end2:
_tile_overlayer_lowered:
.L_overlay_start_2:
0x1fe: {  	(tag) =	ssettag $0x2  }
0x1ff: {  	s0 =	rddreg [dreg:$0x0];
	s2 =	stileid.u32  }
0x200: {  	s1 =	rddreg [dreg:$0x1];
	p0 =	sne.s32 s2, $0x0  }
0x201: {  	s3 =	rddreg [dreg:$0x2];
	[bflag:$0x3] =	sbarrier.arrive $0xFFFF;
	s2 =	simm.s32 @!p0 $0x1C04  }
0x202: {  	[timem:s3], [sflag:s2] =	dma.local @!p0 [hbm:s0], s1  }
0x203: {  	s0 =	simm.s32 @!p0 $0x4  }
0x204: {  	_ =	swait.ge @!p0 [sflag:s0], s1  }
0x205: {  	s1 =	ssub.s32 @!p0 $0x0, s1;
	[sflag:s0] =	ssyncset.done @!p0 $0x0  }
0x206: {  	[sflag:s0] =	ssyncadd.s32 @!p0 s1  }
0x207: {  	[bflag:$0x3] =	sbarrier.arrive $0xFFFF  }
0x208: {  	_ =	shalt  }

// kernel: kernel.13.cloned.1.call-start
scs
__scs_entry_jumppad:
0x0: {  	(pc) =	sbr.rel $0x88, $3  }
0x1: {  	(tag) =	ssettag $0x0;
	lr =	simm.s32 $0x1  }
0x2: {  	[smem:$0x3F9B] =	sst lr;
	_ =	strace $0xD0000000  }
0x3: {  	_ = 	snop  }
0x4: {  	_ = 	snop  }
0x5: {  	_ = 	snop  }
0x6: {  	_ = 	snop  }
0x7: {  	_ = 	snop  }
__scs_overlays_trampoline_lowered:
0x8: {  	[smem:$0x3FAA] =	sst s0  }
0x9: {  	[smem:$0x3FAB] =	sst s1  }
0xa: {  	[smem:$0x3FAC] =	sst s2  }
0xb: {  	[smem:$0x3FAD] =	sst s3  }
0xc: {  	[smem:$0x3FAE] =	sst s4  }
0xd: {  	[smem:$0x3FAF] =	sst s5  }
0xe: {  	[smem:$0x3FB0] =	sst s6  }
0xf: {  	[smem:$0x3FB1] =	sst s7  }
0x10: {  	[smem:$0x3FB2] =	sst s8  }
0x11: {  	[smem:$0x3FB3] =	sst s9;
	s0 =	simm.s32 @!p0 $0x0  }
0x12: {  	s1 =	sld [smem:$0x3F99];
	s0 =	simm.s32 @p0 $0x1  }
0x13: {  	[smem:$0x3FB4] =	sst s0;
	s0 =	simm.s32 @!p1 $0x0  }
0x14: {  	s2 =	sld [smem:$0x3F98];
	s0 =	simm.s32 @p1 $0x1  }
0x15: {  	[smem:$0x3FB5] =	sst s0;
	s0 =	simm.s32 @!p2 $0x0  }
0x16: {  	s3 =	sld [smem:$0x3FDB];
	s0 =	simm.s32 @p2 $0x1  }
0x17: {  	s4 =	simm.s32 $0x1BF5;
	[smem:$0x3FB7] =	sst s0  }
0x18: {  	s0 =	sld [smem:$0x3F9A];
	_ =	swait.ge [sflag:s4], $0x0  }
0x19: {  	s7 =	sld [smem:$0x3F9B]  }
0x1a: {  	s8 =	sadd.s32 $0xFFFFE003, lr  }
0x1b: {  	s9 =	sadd.s32 $0xFFFFFEF7, lr;
	s5 =	simm.s32 $0xFFFFFFFF;
	p2 =	slt.u32 s8, $0xFFFFF086  }
0x1c: {  	p1 =	slt.u32 s9, $0xF7A;
	s5 =	simm.s32 @!p2 $0x0  }
0x1d: {  	s5 =	simm.s32 @p1 $0x1;
	p0 =	seq.s32 s7, s2  }
0x1e: {  	s7 =	smul.u32 @!p0 $0xF7A, s2;
	p2 =	seq.s32 @!p0 s5, $0x0  }
0x1f: {  	s9 =	smul.u32 $0xF7A, s1;
	s8 =	simm.s32 @!p0 $0x1BF5;
	p2 =	por !p2, p0  }
0x20: {  	[sflag:s8] =	ssyncset.s32 @!p0 $0xFFFFF086;
	s6 =	sadd.s32 @!p0 s3, s7;
	s7 =	simm.s32 @!p0 $0x108  }
0x21: {  	s3 =	sadd.s32 s3, s9;
	s6 =	sadd.s32 @!p0 $0x88, s6;
	s7 =	simm.s32 @p2 $0x1082  }
0x22: {  	[simem:s7], [sflag:s8] =	dma.local @!p0 [hbm:s6], $0xF7A  }
0x23: {  	s9 =	sor.u32 $0xD0000000, s2;
	s6 =	simm.s32 $0x108;
	_ =	swait.ge @!p0 [sflag:s8], $0x0  }
0x24: {  	s3 =	sadd.s32 $0x88, s3;
	s6 =	simm.s32 @!p1 $0x1082;
	[sflag:s4] =	ssyncset.s32 $0xFFFFF086  }
0x25: {  	[simem:s6], [sflag:s4] =	dma.local [hbm:s3], $0xF7A  }
0x26: {  	[smem:$0x3F9B] =	sst s1;
	(tag) =	ssettag s2;
	_ =	strace s9  }
0x27: {  	s1 =	sld [smem:$0x3FAB]  }
0x28: {  	s2 =	sld [smem:$0x3FAC]  }
0x29: {  	s4 =	sld [smem:$0x3FAE]  }
0x2a: {  	p0 =	seq.s32 s5, $0x0;
	s5 =	sld [smem:$0x3FAF]  }
0x2b: {  	s6 =	sld [smem:$0x3FB0]  }
0x2c: {  	s7 =	sld [smem:$0x3FB1]  }
0x2d: {  	s3 =	simm.s32 $0x108;
	s8 =	sld [smem:$0x3FB2]  }
0x2e: {  	s3 =	simm.s32 @!p0 $0x1082;
	s9 =	sld [smem:$0x3FB3]  }
0x2f: {  	lr =	sadd.s32 s0, s3;
	s0 =	sld [smem:$0x3FAA]  }
0x30: {  	s3 =	sld [smem:$0x3FAD]  }
0x31: {  	[smem:$0x3FB6] =	sst s10  }
0x32: {  	s10 =	sld [smem:$0x3FB4];
	_ =	sdelay $0x3  }
0x33: {  	p0 =	seq.s32 s10, $0x1;
	s10 =	sld [smem:$0x3FB6];
	_ =	sdelay $0x3  }
0x34: {  	[smem:$0x3FB6] =	sst s10  }
0x35: {  	s10 =	sld [smem:$0x3FB5];
	_ =	sdelay $0x3  }
0x36: {  	p1 =	seq.s32 s10, $0x1;
	s10 =	sld [smem:$0x3FB6];
	_ =	sdelay $0x3  }
0x37: {  	[smem:$0x3FB6] =	sst s10  }
0x38: {  	s10 =	sld [smem:$0x3FB7]  }
0x39: {  	_ = 	snop;
	(pc) =	sbr.ind lr, $3  }
0x3a: {  	_ = 	snop  }
0x3b: {  	_ = 	snop  }
0x3c: {  	p2 =	seq.s32 s10, $0x1;
	s10 =	sld [smem:$0x3FB6]  }
0x3d: {  	_ =	shalt  }
0x3e: {  	_ =	shalt  }
0x3f: {  	_ =	shalt  }
0x40: {  	_ =	shalt  }
0x41: {  	_ =	shalt  }
0x42: {  	_ =	shalt  }
0x43: {  	_ =	shalt  }
0x44: {  	_ =	shalt  }
0x45: {  	_ =	shalt  }
0x46: {  	_ =	shalt  }
0x47: {  	_ =	shalt  }
0x48: {  	_ =	shalt  }
0x49: {  	_ =	shalt  }
0x4a: {  	_ =	shalt  }
0x4b: {  	_ =	shalt  }
0x4c: {  	_ =	shalt  }
0x4d: {  	_ =	shalt  }
0x4e: {  	_ =	shalt  }
0x4f: {  	_ =	shalt  }
0x50: {  	_ =	shalt  }
0x51: {  	_ =	shalt  }
0x52: {  	_ =	shalt  }
0x53: {  	_ =	shalt  }
0x54: {  	_ =	shalt  }
0x55: {  	_ =	shalt  }
0x56: {  	_ =	shalt  }
0x57: {  	_ =	shalt  }
0x58: {  	_ =	shalt  }
0x59: {  	_ =	shalt  }
0x5a: {  	_ =	shalt  }
0x5b: {  	_ =	shalt  }
0x5c: {  	_ =	shalt  }
0x5d: {  	_ =	shalt  }
0x5e: {  	_ =	shalt  }
0x5f: {  	_ =	shalt  }
0x60: {  	_ =	shalt  }
0x61: {  	_ =	shalt  }
0x62: {  	_ =	shalt  }
0x63: {  	_ =	shalt  }
0x64: {  	_ =	shalt  }
0x65: {  	_ =	shalt  }
0x66: {  	_ =	shalt  }
0x67: {  	_ =	shalt  }
0x68: {  	_ =	shalt  }
0x69: {  	_ =	shalt  }
0x6a: {  	_ =	shalt  }
0x6b: {  	_ =	shalt  }
0x6c: {  	_ =	shalt  }
0x6d: {  	_ =	shalt  }
0x6e: {  	_ =	shalt  }
0x6f: {  	_ =	shalt  }
0x70: {  	_ =	shalt  }
0x71: {  	_ =	shalt  }
0x72: {  	_ =	shalt  }
0x73: {  	_ =	shalt  }
0x74: {  	_ =	shalt  }
0x75: {  	_ =	shalt  }
0x76: {  	_ =	shalt  }
0x77: {  	_ =	shalt  }
0x78: {  	_ =	shalt  }
0x79: {  	_ =	shalt  }
0x7a: {  	_ =	shalt  }
0x7b: {  	_ =	shalt  }
0x7c: {  	_ =	shalt  }
0x7d: {  	_ =	shalt  }
0x7e: {  	_ =	shalt  }
0x7f: {  	_ =	shalt  }
0x80: {  	_ =	shalt  }
0x81: {  	_ =	shalt  }
0x82: {  	_ =	shalt  }
0x83: {  	_ =	shalt  }
0x84: {  	_ =	shalt  }
0x85: {  	_ =	shalt  }
0x86: {  	_ =	shalt  }
0x87: {  	_ =	shalt  }
.Lfunc_end0:
.L_simem_size_0:
called_computation.2_lowered:
.L_overlay_start_0:
0x88: {  	s2 =	sld [smem:$0x3FD9]  }
0x89: {  	s3 =	sld [smem:$0x3FFE];
	_ =	sdelay $0x1  }
0x8a: {  	s1 =	srdreg.scid  }
0x8b: {  	s0 =	sand.u32 $0x1, s1  }
0x8c: {  	s14 =	sshll.u32 s0, $0xA;
	s2 =	sadd.s32 s3, s2  }
0x8d: {  	s2 =	sadd.s32 s2, s14  }
0x8e: {  	[smem:$0x3FC2] =	sst s2  }
0x8f: {  	_ = 	snop  }
0x90: {  	s2 =	sld [smem:$0x3FD0];
	_ =	sdelay $0x2  }
0x91: {  	s15 =	simm.s32 $0xA;
	s4 =	simm.s32 $0x10  }
0x92: {  	[smem:s4], [sflag:s15] =	dma.local [hbm:s2], $0x1  }
0x93: {  	_ =	swait.eq [sflag:s15], $0x1  }
0x94: {  	[sflag:s15] =	ssyncset.done $0x0  }
0x95: {  	[sflag:s15] =	ssyncadd.s32 $0xFFFFFFFF  }
0x96: {  	s16 =	sld [smem:$0x10];
	(tm) =	ssettm $0x1  }
0x97: {  	s17 =	sld [smem:$0x3FFB];
	_ =	sdelay $0x3  }
0x98: {  	_ =	strace s17  }
0x99: {  	s3 =	sld [smem:$0x3FFC];
	_ =	sdelay $0x3  }
0x9a: {  	_ =	strace s3  }
0x9b: {  	s3 =	sld [smem:$0x3FFD];
	_ =	sdelay $0x3  }
0x9c: {  	_ =	strace s3  }
0x9d: {  	_ =	strace $0x8FFFFFFF  }
0x9e: {  	s18 =	sld [smem:$0x3FDB];
	_ =	sdelay $0x1  }
0x9f: {  	s19 =	simm.s32 $_scs_section_size  }
0xa0: {  	s5 =	simm.s32 $_size__tile_overlayer_lowered;
	s6 =	simm.s32 $_tile_overlayer_lowered  }
0xa1: {  	s22 =	simm.s32 $0x1BFF;
	s21 =	sshll.u32 s6, $0x1;
	s3 =	sadd.s32 s19, s18  }
0xa2: {  	s7 =	simm.s32 $0x0;
	s20 =	sshll.u32 s5, $0x1;
	s5 =	sadd.s32 s21, s3  }
0xa3: {  	[timem:s7], [sflag:s22] =	dma.local [hbm:s5], s20  }
0xa4: {  	_ =	swait.ge [sflag:s22], s20  }
0xa5: {  	s4 =	ssub.s32 $0x0, s20;
	[sflag:s22] =	ssyncset.done $0x0  }
0xa6: {  	[sflag:s22] =	ssyncadd.s32 s4;
	_ =	sdelay $0x1  }
0xa7: {  	s23 =	simm.s32 $0x1B8B  }
0xa8: {  	_ =	swait.ge [sflag:s23], $0x1  }
0xa9: {  	[sflag:s23] =	ssyncset.done $0x0  }
0xaa: {  	s25 =	simm.s32 $0x1B8E;
	s24 =	sld [smem:$0x3FFE];
	[sflag:s23] =	ssyncadd.s32 $0xFFFFFFFF  }
0xab: {  	s26 =	simm.s32 $execute0_lowered;
	[smem:$0x3FD2] =	sst s25  }
0xac: {  	s5 =	sshll.u32 s26, $0x1;
	_ =	strace $0x8000004C;
	[dreg:$0x1] =	wrdreg $0xFFFFFFFF  }
0xad: {  	s28 =	simm.s32 $_size_execute0_lowered;
	s3 =	sadd.s32 s3, s5;
	[dreg:$0x0] =	wrdreg $0x0  }
0xae: {  	s5 =	sshll.u32 s28, $0x1;
	[dreg:$0x2] =	wrdreg s3  }
0xaf: {  	[dreg:$0x3] =	wrdreg s5  }
0xb0: {  	[dreg:$0x4] =	wrdreg $0xC0  }
0xb1: {  	_ =	task [dreg:s7], $0x5FFFF  }
0xb2: {  	[dreg:$0x1] =	wrdreg $0xFFFFFFFF  }
0xb3: {  	[dreg:$0x0] =	wrdreg $0x60  }
0xb4: {  	[dreg:$0x2] =	wrdreg s24  }
0xb5: {  	[dreg:$0x3] =	wrdreg s16  }
0xb6: {  	[dreg:$0x4] =	wrdreg $0x9  }
0xb7: {  	_ =	task.clear_ibuf [dreg:s7], $0x5FFFF;
	_ =	strace $0x9000004C  }
0xb8: {  	s29 =	simm.s32 $0x9;
	_ =	strace $0x8000004E  }
0xb9: {  	_ =	swait.ge [sflag:s29], $0x1  }
0xba: {  	[sflag:s29] =	ssyncadd.s32 $0xFFFFFFFF  }
0xbb: {  	_ =	strace $0x9000004E  }
0xbc: {  	_ =	sfence  }
0xbd: {  	s30 =	sld [smem:$0x0];
	_ =	sdelay $0x2  }
0xbe: {  	s31 =	sshll.u32 s1, $0xD;
	s1 =	sshrl.u32 s1, $0x2  }
0xbf: {  	s3 =	sand.u32 $0x4000, s31;
	s1 =	sadd.s32 s1, s30  }
0xc0: {  	s0 =	sor.u32 s3, s0;
	s1 =	sshll.u32 s1, $0x11  }
0xc1: {  	s0 =	sor.u32 s1, s0  }
0xc2: {  	s0 =	sadd.s32 $0x8F2B, s0  }
0xc3: {  	[sflag:s0] =	ssyncadd.remote.s32 $0x1  }
0xc4: {  	_ =	sfence.sel $0xFFFF  }
0xc5: {  	[dreg:$0x0] =	wrdreg $0xFFFFFFFF;
	(pc) =	sbr.abs _section_cstart, $3  }
0xc6: {  	[dreg:$0x1] =	wrdreg $0xFFFFFFFF  }
0xc7: {  	_ =	task.clear_ibuf [dreg:s7], $0x2FFFF;
	_ =	strace $0x9FFFFFFF  }
0xc8: {  	(tm) =	ssettm $0x7FFFFFFF  }
0xc9: {  	_ =	shalt  }
tec
execute0_lowered:
.L_overlay_start_1:
0x0: {  	(tag) =	ssettag $0x1  }
0x1: {  	s0 =	srdreg.scid;
	s1 =	rddreg [dreg:$0x0]  }
0x2: {  	s2 =	stileid.u32;
	s4 =	rddreg [dreg:$0x1];
	s9 =	simm.s32 $0x3  }
0x3: {  	s10 =	simm.s32 $0x100;
	s19 =	simm.s32 $0x1;
	s28 =	simm.s32 $0x2900  }
0x4: {  	s29 =	simm.s32 $0x3100;
	s30 =	simm.s32 $0x3900;
	s31 =	simm.s32 $0x4100  }
0x5: {  	s17 =	simm.s32 $0x4900;
	s16 =	simm.s32 $0x5100;
	s11 =	simm.s32 $0x6100  }
0x6: {  	s12 =	simm.s32 $0x6900;
	s13 =	simm.s32 $0x7100;
	s0 =	sand.u32 $0x1, s0  }
0x7: {  	s14 =	simm.s32 $0x7900;
	s2 =	sshll.u32 s2, $0x9;
	s3 =	sshll.u32 s0, $0x8  }
0x8: {  	s7 =	sadd.s32 $0x424700, s1;
	s0 =	ssub.s32 $0x2, s0;
	s3 =	sor.u32 s3, s2  }
0x9: {  	s2 =	simm.s32 $0x0;
	s5 =	sshrl.u32 s3, $0x3;
	s3 =	sshll.u32 s3, $0x7  }
0xa: {  	[smem:$0x7FF] =	sst s2;
	s5 =	sadd.s32 s5, s1;
	s6 =	sadd.s32 s4, s3  }
0xb: {  	_ =	strace $0x8000004D;
	s5 =	sadd.s32 $0x3000, s5;
	[dreg:$0xb] =	wrdreg s6  }
0xc: {  	s23 =	sshrl.u32 s0, $0x1;
	s3 =	sadd.s32 $0x1000, s6;
	[dreg:$0x3] =	wrdreg s5  }
0xd: {  	s0 =	ssub.s32 s0, s23;
	s20 =	sadd.s32 $0x2000, s6;
	[dreg:$0x4] =	wrdreg s3  }
0xe: {  	s23 =	simm.s32 $0x1100;
	s21 =	sadd.s32 $0x3000, s6;
	[dreg:$0x5] =	wrdreg s20  }
0xf: {  	s4 =	sadd.s32 $0x424400, s1;
	s22 =	sadd.s32 $0x4000, s6;
	[dreg:$0x6] =	wrdreg s21  }
0x10: {  	s8 =	smax.u32 s0, $0x1;
	s24 =	sadd.s32 $0x5000, s6;
	[dreg:$0x7] =	wrdreg s22  }
0x11: {  	s25 =	sadd.s32 $0x6000, s6;
	s26 =	sadd.s32 $0x7000, s6;
	[dreg:$0x8] =	wrdreg s24  }
0x12: {  	v2 =	vlaneseq.u32;
	s6 =	sadd.s32 $0x424600, s1;
	s5 =	sadd.s32 $0x424500, s1;
	[dreg:$0x9] =	wrdreg s25  }
0x13: {  	vm0 =	vmmov $0xffff;
	v1 =	vshrl.u32 v2, $0x3;
	[dreg:$0xa] =	wrdreg s26;
	s26 =	simm.s32 $0x8100;
	s20 =	simm.s32 $0x2  }
0x14: {  	v0 =	vand.u32 $0x7, v2;
	v2 =	vor.u32 $0x8, v2;
	v1 =	vmul.u32 $0x8, v1;
	s22 =	simm.s32 $0x900;
	s24 =	simm.s32 $0x1900;
	s25 =	simm.s32 $0x2100  }
.LBB2_1:
0x15: {  	s21 =	rddreg [dreg:$0x3]  }
0x16: {  	[tilespmem:s2], [sflag:$0x3] =	stream.linear.gather [hbm4b:s21+s2], $0x100, $0x38;
	[tilespmem:$0x10100] =	vst v63  }
0x17: {  	_ =	swait.ge [sflag:s9], $0x100  }
0x18: {  	[sflag:s9] =	ssyncset.done $0x0  }
0x19: {  	[sflag:s9] =	ssyncadd.s32 $0xFFFFFF00  }
0x1a: {  	v3 =	vld [tilespmem:$0x0];
	_ =	sdelay $0x4  }
0x1b: {  	v4 =	vshll.u32 v3, $0x3  }
0x1c: {  	v3 =	vand.u32 $0x7, v3;
	v4 =	vand.u32 $0xFFFFFFC0, v4  }
0x1d: {  	v3 =	vor.u32 v3, v4  }
0x1e: {  	v4 =	vperm.xlane v3, v0;
	_ =	sdelay $0x1  }
0x1f: {  	v4 =	vadd.s32 v1, v4;
	_ =	sdelay $0x4  }
0x20: {  	[tilespmem:s10], [sflag:$0x1] =	stream.indirect_vreg.gather [hbm4b:s4+s2], $0x80, v4, vm0, $0xb8;
	[tilespmem:$0x10100] =	vst v63  }
0x21: {  	v3 =	vperm.xlane v3, v2  }
0x22: {  	[tilespmem:s22], [sflag:$0x1] =	stream.indirect_vreg.gather [hbm4b:s5+s2], $0x80, v4, vm0, $0xb8;
	[tilespmem:$0x10100] =	vst v63  }
0x23: {  	v3 =	vadd.s32 v1, v3  }
0x24: {  	[tilespmem:s23], [sflag:$0x1] =	stream.indirect_vreg.gather [hbm4b:s6+s2], $0x80, v4, vm0, $0xb8;
	[tilespmem:$0x10100] =	vst v63  }
0x25: {  	_ = 	snop  }
0x26: {  	[tilespmem:s24], [sflag:$0x1] =	stream.indirect_vreg.gather [hbm4b:s7+s2], $0x80, v4, vm0, $0xb8;
	[tilespmem:$0x10100] =	vst v63  }
0x27: {  	_ = 	snop  }
0x28: {  	[tilespmem:s25], [sflag:$0x1] =	stream.indirect_vreg.gather [hbm4b:s4+s2], $0x80, v3, vm0, $0xb8;
	[tilespmem:$0x10100] =	vst v63  }
0x29: {  	_ = 	snop  }
0x2a: {  	[tilespmem:s28], [sflag:$0x1] =	stream.indirect_vreg.gather [hbm4b:s5+s2], $0x80, v3, vm0, $0xb8;
	[tilespmem:$0x10100] =	vst v63  }
0x2b: {  	_ = 	snop  }
0x2c: {  	[tilespmem:s29], [sflag:$0x1] =	stream.indirect_vreg.gather [hbm4b:s6+s2], $0x80, v3, vm0, $0xb8;
	[tilespmem:$0x10100] =	vst v63  }
0x2d: {  	_ = 	snop  }
0x2e: {  	[tilespmem:s30], [sflag:$0x1] =	stream.indirect_vreg.gather [hbm4b:s7+s2], $0x80, v3, vm0, $0xb8;
	[tilespmem:$0x10100] =	vst v63  }
0x2f: {  	v3 =	vld [tilespmem:$0x10];
	_ =	sdelay $0x4  }
0x30: {  	v49 =	vshll.u32 v3, $0x3  }
0x31: {  	v3 =	vand.u32 $0x7, v3;
	v4 =	vand.u32 $0xFFFFFFC0, v49  }
0x32: {  	v3 =	vor.u32 v3, v4  }
0x33: {  	v4 =	vperm.xlane v3, v0;
	_ =	sdelay $0x1  }
0x34: {  	v4 =	vadd.s32 v1, v4;
	_ =	sdelay $0x4  }
0x35: {  	[tilespmem:s31], [sflag:$0x1] =	stream.indirect_vreg.gather [hbm4b:s4+s2], $0x80, v4, vm0, $0xb8;
	[tilespmem:$0x10100] =	vst v63  }
0x36: {  	v3 =	vperm.xlane v3, v2  }
0x37: {  	[tilespmem:s17], [sflag:$0x1] =	stream.indirect_vreg.gather [hbm4b:s5+s2], $0x80, v4, vm0, $0xb8;
	[tilespmem:$0x10100] =	vst v63  }
0x38: {  	v3 =	vadd.s32 v1, v3  }
0x39: {  	[tilespmem:s16], [sflag:$0x1] =	stream.indirect_vreg.gather [hbm4b:s6+s2], $0x80, v4, vm0, $0xb8;
	[tilespmem:$0x10100] =	vst v63  }
0x3a: {  	s3 =	simm.s32 $0x5900  }
0x3b: {  	[tilespmem:s3], [sflag:$0x1] =	stream.indirect_vreg.gather [hbm4b:s7+s2], $0x80, v4, vm0, $0xb8;
	[tilespmem:$0x10100] =	vst v63  }
0x3c: {  	_ = 	snop  }
0x3d: {  	[tilespmem:s11], [sflag:$0x1] =	stream.indirect_vreg.gather [hbm4b:s4+s2], $0x80, v3, vm0, $0xb8;
	[tilespmem:$0x10100] =	vst v63  }
0x3e: {  	_ = 	snop  }
0x3f: {  	[tilespmem:s12], [sflag:$0x1] =	stream.indirect_vreg.gather [hbm4b:s5+s2], $0x80, v3, vm0, $0xb8;
	[tilespmem:$0x10100] =	vst v63  }
0x40: {  	_ = 	snop  }
0x41: {  	[tilespmem:s13], [sflag:$0x1] =	stream.indirect_vreg.gather [hbm4b:s6+s2], $0x80, v3, vm0, $0xb8;
	[tilespmem:$0x10100] =	vst v63  }
0x42: {  	_ = 	snop  }
0x43: {  	[tilespmem:s14], [sflag:$0x1] =	stream.indirect_vreg.gather [hbm4b:s7+s2], $0x80, v3, vm0, $0xb8;
	[tilespmem:$0x10100] =	vst v63  }
0x44: {  	v3 =	vld [tilespmem:$0x20];
	_ =	sdelay $0x4  }
0x45: {  	v50 =	vshll.u32 v3, $0x3  }
0x46: {  	v3 =	vand.u32 $0x7, v3;
	v4 =	vand.u32 $0xFFFFFFC0, v50  }
0x47: {  	v3 =	vor.u32 v3, v4  }
0x48: {  	v4 =	vperm.xlane v3, v0;
	_ =	sdelay $0x1  }
0x49: {  	v4 =	vadd.s32 v1, v4;
	_ =	sdelay $0x4  }
0x4a: {  	[tilespmem:s26], [sflag:$0x2] =	stream.indirect_vreg.gather [hbm4b:s4+s2], $0x80, v4, vm0, $0xb8;
	[tilespmem:$0x10100] =	vst v63  }
0x4b: {  	s15 =	simm.s32 $0x8900;
	v3 =	vperm.xlane v3, v2  }
0x4c: {  	[tilespmem:s15], [sflag:$0x2] =	stream.indirect_vreg.gather [hbm4b:s5+s2], $0x80, v4, vm0, $0xb8;
	[tilespmem:$0x10100] =	vst v63  }
0x4d: {  	s18 =	simm.s32 $0x9100;
	v3 =	vadd.s32 v1, v3  }
0x4e: {  	[tilespmem:s18], [sflag:$0x2] =	stream.indirect_vreg.gather [hbm4b:s6+s2], $0x80, v4, vm0, $0xb8;
	[tilespmem:$0x10100] =	vst v63  }
0x4f: {  	s21 =	simm.s32 $0x9900  }
0x50: {  	[tilespmem:s21], [sflag:$0x2] =	stream.indirect_vreg.gather [hbm4b:s7+s2], $0x80, v4, vm0, $0xb8;
	[tilespmem:$0x10100] =	vst v63  }
0x51: {  	s1 =	simm.s32 $0xA100  }
0x52: {  	[tilespmem:s1], [sflag:$0x2] =	stream.indirect_vreg.gather [hbm4b:s4+s2], $0x80, v3, vm0, $0xb8;
	[tilespmem:$0x10100] =	vst v63  }
0x53: {  	s18 =	simm.s32 $0xA900  }
0x54: {  	[tilespmem:s18], [sflag:$0x2] =	stream.indirect_vreg.gather [hbm4b:s5+s2], $0x80, v3, vm0, $0xb8;
	[tilespmem:$0x10100] =	vst v63  }
0x55: {  	s1 =	simm.s32 $0xB100  }
0x56: {  	[tilespmem:s1], [sflag:$0x2] =	stream.indirect_vreg.gather [hbm4b:s6+s2], $0x80, v3, vm0, $0xb8;
	[tilespmem:$0x10100] =	vst v63  }
0x57: {  	s15 =	simm.s32 $0xB900  }
0x58: {  	[tilespmem:s15], [sflag:$0x2] =	stream.indirect_vreg.gather [hbm4b:s7+s2], $0x80, v3, vm0, $0xb8;
	[tilespmem:$0x10100] =	vst v63  }
0x59: {  	v3 =	vld [tilespmem:$0x30];
	_ =	sdelay $0x4  }
0x5a: {  	v51 =	vshll.u32 v3, $0x3  }
0x5b: {  	v3 =	vand.u32 $0x7, v3;
	v4 =	vand.u32 $0xFFFFFFC0, v51  }
0x5c: {  	v3 =	vor.u32 v3, v4  }
0x5d: {  	v4 =	vperm.xlane v3, v0;
	_ =	sdelay $0x1  }
0x5e: {  	v4 =	vadd.s32 v1, v4;
	_ =	sdelay $0x3  }
0x5f: {  	s18 =	simm.s32 $0xC100  }
0x60: {  	[tilespmem:s18], [sflag:$0x2] =	stream.indirect_vreg.gather [hbm4b:s4+s2], $0x80, v4, vm0, $0xb8;
	[tilespmem:$0x10100] =	vst v63  }
0x61: {  	s1 =	simm.s32 $0xC900;
	v3 =	vperm.xlane v3, v2  }
0x62: {  	[tilespmem:s1], [sflag:$0x2] =	stream.indirect_vreg.gather [hbm4b:s5+s2], $0x80, v4, vm0, $0xb8;
	[tilespmem:$0x10100] =	vst v63  }
0x63: {  	v3 =	vadd.s32 v1, v3;
	s1 =	simm.s32 $0xD100  }
0x64: {  	[tilespmem:s1], [sflag:$0x2] =	stream.indirect_vreg.gather [hbm4b:s6+s2], $0x80, v4, vm0, $0xb8;
	[tilespmem:$0x10100] =	vst v63  }
0x65: {  	s1 =	simm.s32 $0xD900  }
0x66: {  	[tilespmem:s1], [sflag:$0x2] =	stream.indirect_vreg.gather [hbm4b:s7+s2], $0x80, v4, vm0, $0xb8;
	[tilespmem:$0x10100] =	vst v63  }
0x67: {  	s1 =	simm.s32 $0xE100  }
0x68: {  	[tilespmem:s1], [sflag:$0x2] =	stream.indirect_vreg.gather [hbm4b:s4+s2], $0x80, v3, vm0, $0xb8;
	[tilespmem:$0x10100] =	vst v63  }
0x69: {  	s1 =	simm.s32 $0xE900  }
0x6a: {  	[tilespmem:s1], [sflag:$0x2] =	stream.indirect_vreg.gather [hbm4b:s5+s2], $0x80, v3, vm0, $0xb8;
	[tilespmem:$0x10100] =	vst v63  }
0x6b: {  	s1 =	simm.s32 $0xF100  }
0x6c: {  	[tilespmem:s1], [sflag:$0x2] =	stream.indirect_vreg.gather [hbm4b:s6+s2], $0x80, v3, vm0, $0xb8;
	[tilespmem:$0x10100] =	vst v63  }
0x6d: {  	s1 =	simm.s32 $0xF900  }
0x6e: {  	[tilespmem:s1], [sflag:$0x2] =	stream.indirect_vreg.gather [hbm4b:s7+s2], $0x80, v3, vm0, $0xb8;
	[tilespmem:$0x10100] =	vst v63  }
0x6f: {  	_ =	swait.ge [sflag:s19], $0x8000  }
0x70: {  	[sflag:s19] =	ssyncset.done $0x0  }
0x71: {  	s1 =	rddreg [dreg:$0xb];
	[sflag:s19] =	ssyncadd.s32 $0xFFFF8000  }
0x72: {  	[hbm4b:s1+s2] =	stream.linear.scatter [tilespmem:s10], [sflag:$0x3], $0x8000, $0x38;
	[tilespmem:$0x10100] =	vst v63  }
0x73: {  	_ =	swait.ge [sflag:s9], $0x8000  }
0x74: {  	[sflag:s9] =	ssyncset.done $0x0  }
0x75: {  	[sflag:s9] =	ssyncadd.s32 $0xFFFF8000  }
0x76: {  	v3 =	vld [tilespmem:$0x40];
	_ =	sdelay $0x4  }
0x77: {  	v52 =	vshll.u32 v3, $0x3  }
0x78: {  	v3 =	vand.u32 $0x7, v3;
	v4 =	vand.u32 $0xFFFFFFC0, v52  }
0x79: {  	v3 =	vor.u32 v3, v4  }
0x7a: {  	v4 =	vperm.xlane v3, v0;
	_ =	sdelay $0x1  }
0x7b: {  	v4 =	vadd.s32 v1, v4;
	_ =	sdelay $0x4  }
0x7c: {  	[tilespmem:s10], [sflag:$0x1] =	stream.indirect_vreg.gather [hbm4b:s4+s2], $0x80, v4, vm0, $0xb8;
	[tilespmem:$0x10100] =	vst v63  }
0x7d: {  	v3 =	vperm.xlane v3, v2  }
0x7e: {  	[tilespmem:s22], [sflag:$0x1] =	stream.indirect_vreg.gather [hbm4b:s5+s2], $0x80, v4, vm0, $0xb8;
	[tilespmem:$0x10100] =	vst v63  }
0x7f: {  	v3 =	vadd.s32 v1, v3  }
0x80: {  	[tilespmem:s23], [sflag:$0x1] =	stream.indirect_vreg.gather [hbm4b:s6+s2], $0x80, v4, vm0, $0xb8;
	[tilespmem:$0x10100] =	vst v63  }
0x81: {  	_ = 	snop  }
0x82: {  	[tilespmem:s24], [sflag:$0x1] =	stream.indirect_vreg.gather [hbm4b:s7+s2], $0x80, v4, vm0, $0xb8;
	[tilespmem:$0x10100] =	vst v63  }
0x83: {  	_ = 	snop  }
0x84: {  	[tilespmem:s25], [sflag:$0x1] =	stream.indirect_vreg.gather [hbm4b:s4+s2], $0x80, v3, vm0, $0xb8;
	[tilespmem:$0x10100] =	vst v63  }
0x85: {  	_ = 	snop  }
0x86: {  	[tilespmem:s28], [sflag:$0x1] =	stream.indirect_vreg.gather [hbm4b:s5+s2], $0x80, v3, vm0, $0xb8;
	[tilespmem:$0x10100] =	vst v63  }
0x87: {  	_ = 	snop  }
0x88: {  	[tilespmem:s29], [sflag:$0x1] =	stream.indirect_vreg.gather [hbm4b:s6+s2], $0x80, v3, vm0, $0xb8;
	[tilespmem:$0x10100] =	vst v63  }
0x89: {  	_ = 	snop  }
0x8a: {  	[tilespmem:s30], [sflag:$0x1] =	stream.indirect_vreg.gather [hbm4b:s7+s2], $0x80, v3, vm0, $0xb8;
	[tilespmem:$0x10100] =	vst v63  }
0x8b: {  	v3 =	vld [tilespmem:$0x50];
	_ =	sdelay $0x4  }
0x8c: {  	v53 =	vshll.u32 v3, $0x3  }
0x8d: {  	v3 =	vand.u32 $0x7, v3;
	v4 =	vand.u32 $0xFFFFFFC0, v53  }
0x8e: {  	v3 =	vor.u32 v3, v4  }
0x8f: {  	v4 =	vperm.xlane v3, v0;
	_ =	sdelay $0x1  }
0x90: {  	v4 =	vadd.s32 v1, v4;
	_ =	sdelay $0x4  }
0x91: {  	[tilespmem:s31], [sflag:$0x1] =	stream.indirect_vreg.gather [hbm4b:s4+s2], $0x80, v4, vm0, $0xb8;
	[tilespmem:$0x10100] =	vst v63  }
0x92: {  	v3 =	vperm.xlane v3, v2  }
0x93: {  	[tilespmem:s17], [sflag:$0x1] =	stream.indirect_vreg.gather [hbm4b:s5+s2], $0x80, v4, vm0, $0xb8;
	[tilespmem:$0x10100] =	vst v63  }
0x94: {  	v3 =	vadd.s32 v1, v3  }
0x95: {  	[tilespmem:s16], [sflag:$0x1] =	stream.indirect_vreg.gather [hbm4b:s6+s2], $0x80, v4, vm0, $0xb8;
	[tilespmem:$0x10100] =	vst v63  }
0x96: {  	_ = 	snop  }
0x97: {  	[tilespmem:s3], [sflag:$0x1] =	stream.indirect_vreg.gather [hbm4b:s7+s2], $0x80, v4, vm0, $0xb8;
	[tilespmem:$0x10100] =	vst v63  }
0x98: {  	_ = 	snop  }
0x99: {  	[tilespmem:s11], [sflag:$0x1] =	stream.indirect_vreg.gather [hbm4b:s4+s2], $0x80, v3, vm0, $0xb8;
	[tilespmem:$0x10100] =	vst v63  }
0x9a: {  	_ = 	snop  }
0x9b: {  	[tilespmem:s12], [sflag:$0x1] =	stream.indirect_vreg.gather [hbm4b:s5+s2], $0x80, v3, vm0, $0xb8;
	[tilespmem:$0x10100] =	vst v63  }
0x9c: {  	_ = 	snop  }
0x9d: {  	[tilespmem:s13], [sflag:$0x1] =	stream.indirect_vreg.gather [hbm4b:s6+s2], $0x80, v3, vm0, $0xb8;
	[tilespmem:$0x10100] =	vst v63  }
0x9e: {  	_ = 	snop  }
0x9f: {  	[tilespmem:s14], [sflag:$0x1] =	stream.indirect_vreg.gather [hbm4b:s7+s2], $0x80, v3, vm0, $0xb8;
	[tilespmem:$0x10100] =	vst v63  }
0xa0: {  	_ =	swait.ge [sflag:s20], $0x8000  }
0xa1: {  	[sflag:s20] =	ssyncset.done $0x0  }
0xa2: {  	s1 =	rddreg [dreg:$0x4];
	[sflag:s20] =	ssyncadd.s32 $0xFFFF8000  }
0xa3: {  	[hbm4b:s1+s2] =	stream.linear.scatter [tilespmem:s26], [sflag:$0x3], $0x8000, $0x38;
	[tilespmem:$0x10100] =	vst v63  }
0xa4: {  	_ =	swait.ge [sflag:s9], $0x8000  }
0xa5: {  	[sflag:s9] =	ssyncset.done $0x0  }
0xa6: {  	[sflag:s9] =	ssyncadd.s32 $0xFFFF8000  }
0xa7: {  	v3 =	vld [tilespmem:$0x60];
	_ =	sdelay $0x4  }
0xa8: {  	v54 =	vshll.u32 v3, $0x3  }
0xa9: {  	v3 =	vand.u32 $0x7, v3;
	v4 =	vand.u32 $0xFFFFFFC0, v54  }
0xaa: {  	v3 =	vor.u32 v3, v4  }
0xab: {  	v4 =	vperm.xlane v3, v0;
	_ =	sdelay $0x1  }
0xac: {  	v4 =	vadd.s32 v1, v4;
	_ =	sdelay $0x4  }
0xad: {  	[tilespmem:s26], [sflag:$0x2] =	stream.indirect_vreg.gather [hbm4b:s4+s2], $0x80, v4, vm0, $0xb8;
	[tilespmem:$0x10100] =	vst v63  }
0xae: {  	s0 =	simm.s32 $0x8900;
	v3 =	vperm.xlane v3, v2  }
0xaf: {  	[tilespmem:s0], [sflag:$0x2] =	stream.indirect_vreg.gather [hbm4b:s5+s2], $0x80, v4, vm0, $0xb8;
	[tilespmem:$0x10100] =	vst v63  }
0xb0: {  	v3 =	vadd.s32 v1, v3;
	s0 =	simm.s32 $0x9100  }
0xb1: {  	[tilespmem:s0], [sflag:$0x2] =	stream.indirect_vreg.gather [hbm4b:s6+s2], $0x80, v4, vm0, $0xb8;
	[tilespmem:$0x10100] =	vst v63  }
0xb2: {  	s1 =	simm.s32 $0x9900  }
0xb3: {  	[tilespmem:s1], [sflag:$0x2] =	stream.indirect_vreg.gather [hbm4b:s7+s2], $0x80, v4, vm0, $0xb8;
	[tilespmem:$0x10100] =	vst v63  }
0xb4: {  	s21 =	simm.s32 $0xA100  }
0xb5: {  	[tilespmem:s21], [sflag:$0x2] =	stream.indirect_vreg.gather [hbm4b:s4+s2], $0x80, v3, vm0, $0xb8;
	[tilespmem:$0x10100] =	vst v63  }
0xb6: {  	s21 =	simm.s32 $0xA900  }
0xb7: {  	[tilespmem:s21], [sflag:$0x2] =	stream.indirect_vreg.gather [hbm4b:s5+s2], $0x80, v3, vm0, $0xb8;
	[tilespmem:$0x10100] =	vst v63  }
0xb8: {  	s21 =	simm.s32 $0xB100  }
0xb9: {  	[tilespmem:s21], [sflag:$0x2] =	stream.indirect_vreg.gather [hbm4b:s6+s2], $0x80, v3, vm0, $0xb8;
	[tilespmem:$0x10100] =	vst v63  }
0xba: {  	s15 =	simm.s32 $0xB900  }
0xbb: {  	[tilespmem:s15], [sflag:$0x2] =	stream.indirect_vreg.gather [hbm4b:s7+s2], $0x80, v3, vm0, $0xb8;
	[tilespmem:$0x10100] =	vst v63  }
0xbc: {  	v3 =	vld [tilespmem:$0x70];
	_ =	sdelay $0x4  }
0xbd: {  	v55 =	vshll.u32 v3, $0x3  }
0xbe: {  	v3 =	vand.u32 $0x7, v3;
	v4 =	vand.u32 $0xFFFFFFC0, v55  }
0xbf: {  	v3 =	vor.u32 v3, v4  }
0xc0: {  	v4 =	vperm.xlane v3, v0;
	_ =	sdelay $0x1  }
0xc1: {  	v4 =	vadd.s32 v1, v4;
	_ =	sdelay $0x3  }
0xc2: {  	s18 =	simm.s32 $0xC100  }
0xc3: {  	[tilespmem:s18], [sflag:$0x2] =	stream.indirect_vreg.gather [hbm4b:s4+s2], $0x80, v4, vm0, $0xb8;
	[tilespmem:$0x10100] =	vst v63  }
0xc4: {  	s21 =	simm.s32 $0xC900;
	v3 =	vperm.xlane v3, v2  }
0xc5: {  	[tilespmem:s21], [sflag:$0x2] =	stream.indirect_vreg.gather [hbm4b:s5+s2], $0x80, v4, vm0, $0xb8;
	[tilespmem:$0x10100] =	vst v63  }
0xc6: {  	v3 =	vadd.s32 v1, v3;
	s18 =	simm.s32 $0xD100  }
0xc7: {  	[tilespmem:s18], [sflag:$0x2] =	stream.indirect_vreg.gather [hbm4b:s6+s2], $0x80, v4, vm0, $0xb8;
	[tilespmem:$0x10100] =	vst v63  }
0xc8: {  	s21 =	simm.s32 $0xD900  }
0xc9: {  	[tilespmem:s21], [sflag:$0x2] =	stream.indirect_vreg.gather [hbm4b:s7+s2], $0x80, v4, vm0, $0xb8;
	[tilespmem:$0x10100] =	vst v63  }
0xca: {  	s18 =	simm.s32 $0xE100  }
0xcb: {  	[tilespmem:s18], [sflag:$0x2] =	stream.indirect_vreg.gather [hbm4b:s4+s2], $0x80, v3, vm0, $0xb8;
	[tilespmem:$0x10100] =	vst v63  }
0xcc: {  	s21 =	simm.s32 $0xE900  }
0xcd: {  	[tilespmem:s21], [sflag:$0x2] =	stream.indirect_vreg.gather [hbm4b:s5+s2], $0x80, v3, vm0, $0xb8;
	[tilespmem:$0x10100] =	vst v63  }
0xce: {  	s18 =	simm.s32 $0xF100  }
0xcf: {  	[tilespmem:s18], [sflag:$0x2] =	stream.indirect_vreg.gather [hbm4b:s6+s2], $0x80, v3, vm0, $0xb8;
	[tilespmem:$0x10100] =	vst v63  }
0xd0: {  	s21 =	simm.s32 $0xF900  }
0xd1: {  	[tilespmem:s21], [sflag:$0x2] =	stream.indirect_vreg.gather [hbm4b:s7+s2], $0x80, v3, vm0, $0xb8;
	[tilespmem:$0x10100] =	vst v63  }
0xd2: {  	_ =	swait.ge [sflag:s19], $0x8000  }
0xd3: {  	[sflag:s19] =	ssyncset.done $0x0  }
0xd4: {  	s18 =	rddreg [dreg:$0x5];
	[sflag:s19] =	ssyncadd.s32 $0xFFFF8000  }
0xd5: {  	[hbm4b:s18+s2] =	stream.linear.scatter [tilespmem:s10], [sflag:$0x3], $0x8000, $0x38;
	[tilespmem:$0x10100] =	vst v63  }
0xd6: {  	_ =	swait.ge [sflag:s9], $0x8000  }
0xd7: {  	[sflag:s9] =	ssyncset.done $0x0  }
0xd8: {  	[sflag:s9] =	ssyncadd.s32 $0xFFFF8000  }
0xd9: {  	v3 =	vld [tilespmem:$0x80];
	_ =	sdelay $0x4  }
0xda: {  	v56 =	vshll.u32 v3, $0x3  }
0xdb: {  	v3 =	vand.u32 $0x7, v3;
	v4 =	vand.u32 $0xFFFFFFC0, v56  }
0xdc: {  	v3 =	vor.u32 v3, v4  }
0xdd: {  	v4 =	vperm.xlane v3, v0;
	_ =	sdelay $0x1  }
0xde: {  	v4 =	vadd.s32 v1, v4;
	_ =	sdelay $0x4  }
0xdf: {  	[tilespmem:s10], [sflag:$0x1] =	stream.indirect_vreg.gather [hbm4b:s4+s2], $0x80, v4, vm0, $0xb8;
	[tilespmem:$0x10100] =	vst v63  }
0xe0: {  	v3 =	vperm.xlane v3, v2  }
0xe1: {  	[tilespmem:s22], [sflag:$0x1] =	stream.indirect_vreg.gather [hbm4b:s5+s2], $0x80, v4, vm0, $0xb8;
	[tilespmem:$0x10100] =	vst v63  }
0xe2: {  	v3 =	vadd.s32 v1, v3  }
0xe3: {  	[tilespmem:s23], [sflag:$0x1] =	stream.indirect_vreg.gather [hbm4b:s6+s2], $0x80, v4, vm0, $0xb8;
	[tilespmem:$0x10100] =	vst v63  }
0xe4: {  	_ = 	snop  }
0xe5: {  	[tilespmem:s24], [sflag:$0x1] =	stream.indirect_vreg.gather [hbm4b:s7+s2], $0x80, v4, vm0, $0xb8;
	[tilespmem:$0x10100] =	vst v63  }
0xe6: {  	_ = 	snop  }
0xe7: {  	[tilespmem:s25], [sflag:$0x1] =	stream.indirect_vreg.gather [hbm4b:s4+s2], $0x80, v3, vm0, $0xb8;
	[tilespmem:$0x10100] =	vst v63  }
0xe8: {  	_ = 	snop  }
0xe9: {  	[tilespmem:s28], [sflag:$0x1] =	stream.indirect_vreg.gather [hbm4b:s5+s2], $0x80, v3, vm0, $0xb8;
	[tilespmem:$0x10100] =	vst v63  }
0xea: {  	_ = 	snop  }
0xeb: {  	[tilespmem:s29], [sflag:$0x1] =	stream.indirect_vreg.gather [hbm4b:s6+s2], $0x80, v3, vm0, $0xb8;
	[tilespmem:$0x10100] =	vst v63  }
0xec: {  	_ = 	snop  }
0xed: {  	[tilespmem:s30], [sflag:$0x1] =	stream.indirect_vreg.gather [hbm4b:s7+s2], $0x80, v3, vm0, $0xb8;
	[tilespmem:$0x10100] =	vst v63  }
0xee: {  	v3 =	vld [tilespmem:$0x90];
	_ =	sdelay $0x4  }
0xef: {  	v57 =	vshll.u32 v3, $0x3  }
0xf0: {  	v3 =	vand.u32 $0x7, v3;
	v4 =	vand.u32 $0xFFFFFFC0, v57  }
0xf1: {  	v3 =	vor.u32 v3, v4  }
0xf2: {  	v4 =	vperm.xlane v3, v0;
	_ =	sdelay $0x1  }
0xf3: {  	v4 =	vadd.s32 v1, v4;
	_ =	sdelay $0x4  }
0xf4: {  	[tilespmem:s31], [sflag:$0x1] =	stream.indirect_vreg.gather [hbm4b:s4+s2], $0x80, v4, vm0, $0xb8;
	[tilespmem:$0x10100] =	vst v63  }
0xf5: {  	v3 =	vperm.xlane v3, v2  }
0xf6: {  	[tilespmem:s17], [sflag:$0x1] =	stream.indirect_vreg.gather [hbm4b:s5+s2], $0x80, v4, vm0, $0xb8;
	[tilespmem:$0x10100] =	vst v63  }
0xf7: {  	v3 =	vadd.s32 v1, v3  }
0xf8: {  	[tilespmem:s16], [sflag:$0x1] =	stream.indirect_vreg.gather [hbm4b:s6+s2], $0x80, v4, vm0, $0xb8;
	[tilespmem:$0x10100] =	vst v63  }
0xf9: {  	_ = 	snop  }
0xfa: {  	[tilespmem:s3], [sflag:$0x1] =	stream.indirect_vreg.gather [hbm4b:s7+s2], $0x80, v4, vm0, $0xb8;
	[tilespmem:$0x10100] =	vst v63  }
0xfb: {  	_ = 	snop  }
0xfc: {  	[tilespmem:s11], [sflag:$0x1] =	stream.indirect_vreg.gather [hbm4b:s4+s2], $0x80, v3, vm0, $0xb8;
	[tilespmem:$0x10100] =	vst v63  }
0xfd: {  	_ = 	snop  }
0xfe: {  	[tilespmem:s12], [sflag:$0x1] =	stream.indirect_vreg.gather [hbm4b:s5+s2], $0x80, v3, vm0, $0xb8;
	[tilespmem:$0x10100] =	vst v63  }
0xff: {  	_ = 	snop  }
0x100: {  	[tilespmem:s13], [sflag:$0x1] =	stream.indirect_vreg.gather [hbm4b:s6+s2], $0x80, v3, vm0, $0xb8;
	[tilespmem:$0x10100] =	vst v63  }
0x101: {  	_ = 	snop  }
0x102: {  	[tilespmem:s14], [sflag:$0x1] =	stream.indirect_vreg.gather [hbm4b:s7+s2], $0x80, v3, vm0, $0xb8;
	[tilespmem:$0x10100] =	vst v63  }
0x103: {  	_ =	swait.ge [sflag:s20], $0x8000  }
0x104: {  	[sflag:s20] =	ssyncset.done $0x0  }
0x105: {  	s15 =	rddreg [dreg:$0x6];
	[sflag:s20] =	ssyncadd.s32 $0xFFFF8000  }
0x106: {  	[hbm4b:s15+s2] =	stream.linear.scatter [tilespmem:s26], [sflag:$0x3], $0x8000, $0x38;
	[tilespmem:$0x10100] =	vst v63  }
0x107: {  	_ =	swait.ge [sflag:s9], $0x8000  }
0x108: {  	[sflag:s9] =	ssyncset.done $0x0  }
0x109: {  	[sflag:s9] =	ssyncadd.s32 $0xFFFF8000  }
0x10a: {  	v3 =	vld [tilespmem:$0xA0];
	_ =	sdelay $0x4  }
0x10b: {  	v58 =	vshll.u32 v3, $0x3  }
0x10c: {  	v3 =	vand.u32 $0x7, v3;
	v4 =	vand.u32 $0xFFFFFFC0, v58  }
0x10d: {  	v3 =	vor.u32 v3, v4  }
0x10e: {  	v4 =	vperm.xlane v3, v0;
	_ =	sdelay $0x1  }
0x10f: {  	v4 =	vadd.s32 v1, v4;
	_ =	sdelay $0x4  }
0x110: {  	[tilespmem:s26], [sflag:$0x2] =	stream.indirect_vreg.gather [hbm4b:s4+s2], $0x80, v4, vm0, $0xb8;
	[tilespmem:$0x10100] =	vst v63  }
0x111: {  	s18 =	simm.s32 $0x8900;
	v3 =	vperm.xlane v3, v2  }
0x112: {  	[tilespmem:s18], [sflag:$0x2] =	stream.indirect_vreg.gather [hbm4b:s5+s2], $0x80, v4, vm0, $0xb8;
	[tilespmem:$0x10100] =	vst v63  }
0x113: {  	v3 =	vadd.s32 v1, v3  }
0x114: {  	[tilespmem:s0], [sflag:$0x2] =	stream.indirect_vreg.gather [hbm4b:s6+s2], $0x80, v4, vm0, $0xb8;
	[tilespmem:$0x10100] =	vst v63  }
0x115: {  	_ = 	snop  }
0x116: {  	[tilespmem:s1], [sflag:$0x2] =	stream.indirect_vreg.gather [hbm4b:s7+s2], $0x80, v4, vm0, $0xb8;
	[tilespmem:$0x10100] =	vst v63  }
0x117: {  	s21 =	simm.s32 $0xA100  }
0x118: {  	[tilespmem:s21], [sflag:$0x2] =	stream.indirect_vreg.gather [hbm4b:s4+s2], $0x80, v3, vm0, $0xb8;
	[tilespmem:$0x10100] =	vst v63  }
0x119: {  	s18 =	simm.s32 $0xA900  }
0x11a: {  	[tilespmem:s18], [sflag:$0x2] =	stream.indirect_vreg.gather [hbm4b:s5+s2], $0x80, v3, vm0, $0xb8;
	[tilespmem:$0x10100] =	vst v63  }
0x11b: {  	s21 =	simm.s32 $0xB100  }
0x11c: {  	[tilespmem:s21], [sflag:$0x2] =	stream.indirect_vreg.gather [hbm4b:s6+s2], $0x80, v3, vm0, $0xb8;
	[tilespmem:$0x10100] =	vst v63  }
0x11d: {  	s21 =	simm.s32 $0xB900  }
0x11e: {  	[tilespmem:s21], [sflag:$0x2] =	stream.indirect_vreg.gather [hbm4b:s7+s2], $0x80, v3, vm0, $0xb8;
	[tilespmem:$0x10100] =	vst v63  }
0x11f: {  	v3 =	vld [tilespmem:$0xB0];
	_ =	sdelay $0x4  }
0x120: {  	v59 =	vshll.u32 v3, $0x3  }
0x121: {  	v3 =	vand.u32 $0x7, v3;
	v4 =	vand.u32 $0xFFFFFFC0, v59  }
0x122: {  	v3 =	vor.u32 v3, v4  }
0x123: {  	v4 =	vperm.xlane v3, v0;
	_ =	sdelay $0x1  }
0x124: {  	v4 =	vadd.s32 v1, v4;
	_ =	sdelay $0x3  }
0x125: {  	s21 =	simm.s32 $0xC100  }
0x126: {  	[tilespmem:s21], [sflag:$0x2] =	stream.indirect_vreg.gather [hbm4b:s4+s2], $0x80, v4, vm0, $0xb8;
	[tilespmem:$0x10100] =	vst v63  }
0x127: {  	v3 =	vperm.xlane v3, v2;
	s21 =	simm.s32 $0xC900  }
0x128: {  	[tilespmem:s21], [sflag:$0x2] =	stream.indirect_vreg.gather [hbm4b:s5+s2], $0x80, v4, vm0, $0xb8;
	[tilespmem:$0x10100] =	vst v63  }
0x129: {  	v3 =	vadd.s32 v1, v3;
	s21 =	simm.s32 $0xD100  }
0x12a: {  	[tilespmem:s21], [sflag:$0x2] =	stream.indirect_vreg.gather [hbm4b:s6+s2], $0x80, v4, vm0, $0xb8;
	[tilespmem:$0x10100] =	vst v63  }
0x12b: {  	s21 =	simm.s32 $0xD900  }
0x12c: {  	[tilespmem:s21], [sflag:$0x2] =	stream.indirect_vreg.gather [hbm4b:s7+s2], $0x80, v4, vm0, $0xb8;
	[tilespmem:$0x10100] =	vst v63  }
0x12d: {  	s21 =	simm.s32 $0xE100  }
0x12e: {  	[tilespmem:s21], [sflag:$0x2] =	stream.indirect_vreg.gather [hbm4b:s4+s2], $0x80, v3, vm0, $0xb8;
	[tilespmem:$0x10100] =	vst v63  }
0x12f: {  	s21 =	simm.s32 $0xE900  }
0x130: {  	[tilespmem:s21], [sflag:$0x2] =	stream.indirect_vreg.gather [hbm4b:s5+s2], $0x80, v3, vm0, $0xb8;
	[tilespmem:$0x10100] =	vst v63  }
0x131: {  	s21 =	simm.s32 $0xF100  }
0x132: {  	[tilespmem:s21], [sflag:$0x2] =	stream.indirect_vreg.gather [hbm4b:s6+s2], $0x80, v3, vm0, $0xb8;
	[tilespmem:$0x10100] =	vst v63  }
0x133: {  	s21 =	simm.s32 $0xF900  }
0x134: {  	[tilespmem:s21], [sflag:$0x2] =	stream.indirect_vreg.gather [hbm4b:s7+s2], $0x80, v3, vm0, $0xb8;
	[tilespmem:$0x10100] =	vst v63  }
0x135: {  	_ =	swait.ge [sflag:s19], $0x8000  }
0x136: {  	[sflag:s19] =	ssyncset.done $0x0  }
0x137: {  	s21 =	rddreg [dreg:$0x7];
	[sflag:s19] =	ssyncadd.s32 $0xFFFF8000  }
0x138: {  	[hbm4b:s21+s2] =	stream.linear.scatter [tilespmem:s10], [sflag:$0x3], $0x8000, $0x38;
	[tilespmem:$0x10100] =	vst v63  }
0x139: {  	_ =	swait.ge [sflag:s9], $0x8000  }
0x13a: {  	[sflag:s9] =	ssyncset.done $0x0  }
0x13b: {  	[sflag:s9] =	ssyncadd.s32 $0xFFFF8000  }
0x13c: {  	v3 =	vld [tilespmem:$0xC0];
	_ =	sdelay $0x4  }
0x13d: {  	v60 =	vshll.u32 v3, $0x3  }
0x13e: {  	v3 =	vand.u32 $0x7, v3;
	v4 =	vand.u32 $0xFFFFFFC0, v60  }
0x13f: {  	v3 =	vor.u32 v3, v4  }
0x140: {  	v4 =	vperm.xlane v3, v0;
	_ =	sdelay $0x1  }
0x141: {  	v4 =	vadd.s32 v1, v4;
	_ =	sdelay $0x4  }
0x142: {  	[tilespmem:s10], [sflag:$0x1] =	stream.indirect_vreg.gather [hbm4b:s4+s2], $0x80, v4, vm0, $0xb8;
	[tilespmem:$0x10100] =	vst v63  }
0x143: {  	v3 =	vperm.xlane v3, v2  }
0x144: {  	[tilespmem:s22], [sflag:$0x1] =	stream.indirect_vreg.gather [hbm4b:s5+s2], $0x80, v4, vm0, $0xb8;
	[tilespmem:$0x10100] =	vst v63  }
0x145: {  	v3 =	vadd.s32 v1, v3  }
0x146: {  	[tilespmem:s23], [sflag:$0x1] =	stream.indirect_vreg.gather [hbm4b:s6+s2], $0x80, v4, vm0, $0xb8;
	[tilespmem:$0x10100] =	vst v63  }
0x147: {  	_ = 	snop  }
0x148: {  	[tilespmem:s24], [sflag:$0x1] =	stream.indirect_vreg.gather [hbm4b:s7+s2], $0x80, v4, vm0, $0xb8;
	[tilespmem:$0x10100] =	vst v63  }
0x149: {  	_ = 	snop  }
0x14a: {  	[tilespmem:s25], [sflag:$0x1] =	stream.indirect_vreg.gather [hbm4b:s4+s2], $0x80, v3, vm0, $0xb8;
	[tilespmem:$0x10100] =	vst v63  }
0x14b: {  	_ = 	snop  }
0x14c: {  	[tilespmem:s28], [sflag:$0x1] =	stream.indirect_vreg.gather [hbm4b:s5+s2], $0x80, v3, vm0, $0xb8;
	[tilespmem:$0x10100] =	vst v63  }
0x14d: {  	_ = 	snop  }
0x14e: {  	[tilespmem:s29], [sflag:$0x1] =	stream.indirect_vreg.gather [hbm4b:s6+s2], $0x80, v3, vm0, $0xb8;
	[tilespmem:$0x10100] =	vst v63  }
0x14f: {  	_ = 	snop  }
0x150: {  	[tilespmem:s30], [sflag:$0x1] =	stream.indirect_vreg.gather [hbm4b:s7+s2], $0x80, v3, vm0, $0xb8;
	[tilespmem:$0x10100] =	vst v63  }
0x151: {  	v3 =	vld [tilespmem:$0xD0];
	_ =	sdelay $0x4  }
0x152: {  	v61 =	vshll.u32 v3, $0x3  }
0x153: {  	v3 =	vand.u32 $0x7, v3;
	v4 =	vand.u32 $0xFFFFFFC0, v61  }
0x154: {  	v3 =	vor.u32 v3, v4  }
0x155: {  	v4 =	vperm.xlane v3, v0;
	_ =	sdelay $0x1  }
0x156: {  	v4 =	vadd.s32 v1, v4;
	_ =	sdelay $0x4  }
0x157: {  	[tilespmem:s31], [sflag:$0x1] =	stream.indirect_vreg.gather [hbm4b:s4+s2], $0x80, v4, vm0, $0xb8;
	[tilespmem:$0x10100] =	vst v63  }
0x158: {  	v3 =	vperm.xlane v3, v2  }
0x159: {  	[tilespmem:s17], [sflag:$0x1] =	stream.indirect_vreg.gather [hbm4b:s5+s2], $0x80, v4, vm0, $0xb8;
	[tilespmem:$0x10100] =	vst v63  }
0x15a: {  	v3 =	vadd.s32 v1, v3  }
0x15b: {  	[tilespmem:s16], [sflag:$0x1] =	stream.indirect_vreg.gather [hbm4b:s6+s2], $0x80, v4, vm0, $0xb8;
	[tilespmem:$0x10100] =	vst v63  }
0x15c: {  	_ = 	snop  }
0x15d: {  	[tilespmem:s3], [sflag:$0x1] =	stream.indirect_vreg.gather [hbm4b:s7+s2], $0x80, v4, vm0, $0xb8;
	[tilespmem:$0x10100] =	vst v63  }
0x15e: {  	_ = 	snop  }
0x15f: {  	[tilespmem:s11], [sflag:$0x1] =	stream.indirect_vreg.gather [hbm4b:s4+s2], $0x80, v3, vm0, $0xb8;
	[tilespmem:$0x10100] =	vst v63  }
0x160: {  	_ = 	snop  }
0x161: {  	[tilespmem:s12], [sflag:$0x1] =	stream.indirect_vreg.gather [hbm4b:s5+s2], $0x80, v3, vm0, $0xb8;
	[tilespmem:$0x10100] =	vst v63  }
0x162: {  	_ = 	snop  }
0x163: {  	[tilespmem:s13], [sflag:$0x1] =	stream.indirect_vreg.gather [hbm4b:s6+s2], $0x80, v3, vm0, $0xb8;
	[tilespmem:$0x10100] =	vst v63  }
0x164: {  	_ = 	snop  }
0x165: {  	[tilespmem:s14], [sflag:$0x1] =	stream.indirect_vreg.gather [hbm4b:s7+s2], $0x80, v3, vm0, $0xb8;
	[tilespmem:$0x10100] =	vst v63  }
0x166: {  	_ =	swait.ge [sflag:s20], $0x8000  }
0x167: {  	[sflag:s20] =	ssyncset.done $0x0  }
0x168: {  	s3 =	rddreg [dreg:$0x8];
	[sflag:s20] =	ssyncadd.s32 $0xFFFF8000  }
0x169: {  	[hbm4b:s3+s2] =	stream.linear.scatter [tilespmem:s26], [sflag:$0x3], $0x8000, $0x38;
	[tilespmem:$0x10100] =	vst v63  }
0x16a: {  	_ =	swait.ge [sflag:s9], $0x8000  }
0x16b: {  	[sflag:s9] =	ssyncset.done $0x0  }
0x16c: {  	[sflag:s9] =	ssyncadd.s32 $0xFFFF8000  }
0x16d: {  	v3 =	vld [tilespmem:$0xE0];
	_ =	sdelay $0x4  }
0x16e: {  	v62 =	vshll.u32 v3, $0x3  }
0x16f: {  	v3 =	vand.u32 $0x7, v3;
	v4 =	vand.u32 $0xFFFFFFC0, v62  }
0x170: {  	v3 =	vor.u32 v3, v4  }
0x171: {  	v4 =	vperm.xlane v3, v0;
	_ =	sdelay $0x1  }
0x172: {  	v4 =	vadd.s32 v1, v4;
	_ =	sdelay $0x4  }
0x173: {  	[tilespmem:s26], [sflag:$0x2] =	stream.indirect_vreg.gather [hbm4b:s4+s2], $0x80, v4, vm0, $0xb8;
	[tilespmem:$0x10100] =	vst v63  }
0x174: {  	s21 =	simm.s32 $0x8900;
	v3 =	vperm.xlane v3, v2  }
0x175: {  	[tilespmem:s21], [sflag:$0x2] =	stream.indirect_vreg.gather [hbm4b:s5+s2], $0x80, v4, vm0, $0xb8;
	[tilespmem:$0x10100] =	vst v63  }
0x176: {  	s0 =	simm.s32 $0x9100;
	v3 =	vadd.s32 v1, v3  }
0x177: {  	[tilespmem:s0], [sflag:$0x2] =	stream.indirect_vreg.gather [hbm4b:s6+s2], $0x80, v4, vm0, $0xb8;
	[tilespmem:$0x10100] =	vst v63  }
0x178: {  	s1 =	simm.s32 $0x9900  }
0x179: {  	[tilespmem:s1], [sflag:$0x2] =	stream.indirect_vreg.gather [hbm4b:s7+s2], $0x80, v4, vm0, $0xb8;
	[tilespmem:$0x10100] =	vst v63  }
0x17a: {  	s3 =	simm.s32 $0xA100  }
0x17b: {  	[tilespmem:s3], [sflag:$0x2] =	stream.indirect_vreg.gather [hbm4b:s4+s2], $0x80, v3, vm0, $0xb8;
	[tilespmem:$0x10100] =	vst v63  }
0x17c: {  	s15 =	simm.s32 $0xA900  }
0x17d: {  	[tilespmem:s15], [sflag:$0x2] =	stream.indirect_vreg.gather [hbm4b:s5+s2], $0x80, v3, vm0, $0xb8;
	[tilespmem:$0x10100] =	vst v63  }
0x17e: {  	s18 =	simm.s32 $0xB100  }
0x17f: {  	[tilespmem:s18], [sflag:$0x2] =	stream.indirect_vreg.gather [hbm4b:s6+s2], $0x80, v3, vm0, $0xb8;
	[tilespmem:$0x10100] =	vst v63  }
0x180: {  	s18 =	simm.s32 $0xB900  }
0x181: {  	[tilespmem:s18], [sflag:$0x2] =	stream.indirect_vreg.gather [hbm4b:s7+s2], $0x80, v3, vm0, $0xb8;
	[tilespmem:$0x10100] =	vst v63  }
0x182: {  	v3 =	vld [tilespmem:$0xF0];
	_ =	sdelay $0x4  }
0x183: {  	v63 =	vshll.u32 v3, $0x3  }
0x184: {  	v3 =	vand.u32 $0x7, v3;
	v4 =	vand.u32 $0xFFFFFFC0, v63  }
0x185: {  	v3 =	vor.u32 v3, v4  }
0x186: {  	v4 =	vperm.xlane v3, v0;
	_ =	sdelay $0x1  }
0x187: {  	v4 =	vadd.s32 v1, v4;
	_ =	sdelay $0x3  }
0x188: {  	s21 =	simm.s32 $0xC100  }
0x189: {  	[tilespmem:s21], [sflag:$0x2] =	stream.indirect_vreg.gather [hbm4b:s4+s2], $0x80, v4, vm0, $0xb8;
	[tilespmem:$0x10100] =	vst v63  }
0x18a: {  	s1 =	simm.s32 $0xC900;
	v3 =	vperm.xlane v3, v2  }
0x18b: {  	[tilespmem:s1], [sflag:$0x2] =	stream.indirect_vreg.gather [hbm4b:s5+s2], $0x80, v4, vm0, $0xb8;
	[tilespmem:$0x10100] =	vst v63  }
0x18c: {  	s3 =	simm.s32 $0xD100;
	v3 =	vadd.s32 v1, v3  }
0x18d: {  	[tilespmem:s3], [sflag:$0x2] =	stream.indirect_vreg.gather [hbm4b:s6+s2], $0x80, v4, vm0, $0xb8;
	[tilespmem:$0x10100] =	vst v63  }
0x18e: {  	s15 =	simm.s32 $0xD900  }
0x18f: {  	[tilespmem:s15], [sflag:$0x2] =	stream.indirect_vreg.gather [hbm4b:s7+s2], $0x80, v4, vm0, $0xb8;
	[tilespmem:$0x10100] =	vst v63  }
0x190: {  	s18 =	simm.s32 $0xE100  }
0x191: {  	[tilespmem:s18], [sflag:$0x2] =	stream.indirect_vreg.gather [hbm4b:s4+s2], $0x80, v3, vm0, $0xb8;
	[tilespmem:$0x10100] =	vst v63  }
0x192: {  	s21 =	simm.s32 $0xE900  }
0x193: {  	[tilespmem:s21], [sflag:$0x2] =	stream.indirect_vreg.gather [hbm4b:s5+s2], $0x80, v3, vm0, $0xb8;
	[tilespmem:$0x10100] =	vst v63  }
0x194: {  	s1 =	simm.s32 $0xF100  }
0x195: {  	[tilespmem:s1], [sflag:$0x2] =	stream.indirect_vreg.gather [hbm4b:s6+s2], $0x80, v3, vm0, $0xb8;
	[tilespmem:$0x10100] =	vst v63  }
0x196: {  	s3 =	simm.s32 $0xF900  }
0x197: {  	[tilespmem:s3], [sflag:$0x2] =	stream.indirect_vreg.gather [hbm4b:s7+s2], $0x80, v3, vm0, $0xb8;
	[tilespmem:$0x10100] =	vst v63  }
0x198: {  	_ =	swait.ge [sflag:s19], $0x8000  }
0x199: {  	[sflag:s19] =	ssyncset.done $0x0  }
0x19a: {  	s15 =	rddreg [dreg:$0x9];
	[sflag:s19] =	ssyncadd.s32 $0xFFFF8000  }
0x19b: {  	[hbm4b:s15+s2] =	stream.linear.scatter [tilespmem:s10], [sflag:$0x3], $0x8000, $0x38;
	[tilespmem:$0x10100] =	vst v63  }
0x19c: {  	_ =	swait.ge [sflag:s9], $0x8000  }
0x19d: {  	[sflag:s9] =	ssyncset.done $0x0  }
0x19e: {  	[sflag:s9] =	ssyncadd.s32 $0xFFFF8000  }
0x19f: {  	_ =	swait.ge [sflag:s20], $0x8000  }
0x1a0: {  	p0 =	sne.s32 s8, $0x1;
	[sflag:s20] =	ssyncset.done $0x0  }
.Ltmp0:
0x1a1: {  	s18 =	rddreg [dreg:$0xa];
	[sflag:s20] =	ssyncadd.s32 $0xFFFF8000;
	(pc) =	sbr.rel @p0 .LBB2_1-.Ltmp0, $4  }
0x1a2: {  	[hbm4b:s18+s2] =	stream.linear.scatter [tilespmem:s26], [sflag:$0x3], $0x8000, $0x38;
	[tilespmem:$0x10100] =	vst v63  }
0x1a3: {  	_ =	swait.ge [sflag:s9], $0x8000  }
0x1a4: {  	[sflag:s9] =	ssyncset.done $0x0  }
0x1a5: {  	s8 =	sadd.s32 $0xFFFFFFFF, s8;
	[sflag:s9] =	ssyncadd.s32 $0xFFFF8000  }
0x1a6: {  	_ =	sfence.sel $0x180000  }
0x1a7: {  	[bflag:$0x0] =	sbarrier.arrive $0xFFFF  }
0x1a8: {  	_ =	strace $0x9000004D  }
0x1a9: {  	s0 =	stileid.u32;
	[bflag:$0x2] =	sbarrier.arrive $0xFFFF  }
0x1aa: {  	p0 =	sne.s32 s0, $0x0;
	s0 =	rddreg [dreg:$0x2]  }
0x1ab: {  	s0 =	sadd.s32 @!p0 $0x100000, s0  }
0x1ac: {  	[sflag:s0] =	ssyncadd.tile.s32 @!p0 $0x1;
	_ =	shalt  }
.Lfunc_end2:
_tile_overlayer_lowered:
.L_overlay_start_2:
0x1ad: {  	(tag) =	ssettag $0x2  }
0x1ae: {  	s0 =	rddreg [dreg:$0x0];
	s2 =	stileid.u32  }
0x1af: {  	s1 =	rddreg [dreg:$0x1];
	p0 =	sne.s32 s2, $0x0  }
0x1b0: {  	s3 =	rddreg [dreg:$0x2];
	[bflag:$0x3] =	sbarrier.arrive $0xFFFF;
	s2 =	simm.s32 @!p0 $0x1C03  }
0x1b1: {  	[timem:s3], [sflag:s2] =	dma.local @!p0 [hbm:s0], s1  }
0x1b2: {  	s0 =	simm.s32 @!p0 $0x3  }
0x1b3: {  	_ =	swait.ge @!p0 [sflag:s0], s1  }
0x1b4: {  	s1 =	ssub.s32 @!p0 $0x0, s1;
	[sflag:s0] =	ssyncset.done @!p0 $0x0  }
0x1b5: {  	[sflag:s0] =	ssyncadd.s32 @!p0 s1  }
0x1b6: {  	[bflag:$0x3] =	sbarrier.arrive $0xFFFF  }
0x1b7: {  	_ =	shalt  }

// kernel: kernel.7.cloned.1.call-start
scs
__scs_entry_jumppad:
0x0: {  	(pc) =	sbr.rel $0x88, $3  }
0x1: {  	(tag) =	ssettag $0x0;
	lr =	simm.s32 $0x1  }
0x2: {  	[smem:$0x3F9B] =	sst lr;
	_ =	strace $0xD0000000  }
0x3: {  	_ = 	snop  }
0x4: {  	_ = 	snop  }
0x5: {  	_ = 	snop  }
0x6: {  	_ = 	snop  }
0x7: {  	_ = 	snop  }
__scs_overlays_trampoline_lowered:
0x8: {  	[smem:$0x3FAA] =	sst s0  }
0x9: {  	[smem:$0x3FAB] =	sst s1  }
0xa: {  	[smem:$0x3FAC] =	sst s2  }
0xb: {  	[smem:$0x3FAD] =	sst s3  }
0xc: {  	[smem:$0x3FAE] =	sst s4  }
0xd: {  	[smem:$0x3FAF] =	sst s5  }
0xe: {  	[smem:$0x3FB0] =	sst s6  }
0xf: {  	[smem:$0x3FB1] =	sst s7  }
0x10: {  	[smem:$0x3FB2] =	sst s8  }
0x11: {  	[smem:$0x3FB3] =	sst s9;
	s0 =	simm.s32 @!p0 $0x0  }
0x12: {  	s1 =	sld [smem:$0x3F99];
	s0 =	simm.s32 @p0 $0x1  }
0x13: {  	[smem:$0x3FB4] =	sst s0;
	s0 =	simm.s32 @!p1 $0x0  }
0x14: {  	s2 =	sld [smem:$0x3F98];
	s0 =	simm.s32 @p1 $0x1  }
0x15: {  	[smem:$0x3FB5] =	sst s0;
	s0 =	simm.s32 @!p2 $0x0  }
0x16: {  	s3 =	sld [smem:$0x3FDB];
	s0 =	simm.s32 @p2 $0x1  }
0x17: {  	s4 =	simm.s32 $0x1BF5;
	[smem:$0x3FB7] =	sst s0  }
0x18: {  	s0 =	sld [smem:$0x3F9A];
	_ =	swait.ge [sflag:s4], $0x0  }
0x19: {  	s7 =	sld [smem:$0x3F9B]  }
0x1a: {  	s8 =	sadd.s32 $0xFFFFE003, lr  }
0x1b: {  	s9 =	sadd.s32 $0xFFFFFEF7, lr;
	s5 =	simm.s32 $0xFFFFFFFF;
	p2 =	slt.u32 s8, $0xFFFFF086  }
0x1c: {  	p1 =	slt.u32 s9, $0xF7A;
	s5 =	simm.s32 @!p2 $0x0  }
0x1d: {  	s5 =	simm.s32 @p1 $0x1;
	p0 =	seq.s32 s7, s2  }
0x1e: {  	s7 =	smul.u32 @!p0 $0xF7A, s2;
	p2 =	seq.s32 @!p0 s5, $0x0  }
0x1f: {  	s9 =	smul.u32 $0xF7A, s1;
	s8 =	simm.s32 @!p0 $0x1BF5;
	p2 =	por !p2, p0  }
0x20: {  	[sflag:s8] =	ssyncset.s32 @!p0 $0xFFFFF086;
	s6 =	sadd.s32 @!p0 s3, s7;
	s7 =	simm.s32 @!p0 $0x108  }
0x21: {  	s3 =	sadd.s32 s3, s9;
	s6 =	sadd.s32 @!p0 $0x88, s6;
	s7 =	simm.s32 @p2 $0x1082  }
0x22: {  	[simem:s7], [sflag:s8] =	dma.local @!p0 [hbm:s6], $0xF7A  }
0x23: {  	s9 =	sor.u32 $0xD0000000, s2;
	s6 =	simm.s32 $0x108;
	_ =	swait.ge @!p0 [sflag:s8], $0x0  }
0x24: {  	s3 =	sadd.s32 $0x88, s3;
	s6 =	simm.s32 @!p1 $0x1082;
	[sflag:s4] =	ssyncset.s32 $0xFFFFF086  }
0x25: {  	[simem:s6], [sflag:s4] =	dma.local [hbm:s3], $0xF7A  }
0x26: {  	[smem:$0x3F9B] =	sst s1;
	(tag) =	ssettag s2;
	_ =	strace s9  }
0x27: {  	s1 =	sld [smem:$0x3FAB]  }
0x28: {  	s2 =	sld [smem:$0x3FAC]  }
0x29: {  	s4 =	sld [smem:$0x3FAE]  }
0x2a: {  	p0 =	seq.s32 s5, $0x0;
	s5 =	sld [smem:$0x3FAF]  }
0x2b: {  	s6 =	sld [smem:$0x3FB0]  }
0x2c: {  	s7 =	sld [smem:$0x3FB1]  }
0x2d: {  	s3 =	simm.s32 $0x108;
	s8 =	sld [smem:$0x3FB2]  }
0x2e: {  	s3 =	simm.s32 @!p0 $0x1082;
	s9 =	sld [smem:$0x3FB3]  }
0x2f: {  	lr =	sadd.s32 s0, s3;
	s0 =	sld [smem:$0x3FAA]  }
0x30: {  	s3 =	sld [smem:$0x3FAD]  }
0x31: {  	[smem:$0x3FB6] =	sst s10  }
0x32: {  	s10 =	sld [smem:$0x3FB4];
	_ =	sdelay $0x3  }
0x33: {  	p0 =	seq.s32 s10, $0x1;
	s10 =	sld [smem:$0x3FB6];
	_ =	sdelay $0x3  }
0x34: {  	[smem:$0x3FB6] =	sst s10  }
0x35: {  	s10 =	sld [smem:$0x3FB5];
	_ =	sdelay $0x3  }
0x36: {  	p1 =	seq.s32 s10, $0x1;
	s10 =	sld [smem:$0x3FB6];
	_ =	sdelay $0x3  }
0x37: {  	[smem:$0x3FB6] =	sst s10  }
0x38: {  	s10 =	sld [smem:$0x3FB7]  }
0x39: {  	_ = 	snop;
	(pc) =	sbr.ind lr, $3  }
0x3a: {  	_ = 	snop  }
0x3b: {  	_ = 	snop  }
0x3c: {  	p2 =	seq.s32 s10, $0x1;
	s10 =	sld [smem:$0x3FB6]  }
0x3d: {  	_ =	shalt  }
0x3e: {  	_ =	shalt  }
0x3f: {  	_ =	shalt  }
0x40: {  	_ =	shalt  }
0x41: {  	_ =	shalt  }
0x42: {  	_ =	shalt  }
0x43: {  	_ =	shalt  }
0x44: {  	_ =	shalt  }
0x45: {  	_ =	shalt  }
0x46: {  	_ =	shalt  }
0x47: {  	_ =	shalt  }
0x48: {  	_ =	shalt  }
0x49: {  	_ =	shalt  }
0x4a: {  	_ =	shalt  }
0x4b: {  	_ =	shalt  }
0x4c: {  	_ =	shalt  }
0x4d: {  	_ =	shalt  }
0x4e: {  	_ =	shalt  }
0x4f: {  	_ =	shalt  }
0x50: {  	_ =	shalt  }
0x51: {  	_ =	shalt  }
0x52: {  	_ =	shalt  }
0x53: {  	_ =	shalt  }
0x54: {  	_ =	shalt  }
0x55: {  	_ =	shalt  }
0x56: {  	_ =	shalt  }
0x57: {  	_ =	shalt  }
0x58: {  	_ =	shalt  }
0x59: {  	_ =	shalt  }
0x5a: {  	_ =	shalt  }
0x5b: {  	_ =	shalt  }
0x5c: {  	_ =	shalt  }
0x5d: {  	_ =	shalt  }
0x5e: {  	_ =	shalt  }
0x5f: {  	_ =	shalt  }
0x60: {  	_ =	shalt  }
0x61: {  	_ =	shalt  }
0x62: {  	_ =	shalt  }
0x63: {  	_ =	shalt  }
0x64: {  	_ =	shalt  }
0x65: {  	_ =	shalt  }
0x66: {  	_ =	shalt  }
0x67: {  	_ =	shalt  }
0x68: {  	_ =	shalt  }
0x69: {  	_ =	shalt  }
0x6a: {  	_ =	shalt  }
0x6b: {  	_ =	shalt  }
0x6c: {  	_ =	shalt  }
0x6d: {  	_ =	shalt  }
0x6e: {  	_ =	shalt  }
0x6f: {  	_ =	shalt  }
0x70: {  	_ =	shalt  }
0x71: {  	_ =	shalt  }
0x72: {  	_ =	shalt  }
0x73: {  	_ =	shalt  }
0x74: {  	_ =	shalt  }
0x75: {  	_ =	shalt  }
0x76: {  	_ =	shalt  }
0x77: {  	_ =	shalt  }
0x78: {  	_ =	shalt  }
0x79: {  	_ =	shalt  }
0x7a: {  	_ =	shalt  }
0x7b: {  	_ =	shalt  }
0x7c: {  	_ =	shalt  }
0x7d: {  	_ =	shalt  }
0x7e: {  	_ =	shalt  }
0x7f: {  	_ =	shalt  }
0x80: {  	_ =	shalt  }
0x81: {  	_ =	shalt  }
0x82: {  	_ =	shalt  }
0x83: {  	_ =	shalt  }
0x84: {  	_ =	shalt  }
0x85: {  	_ =	shalt  }
0x86: {  	_ =	shalt  }
0x87: {  	_ =	shalt  }
.Lfunc_end0:
.L_simem_size_0:
called_computation_lowered:
.L_overlay_start_0:
0x88: {  	s2 =	sld [smem:$0x3FD9]  }
0x89: {  	s3 =	sld [smem:$0x3FFE];
	_ =	sdelay $0x1  }
0x8a: {  	s1 =	srdreg.scid  }
0x8b: {  	s0 =	sand.u32 $0x1, s1  }
0x8c: {  	s14 =	sshll.u32 s0, $0xA;
	s2 =	sadd.s32 s3, s2  }
0x8d: {  	s2 =	sadd.s32 s2, s14  }
0x8e: {  	[smem:$0x3FC2] =	sst s2  }
0x8f: {  	_ = 	snop  }
0x90: {  	s2 =	sld [smem:$0x3FD0];
	_ =	sdelay $0x2  }
0x91: {  	s15 =	simm.s32 $0xA;
	s4 =	simm.s32 $0x10  }
0x92: {  	[smem:s4], [sflag:s15] =	dma.local [hbm:s2], $0x1  }
0x93: {  	_ =	swait.eq [sflag:s15], $0x1  }
0x94: {  	[sflag:s15] =	ssyncset.done $0x0  }
0x95: {  	[sflag:s15] =	ssyncadd.s32 $0xFFFFFFFF  }
0x96: {  	s16 =	sld [smem:$0x10];
	(tm) =	ssettm $0x1  }
0x97: {  	s17 =	sld [smem:$0x3FFB];
	_ =	sdelay $0x3  }
0x98: {  	_ =	strace s17  }
0x99: {  	s3 =	sld [smem:$0x3FFC];
	_ =	sdelay $0x3  }
0x9a: {  	_ =	strace s3  }
0x9b: {  	s3 =	sld [smem:$0x3FFD];
	_ =	sdelay $0x3  }
0x9c: {  	_ =	strace s3  }
0x9d: {  	_ =	strace $0x8FFFFFFF  }
0x9e: {  	s18 =	sld [smem:$0x3FDB];
	_ =	sdelay $0x1  }
0x9f: {  	s19 =	simm.s32 $_scs_section_size  }
0xa0: {  	s5 =	simm.s32 $_size__tile_overlayer_lowered;
	s6 =	simm.s32 $_tile_overlayer_lowered  }
0xa1: {  	s22 =	simm.s32 $0x1BFF;
	s21 =	sshll.u32 s6, $0x1;
	s3 =	sadd.s32 s19, s18  }
0xa2: {  	s7 =	simm.s32 $0x0;
	s20 =	sshll.u32 s5, $0x1;
	s5 =	sadd.s32 s21, s3  }
0xa3: {  	[timem:s7], [sflag:s22] =	dma.local [hbm:s5], s20  }
0xa4: {  	_ =	swait.ge [sflag:s22], s20  }
0xa5: {  	s4 =	ssub.s32 $0x0, s20;
	[sflag:s22] =	ssyncset.done $0x0  }
0xa6: {  	[sflag:s22] =	ssyncadd.s32 s4;
	_ =	sdelay $0x1  }
0xa7: {  	s23 =	simm.s32 $0x1B8B  }
0xa8: {  	_ =	swait.ge [sflag:s23], $0x1  }
0xa9: {  	[sflag:s23] =	ssyncset.done $0x0  }
0xaa: {  	s25 =	simm.s32 $0x1B8E;
	s24 =	sld [smem:$0x3FFE];
	[sflag:s23] =	ssyncadd.s32 $0xFFFFFFFF  }
0xab: {  	s26 =	simm.s32 $execute0_lowered;
	[smem:$0x3FD2] =	sst s25  }
0xac: {  	s5 =	sshll.u32 s26, $0x1;
	_ =	strace $0x80000046;
	[dreg:$0x1] =	wrdreg $0xFFFFFFFF  }
0xad: {  	s28 =	simm.s32 $_size_execute0_lowered;
	s3 =	sadd.s32 s3, s5;
	[dreg:$0x0] =	wrdreg $0x0  }
0xae: {  	s5 =	sshll.u32 s28, $0x1;
	[dreg:$0x2] =	wrdreg s3  }
0xaf: {  	[dreg:$0x3] =	wrdreg s5  }
0xb0: {  	[dreg:$0x4] =	wrdreg $0xC0  }
0xb1: {  	_ =	task [dreg:s7], $0x5FFFF  }
0xb2: {  	[dreg:$0x1] =	wrdreg $0xFFFFFFFF  }
0xb3: {  	[dreg:$0x0] =	wrdreg $0x60  }
0xb4: {  	[dreg:$0x2] =	wrdreg s16  }
0xb5: {  	[dreg:$0x3] =	wrdreg s24  }
0xb6: {  	[dreg:$0x4] =	wrdreg $0x9  }
0xb7: {  	_ =	task.clear_ibuf [dreg:s7], $0x5FFFF;
	_ =	strace $0x90000046  }
0xb8: {  	s29 =	simm.s32 $0x9;
	_ =	strace $0x80000048  }
0xb9: {  	_ =	swait.ge [sflag:s29], $0x1  }
0xba: {  	[sflag:s29] =	ssyncadd.s32 $0xFFFFFFFF  }
0xbb: {  	_ =	strace $0x90000048  }
0xbc: {  	_ =	sfence  }
0xbd: {  	s30 =	sld [smem:$0x0];
	_ =	sdelay $0x2  }
0xbe: {  	s31 =	sshll.u32 s1, $0xD;
	s1 =	sshrl.u32 s1, $0x2  }
0xbf: {  	s3 =	sand.u32 $0x4000, s31;
	s1 =	sadd.s32 s1, s30  }
0xc0: {  	s0 =	sor.u32 s3, s0;
	s1 =	sshll.u32 s1, $0x11  }
0xc1: {  	s0 =	sor.u32 s1, s0  }
0xc2: {  	s0 =	sadd.s32 $0x8F2B, s0  }
0xc3: {  	[sflag:s0] =	ssyncadd.remote.s32 $0x1  }
0xc4: {  	_ =	sfence.sel $0xFFFF  }
0xc5: {  	[dreg:$0x0] =	wrdreg $0xFFFFFFFF;
	(pc) =	sbr.abs _section_cstart, $3  }
0xc6: {  	[dreg:$0x1] =	wrdreg $0xFFFFFFFF  }
0xc7: {  	_ =	task.clear_ibuf [dreg:s7], $0x2FFFF;
	_ =	strace $0x9FFFFFFF  }
0xc8: {  	(tm) =	ssettm $0x7FFFFFFF  }
0xc9: {  	_ =	shalt  }
tec
execute0_lowered:
.L_overlay_start_1:
0x0: {  	(tag) =	ssettag $0x1  }
0x1: {  	s1 =	srdreg.scid  }
0x2: {  	s3 =	rddreg [dreg:$0x0];
	s0 =	stileid.u32;
	s21 =	sand.u32 $0x1, s1  }
0x3: {  	s17 =	rddreg [dreg:$0x1];
	s4 =	sshll.u32 s0, $0x9;
	s5 =	sshll.u32 s21, $0x8  }
0x4: {  	s2 =	simm.s32 $0x0;
	s1 =	rddreg [dreg:$0x2];
	s11 =	sor.u32 s5, s4  }
0x5: {  	[smem:$0x7FF] =	sst s2;
	s4 =	sshrl.u32 s11, $0x3  }
0x6: {  	_ =	strace $0x80000047;
	s12 =	sadd.s32 s4, s17;
	s3 =	sadd.s32 s3, s4  }
0x7: {  	[tilespmem:s2], [sflag:$0x1] =	stream.linear.gather [hbm4b:s3+s2], $0x100, $0x38;
	[tilespmem:$0x680] =	vst v63  }
0x8: {  	s5 =	simm.s32 $0x100;
	s4 =	sadd.s32 $0x1E00, s12  }
0x9: {  	[tilespmem:s5], [sflag:$0x1] =	stream.linear.gather [hbm4b:s4+s2], $0x100, $0x38;
	[tilespmem:$0x680] =	vst v63  }
0xa: {  	s7 =	simm.s32 $0x200;
	s6 =	sadd.s32 $0x2200, s12  }
0xb: {  	[tilespmem:s7], [sflag:$0x1] =	stream.linear.gather [hbm4b:s6+s2], $0x100, $0x38;
	[tilespmem:$0x680] =	vst v63  }
0xc: {  	s10 =	simm.s32 $0x300;
	s9 =	simm.s32 $0x1;
	s8 =	sadd.s32 $0x2600, s17  }
0xd: {  	[tilespmem:s10], [sflag:$0x1] =	stream.linear.gather [hbm4b:s8+s2], $0x80, $0x38;
	[tilespmem:$0x680] =	vst v63  }
0xe: {  	_ =	swait.ge [sflag:s9], $0x100  }
0xf: {  	[sflag:s9] =	ssyncset.done $0x0  }
0x10: {  	[sflag:s9] =	ssyncadd.s32 $0xFFFFFF00  }
0x11: {  	_ =	swait.ge [sflag:s9], $0x100  }
0x12: {  	[sflag:s9] =	ssyncset.done $0x0  }
0x13: {  	[sflag:s9] =	ssyncadd.s32 $0xFFFFFF00  }
0x14: {  	_ =	swait.ge [sflag:s9], $0x100  }
0x15: {  	[sflag:s9] =	ssyncset.done $0x0  }
0x16: {  	[sflag:s9] =	ssyncadd.s32 $0xFFFFFF00  }
0x17: {  	_ =	swait.ge [sflag:s9], $0x80  }
0x18: {  	[sflag:s9] =	ssyncset.done $0x0  }
0x19: {  	[sflag:s9] =	ssyncadd.s32 $0xFFFFFF80  }
0x1a: {  	v1 =	vld [tilespmem:$0x0]  }
0x1b: {  	v0 =	vimm.s32 $0x10;
	_ =	sdelay $0x3  }
0x1c: {  	v3 =	vld [tilespmem:$0x100]  }
0x1d: {  	v16 =	vld.idx.msk [tilespmem:v0+s10+$0x0], $0xffff  }
0x1e: {  	v2 =	vld [tilespmem:$0x10]  }
0x1f: {  	v4 =	vld.idx.msk [tilespmem:v1+s10+$0x0], $0xffff  }
0x20: {  	v5 =	vshll.u32 v1, $0xA  }
0x21: {  	vm0 =	vlt.s32 v3, $0x400;
	v5 =	vadd.s32 v3, v5  }
0x22: {  	v17 =	vlaneseq.u32;
	v5 =	vsel vm0, v5, v16  }
0x23: {  	v1 =	vor.u32 s11, v17;
	[tilespmem:$0x580] =	vst v5  }
0x24: {  	[tilespmem:$0x480] =	vst v1;
	v3 =	vadd.s32 v3, v4;
	v4 =	vld [tilespmem:$0x110]  }
0x25: {  	v5 =	vld [tilespmem:$0x20];
	[tilespmem:$0x380] =	vst v3  }
0x26: {  	v3 =	vld.idx.msk [tilespmem:v2+s10+$0x0], $0xffff;
	_ =	sdelay $0x1  }
0x27: {  	s13 =	sor.u32 $0x10, s11;
	v6 =	vshll.u32 v2, $0xA  }
0x28: {  	v2 =	vor.u32 s13, v17;
	v6 =	vadd.s32 v4, v6;
	vm13 =	vlt.s32 v4, $0x400  }
0x29: {  	[tilespmem:$0x490] =	vst v2;
	v6 =	vsel vm13, v6, v16  }
0x2a: {  	v3 =	vadd.s32 v4, v3;
	[tilespmem:$0x590] =	vst v6;
	v4 =	vld [tilespmem:$0x120]  }
0x2b: {  	v6 =	vld [tilespmem:$0x30];
	[tilespmem:$0x390] =	vst v3  }
0x2c: {  	v7 =	vld.idx.msk [tilespmem:v5+s10+$0x0], $0xffff;
	_ =	sdelay $0x1  }
0x2d: {  	s16 =	sor.u32 $0x20, s11;
	v5 =	vshll.u32 v5, $0xA  }
0x2e: {  	v3 =	vor.u32 s16, v17;
	v5 =	vadd.s32 v4, v5;
	vm14 =	vlt.s32 v4, $0x400  }
0x2f: {  	[tilespmem:$0x4A0] =	vst v3;
	v5 =	vsel vm14, v5, v16  }
0x30: {  	v8 =	vld [tilespmem:$0x130];
	v4 =	vadd.s32 v4, v7;
	[tilespmem:$0x5A0] =	vst v5  }
0x31: {  	v5 =	vld [tilespmem:$0x40];
	[tilespmem:$0x3A0] =	vst v4  }
0x32: {  	v7 =	vld.idx.msk [tilespmem:v6+s10+$0x0], $0xffff;
	_ =	sdelay $0x1  }
0x33: {  	s18 =	sor.u32 $0x30, s11;
	v6 =	vshll.u32 v6, $0xA  }
0x34: {  	vm15 =	vlt.s32 v8, $0x400;
	v4 =	vor.u32 s18, v17;
	v6 =	vadd.s32 v8, v6  }
0x35: {  	[tilespmem:$0x4B0] =	vst v4;
	v6 =	vsel vm15, v6, v16  }
0x36: {  	[tilespmem:$0x5B0] =	vst v6;
	v6 =	vld [tilespmem:$0x140];
	v7 =	vadd.s32 v8, v7  }
0x37: {  	v8 =	vld [tilespmem:$0x50];
	[tilespmem:$0x3B0] =	vst v7  }
0x38: {  	v7 =	vld.idx.msk [tilespmem:v5+s10+$0x0], $0xffff;
	_ =	sdelay $0x1  }
0x39: {  	s19 =	sor.u32 $0x40, s11;
	v9 =	vshll.u32 v5, $0xA  }
0x3a: {  	v5 =	vor.u32 s19, v17;
	v9 =	vadd.s32 v6, v9;
	vm4 =	vlt.s32 v6, $0x400  }
0x3b: {  	[tilespmem:$0x4C0] =	vst v5;
	v9 =	vsel vm4, v9, v16  }
0x3c: {  	[tilespmem:$0x5C0] =	vst v9;
	v6 =	vadd.s32 v6, v7;
	v7 =	vld [tilespmem:$0x150]  }
0x3d: {  	v9 =	vld [tilespmem:$0x60];
	[tilespmem:$0x3C0] =	vst v6  }
0x3e: {  	v10 =	vld.idx.msk [tilespmem:v8+s10+$0x0], $0xffff;
	_ =	sdelay $0x1  }
0x3f: {  	s20 =	sor.u32 $0x50, s11;
	v8 =	vshll.u32 v8, $0xA  }
0x40: {  	v6 =	vor.u32 s20, v17;
	v8 =	vadd.s32 v7, v8;
	vm5 =	vlt.s32 v7, $0x400  }
0x41: {  	[tilespmem:$0x4D0] =	vst v6;
	v8 =	vsel vm5, v8, v16  }
0x42: {  	v11 =	vld [tilespmem:$0x160];
	v7 =	vadd.s32 v7, v10;
	[tilespmem:$0x5D0] =	vst v8  }
0x43: {  	v8 =	vld [tilespmem:$0x70];
	[tilespmem:$0x3D0] =	vst v7  }
0x44: {  	v10 =	vld.idx.msk [tilespmem:v9+s10+$0x0], $0xffff;
	_ =	sdelay $0x1  }
0x45: {  	s22 =	sor.u32 $0x60, s11;
	v9 =	vshll.u32 v9, $0xA  }
0x46: {  	vm6 =	vlt.s32 v11, $0x400;
	v7 =	vor.u32 s22, v17;
	v9 =	vadd.s32 v11, v9  }
0x47: {  	[tilespmem:$0x4E0] =	vst v7;
	v9 =	vsel vm6, v9, v16  }
0x48: {  	v12 =	vld [tilespmem:$0x170];
	[tilespmem:$0x5E0] =	vst v9;
	v10 =	vadd.s32 v11, v10  }
0x49: {  	v9 =	vld [tilespmem:$0x80];
	[tilespmem:$0x3E0] =	vst v10  }
0x4a: {  	v10 =	vld.idx.msk [tilespmem:v8+s10+$0x0], $0xffff;
	_ =	sdelay $0x1  }
0x4b: {  	s23 =	sor.u32 $0x70, s11;
	v11 =	vshll.u32 v8, $0xA  }
0x4c: {  	vm7 =	vlt.s32 v12, $0x400;
	v11 =	vadd.s32 v12, v11;
	v8 =	vor.u32 s23, v17  }
0x4d: {  	v11 =	vsel vm7, v11, v16;
	[tilespmem:$0x4F0] =	vst v8  }
0x4e: {  	[tilespmem:$0x5F0] =	vst v11;
	v11 =	vld [tilespmem:$0x180];
	v10 =	vadd.s32 v12, v10  }
0x4f: {  	v12 =	vld [tilespmem:$0x90];
	[tilespmem:$0x3F0] =	vst v10  }
0x50: {  	v10 =	vld.idx.msk [tilespmem:v9+s10+$0x0], $0xffff;
	_ =	sdelay $0x1  }
0x51: {  	s24 =	sor.u32 $0x80, s11;
	v13 =	vshll.u32 v9, $0xA  }
0x52: {  	v13 =	vadd.s32 v11, v13;
	vm8 =	vlt.s32 v11, $0x400;
	v9 =	vor.u32 s24, v17  }
0x53: {  	v14 =	vld [tilespmem:$0x190];
	v13 =	vsel vm8, v13, v16;
	[tilespmem:$0x500] =	vst v9  }
0x54: {  	[tilespmem:$0x600] =	vst v13;
	v10 =	vadd.s32 v11, v10  }
0x55: {  	v11 =	vld [tilespmem:$0xA0];
	[tilespmem:$0x400] =	vst v10  }
0x56: {  	v13 =	vld.idx.msk [tilespmem:v12+s10+$0x0], $0xffff  }
0x57: {  	v10 =	vshll.u32 v12, $0xA  }
0x58: {  	vm9 =	vlt.s32 v14, $0x400;
	v10 =	vadd.s32 v14, v10  }
0x59: {  	s25 =	sor.u32 $0x90, s11;
	v12 =	vsel vm9, v10, v16  }
0x5a: {  	v10 =	vor.u32 s25, v17;
	[tilespmem:$0x610] =	vst v12;
	v12 =	vld [tilespmem:$0x1A0]  }
0x5b: {  	[tilespmem:$0x510] =	vst v10;
	v13 =	vadd.s32 v14, v13  }
0x5c: {  	[tilespmem:$0x410] =	vst v13;
	v13 =	vld [tilespmem:$0xB0]  }
0x5d: {  	v14 =	vld.idx.msk [tilespmem:v11+s10+$0x0], $0xffff  }
0x5e: {  	v11 =	vshll.u32 v11, $0xA  }
0x5f: {  	vm10 =	vlt.s32 v12, $0x400;
	v11 =	vadd.s32 v12, v11  }
0x60: {  	s26 =	sor.u32 $0xA0, s11;
	v15 =	vsel vm10, v11, v16  }
0x61: {  	v11 =	vor.u32 s26, v17;
	[tilespmem:$0x620] =	vst v15;
	v15 =	vld [tilespmem:$0x1B0]  }
0x62: {  	[tilespmem:$0x520] =	vst v11;
	v12 =	vadd.s32 v12, v14  }
0x63: {  	v14 =	vld [tilespmem:$0xC0];
	[tilespmem:$0x420] =	vst v12  }
0x64: {  	v18 =	vld.idx.msk [tilespmem:v13+s10+$0x0], $0xffff  }
0x65: {  	v12 =	vshll.u32 v13, $0xA  }
0x66: {  	v12 =	vadd.s32 v15, v12;
	vm11 =	vlt.s32 v15, $0x400  }
0x67: {  	s28 =	sor.u32 $0xB0, s11;
	v13 =	vsel vm11, v12, v16  }
0x68: {  	v19 =	vld [tilespmem:$0x1C0];
	v12 =	vor.u32 s28, v17;
	[tilespmem:$0x630] =	vst v13  }
0x69: {  	[tilespmem:$0x530] =	vst v12;
	v13 =	vadd.s32 v15, v18  }
0x6a: {  	v15 =	vld [tilespmem:$0xD0];
	[tilespmem:$0x430] =	vst v13  }
0x6b: {  	v18 =	vld.idx.msk [tilespmem:v14+s10+$0x0], $0xffff  }
0x6c: {  	v13 =	vshll.u32 v14, $0xA  }
0x6d: {  	vm12 =	vlt.s32 v19, $0x400;
	v13 =	vadd.s32 v19, v13  }
0x6e: {  	s29 =	sor.u32 $0xC0, s11;
	v14 =	vsel vm12, v13, v16  }
0x6f: {  	v20 =	vld [tilespmem:$0x1D0];
	v13 =	vor.u32 s29, v17;
	[tilespmem:$0x640] =	vst v14  }
0x70: {  	[tilespmem:$0x540] =	vst v13;
	v14 =	vadd.s32 v19, v18  }
0x71: {  	v18 =	vld [tilespmem:$0xE0];
	[tilespmem:$0x440] =	vst v14  }
0x72: {  	v19 =	vld.idx.msk [tilespmem:v15+s10+$0x0], $0xffff  }
0x73: {  	v14 =	vshll.u32 v15, $0xA  }
0x74: {  	vm13 =	vlt.s32 v20, $0x400;
	v14 =	vadd.s32 v20, v14  }
0x75: {  	s30 =	sor.u32 $0xD0, s11;
	v15 =	vsel vm13, v14, v16  }
0x76: {  	v21 =	vld [tilespmem:$0x1E0];
	v14 =	vor.u32 s30, v17;
	[tilespmem:$0x650] =	vst v15  }
0x77: {  	[tilespmem:$0x550] =	vst v14;
	v15 =	vadd.s32 v20, v19  }
0x78: {  	v19 =	vld [tilespmem:$0xF0];
	[tilespmem:$0x450] =	vst v15  }
0x79: {  	v63 =	vld.idx.msk [tilespmem:v18+s10+$0x0], $0xffff  }
0x7a: {  	v15 =	vshll.u32 v18, $0xA  }
0x7b: {  	vm14 =	vlt.s32 v21, $0x400;
	v15 =	vadd.s32 v21, v15  }
0x7c: {  	s31 =	sor.u32 $0xE0, s11;
	v18 =	vsel vm14, v15, v16  }
0x7d: {  	v15 =	vor.u32 s31, v17;
	[tilespmem:$0x660] =	vst v18;
	v18 =	vld [tilespmem:$0x1F0]  }
0x7e: {  	[tilespmem:$0x560] =	vst v15;
	v20 =	vadd.s32 v21, v63  }
0x7f: {  	[tilespmem:$0x460] =	vst v20  }
0x80: {  	v20 =	vld.idx.msk [tilespmem:v19+s10+$0x0], $0xffff  }
0x81: {  	v19 =	vshll.u32 v19, $0xA  }
0x82: {  	vm15 =	vlt.s32 v18, $0x400;
	v19 =	vadd.s32 v18, v19  }
0x83: {  	s11 =	sor.u32 $0xF0, s11;
	v19 =	vsel vm15, v19, v16  }
0x84: {  	v16 =	vor.u32 s11, v17;
	[tilespmem:$0x670] =	vst v19  }
0x85: {  	[tilespmem:$0x570] =	vst v16;
	v17 =	vadd.s32 v18, v20  }
0x86: {  	s14 =	simm.s32 $0x80;
	s12 =	sadd.s32 $0x3000, s12;
	s13 =	simm.s32 $0x580;
	[tilespmem:$0x470] =	vst v17  }
0x87: {  	[hbm4b:s12+s2] =	stream.linear.scatter [tilespmem:s13], [sflag:$0x1], $0x100, $0x38;
	[tilespmem:$0x680] =	vst v63  }
0x88: {  	s15 =	simm.s32 $0x380;
	s16 =	simm.s32 $0x480;
	s11 =	sadd.s32 $0x2800, s17  }
0x89: {  	[hbm4b:s11+s14] =	stream.indirect.scatter [tilespmem:s16], [sflag:$0x1], $0x1, s15, s14, $0xb8;
	[tilespmem:$0x680] =	vst v63  }
0x8a: {  	s17 =	sadd.s32 $0x2C00, s17  }
0x8b: {  	[hbm4b:s17+s14] =	stream.indirect.scatter [tilespmem:s7], [sflag:$0x1], $0x1, s15, s14, $0xb8;
	[tilespmem:$0x680] =	vst v63  }
0x8c: {  	s18 =	simm.s32 $0x400;
	s19 =	simm.s32 $0x500  }
0x8d: {  	[hbm4b:s11+s14] =	stream.indirect.scatter [tilespmem:s19], [sflag:$0x1], $0x1, s18, s14, $0xb8;
	[tilespmem:$0x680] =	vst v63  }
0x8e: {  	s20 =	simm.s32 $0x280  }
0x8f: {  	[hbm4b:s17+s14] =	stream.indirect.scatter [tilespmem:s20], [sflag:$0x1], $0x1, s18, s14, $0xb8;
	[tilespmem:$0x680] =	vst v63  }
0x90: {  	_ =	swait.ge [sflag:s9], $0x100  }
0x91: {  	[sflag:s9] =	ssyncset.done $0x0  }
0x92: {  	[sflag:s9] =	ssyncadd.s32 $0xFFFFFF00  }
0x93: {  	_ =	swait.ge [sflag:s9], $0x80  }
0x94: {  	s21 =	ssub.s32 $0x2, s21;
	[sflag:s9] =	ssyncset.done $0x0  }
0x95: {  	s22 =	sshrl.u32 s21, $0x1;
	[sflag:s9] =	ssyncadd.s32 $0xFFFFFF80  }
0x96: {  	s21 =	ssub.s32 s21, s22;
	_ =	swait.ge [sflag:s9], $0x80  }
0x97: {  	s21 =	smax.u32 s21, $0x1;
	[sflag:s9] =	ssyncset.done $0x0  }
0x98: {  	p0 =	sne.s32 s21, $0x1;
	[sflag:s9] =	ssyncadd.s32 $0xFFFFFF80  }
.Ltmp0:
0x99: {  	_ =	swait.ge [sflag:s9], $0x80;
	(pc) =	sbr.rel @!p0 .LBB2_2-.Ltmp0, $4  }
0x9a: {  	[sflag:s9] =	ssyncset.done $0x0  }
0x9b: {  	[sflag:s9] =	ssyncadd.s32 $0xFFFFFF80  }
0x9c: {  	_ =	swait.ge [sflag:s9], $0x80  }
0x9d: {  	s21 =	sadd.s32 $0xFFFFFFFF, s21;
	[sflag:s9] =	ssyncset.done $0x0  }
.LBB2_1:
0x9e: {  	p0 =	sne.s32 s21, $0x1;
	s21 =	sadd.s32 $0xFFFFFFFF, s21;
	[sflag:s9] =	ssyncadd.s32 $0xFFFFFF80  }
0x9f: {  	[tilespmem:s2], [sflag:$0x1] =	stream.linear.gather [hbm4b:s3+s2], $0x100, $0x38;
	[tilespmem:$0x680] =	vst v63  }
0xa0: {  	_ = 	snop  }
0xa1: {  	[tilespmem:s5], [sflag:$0x1] =	stream.linear.gather [hbm4b:s4+s2], $0x100, $0x38;
	[tilespmem:$0x680] =	vst v63  }
0xa2: {  	_ = 	snop  }
0xa3: {  	[tilespmem:s7], [sflag:$0x1] =	stream.linear.gather [hbm4b:s6+s2], $0x100, $0x38;
	[tilespmem:$0x680] =	vst v63  }
0xa4: {  	_ = 	snop  }
0xa5: {  	[tilespmem:s10], [sflag:$0x1] =	stream.linear.gather [hbm4b:s8+s2], $0x80, $0x38;
	[tilespmem:$0x680] =	vst v63  }
0xa6: {  	_ =	swait.ge [sflag:s9], $0x100  }
0xa7: {  	[sflag:s9] =	ssyncset.done $0x0  }
0xa8: {  	[sflag:s9] =	ssyncadd.s32 $0xFFFFFF00  }
0xa9: {  	_ =	swait.ge [sflag:s9], $0x100  }
0xaa: {  	[sflag:s9] =	ssyncset.done $0x0  }
0xab: {  	[sflag:s9] =	ssyncadd.s32 $0xFFFFFF00  }
0xac: {  	_ =	swait.ge [sflag:s9], $0x100  }
0xad: {  	[sflag:s9] =	ssyncset.done $0x0  }
0xae: {  	[sflag:s9] =	ssyncadd.s32 $0xFFFFFF00  }
0xaf: {  	_ =	swait.ge [sflag:s9], $0x80  }
0xb0: {  	[sflag:s9] =	ssyncset.done $0x0  }
0xb1: {  	[sflag:s9] =	ssyncadd.s32 $0xFFFFFF80  }
0xb2: {  	v18 =	vld [tilespmem:$0x0];
	_ =	sdelay $0x4  }
0xb3: {  	v19 =	vld [tilespmem:$0x10]  }
0xb4: {  	v20 =	vld [tilespmem:$0x100]  }
0xb5: {  	v17 =	vld.idx.msk [tilespmem:v0+s10+$0x0], $0xffff  }
0xb6: {  	v21 =	vld.idx.msk [tilespmem:v18+s10+$0x0], $0xffff;
	_ =	sdelay $0x1  }
0xb7: {  	v22 =	vshll.u32 v19, $0xA  }
0xb8: {  	v18 =	vshll.u32 v18, $0xA  }
0xb9: {  	v18 =	vadd.s32 v20, v18;
	vm0 =	vlt.s32 v20, $0x400  }
0xba: {  	v18 =	vsel vm0, v18, v17;
	[tilespmem:$0x480] =	vst v1  }
0xbb: {  	v20 =	vadd.s32 v20, v21;
	[tilespmem:$0x580] =	vst v18;
	v18 =	vld [tilespmem:$0x20]  }
0xbc: {  	[tilespmem:$0x380] =	vst v20;
	v20 =	vld [tilespmem:$0x110]  }
0xbd: {  	v19 =	vld.idx.msk [tilespmem:v19+s10+$0x0], $0xffff;
	_ =	sdelay $0x2  }
0xbe: {  	v21 =	vshll.u32 v18, $0xA  }
0xbf: {  	v22 =	vadd.s32 v20, v22;
	vm0 =	vlt.s32 v20, $0x400  }
0xc0: {  	v22 =	vsel vm0, v22, v17;
	[tilespmem:$0x490] =	vst v2;
	v23 =	vld [tilespmem:$0x130]  }
0xc1: {  	v19 =	vadd.s32 v20, v19;
	[tilespmem:$0x590] =	vst v22;
	v20 =	vld [tilespmem:$0x30]  }
0xc2: {  	[tilespmem:$0x390] =	vst v19;
	v19 =	vld [tilespmem:$0x120]  }
0xc3: {  	v18 =	vld.idx.msk [tilespmem:v18+s10+$0x0], $0xffff;
	_ =	sdelay $0x2  }
0xc4: {  	vm0 =	vlt.s32 v23, $0x400;
	v22 =	vshll.u32 v20, $0xA  }
0xc5: {  	v21 =	vadd.s32 v19, v21;
	vm1 =	vlt.s32 v19, $0x400;
	v22 =	vadd.s32 v23, v22  }
0xc6: {  	v21 =	vsel vm1, v21, v17;
	[tilespmem:$0x4A0] =	vst v3;
	v22 =	vsel vm0, v22, v17  }
0xc7: {  	v18 =	vadd.s32 v19, v18;
	[tilespmem:$0x5A0] =	vst v21  }
0xc8: {  	[tilespmem:$0x3A0] =	vst v18;
	v18 =	vld [tilespmem:$0x40]  }
0xc9: {  	v19 =	vld.idx.msk [tilespmem:v20+s10+$0x0], $0xffff;
	_ =	sdelay $0x3  }
0xca: {  	v20 =	vshll.u32 v18, $0xA  }
0xcb: {  	[tilespmem:$0x4B0] =	vst v4  }
0xcc: {  	v19 =	vadd.s32 v23, v19;
	[tilespmem:$0x5B0] =	vst v22;
	v21 =	vld [tilespmem:$0x50]  }
0xcd: {  	[tilespmem:$0x3B0] =	vst v19;
	v19 =	vld [tilespmem:$0x140]  }
0xce: {  	v18 =	vld.idx.msk [tilespmem:v18+s10+$0x0], $0xffff;
	_ =	sdelay $0x2  }
0xcf: {  	v22 =	vshll.u32 v21, $0xA  }
0xd0: {  	v20 =	vadd.s32 v19, v20;
	vm0 =	vlt.s32 v19, $0x400  }
0xd1: {  	v20 =	vsel vm0, v20, v17;
	[tilespmem:$0x4C0] =	vst v5;
	v23 =	vld [tilespmem:$0x160]  }
0xd2: {  	v18 =	vadd.s32 v19, v18;
	[tilespmem:$0x5C0] =	vst v20;
	v19 =	vld [tilespmem:$0x60]  }
0xd3: {  	[tilespmem:$0x3C0] =	vst v18;
	v18 =	vld [tilespmem:$0x150]  }
0xd4: {  	v20 =	vld.idx.msk [tilespmem:v21+s10+$0x0], $0xffff;
	_ =	sdelay $0x2  }
0xd5: {  	vm0 =	vlt.s32 v23, $0x400;
	v21 =	vshll.u32 v19, $0xA  }
0xd6: {  	v22 =	vadd.s32 v18, v22;
	vm1 =	vlt.s32 v18, $0x400;
	v21 =	vadd.s32 v23, v21  }
0xd7: {  	v22 =	vsel vm1, v22, v17;
	[tilespmem:$0x4D0] =	vst v6;
	v21 =	vsel vm0, v21, v17  }
0xd8: {  	v18 =	vadd.s32 v18, v20;
	[tilespmem:$0x5D0] =	vst v22;
	v20 =	vld [tilespmem:$0x170]  }
0xd9: {  	[tilespmem:$0x3D0] =	vst v18;
	v18 =	vld [tilespmem:$0x70]  }
0xda: {  	v19 =	vld.idx.msk [tilespmem:v19+s10+$0x0], $0xffff;
	_ =	sdelay $0x3  }
0xdb: {  	v22 =	vshll.u32 v18, $0xA  }
0xdc: {  	vm0 =	vlt.s32 v20, $0x400;
	[tilespmem:$0x4E0] =	vst v7;
	v22 =	vadd.s32 v20, v22  }
0xdd: {  	v19 =	vadd.s32 v23, v19;
	[tilespmem:$0x5E0] =	vst v21;
	v21 =	vsel vm0, v22, v17  }
0xde: {  	[tilespmem:$0x3E0] =	vst v19;
	v19 =	vld [tilespmem:$0x80]  }
0xdf: {  	v18 =	vld.idx.msk [tilespmem:v18+s10+$0x0], $0xffff;
	_ =	sdelay $0x4  }
0xe0: {  	[tilespmem:$0x4F0] =	vst v8  }
0xe1: {  	v18 =	vadd.s32 v20, v18;
	[tilespmem:$0x5F0] =	vst v21;
	v20 =	vld [tilespmem:$0x90]  }
0xe2: {  	[tilespmem:$0x3F0] =	vst v18;
	v18 =	vld [tilespmem:$0x180]  }
0xe3: {  	v21 =	vld.idx.msk [tilespmem:v19+s10+$0x0], $0xffff;
	_ =	sdelay $0x1  }
0xe4: {  	v22 =	vld [tilespmem:$0x190]  }
0xe5: {  	v19 =	vshll.u32 v19, $0xA;
	v23 =	vshll.u32 v20, $0xA  }
0xe6: {  	v19 =	vadd.s32 v18, v19;
	vm0 =	vlt.s32 v18, $0x400  }
0xe7: {  	v19 =	vsel vm0, v19, v17;
	[tilespmem:$0x500] =	vst v9  }
0xe8: {  	v18 =	vadd.s32 v18, v21;
	[tilespmem:$0x600] =	vst v19  }
0xe9: {  	[tilespmem:$0x400] =	vst v18;
	v18 =	vadd.s32 v22, v23;
	vm0 =	vlt.s32 v22, $0x400;
	v19 =	vld [tilespmem:$0xA0]  }
0xea: {  	v20 =	vld.idx.msk [tilespmem:v20+s10+$0x0], $0xffff;
	v18 =	vsel vm0, v18, v17  }
0xeb: {  	[tilespmem:$0x610] =	vst v18  }
0xec: {  	[tilespmem:$0x510] =	vst v10;
	v18 =	vld [tilespmem:$0x1A0];
	_ =	sdelay $0x1  }
0xed: {  	v21 =	vshll.u32 v19, $0xA;
	_ =	sdelay $0x1  }
0xee: {  	v20 =	vadd.s32 v22, v20  }
0xef: {  	[tilespmem:$0x410] =	vst v20;
	v20 =	vadd.s32 v18, v21;
	vm0 =	vlt.s32 v18, $0x400;
	v21 =	vld [tilespmem:$0xB0]  }
0xf0: {  	v19 =	vld.idx.msk [tilespmem:v19+s10+$0x0], $0xffff;
	v20 =	vsel vm0, v20, v17  }
0xf1: {  	[tilespmem:$0x620] =	vst v20  }
0xf2: {  	[tilespmem:$0x520] =	vst v11;
	v20 =	vld [tilespmem:$0x1B0];
	_ =	sdelay $0x1  }
0xf3: {  	v22 =	vshll.u32 v21, $0xA;
	_ =	sdelay $0x1  }
0xf4: {  	v18 =	vadd.s32 v18, v19  }
0xf5: {  	[tilespmem:$0x420] =	vst v18;
	v18 =	vadd.s32 v20, v22;
	vm0 =	vlt.s32 v20, $0x400;
	v19 =	vld [tilespmem:$0xC0]  }
0xf6: {  	v21 =	vld.idx.msk [tilespmem:v21+s10+$0x0], $0xffff;
	v18 =	vsel vm0, v18, v17  }
0xf7: {  	[tilespmem:$0x630] =	vst v18  }
0xf8: {  	[tilespmem:$0x530] =	vst v12;
	v18 =	vld [tilespmem:$0x1C0];
	_ =	sdelay $0x1  }
0xf9: {  	v22 =	vshll.u32 v19, $0xA;
	_ =	sdelay $0x1  }
0xfa: {  	v20 =	vadd.s32 v20, v21  }
0xfb: {  	[tilespmem:$0x430] =	vst v20;
	v20 =	vadd.s32 v18, v22;
	vm0 =	vlt.s32 v18, $0x400;
	v21 =	vld [tilespmem:$0xD0]  }
0xfc: {  	v19 =	vld.idx.msk [tilespmem:v19+s10+$0x0], $0xffff;
	v20 =	vsel vm0, v20, v17  }
0xfd: {  	[tilespmem:$0x640] =	vst v20  }
0xfe: {  	[tilespmem:$0x540] =	vst v13;
	v20 =	vld [tilespmem:$0x1D0];
	_ =	sdelay $0x1  }
0xff: {  	v22 =	vshll.u32 v21, $0xA;
	_ =	sdelay $0x1  }
0x100: {  	v18 =	vadd.s32 v18, v19  }
0x101: {  	[tilespmem:$0x440] =	vst v18;
	v18 =	vadd.s32 v20, v22;
	vm0 =	vlt.s32 v20, $0x400;
	v19 =	vld [tilespmem:$0xE0]  }
0x102: {  	v21 =	vld.idx.msk [tilespmem:v21+s10+$0x0], $0xffff;
	v18 =	vsel vm0, v18, v17  }
0x103: {  	[tilespmem:$0x650] =	vst v18  }
0x104: {  	[tilespmem:$0x550] =	vst v14;
	v18 =	vld [tilespmem:$0x1E0];
	_ =	sdelay $0x1  }
0x105: {  	v22 =	vshll.u32 v19, $0xA;
	_ =	sdelay $0x1  }
0x106: {  	v20 =	vadd.s32 v20, v21  }
0x107: {  	[tilespmem:$0x450] =	vst v20;
	v20 =	vadd.s32 v18, v22;
	vm0 =	vlt.s32 v18, $0x400;
	v21 =	vld [tilespmem:$0xF0]  }
0x108: {  	v19 =	vld.idx.msk [tilespmem:v19+s10+$0x0], $0xffff;
	v20 =	vsel vm0, v20, v17  }
0x109: {  	[tilespmem:$0x660] =	vst v20  }
0x10a: {  	[tilespmem:$0x560] =	vst v15;
	v20 =	vld [tilespmem:$0x1F0];
	_ =	sdelay $0x1  }
0x10b: {  	v22 =	vshll.u32 v21, $0xA;
	_ =	sdelay $0x1  }
0x10c: {  	v18 =	vadd.s32 v18, v19  }
0x10d: {  	[tilespmem:$0x460] =	vst v18;
	v18 =	vadd.s32 v20, v22;
	vm0 =	vlt.s32 v20, $0x400  }
0x10e: {  	v19 =	vld.idx.msk [tilespmem:v21+s10+$0x0], $0xffff;
	v17 =	vsel vm0, v18, v17  }
0x10f: {  	[tilespmem:$0x670] =	vst v17  }
0x110: {  	[tilespmem:$0x570] =	vst v16;
	_ =	sdelay $0x3  }
0x111: {  	v17 =	vadd.s32 v20, v19  }
0x112: {  	[tilespmem:$0x470] =	vst v17  }
0x113: {  	[hbm4b:s12+s2] =	stream.linear.scatter [tilespmem:s13], [sflag:$0x1], $0x100, $0x38;
	[tilespmem:$0x680] =	vst v63  }
0x114: {  	_ = 	snop  }
0x115: {  	[hbm4b:s11+s14] =	stream.indirect.scatter [tilespmem:s16], [sflag:$0x1], $0x1, s15, s14, $0xb8;
	[tilespmem:$0x680] =	vst v63  }
0x116: {  	_ = 	snop  }
0x117: {  	[hbm4b:s17+s14] =	stream.indirect.scatter [tilespmem:s7], [sflag:$0x1], $0x1, s15, s14, $0xb8;
	[tilespmem:$0x680] =	vst v63  }
0x118: {  	_ = 	snop  }
0x119: {  	[hbm4b:s11+s14] =	stream.indirect.scatter [tilespmem:s19], [sflag:$0x1], $0x1, s18, s14, $0xb8;
	[tilespmem:$0x680] =	vst v63  }
0x11a: {  	_ = 	snop  }
0x11b: {  	[hbm4b:s17+s14] =	stream.indirect.scatter [tilespmem:s20], [sflag:$0x1], $0x1, s18, s14, $0xb8;
	[tilespmem:$0x680] =	vst v63  }
0x11c: {  	_ =	swait.ge [sflag:s9], $0x100  }
0x11d: {  	[sflag:s9] =	ssyncset.done $0x0  }
0x11e: {  	[sflag:s9] =	ssyncadd.s32 $0xFFFFFF00  }
0x11f: {  	_ =	swait.ge [sflag:s9], $0x80  }
0x120: {  	[sflag:s9] =	ssyncset.done $0x0  }
0x121: {  	[sflag:s9] =	ssyncadd.s32 $0xFFFFFF80  }
0x122: {  	_ =	swait.ge [sflag:s9], $0x80  }
0x123: {  	[sflag:s9] =	ssyncset.done $0x0  }
0x124: {  	[sflag:s9] =	ssyncadd.s32 $0xFFFFFF80  }
.Ltmp1:
0x125: {  	_ =	swait.ge [sflag:s9], $0x80;
	(pc) =	sbr.rel @p0 .LBB2_1-.Ltmp1, $4  }
0x126: {  	[sflag:s9] =	ssyncset.done $0x0  }
0x127: {  	[sflag:s9] =	ssyncadd.s32 $0xFFFFFF80  }
0x128: {  	_ =	swait.ge [sflag:s9], $0x80  }
0x129: {  	[sflag:s9] =	ssyncset.done $0x0  }
.LBB2_2:
0x12a: {  	[sflag:s9] =	ssyncadd.s32 $0xFFFFFF80  }
0x12b: {  	_ =	sfence.sel $0x180000  }
0x12c: {  	[bflag:$0x0] =	sbarrier.arrive $0xFFFF  }
0x12d: {  	p0 =	sne.s32 s0, $0x0;
	_ =	strace $0x90000047  }
0x12e: {  	s0 =	sadd.s32 @!p0 $0x100000, s1;
	[bflag:$0x2] =	sbarrier.arrive $0xFFFF  }
0x12f: {  	[sflag:s0] =	ssyncadd.tile.s32 @!p0 $0x1;
	_ =	shalt  }
.Lfunc_end2:
_tile_overlayer_lowered:
.L_overlay_start_2:
0x130: {  	(tag) =	ssettag $0x2  }
0x131: {  	s0 =	rddreg [dreg:$0x0];
	s2 =	stileid.u32  }
0x132: {  	s1 =	rddreg [dreg:$0x1];
	p0 =	sne.s32 s2, $0x0  }
0x133: {  	s3 =	rddreg [dreg:$0x2];
	[bflag:$0x3] =	sbarrier.arrive $0xFFFF;
	s2 =	simm.s32 @!p0 $0x1C02  }
0x134: {  	[timem:s3], [sflag:s2] =	dma.local @!p0 [hbm:s0], s1  }
0x135: {  	s0 =	simm.s32 @!p0 $0x2  }
0x136: {  	_ =	swait.ge @!p0 [sflag:s0], s1  }
0x137: {  	s1 =	ssub.s32 @!p0 $0x0, s1;
	[sflag:s0] =	ssyncset.done @!p0 $0x0  }
0x138: {  	[sflag:s0] =	ssyncadd.s32 @!p0 s1  }
0x139: {  	[bflag:$0x3] =	sbarrier.arrive $0xFFFF  }
0x13a: {  	_ =	shalt  }

</sc_bundles>
